<compile_context>
chip_gen: v7x
topology: tpu7x:2x2x1
jax: 0.10.2.dev20260603
libtpu: 0.0.44.dev20260713+nightly
codegen_flags: <defaults>
</compile_context>

<pallas_src>
import functools

import jax
import jax.numpy as jnp
from jax import lax
from jax.experimental import pallas as pl
from jax.experimental.pallas import tpu as pltpu
from jax.experimental.pallas import tpu_sc as plsc

N_SDR = 16384
N_COLS = 2048
CONNECT_THRESHOLD = 0.5
W_SPARSE = 40
K_ACTIVE = 40
_PERIODS12 = [31.0, 31.0, 37.0, 37.0, 41.0, 41.0, 43.0, 43.0, 47.0, 47.0, 53.0, 53.0]

_MV_BLK = 1024


def _matvec_body(w_ref, s_ref, out_ref):
    out_ref[...] = jnp.dot(w_ref[...], s_ref[...],
                           preferred_element_type=jnp.float32)


def _topk_sdr_body(ov_ref, sdr_ref, idxw_ref):
    fi = (jax.lax.broadcasted_iota(jnp.int32, (128, 128), 0) * 128
          + jax.lax.broadcasted_iota(jnp.int32, (128, 128), 1))
    iota40 = jax.lax.broadcasted_iota(jnp.int32, (W_SPARSE, 1), 0)

    vals = ov_ref[...]
    sdr = jnp.zeros((128, 128), jnp.float32)
    idxw = jnp.zeros((W_SPARSE, 1), jnp.int32)
    for i in range(W_SPARSE):
        m = jnp.max(vals)
        j = jnp.min(jnp.where(vals >= m, fi, jnp.int32(2 ** 30)))
        hit = fi == j
        sdr = jnp.where(hit, jnp.float32(1.0), sdr)
        vals = jnp.where(hit, jnp.float32(-jnp.inf), vals)
        idxw = jnp.where(iota40 == i, j, idxw)
    sdr_ref[...] = sdr
    idxw_ref[...] = idxw


def _pooler_body(p_ref, sdr_ref, out_ref):
    i = pl.program_id(0)
    conn = (p_ref[...] > 0.5).astype(jnp.float32)
    part = jnp.dot(conn, sdr_ref[...], preferred_element_type=jnp.float32)

    @pl.when(i == 0)
    def _():
        out_ref[...] = part

    @pl.when(i > 0)
    def _():
        out_ref[...] = out_ref[...] + part


_SC_NC = 2
_SC_NS = 16
_SC_NW = _SC_NC * _SC_NS
_SC_CW = N_COLS // _SC_NW
_SC_JROWS = 48
_SC_TOT = _SC_CW * _SC_JROWS


def _sc_pooler_body(perm_hbm, idxw_hbm, out_hbm, idx_v, rows_v, vals_v,
                    colov_v, sem):
    wid = lax.axis_index("s") * _SC_NC + lax.axis_index("c")
    base_c = wid * _SC_CW
    pltpu.sync_copy(idxw_hbm, idx_v)
    i0 = idx_v[pl.ds(0, 16)]
    i1 = idx_v[pl.ds(16, 16)]
    i2 = idx_v[pl.ds(24, 16)]

    def build(c, _):
        off = c * _SC_JROWS
        splat = (base_c + c) * N_SDR
        rows_v[pl.ds(off, 16)] = i0 + splat
        rows_v[pl.ds(off + 16, 16)] = i1 + splat
        rows_v[pl.ds(off + 32, 16)] = i2 + splat
        return 0

    lax.fori_loop(0, _SC_CW, build, 0)
    copies = [
        pltpu.async_copy(perm_hbm.at[rows_v.at[pl.ds(k * 128, 128)]],
                         vals_v.at[pl.ds(k * 128, 128)], sem)
        for k in range(_SC_TOT // 128)
    ]
    for cp in copies:
        cp.wait()

    lane16 = lax.iota(jnp.int32, 16)
    m2 = lane16 >= 8
    thr = jnp.full((16,), CONNECT_THRESHOLD, jnp.float32)
    for g in range(_SC_CW // 16):
        acc = jnp.zeros((16,), jnp.int32)
        for t in range(16):
            c = g * 16 + t
            off = c * _SC_JROWS
            cnt = (plsc.all_reduce_population_count(vals_v[pl.ds(off, 16)] > thr)
                   + plsc.all_reduce_population_count(
                       vals_v[pl.ds(off + 16, 16)] > thr)
                   + plsc.all_reduce_population_count(
                       (vals_v[pl.ds(off + 32, 16)] > thr) & m2))
            acc = jnp.where(lane16 == t, cnt, acc)
        colov_v[pl.ds(g * 16, 16)] = acc.astype(jnp.float32)
    pltpu.sync_copy(colov_v, out_hbm.at[pl.ds(base_c, _SC_CW)])


def _sc_pooler(perm_flat, idxw_flat):
    mesh = plsc.VectorSubcoreMesh(core_axis_name="c", subcore_axis_name="s")
    run = functools.partial(
        pl.kernel,
        mesh=mesh,
        compiler_params=pltpu.CompilerParams(needs_layout_passes=False),
        out_type=jax.ShapeDtypeStruct((N_COLS,), jnp.float32),
        scratch_types=[
            pltpu.VMEM((W_SPARSE,), jnp.int32),
            pltpu.VMEM((_SC_TOT,), jnp.int32),
            pltpu.VMEM((_SC_TOT,), jnp.float32),
            pltpu.VMEM((_SC_CW,), jnp.float32),
            pltpu.SemaphoreType.DMA,
        ],
    )(_sc_pooler_body)
    return run(perm_flat, idxw_flat)


def _tail_body(colov_ref, wm_ref, wt_ref, b_ref, v_ref, ph0_ref, per_ref,
               act_ref, allo_ref, phase_ref, gc_ref):
    fi = (jax.lax.broadcasted_iota(jnp.int32, (16, 128), 0) * 128
          + jax.lax.broadcasted_iota(jnp.int32, (16, 128), 1))
    lane = jax.lax.broadcasted_iota(jnp.int32, (1, 128), 1)
    packed0 = (colov_ref[...] * jnp.float32(N_COLS)
               + (jnp.float32(N_COLS - 1) - fi.astype(jnp.float32)))

    packed = packed0
    act = jnp.zeros((1, 128), jnp.int32)
    ad = jnp.zeros((16, 128), jnp.float32)
    for i in range(K_ACTIVE):
        m = jnp.max(packed)
        v = jnp.floor(m / jnp.float32(N_COLS))
        idx = (jnp.float32(N_COLS - 1) - (m - v * jnp.float32(N_COLS))
               ).astype(jnp.int32)
        hit = fi == idx
        packed = jnp.where(hit, jnp.float32(-1.0), packed)
        act = jnp.where(lane == i, idx, act)
        ad = jnp.where(hit, jnp.float32(1.0), ad)
    act_ref[...] = act

    v0 = v_ref[0, 0]
    v1 = v_ref[1, 0]
    pre_rows = [jnp.sum(wm_ref[j] * ad) for j in range(12)]
    row12 = jax.lax.broadcasted_iota(jnp.int32, (12, 1), 0)
    pre = jnp.zeros((12, 1), jnp.float32)
    for j in range(12):
        pre = jnp.where(row12 == j, pre_rows[j], pre)
    pre = pre + wt_ref[:, 0:1] * v0 + wt_ref[:, 1:2] * v1 + b_ref[...]
    allo = jnp.tanh(pre)
    allo_ref[...] = allo
    phase = jnp.mod(ph0_ref[...] + allo / per_ref[...], jnp.float32(1.0))
    phase_ref[...] = phase
    ang = jnp.float32(2.0 * jnp.pi) * phase
    gc_ref[...] = jnp.concatenate([jnp.cos(ang), jnp.sin(ang)], axis=0)


@jax.jit
def kernel(s_t, v_t, W_enc, permanences, W_l6b, b_l6b, phase0):
    f32 = jnp.float32
    s_col = s_t.reshape(4096, 1)

    overlaps = pl.pallas_call(
        _matvec_body,
        grid=(N_SDR // _MV_BLK,),
        in_specs=[
            pl.BlockSpec((_MV_BLK, 4096), lambda i: (i, 0)),
            pl.BlockSpec((4096, 1), lambda i: (0, 0)),
        ],
        out_specs=pl.BlockSpec((_MV_BLK, 1), lambda i: (i, 0)),
        out_shape=jax.ShapeDtypeStruct((N_SDR, 1), f32),
    )(W_enc, s_col)

    sdr128, idx_w = pl.pallas_call(
        _topk_sdr_body,
        in_specs=[pl.BlockSpec((128, 128), lambda: (0, 0))],
        out_specs=[pl.BlockSpec((128, 128), lambda: (0, 0)),
                   pl.BlockSpec((W_SPARSE, 1), lambda: (0, 0))],
        out_shape=[jax.ShapeDtypeStruct((128, 128), f32),
                   jax.ShapeDtypeStruct((W_SPARSE, 1), jnp.int32)],
    )(overlaps.reshape(128, 128))
    sdr = sdr128.reshape(N_SDR)

    colov = _sc_pooler(permanences.reshape(N_COLS * N_SDR),
                       idx_w.reshape(W_SPARSE))

    active2d, allo2d, phase2d, gc2d = pl.pallas_call(
        _tail_body,
        in_specs=[
            pl.BlockSpec((16, 128), lambda: (0, 0)),
            pl.BlockSpec((12, 16, 128), lambda: (0, 0, 0)),
            pl.BlockSpec((12, 2), lambda: (0, 0)),
            pl.BlockSpec((12, 1), lambda: (0, 0)),
            pl.BlockSpec((2, 1), lambda: (0, 0)),
            pl.BlockSpec((12, 1), lambda: (0, 0)),
            pl.BlockSpec((12, 1), lambda: (0, 0)),
        ],
        out_specs=[pl.BlockSpec((1, 128), lambda: (0, 0)),
                   pl.BlockSpec((12, 1), lambda: (0, 0)),
                   pl.BlockSpec((12, 1), lambda: (0, 0)),
                   pl.BlockSpec((24, 1), lambda: (0, 0))],
        out_shape=[jax.ShapeDtypeStruct((1, 128), jnp.int32),
                   jax.ShapeDtypeStruct((12, 1), f32),
                   jax.ShapeDtypeStruct((12, 1), f32),
                   jax.ShapeDtypeStruct((24, 1), f32)],
    )(colov.reshape(16, 128), W_l6b[:, :N_COLS].reshape(12, 16, 128),
      W_l6b[:, N_SDR:], b_l6b.reshape(12, 1), v_t.reshape(2, 1),
      phase0.reshape(12, 1), jnp.asarray(_PERIODS12, dtype=f32).reshape(12, 1))

    return (sdr, active2d[0, :K_ACTIVE], allo2d.reshape(12),
            phase2d.reshape(6, 2), gc2d.reshape(24))

# --- scband reference (transcript-rebuilt; emitter-appended) ---
"""Pipeline reference for scband-single-column-54271206752761 (READ-ONLY COPY).

The authoritative reference and input builder live on the scoring server;
editing this copy changes nothing except your own understanding.
"""

import jax, jax.numpy as jnp
import numpy as np

INPUT_DIM = 4096
N_SDR = 16384
W_SPARSE = 40
N_COLS = 2048
K_ACTIVE = 40
N_MOD = 6
PERIODS = jnp.asarray([31.0, 37.0, 41.0, 43.0, 47.0, 53.0], dtype=jnp.float32)
CONNECT_THRESHOLD = 0.5


def setup_inputs(seed: int = 0) -> dict:
    key = jax.random.key(seed)
    ks = jax.random.split(key, 8)
    s_t = jax.random.normal(ks[0], (INPUT_DIM,), dtype=jnp.float32)
    v_t = jax.random.normal(ks[1], (2,), dtype=jnp.float32)
    # SDRSpace: random projection encoder input_dim -> n_sdr, top-w binarization
    W_enc = jax.random.normal(ks[2], (N_SDR, INPUT_DIM), dtype=jnp.float32) / np.sqrt(INPUT_DIM)
    # SpatialPooler: synaptic permanences in [0, 1], connected if > threshold
    permanences = jax.random.uniform(ks[3], (N_COLS, N_SDR), dtype=jnp.float32)
    # Layer6bTransformer: linear map (n_sdr + 2) -> 2 * n_grid_modules
    W_l6b = jax.random.normal(ks[4], (2 * N_MOD, N_SDR + 2), dtype=jnp.float32) / np.sqrt(N_SDR + 2)
    b_l6b = jnp.zeros((2 * N_MOD,), dtype=jnp.float32)
    # GridCellNetwork: current phase state per module, in [0, 1)
    phase0 = jax.random.uniform(ks[5], (N_MOD, 2), dtype=jnp.float32)
    return {
        "s_t": s_t,
        "v_t": v_t,
        "W_enc": W_enc,
        "permanences": permanences,
        "W_l6b": W_l6b,
        "b_l6b": b_l6b,
        "phase0": phase0,
    }


def reference(s_t, v_t, W_enc, permanences, W_l6b, b_l6b, phase0):
    # --- SDRSpace.encode: project + top-w binarize -> sparse SDR ---
    overlaps = W_enc @ s_t                           # (N_SDR,)
    _, idx_w = jax.lax.top_k(overlaps, W_SPARSE)     # (W_SPARSE,)
    sdr = jnp.zeros((N_SDR,), dtype=jnp.float32).at[idx_w].set(1.0)
    # --- SpatialPooler.forward: connected-synapse overlap + top-k active ---
    connected = (permanences > CONNECT_THRESHOLD).astype(jnp.float32)  # (N_COLS, N_SDR)
    col_overlap = connected @ sdr                    # (N_COLS,)
    _, active = jax.lax.top_k(col_overlap, K_ACTIVE)  # (K_ACTIVE,) int32
    # --- densify active indices into n_sdr-dim vector (as in torch code) ---
    sdr_active_dense = jnp.zeros((N_SDR,), dtype=jnp.float32).at[active].set(1.0)
    # --- Layer6bTransformer.transform: allocentric phase from SDR + velocity ---
    l6b_in = jnp.concatenate([sdr_active_dense, v_t])  # (N_SDR + 2,)
    allo_phase = jnp.tanh(W_l6b @ l6b_in + b_l6b)      # (2 * N_MOD,)
    # --- GridCellNetwork.integrate: path integration on torus per module ---
    delta = allo_phase.reshape(N_MOD, 2)
    phase = jnp.mod(phase0 + delta / PERIODS[:, None], 1.0)  # (N_MOD, 2)
    # --- GridCellNetwork.get_code: sin/cos position code ---
    ang = 2.0 * jnp.pi * phase
    grid_code = jnp.concatenate([jnp.cos(ang).reshape(-1), jnp.sin(ang).reshape(-1)])  # (4 * N_MOD,)
    return sdr, active, allo_phase, phase, grid_code

if __name__ == "__main__":
    import jax
    _d = setup_inputs()
    print(jax.jit(kernel)(*tuple(_d.values())))

</pallas_src>

<mosaic_0001>
#map = affine_map<(d0, d1) -> (0)>
module attributes {stable_mosaic.version = 14 : i64} {
  func.func @_sc_pooler_body(%arg0: i32, %arg1: i32, %arg2: memref<33554432xf32, #tpu.memory_space<hbm>>, %arg3: memref<40xi32, #tpu.memory_space<hbm>>, %arg4: memref<2048xf32, #tpu.memory_space<hbm>>, %arg5: memref<40xi32, #tpu.memory_space<vmem>>, %arg6: memref<3072xi32, #tpu.memory_space<vmem>>, %arg7: memref<3072xf32, #tpu.memory_space<vmem>>, %arg8: memref<64xf32, #tpu.memory_space<vmem>>, %arg9: memref<!tpu.dma_semaphore, #tpu.memory_space<semaphore_mem>>) attributes {dimension_semantics = [#tpu.dimension_semantics<core_parallel>, #tpu.dimension_semantics<subcore_parallel>], iteration_bounds = array<i64: 2, 16>, scalar_prefetch = 0 : i64, scratch_operands = 5 : i64, tpu.core_type = #tpu.core_type<sc_vector_subcore>, window_params = [{transform_indices = #map}, {transform_indices = #map}, {transform_indices = #map}]} {
    %mul3A = arith.constant 2 : i32
    %mul3A_0 = arith.muli %arg1, %mul3A : i32
    %add3A = arith.addi %mul3A_0, %arg0 : i32
    %mul3A_1 = arith.constant 64 : i32
    %mul3A_2 = arith.muli %add3A, %mul3A_1 : i32
    "tpu.region"() ({
      %run_scoped3A = tpu.sem_alloc : memref<!tpu.dma_semaphore, #tpu.memory_space<semaphore_mem>>
      tpu.enqueue_dma source(%arg3 : memref<40xi32, #tpu.memory_space<hbm>>) target(%arg5 : memref<40xi32, #tpu.memory_space<vmem>>) target_semaphore(%run_scoped3A : memref<!tpu.dma_semaphore, #tpu.memory_space<semaphore_mem>>)
      tpu.wait_dma2 semaphore(%run_scoped3A : memref<!tpu.dma_semaphore, #tpu.memory_space<semaphore_mem>>) src(%arg3 : memref<40xi32, #tpu.memory_space<hbm>>) dst(%arg5 : memref<40xi32, #tpu.memory_space<vmem>>)
      tpu.yield
    }) : () -> ()
    %get3A = arith.constant 0 : index
    %get3A_3 = tpu.vector_load %arg5[%get3A] {strides = array<i32>} : memref<40xi32, #tpu.memory_space<vmem>>, vector<16xi32>,
    %get3A_4 = arith.constant 16 : index
    %get3A_5 = tpu.vector_load %arg5[%get3A_4] {strides = array<i32>} : memref<40xi32, #tpu.memory_space<vmem>>, vector<16xi32>,
    %get3A_6 = arith.constant 24 : index
    %get3A_7 = tpu.vector_load %arg5[%get3A_6] {strides = array<i32>} : memref<40xi32, #tpu.memory_space<vmem>>, vector<16xi32>,
    %scan3A = arith.constant 0 : i32
    %scan3A_8 = arith.constant 0 : i32
    %scan3A_9 = arith.constant 64 : i32
    %scan3A_10 = arith.addi %scan3A_8, %scan3A_9 : i32
    %scan3A_11 = arith.constant 1 : i32
    %scan3A_12 = scf.for %scan3A_1532 = %scan3A_8 to %scan3A_10 step %scan3A_11 iter_args(%scan3A_1533 = %scan3A) -> (i32)  : i32 {
      %mul3A_1534 = arith.constant 48 : i32
      %mul3A_1535 = arith.muli %scan3A_1532, %mul3A_1534 : i32
      %add3A_1536 = arith.addi %mul3A_2, %scan3A_1532 : i32
      %mul3A_1537 = arith.constant 16384 : i32
      %mul3A_1538 = arith.muli %add3A_1536, %mul3A_1537 : i32
      %add3A_1539 = vector.broadcast %mul3A_1538 : i32 to vector<16xi32>
      %add3A_1540 = arith.addi %get3A_3, %add3A_1539 : vector<16xi32>
      %swap3A_1541 = arith.index_cast %mul3A_1535 : i32 to index
      %swap3A_1542 = tpu.vector_load %arg6[%swap3A_1541] {strides = array<i32>} : memref<3072xi32, #tpu.memory_space<vmem>>, vector<16xi32>,
      tpu.vector_store %arg6[%swap3A_1541], %add3A_1540 {strides = array<i32>} : memref<3072xi32, #tpu.memory_space<vmem>>, vector<16xi32>,
      %add3A_1543 = vector.broadcast %mul3A_1538 : i32 to vector<16xi32>
      %add3A_1544 = arith.addi %get3A_5, %add3A_1543 : vector<16xi32>
      %add3A_1545 = arith.constant 16 : i32
      %add3A_1546 = arith.addi %mul3A_1535, %add3A_1545 : i32
      %swap3A_1547 = arith.index_cast %add3A_1546 : i32 to index
      %swap3A_1548 = tpu.vector_load %arg6[%swap3A_1547] {strides = array<i32>} : memref<3072xi32, #tpu.memory_space<vmem>>, vector<16xi32>,
      tpu.vector_store %arg6[%swap3A_1547], %add3A_1544 {strides = array<i32>} : memref<3072xi32, #tpu.memory_space<vmem>>, vector<16xi32>,
      %add3A_1549 = vector.broadcast %mul3A_1538 : i32 to vector<16xi32>
      %add3A_1550 = arith.addi %get3A_7, %add3A_1549 : vector<16xi32>
      %add3A_1551 = arith.constant 32 : i32
      %add3A_1552 = arith.addi %mul3A_1535, %add3A_1551 : i32
      %swap3A_1553 = arith.index_cast %add3A_1552 : i32 to index
      %swap3A_1554 = tpu.vector_load %arg6[%swap3A_1553] {strides = array<i32>} : memref<3072xi32, #tpu.memory_space<vmem>>, vector<16xi32>,
      tpu.vector_store %arg6[%swap3A_1553], %add3A_1550 {strides = array<i32>} : memref<3072xi32, #tpu.memory_space<vmem>>, vector<16xi32>,
      %scan3A_1555 = arith.constant 0 : i32
      scf.yield %scan3A_1555 : i32
    }
    %scan3A_13 = arith.constant 64 : i32
    %dma_start3A = arith.constant 0 : i32
    %dma_start3A_14 = tpu.memref_slice %arg7[%dma_start3A] : memref<3072xf32, #tpu.memory_space<vmem>> -> memref<128xf32, #tpu.memory_space<vmem>>
    %dma_start3A_15 = arith.constant 0 : i32
    %dma_start3A_16 = tpu.memref_slice %arg6[%dma_start3A_15] : memref<3072xi32, #tpu.memory_space<vmem>> -> memref<128xi32, #tpu.memory_space<vmem>>
    %dma_start3A_17 = arith.constant 0 : i32
    %dma_start3A_18 = tpu.memref_slice %arg2[%dma_start3A_17] : memref<33554432xf32, #tpu.memory_space<hbm>> -> memref<33554432xf32, #tpu.memory_space<hbm>>
    tpu.enqueue_indirect_dma source(%dma_start3A_18 : memref<33554432xf32, #tpu.memory_space<hbm>>) target(%dma_start3A_14 : memref<128xf32, #tpu.memory_space<vmem>>) offsets(%dma_start3A_16 : memref<128xi32, #tpu.memory_space<vmem>>) semaphore(%arg9 : memref<!tpu.dma_semaphore, #tpu.memory_space<semaphore_mem>>)
    %dma_start3A_19 = arith.constant 128 : i32
    %dma_start3A_20 = tpu.memref_slice %arg7[%dma_start3A_19] : memref<3072xf32, #tpu.memory_space<vmem>> -> memref<128xf32, #tpu.memory_space<vmem>>
    %dma_start3A_21 = arith.constant 128 : i32
    %dma_start3A_22 = tpu.memref_slice %arg6[%dma_start3A_21] : memref<3072xi32, #tpu.memory_space<vmem>> -> memref<128xi32, #tpu.memory_space<vmem>>
    %dma_start3A_23 = arith.constant 0 : i32
    %dma_start3A_24 = tpu.memref_slice %arg2[%dma_start3A_23] : memref<33554432xf32, #tpu.memory_space<hbm>> -> memref<33554432xf32, #tpu.memory_space<hbm>>
    tpu.enqueue_indirect_dma source(%dma_start3A_24 : memref<33554432xf32, #tpu.memory_space<hbm>>) target(%dma_start3A_20 : memref<128xf32, #tpu.memory_space<vmem>>) offsets(%dma_start3A_22 : memref<128xi32, #tpu.memory_space<vmem>>) semaphore(%arg9 : memref<!tpu.dma_semaphore, #tpu.memory_space<semaphore_mem>>)
    %dma_start3A_25 = arith.constant 256 : i32
    %dma_start3A_26 = tpu.memref_slice %arg7[%dma_start3A_25] : memref<3072xf32, #tpu.memory_space<vmem>> -> memref<128xf32, #tpu.memory_space<vmem>>
    %dma_start3A_27 = arith.constant 256 : i32
    %dma_start3A_28 = tpu.memref_slice %arg6[%dma_start3A_27] : memref<3072xi32, #tpu.memory_space<vmem>> -> memref<128xi32, #tpu.memory_space<vmem>>
    %dma_start3A_29 = arith.constant 0 : i32
    %dma_start3A_30 = tpu.memref_slice %arg2[%dma_start3A_29] : memref<33554432xf32, #tpu.memory_space<hbm>> -> memref<33554432xf32, #tpu.memory_space<hbm>>
    tpu.enqueue_indirect_dma source(%dma_start3A_30 : memref<33554432xf32, #tpu.memory_space<hbm>>) target(%dma_start3A_26 : memref<128xf32, #tpu.memory_space<vmem>>) offsets(%dma_start3A_28 : memref<128xi32, #tpu.memory_space<vmem>>) semaphore(%arg9 : memref<!tpu.dma_semaphore, #tpu.memory_space<semaphore_mem>>)
    %dma_start3A_31 = arith.constant 384 : i32
    %dma_start3A_32 = tpu.memref_slice %arg7[%dma_start3A_31] : memref<3072xf32, #tpu.memory_space<vmem>> -> memref<128xf32, #tpu.memory_space<vmem>>
    %dma_start3A_33 = arith.constant 384 : i32
    %dma_start3A_34 = tpu.memref_slice %arg6[%dma_start3A_33] : memref<3072xi32, #tpu.memory_space<vmem>> -> memref<128xi32, #tpu.memory_space<vmem>>
    %dma_start3A_35 = arith.constant 0 : i32
    %dma_start3A_36 = tpu.memref_slice %arg2[%dma_start3A_35] : memref<33554432xf32, #tpu.memory_space<hbm>> -> memref<33554432xf32, #tpu.memory_space<hbm>>
    tpu.enqueue_indirect_dma source(%dma_start3A_36 : memref<33554432xf32, #tpu.memory_space<hbm>>) target(%dma_start3A_32 : memref<128xf32, #tpu.memory_space<vmem>>) offsets(%dma_start3A_34 : memref<128xi32, #tpu.memory_space<vmem>>) semaphore(%arg9 : memref<!tpu.dma_semaphore, #tpu.memory_space<semaphore_mem>>)
    %dma_start3A_37 = arith.constant 512 : i32
    %dma_start3A_38 = tpu.memref_slice %arg7[%dma_start3A_37] : memref<3072xf32, #tpu.memory_space<vmem>> -> memref<128xf32, #tpu.memory_space<vmem>>
    %dma_start3A_39 = arith.constant 512 : i32
    %dma_start3A_40 = tpu.memref_slice %arg6[%dma_start3A_39] : memref<3072xi32, #tpu.memory_space<vmem>> -> memref<128xi32, #tpu.memory_space<vmem>>
    %dma_start3A_41 = arith.constant 0 : i32
    %dma_start3A_42 = tpu.memref_slice %arg2[%dma_start3A_41] : memref<33554432xf32, #tpu.memory_space<hbm>> -> memref<33554432xf32, #tpu.memory_space<hbm>>
    tpu.enqueue_indirect_dma source(%dma_start3A_42 : memref<33554432xf32, #tpu.memory_space<hbm>>) target(%dma_start3A_38 : memref<128xf32, #tpu.memory_space<vmem>>) offsets(%dma_start3A_40 : memref<128xi32, #tpu.memory_space<vmem>>) semaphore(%arg9 : memref<!tpu.dma_semaphore, #tpu.memory_space<semaphore_mem>>)
    %dma_start3A_43 = arith.constant 640 : i32
    %dma_start3A_44 = tpu.memref_slice %arg7[%dma_start3A_43] : memref<3072xf32, #tpu.memory_space<vmem>> -> memref<128xf32, #tpu.memory_space<vmem>>
    %dma_start3A_45 = arith.constant 640 : i32
    %dma_start3A_46 = tpu.memref_slice %arg6[%dma_start3A_45] : memref<3072xi32, #tpu.memory_space<vmem>> -> memref<128xi32, #tpu.memory_space<vmem>>
    %dma_start3A_47 = arith.constant 0 : i32
    %dma_start3A_48 = tpu.memref_slice %arg2[%dma_start3A_47] : memref<33554432xf32, #tpu.memory_space<hbm>> -> memref<33554432xf32, #tpu.memory_space<hbm>>
    tpu.enqueue_indirect_dma source(%dma_start3A_48 : memref<33554432xf32, #tpu.memory_space<hbm>>) target(%dma_start3A_44 : memref<128xf32, #tpu.memory_space<vmem>>) offsets(%dma_start3A_46 : memref<128xi32, #tpu.memory_space<vmem>>) semaphore(%arg9 : memref<!tpu.dma_semaphore, #tpu.memory_space<semaphore_mem>>)
    %dma_start3A_49 = arith.constant 768 : i32
    %dma_start3A_50 = tpu.memref_slice %arg7[%dma_start3A_49] : memref<3072xf32, #tpu.memory_space<vmem>> -> memref<128xf32, #tpu.memory_space<vmem>>
    %dma_start3A_51 = arith.constant 768 : i32
    %dma_start3A_52 = tpu.memref_slice %arg6[%dma_start3A_51] : memref<3072xi32, #tpu.memory_space<vmem>> -> memref<128xi32, #tpu.memory_space<vmem>>
    %dma_start3A_53 = arith.constant 0 : i32
    %dma_start3A_54 = tpu.memref_slice %arg2[%dma_start3A_53] : memref<33554432xf32, #tpu.memory_space<hbm>> -> memref<33554432xf32, #tpu.memory_space<hbm>>
    tpu.enqueue_indirect_dma source(%dma_start3A_54 : memref<33554432xf32, #tpu.memory_space<hbm>>) target(%dma_start3A_50 : memref<128xf32, #tpu.memory_space<vmem>>) offsets(%dma_start3A_52 : memref<128xi32, #tpu.memory_space<vmem>>) semaphore(%arg9 : memref<!tpu.dma_semaphore, #tpu.memory_space<semaphore_mem>>)
    %dma_start3A_55 = arith.constant 896 : i32
    %dma_start3A_56 = tpu.memref_slice %arg7[%dma_start3A_55] : memref<3072xf32, #tpu.memory_space<vmem>> -> memref<128xf32, #tpu.memory_space<vmem>>
    %dma_start3A_57 = arith.constant 896 : i32
    %dma_start3A_58 = tpu.memref_slice %arg6[%dma_start3A_57] : memref<3072xi32, #tpu.memory_space<vmem>> -> memref<128xi32, #tpu.memory_space<vmem>>
    %dma_start3A_59 = arith.constant 0 : i32
    %dma_start3A_60 = tpu.memref_slice %arg2[%dma_start3A_59] : memref<33554432xf32, #tpu.memory_space<hbm>> -> memref<33554432xf32, #tpu.memory_space<hbm>>
    tpu.enqueue_indirect_dma source(%dma_start3A_60 : memref<33554432xf32, #tpu.memory_space<hbm>>) target(%dma_start3A_56 : memref<128xf32, #tpu.memory_space<vmem>>) offsets(%dma_start3A_58 : memref<128xi32, #tpu.memory_space<vmem>>) semaphore(%arg9 : memref<!tpu.dma_semaphore, #tpu.memory_space<semaphore_mem>>)
    %dma_start3A_61 = arith.constant 1024 : i32
    %dma_start3A_62 = tpu.memref_slice %arg7[%dma_start3A_61] : memref<3072xf32, #tpu.memory_space<vmem>> -> memref<128xf32, #tpu.memory_space<vmem>>
    %dma_start3A_63 = arith.constant 1024 : i32
    %dma_start3A_64 = tpu.memref_slice %arg6[%dma_start3A_63] : memref<3072xi32, #tpu.memory_space<vmem>> -> memref<128xi32, #tpu.memory_space<vmem>>
    %dma_start3A_65 = arith.constant 0 : i32
    %dma_start3A_66 = tpu.memref_slice %arg2[%dma_start3A_65] : memref<33554432xf32, #tpu.memory_space<hbm>> -> memref<33554432xf32, #tpu.memory_space<hbm>>
    tpu.enqueue_indirect_dma source(%dma_start3A_66 : memref<33554432xf32, #tpu.memory_space<hbm>>) target(%dma_start3A_62 : memref<128xf32, #tpu.memory_space<vmem>>) offsets(%dma_start3A_64 : memref<128xi32, #tpu.memory_space<vmem>>) semaphore(%arg9 : memref<!tpu.dma_semaphore, #tpu.memory_space<semaphore_mem>>)
    %dma_start3A_67 = arith.constant 1152 : i32
    %dma_start3A_68 = tpu.memref_slice %arg7[%dma_start3A_67] : memref<3072xf32, #tpu.memory_space<vmem>> -> memref<128xf32, #tpu.memory_space<vmem>>
    %dma_start3A_69 = arith.constant 1152 : i32
    %dma_start3A_70 = tpu.memref_slice %arg6[%dma_start3A_69] : memref<3072xi32, #tpu.memory_space<vmem>> -> memref<128xi32, #tpu.memory_space<vmem>>
    %dma_start3A_71 = arith.constant 0 : i32
    %dma_start3A_72 = tpu.memref_slice %arg2[%dma_start3A_71] : memref<33554432xf32, #tpu.memory_space<hbm>> -> memref<33554432xf32, #tpu.memory_space<hbm>>
    tpu.enqueue_indirect_dma source(%dma_start3A_72 : memref<33554432xf32, #tpu.memory_space<hbm>>) target(%dma_start3A_68 : memref<128xf32, #tpu.memory_space<vmem>>) offsets(%dma_start3A_70 : memref<128xi32, #tpu.memory_space<vmem>>) semaphore(%arg9 : memref<!tpu.dma_semaphore, #tpu.memory_space<semaphore_mem>>)
    %dma_start3A_73 = arith.constant 1280 : i32
    %dma_start3A_74 = tpu.memref_slice %arg7[%dma_start3A_73] : memref<3072xf32, #tpu.memory_space<vmem>> -> memref<128xf32, #tpu.memory_space<vmem>>
    %dma_start3A_75 = arith.constant 1280 : i32
    %dma_start3A_76 = tpu.memref_slice %arg6[%dma_start3A_75] : memref<3072xi32, #tpu.memory_space<vmem>> -> memref<128xi32, #tpu.memory_space<vmem>>
    %dma_start3A_77 = arith.constant 0 : i32
    %dma_start3A_78 = tpu.memref_slice %arg2[%dma_start3A_77] : memref<33554432xf32, #tpu.memory_space<hbm>> -> memref<33554432xf32, #tpu.memory_space<hbm>>
    tpu.enqueue_indirect_dma source(%dma_start3A_78 : memref<33554432xf32, #tpu.memory_space<hbm>>) target(%dma_start3A_74 : memref<128xf32, #tpu.memory_space<vmem>>) offsets(%dma_start3A_76 : memref<128xi32, #tpu.memory_space<vmem>>) semaphore(%arg9 : memref<!tpu.dma_semaphore, #tpu.memory_space<semaphore_mem>>)
    %dma_start3A_79 = arith.constant 1408 : i32
    %dma_start3A_80 = tpu.memref_slice %arg7[%dma_start3A_79] : memref<3072xf32, #tpu.memory_space<vmem>> -> memref<128xf32, #tpu.memory_space<vmem>>
    %dma_start3A_81 = arith.constant 1408 : i32
    %dma_start3A_82 = tpu.memref_slice %arg6[%dma_start3A_81] : memref<3072xi32, #tpu.memory_space<vmem>> -> memref<128xi32, #tpu.memory_space<vmem>>
    %dma_start3A_83 = arith.constant 0 : i32
    %dma_start3A_84 = tpu.memref_slice %arg2[%dma_start3A_83] : memref<33554432xf32, #tpu.memory_space<hbm>> -> memref<33554432xf32, #tpu.memory_space<hbm>>
    tpu.enqueue_indirect_dma source(%dma_start3A_84 : memref<33554432xf32, #tpu.memory_space<hbm>>) target(%dma_start3A_80 : memref<128xf32, #tpu.memory_space<vmem>>) offsets(%dma_start3A_82 : memref<128xi32, #tpu.memory_space<vmem>>) semaphore(%arg9 : memref<!tpu.dma_semaphore, #tpu.memory_space<semaphore_mem>>)
    %dma_start3A_85 = arith.constant 1536 : i32
    %dma_start3A_86 = tpu.memref_slice %arg7[%dma_start3A_85] : memref<3072xf32, #tpu.memory_space<vmem>> -> memref<128xf32, #tpu.memory_space<vmem>>
    %dma_start3A_87 = arith.constant 1536 : i32
    %dma_start3A_88 = tpu.memref_slice %arg6[%dma_start3A_87] : memref<3072xi32, #tpu.memory_space<vmem>> -> memref<128xi32, #tpu.memory_space<vmem>>
    %dma_start3A_89 = arith.constant 0 : i32
    %dma_start3A_90 = tpu.memref_slice %arg2[%dma_start3A_89] : memref<33554432xf32, #tpu.memory_space<hbm>> -> memref<33554432xf32, #tpu.memory_space<hbm>>
    tpu.enqueue_indirect_dma source(%dma_start3A_90 : memref<33554432xf32, #tpu.memory_space<hbm>>) target(%dma_start3A_86 : memref<128xf32, #tpu.memory_space<vmem>>) offsets(%dma_start3A_88 : memref<128xi32, #tpu.memory_space<vmem>>) semaphore(%arg9 : memref<!tpu.dma_semaphore, #tpu.memory_space<semaphore_mem>>)
    %dma_start3A_91 = arith.constant 1664 : i32
    %dma_start3A_92 = tpu.memref_slice %arg7[%dma_start3A_91] : memref<3072xf32, #tpu.memory_space<vmem>> -> memref<128xf32, #tpu.memory_space<vmem>>
    %dma_start3A_93 = arith.constant 1664 : i32
    %dma_start3A_94 = tpu.memref_slice %arg6[%dma_start3A_93] : memref<3072xi32, #tpu.memory_space<vmem>> -> memref<128xi32, #tpu.memory_space<vmem>>
    %dma_start3A_95 = arith.constant 0 : i32
    %dma_start3A_96 = tpu.memref_slice %arg2[%dma_start3A_95] : memref<33554432xf32, #tpu.memory_space<hbm>> -> memref<33554432xf32, #tpu.memory_space<hbm>>
    tpu.enqueue_indirect_dma source(%dma_start3A_96 : memref<33554432xf32, #tpu.memory_space<hbm>>) target(%dma_start3A_92 : memref<128xf32, #tpu.memory_space<vmem>>) offsets(%dma_start3A_94 : memref<128xi32, #tpu.memory_space<vmem>>) semaphore(%arg9 : memref<!tpu.dma_semaphore, #tpu.memory_space<semaphore_mem>>)
    %dma_start3A_97 = arith.constant 1792 : i32
    %dma_start3A_98 = tpu.memref_slice %arg7[%dma_start3A_97] : memref<3072xf32, #tpu.memory_space<vmem>> -> memref<128xf32, #tpu.memory_space<vmem>>
    %dma_start3A_99 = arith.constant 1792 : i32
    %dma_start3A_100 = tpu.memref_slice %arg6[%dma_start3A_99] : memref<3072xi32, #tpu.memory_space<vmem>> -> memref<128xi32, #tpu.memory_space<vmem>>
    %dma_start3A_101 = arith.constant 0 : i32
    %dma_start3A_102 = tpu.memref_slice %arg2[%dma_start3A_101] : memref<33554432xf32, #tpu.memory_space<hbm>> -> memref<33554432xf32, #tpu.memory_space<hbm>>
    tpu.enqueue_indirect_dma source(%dma_start3A_102 : memref<33554432xf32, #tpu.memory_space<hbm>>) target(%dma_start3A_98 : memref<128xf32, #tpu.memory_space<vmem>>) offsets(%dma_start3A_100 : memref<128xi32, #tpu.memory_space<vmem>>) semaphore(%arg9 : memref<!tpu.dma_semaphore, #tpu.memory_space<semaphore_mem>>)
    %dma_start3A_103 = arith.constant 1920 : i32
    %dma_start3A_104 = tpu.memref_slice %arg7[%dma_start3A_103] : memref<3072xf32, #tpu.memory_space<vmem>> -> memref<128xf32, #tpu.memory_space<vmem>>
    %dma_start3A_105 = arith.constant 1920 : i32
    %dma_start3A_106 = tpu.memref_slice %arg6[%dma_start3A_105] : memref<3072xi32, #tpu.memory_space<vmem>> -> memref<128xi32, #tpu.memory_space<vmem>>
    %dma_start3A_107 = arith.constant 0 : i32
    %dma_start3A_108 = tpu.memref_slice %arg2[%dma_start3A_107] : memref<33554432xf32, #tpu.memory_space<hbm>> -> memref<33554432xf32, #tpu.memory_space<hbm>>
    tpu.enqueue_indirect_dma source(%dma_start3A_108 : memref<33554432xf32, #tpu.memory_space<hbm>>) target(%dma_start3A_104 : memref<128xf32, #tpu.memory_space<vmem>>) offsets(%dma_start3A_106 : memref<128xi32, #tpu.memory_space<vmem>>) semaphore(%arg9 : memref<!tpu.dma_semaphore, #tpu.memory_space<semaphore_mem>>)
    %dma_start3A_109 = arith.constant 2048 : i32
    %dma_start3A_110 = tpu.memref_slice %arg7[%dma_start3A_109] : memref<3072xf32, #tpu.memory_space<vmem>> -> memref<128xf32, #tpu.memory_space<vmem>>
    %dma_start3A_111 = arith.constant 2048 : i32
    %dma_start3A_112 = tpu.memref_slice %arg6[%dma_start3A_111] : memref<3072xi32, #tpu.memory_space<vmem>> -> memref<128xi32, #tpu.memory_space<vmem>>
    %dma_start3A_113 = arith.constant 0 : i32
    %dma_start3A_114 = tpu.memref_slice %arg2[%dma_start3A_113] : memref<33554432xf32, #tpu.memory_space<hbm>> -> memref<33554432xf32, #tpu.memory_space<hbm>>
    tpu.enqueue_indirect_dma source(%dma_start3A_114 : memref<33554432xf32, #tpu.memory_space<hbm>>) target(%dma_start3A_110 : memref<128xf32, #tpu.memory_space<vmem>>) offsets(%dma_start3A_112 : memref<128xi32, #tpu.memory_space<vmem>>) semaphore(%arg9 : memref<!tpu.dma_semaphore, #tpu.memory_space<semaphore_mem>>)
    %dma_start3A_115 = arith.constant 2176 : i32
    %dma_start3A_116 = tpu.memref_slice %arg7[%dma_start3A_115] : memref<3072xf32, #tpu.memory_space<vmem>> -> memref<128xf32, #tpu.memory_space<vmem>>
    %dma_start3A_117 = arith.constant 2176 : i32
    %dma_start3A_118 = tpu.memref_slice %arg6[%dma_start3A_117] : memref<3072xi32, #tpu.memory_space<vmem>> -> memref<128xi32, #tpu.memory_space<vmem>>
    %dma_start3A_119 = arith.constant 0 : i32
    %dma_start3A_120 = tpu.memref_slice %arg2[%dma_start3A_119] : memref<33554432xf32, #tpu.memory_space<hbm>> -> memref<33554432xf32, #tpu.memory_space<hbm>>
    tpu.enqueue_indirect_dma source(%dma_start3A_120 : memref<33554432xf32, #tpu.memory_space<hbm>>) target(%dma_start3A_116 : memref<128xf32, #tpu.memory_space<vmem>>) offsets(%dma_start3A_118 : memref<128xi32, #tpu.memory_space<vmem>>) semaphore(%arg9 : memref<!tpu.dma_semaphore, #tpu.memory_space<semaphore_mem>>)
    %dma_start3A_121 = arith.constant 2304 : i32
    %dma_start3A_122 = tpu.memref_slice %arg7[%dma_start3A_121] : memref<3072xf32, #tpu.memory_space<vmem>> -> memref<128xf32, #tpu.memory_space<vmem>>
    %dma_start3A_123 = arith.constant 2304 : i32
    %dma_start3A_124 = tpu.memref_slice %arg6[%dma_start3A_123] : memref<3072xi32, #tpu.memory_space<vmem>> -> memref<128xi32, #tpu.memory_space<vmem>>
    %dma_start3A_125 = arith.constant 0 : i32
    %dma_start3A_126 = tpu.memref_slice %arg2[%dma_start3A_125] : memref<33554432xf32, #tpu.memory_space<hbm>> -> memref<33554432xf32, #tpu.memory_space<hbm>>
    tpu.enqueue_indirect_dma source(%dma_start3A_126 : memref<33554432xf32, #tpu.memory_space<hbm>>) target(%dma_start3A_122 : memref<128xf32, #tpu.memory_space<vmem>>) offsets(%dma_start3A_124 : memref<128xi32, #tpu.memory_space<vmem>>) semaphore(%arg9 : memref<!tpu.dma_semaphore, #tpu.memory_space<semaphore_mem>>)
    %dma_start3A_127 = arith.constant 2432 : i32
    %dma_start3A_128 = tpu.memref_slice %arg7[%dma_start3A_127] : memref<3072xf32, #tpu.memory_space<vmem>> -> memref<128xf32, #tpu.memory_space<vmem>>
    %dma_start3A_129 = arith.constant 2432 : i32
    %dma_start3A_130 = tpu.memref_slice %arg6[%dma_start3A_129] : memref<3072xi32, #tpu.memory_space<vmem>> -> memref<128xi32, #tpu.memory_space<vmem>>
    %dma_start3A_131 = arith.constant 0 : i32
    %dma_start3A_132 = tpu.memref_slice %arg2[%dma_start3A_131] : memref<33554432xf32, #tpu.memory_space<hbm>> -> memref<33554432xf32, #tpu.memory_space<hbm>>
    tpu.enqueue_indirect_dma source(%dma_start3A_132 : memref<33554432xf32, #tpu.memory_space<hbm>>) target(%dma_start3A_128 : memref<128xf32, #tpu.memory_space<vmem>>) offsets(%dma_start3A_130 : memref<128xi32, #tpu.memory_space<vmem>>) semaphore(%arg9 : memref<!tpu.dma_semaphore, #tpu.memory_space<semaphore_mem>>)
    %dma_start3A_133 = arith.constant 2560 : i32
    %dma_start3A_134 = tpu.memref_slice %arg7[%dma_start3A_133] : memref<3072xf32, #tpu.memory_space<vmem>> -> memref<128xf32, #tpu.memory_space<vmem>>
    %dma_start3A_135 = arith.constant 2560 : i32
    %dma_start3A_136 = tpu.memref_slice %arg6[%dma_start3A_135] : memref<3072xi32, #tpu.memory_space<vmem>> -> memref<128xi32, #tpu.memory_space<vmem>>
    %dma_start3A_137 = arith.constant 0 : i32
    %dma_start3A_138 = tpu.memref_slice %arg2[%dma_start3A_137] : memref<33554432xf32, #tpu.memory_space<hbm>> -> memref<33554432xf32, #tpu.memory_space<hbm>>
    tpu.enqueue_indirect_dma source(%dma_start3A_138 : memref<33554432xf32, #tpu.memory_space<hbm>>) target(%dma_start3A_134 : memref<128xf32, #tpu.memory_space<vmem>>) offsets(%dma_start3A_136 : memref<128xi32, #tpu.memory_space<vmem>>) semaphore(%arg9 : memref<!tpu.dma_semaphore, #tpu.memory_space<semaphore_mem>>)
    %dma_start3A_139 = arith.constant 2688 : i32
    %dma_start3A_140 = tpu.memref_slice %arg7[%dma_start3A_139] : memref<3072xf32, #tpu.memory_space<vmem>> -> memref<128xf32, #tpu.memory_space<vmem>>
    %dma_start3A_141 = arith.constant 2688 : i32
    %dma_start3A_142 = tpu.memref_slice %arg6[%dma_start3A_141] : memref<3072xi32, #tpu.memory_space<vmem>> -> memref<128xi32, #tpu.memory_space<vmem>>
    %dma_start3A_143 = arith.constant 0 : i32
    %dma_start3A_144 = tpu.memref_slice %arg2[%dma_start3A_143] : memref<33554432xf32, #tpu.memory_space<hbm>> -> memref<33554432xf32, #tpu.memory_space<hbm>>
    tpu.enqueue_indirect_dma source(%dma_start3A_144 : memref<33554432xf32, #tpu.memory_space<hbm>>) target(%dma_start3A_140 : memref<128xf32, #tpu.memory_space<vmem>>) offsets(%dma_start3A_142 : memref<128xi32, #tpu.memory_space<vmem>>) semaphore(%arg9 : memref<!tpu.dma_semaphore, #tpu.memory_space<semaphore_mem>>)
    %dma_start3A_145 = arith.constant 2816 : i32
    %dma_start3A_146 = tpu.memref_slice %arg7[%dma_start3A_145] : memref<3072xf32, #tpu.memory_space<vmem>> -> memref<128xf32, #tpu.memory_space<vmem>>
    %dma_start3A_147 = arith.constant 2816 : i32
    %dma_start3A_148 = tpu.memref_slice %arg6[%dma_start3A_147] : memref<3072xi32, #tpu.memory_space<vmem>> -> memref<128xi32, #tpu.memory_space<vmem>>
    %dma_start3A_149 = arith.constant 0 : i32
    %dma_start3A_150 = tpu.memref_slice %arg2[%dma_start3A_149] : memref<33554432xf32, #tpu.memory_space<hbm>> -> memref<33554432xf32, #tpu.memory_space<hbm>>
    tpu.enqueue_indirect_dma source(%dma_start3A_150 : memref<33554432xf32, #tpu.memory_space<hbm>>) target(%dma_start3A_146 : memref<128xf32, #tpu.memory_space<vmem>>) offsets(%dma_start3A_148 : memref<128xi32, #tpu.memory_space<vmem>>) semaphore(%arg9 : memref<!tpu.dma_semaphore, #tpu.memory_space<semaphore_mem>>)
    %dma_start3A_151 = arith.constant 2944 : i32
    %dma_start3A_152 = tpu.memref_slice %arg7[%dma_start3A_151] : memref<3072xf32, #tpu.memory_space<vmem>> -> memref<128xf32, #tpu.memory_space<vmem>>
    %dma_start3A_153 = arith.constant 2944 : i32
    %dma_start3A_154 = tpu.memref_slice %arg6[%dma_start3A_153] : memref<3072xi32, #tpu.memory_space<vmem>> -> memref<128xi32, #tpu.memory_space<vmem>>
    %dma_start3A_155 = arith.constant 0 : i32
    %dma_start3A_156 = tpu.memref_slice %arg2[%dma_start3A_155] : memref<33554432xf32, #tpu.memory_space<hbm>> -> memref<33554432xf32, #tpu.memory_space<hbm>>
    tpu.enqueue_indirect_dma source(%dma_start3A_156 : memref<33554432xf32, #tpu.memory_space<hbm>>) target(%dma_start3A_152 : memref<128xf32, #tpu.memory_space<vmem>>) offsets(%dma_start3A_154 : memref<128xi32, #tpu.memory_space<vmem>>) semaphore(%arg9 : memref<!tpu.dma_semaphore, #tpu.memory_space<semaphore_mem>>)
    %dma_wait3A = arith.constant 0 : i32
    %dma_wait3A_157 = tpu.memref_slice %arg7[%dma_wait3A] : memref<3072xf32, #tpu.memory_space<vmem>> -> memref<128xf32, #tpu.memory_space<vmem>>
    %dma_wait3A_158 = arith.constant 0 : i32
    %dma_wait3A_159 = tpu.memref_slice %arg6[%dma_wait3A_158] : memref<3072xi32, #tpu.memory_space<vmem>> -> memref<128xi32, #tpu.memory_space<vmem>>
    %dma_wait3A_160 = arith.constant 0 : i32
    %dma_wait3A_161 = tpu.memref_slice %arg2[%dma_wait3A_160] : memref<33554432xf32, #tpu.memory_space<hbm>> -> memref<33554432xf32, #tpu.memory_space<hbm>>
    tpu.wait_indirect_dma semaphore(%arg9 : memref<!tpu.dma_semaphore, #tpu.memory_space<semaphore_mem>>) src(%dma_wait3A_161 : memref<33554432xf32, #tpu.memory_space<hbm>>) dst(%dma_wait3A_157 : memref<128xf32, #tpu.memory_space<vmem>>)
    %dma_wait3A_162 = arith.constant 128 : i32
    %dma_wait3A_163 = tpu.memref_slice %arg7[%dma_wait3A_162] : memref<3072xf32, #tpu.memory_space<vmem>> -> memref<128xf32, #tpu.memory_space<vmem>>
    %dma_wait3A_164 = arith.constant 128 : i32
    %dma_wait3A_165 = tpu.memref_slice %arg6[%dma_wait3A_164] : memref<3072xi32, #tpu.memory_space<vmem>> -> memref<128xi32, #tpu.memory_space<vmem>>
    %dma_wait3A_166 = arith.constant 0 : i32
    %dma_wait3A_167 = tpu.memref_slice %arg2[%dma_wait3A_166] : memref<33554432xf32, #tpu.memory_space<hbm>> -> memref<33554432xf32, #tpu.memory_space<hbm>>
    tpu.wait_indirect_dma semaphore(%arg9 : memref<!tpu.dma_semaphore, #tpu.memory_space<semaphore_mem>>) src(%dma_wait3A_167 : memref<33554432xf32, #tpu.memory_space<hbm>>) dst(%dma_wait3A_163 : memref<128xf32, #tpu.memory_space<vmem>>)
    %dma_wait3A_168 = arith.constant 256 : i32
    %dma_wait3A_169 = tpu.memref_slice %arg7[%dma_wait3A_168] : memref<3072xf32, #tpu.memory_space<vmem>> -> memref<128xf32, #tpu.memory_space<vmem>>
    %dma_wait3A_170 = arith.constant 256 : i32
    %dma_wait3A_171 = tpu.memref_slice %arg6[%dma_wait3A_170] : memref<3072xi32, #tpu.memory_space<vmem>> -> memref<128xi32, #tpu.memory_space<vmem>>
    %dma_wait3A_172 = arith.constant 0 : i32
    %dma_wait3A_173 = tpu.memref_slice %arg2[%dma_wait3A_172] : memref<33554432xf32, #tpu.memory_space<hbm>> -> memref<33554432xf32, #tpu.memory_space<hbm>>
    tpu.wait_indirect_dma semaphore(%arg9 : memref<!tpu.dma_semaphore, #tpu.memory_space<semaphore_mem>>) src(%dma_wait3A_173 : memref<33554432xf32, #tpu.memory_space<hbm>>) dst(%dma_wait3A_169 : memref<128xf32, #tpu.memory_space<vmem>>)
    %dma_wait3A_174 = arith.constant 384 : i32
    %dma_wait3A_175 = tpu.memref_slice %arg7[%dma_wait3A_174] : memref<3072xf32, #tpu.memory_space<vmem>> -> memref<128xf32, #tpu.memory_space<vmem>>
    %dma_wait3A_176 = arith.constant 384 : i32
    %dma_wait3A_177 = tpu.memref_slice %arg6[%dma_wait3A_176] : memref<3072xi32, #tpu.memory_space<vmem>> -> memref<128xi32, #tpu.memory_space<vmem>>
    %dma_wait3A_178 = arith.constant 0 : i32
    %dma_wait3A_179 = tpu.memref_slice %arg2[%dma_wait3A_178] : memref<33554432xf32, #tpu.memory_space<hbm>> -> memref<33554432xf32, #tpu.memory_space<hbm>>
    tpu.wait_indirect_dma semaphore(%arg9 : memref<!tpu.dma_semaphore, #tpu.memory_space<semaphore_mem>>) src(%dma_wait3A_179 : memref<33554432xf32, #tpu.memory_space<hbm>>) dst(%dma_wait3A_175 : memref<128xf32, #tpu.memory_space<vmem>>)
    %dma_wait3A_180 = arith.constant 512 : i32
    %dma_wait3A_181 = tpu.memref_slice %arg7[%dma_wait3A_180] : memref<3072xf32, #tpu.memory_space<vmem>> -> memref<128xf32, #tpu.memory_space<vmem>>
    %dma_wait3A_182 = arith.constant 512 : i32
    %dma_wait3A_183 = tpu.memref_slice %arg6[%dma_wait3A_182] : memref<3072xi32, #tpu.memory_space<vmem>> -> memref<128xi32, #tpu.memory_space<vmem>>
    %dma_wait3A_184 = arith.constant 0 : i32
    %dma_wait3A_185 = tpu.memref_slice %arg2[%dma_wait3A_184] : memref<33554432xf32, #tpu.memory_space<hbm>> -> memref<33554432xf32, #tpu.memory_space<hbm>>
    tpu.wait_indirect_dma semaphore(%arg9 : memref<!tpu.dma_semaphore, #tpu.memory_space<semaphore_mem>>) src(%dma_wait3A_185 : memref<33554432xf32, #tpu.memory_space<hbm>>) dst(%dma_wait3A_181 : memref<128xf32, #tpu.memory_space<vmem>>)
    %dma_wait3A_186 = arith.constant 640 : i32
    %dma_wait3A_187 = tpu.memref_slice %arg7[%dma_wait3A_186] : memref<3072xf32, #tpu.memory_space<vmem>> -> memref<128xf32, #tpu.memory_space<vmem>>
    %dma_wait3A_188 = arith.constant 640 : i32
    %dma_wait3A_189 = tpu.memref_slice %arg6[%dma_wait3A_188] : memref<3072xi32, #tpu.memory_space<vmem>> -> memref<128xi32, #tpu.memory_space<vmem>>
    %dma_wait3A_190 = arith.constant 0 : i32
    %dma_wait3A_191 = tpu.memref_slice %arg2[%dma_wait3A_190] : memref<33554432xf32, #tpu.memory_space<hbm>> -> memref<33554432xf32, #tpu.memory_space<hbm>>
    tpu.wait_indirect_dma semaphore(%arg9 : memref<!tpu.dma_semaphore, #tpu.memory_space<semaphore_mem>>) src(%dma_wait3A_191 : memref<33554432xf32, #tpu.memory_space<hbm>>) dst(%dma_wait3A_187 : memref<128xf32, #tpu.memory_space<vmem>>)
    %dma_wait3A_192 = arith.constant 768 : i32
    %dma_wait3A_193 = tpu.memref_slice %arg7[%dma_wait3A_192] : memref<3072xf32, #tpu.memory_space<vmem>> -> memref<128xf32, #tpu.memory_space<vmem>>
    %dma_wait3A_194 = arith.constant 768 : i32
    %dma_wait3A_195 = tpu.memref_slice %arg6[%dma_wait3A_194] : memref<3072xi32, #tpu.memory_space<vmem>> -> memref<128xi32, #tpu.memory_space<vmem>>
    %dma_wait3A_196 = arith.constant 0 : i32
    %dma_wait3A_197 = tpu.memref_slice %arg2[%dma_wait3A_196] : memref<33554432xf32, #tpu.memory_space<hbm>> -> memref<33554432xf32, #tpu.memory_space<hbm>>
    tpu.wait_indirect_dma semaphore(%arg9 : memref<!tpu.dma_semaphore, #tpu.memory_space<semaphore_mem>>) src(%dma_wait3A_197 : memref<33554432xf32, #tpu.memory_space<hbm>>) dst(%dma_wait3A_193 : memref<128xf32, #tpu.memory_space<vmem>>)
    %dma_wait3A_198 = arith.constant 896 : i32
    %dma_wait3A_199 = tpu.memref_slice %arg7[%dma_wait3A_198] : memref<3072xf32, #tpu.memory_space<vmem>> -> memref<128xf32, #tpu.memory_space<vmem>>
    %dma_wait3A_200 = arith.constant 896 : i32
    %dma_wait3A_201 = tpu.memref_slice %arg6[%dma_wait3A_200] : memref<3072xi32, #tpu.memory_space<vmem>> -> memref<128xi32, #tpu.memory_space<vmem>>
    %dma_wait3A_202 = arith.constant 0 : i32
    %dma_wait3A_203 = tpu.memref_slice %arg2[%dma_wait3A_202] : memref<33554432xf32, #tpu.memory_space<hbm>> -> memref<33554432xf32, #tpu.memory_space<hbm>>
    tpu.wait_indirect_dma semaphore(%arg9 : memref<!tpu.dma_semaphore, #tpu.memory_space<semaphore_mem>>) src(%dma_wait3A_203 : memref<33554432xf32, #tpu.memory_space<hbm>>) dst(%dma_wait3A_199 : memref<128xf32, #tpu.memory_space<vmem>>)
    %dma_wait3A_204 = arith.constant 1024 : i32
    %dma_wait3A_205 = tpu.memref_slice %arg7[%dma_wait3A_204] : memref<3072xf32, #tpu.memory_space<vmem>> -> memref<128xf32, #tpu.memory_space<vmem>>
    %dma_wait3A_206 = arith.constant 1024 : i32
    %dma_wait3A_207 = tpu.memref_slice %arg6[%dma_wait3A_206] : memref<3072xi32, #tpu.memory_space<vmem>> -> memref<128xi32, #tpu.memory_space<vmem>>
    %dma_wait3A_208 = arith.constant 0 : i32
    %dma_wait3A_209 = tpu.memref_slice %arg2[%dma_wait3A_208] : memref<33554432xf32, #tpu.memory_space<hbm>> -> memref<33554432xf32, #tpu.memory_space<hbm>>
    tpu.wait_indirect_dma semaphore(%arg9 : memref<!tpu.dma_semaphore, #tpu.memory_space<semaphore_mem>>) src(%dma_wait3A_209 : memref<33554432xf32, #tpu.memory_space<hbm>>) dst(%dma_wait3A_205 : memref<128xf32, #tpu.memory_space<vmem>>)
    %dma_wait3A_210 = arith.constant 1152 : i32
    %dma_wait3A_211 = tpu.memref_slice %arg7[%dma_wait3A_210] : memref<3072xf32, #tpu.memory_space<vmem>> -> memref<128xf32, #tpu.memory_space<vmem>>
    %dma_wait3A_212 = arith.constant 1152 : i32
    %dma_wait3A_213 = tpu.memref_slice %arg6[%dma_wait3A_212] : memref<3072xi32, #tpu.memory_space<vmem>> -> memref<128xi32, #tpu.memory_space<vmem>>
    %dma_wait3A_214 = arith.constant 0 : i32
    %dma_wait3A_215 = tpu.memref_slice %arg2[%dma_wait3A_214] : memref<33554432xf32, #tpu.memory_space<hbm>> -> memref<33554432xf32, #tpu.memory_space<hbm>>
    tpu.wait_indirect_dma semaphore(%arg9 : memref<!tpu.dma_semaphore, #tpu.memory_space<semaphore_mem>>) src(%dma_wait3A_215 : memref<33554432xf32, #tpu.memory_space<hbm>>) dst(%dma_wait3A_211 : memref<128xf32, #tpu.memory_space<vmem>>)
    %dma_wait3A_216 = arith.constant 1280 : i32
    %dma_wait3A_217 = tpu.memref_slice %arg7[%dma_wait3A_216] : memref<3072xf32, #tpu.memory_space<vmem>> -> memref<128xf32, #tpu.memory_space<vmem>>
    %dma_wait3A_218 = arith.constant 1280 : i32
    %dma_wait3A_219 = tpu.memref_slice %arg6[%dma_wait3A_218] : memref<3072xi32, #tpu.memory_space<vmem>> -> memref<128xi32, #tpu.memory_space<vmem>>
    %dma_wait3A_220 = arith.constant 0 : i32
    %dma_wait3A_221 = tpu.memref_slice %arg2[%dma_wait3A_220] : memref<33554432xf32, #tpu.memory_space<hbm>> -> memref<33554432xf32, #tpu.memory_space<hbm>>
    tpu.wait_indirect_dma semaphore(%arg9 : memref<!tpu.dma_semaphore, #tpu.memory_space<semaphore_mem>>) src(%dma_wait3A_221 : memref<33554432xf32, #tpu.memory_space<hbm>>) dst(%dma_wait3A_217 : memref<128xf32, #tpu.memory_space<vmem>>)
    %dma_wait3A_222 = arith.constant 1408 : i32
    %dma_wait3A_223 = tpu.memref_slice %arg7[%dma_wait3A_222] : memref<3072xf32, #tpu.memory_space<vmem>> -> memref<128xf32, #tpu.memory_space<vmem>>
    %dma_wait3A_224 = arith.constant 1408 : i32
    %dma_wait3A_225 = tpu.memref_slice %arg6[%dma_wait3A_224] : memref<3072xi32, #tpu.memory_space<vmem>> -> memref<128xi32, #tpu.memory_space<vmem>>
    %dma_wait3A_226 = arith.constant 0 : i32
    %dma_wait3A_227 = tpu.memref_slice %arg2[%dma_wait3A_226] : memref<33554432xf32, #tpu.memory_space<hbm>> -> memref<33554432xf32, #tpu.memory_space<hbm>>
    tpu.wait_indirect_dma semaphore(%arg9 : memref<!tpu.dma_semaphore, #tpu.memory_space<semaphore_mem>>) src(%dma_wait3A_227 : memref<33554432xf32, #tpu.memory_space<hbm>>) dst(%dma_wait3A_223 : memref<128xf32, #tpu.memory_space<vmem>>)
    %dma_wait3A_228 = arith.constant 1536 : i32
    %dma_wait3A_229 = tpu.memref_slice %arg7[%dma_wait3A_228] : memref<3072xf32, #tpu.memory_space<vmem>> -> memref<128xf32, #tpu.memory_space<vmem>>
    %dma_wait3A_230 = arith.constant 1536 : i32
    %dma_wait3A_231 = tpu.memref_slice %arg6[%dma_wait3A_230] : memref<3072xi32, #tpu.memory_space<vmem>> -> memref<128xi32, #tpu.memory_space<vmem>>
    %dma_wait3A_232 = arith.constant 0 : i32
    %dma_wait3A_233 = tpu.memref_slice %arg2[%dma_wait3A_232] : memref<33554432xf32, #tpu.memory_space<hbm>> -> memref<33554432xf32, #tpu.memory_space<hbm>>
    tpu.wait_indirect_dma semaphore(%arg9 : memref<!tpu.dma_semaphore, #tpu.memory_space<semaphore_mem>>) src(%dma_wait3A_233 : memref<33554432xf32, #tpu.memory_space<hbm>>) dst(%dma_wait3A_229 : memref<128xf32, #tpu.memory_space<vmem>>)
    %dma_wait3A_234 = arith.constant 1664 : i32
    %dma_wait3A_235 = tpu.memref_slice %arg7[%dma_wait3A_234] : memref<3072xf32, #tpu.memory_space<vmem>> -> memref<128xf32, #tpu.memory_space<vmem>>
    %dma_wait3A_236 = arith.constant 1664 : i32
    %dma_wait3A_237 = tpu.memref_slice %arg6[%dma_wait3A_236] : memref<3072xi32, #tpu.memory_space<vmem>> -> memref<128xi32, #tpu.memory_space<vmem>>
    %dma_wait3A_238 = arith.constant 0 : i32
    %dma_wait3A_239 = tpu.memref_slice %arg2[%dma_wait3A_238] : memref<33554432xf32, #tpu.memory_space<hbm>> -> memref<33554432xf32, #tpu.memory_space<hbm>>
    tpu.wait_indirect_dma semaphore(%arg9 : memref<!tpu.dma_semaphore, #tpu.memory_space<semaphore_mem>>) src(%dma_wait3A_239 : memref<33554432xf32, #tpu.memory_space<hbm>>) dst(%dma_wait3A_235 : memref<128xf32, #tpu.memory_space<vmem>>)
    %dma_wait3A_240 = arith.constant 1792 : i32
    %dma_wait3A_241 = tpu.memref_slice %arg7[%dma_wait3A_240] : memref<3072xf32, #tpu.memory_space<vmem>> -> memref<128xf32, #tpu.memory_space<vmem>>
    %dma_wait3A_242 = arith.constant 1792 : i32
    %dma_wait3A_243 = tpu.memref_slice %arg6[%dma_wait3A_242] : memref<3072xi32, #tpu.memory_space<vmem>> -> memref<128xi32, #tpu.memory_space<vmem>>
    %dma_wait3A_244 = arith.constant 0 : i32
    %dma_wait3A_245 = tpu.memref_slice %arg2[%dma_wait3A_244] : memref<33554432xf32, #tpu.memory_space<hbm>> -> memref<33554432xf32, #tpu.memory_space<hbm>>
    tpu.wait_indirect_dma semaphore(%arg9 : memref<!tpu.dma_semaphore, #tpu.memory_space<semaphore_mem>>) src(%dma_wait3A_245 : memref<33554432xf32, #tpu.memory_space<hbm>>) dst(%dma_wait3A_241 : memref<128xf32, #tpu.memory_space<vmem>>)
    %dma_wait3A_246 = arith.constant 1920 : i32
    %dma_wait3A_247 = tpu.memref_slice %arg7[%dma_wait3A_246] : memref<3072xf32, #tpu.memory_space<vmem>> -> memref<128xf32, #tpu.memory_space<vmem>>
    %dma_wait3A_248 = arith.constant 1920 : i32
    %dma_wait3A_249 = tpu.memref_slice %arg6[%dma_wait3A_248] : memref<3072xi32, #tpu.memory_space<vmem>> -> memref<128xi32, #tpu.memory_space<vmem>>
    %dma_wait3A_250 = arith.constant 0 : i32
    %dma_wait3A_251 = tpu.memref_slice %arg2[%dma_wait3A_250] : memref<33554432xf32, #tpu.memory_space<hbm>> -> memref<33554432xf32, #tpu.memory_space<hbm>>
    tpu.wait_indirect_dma semaphore(%arg9 : memref<!tpu.dma_semaphore, #tpu.memory_space<semaphore_mem>>) src(%dma_wait3A_251 : memref<33554432xf32, #tpu.memory_space<hbm>>) dst(%dma_wait3A_247 : memref<128xf32, #tpu.memory_space<vmem>>)
    %dma_wait3A_252 = arith.constant 2048 : i32
    %dma_wait3A_253 = tpu.memref_slice %arg7[%dma_wait3A_252] : memref<3072xf32, #tpu.memory_space<vmem>> -> memref<128xf32, #tpu.memory_space<vmem>>
    %dma_wait3A_254 = arith.constant 2048 : i32
    %dma_wait3A_255 = tpu.memref_slice %arg6[%dma_wait3A_254] : memref<3072xi32, #tpu.memory_space<vmem>> -> memref<128xi32, #tpu.memory_space<vmem>>
    %dma_wait3A_256 = arith.constant 0 : i32
    %dma_wait3A_257 = tpu.memref_slice %arg2[%dma_wait3A_256] : memref<33554432xf32, #tpu.memory_space<hbm>> -> memref<33554432xf32, #tpu.memory_space<hbm>>
    tpu.wait_indirect_dma semaphore(%arg9 : memref<!tpu.dma_semaphore, #tpu.memory_space<semaphore_mem>>) src(%dma_wait3A_257 : memref<33554432xf32, #tpu.memory_space<hbm>>) dst(%dma_wait3A_253 : memref<128xf32, #tpu.memory_space<vmem>>)
    %dma_wait3A_258 = arith.constant 2176 : i32
    %dma_wait3A_259 = tpu.memref_slice %arg7[%dma_wait3A_258] : memref<3072xf32, #tpu.memory_space<vmem>> -> memref<128xf32, #tpu.memory_space<vmem>>
    %dma_wait3A_260 = arith.constant 2176 : i32
    %dma_wait3A_261 = tpu.memref_slice %arg6[%dma_wait3A_260] : memref<3072xi32, #tpu.memory_space<vmem>> -> memref<128xi32, #tpu.memory_space<vmem>>
    %dma_wait3A_262 = arith.constant 0 : i32
    %dma_wait3A_263 = tpu.memref_slice %arg2[%dma_wait3A_262] : memref<33554432xf32, #tpu.memory_space<hbm>> -> memref<33554432xf32, #tpu.memory_space<hbm>>
    tpu.wait_indirect_dma semaphore(%arg9 : memref<!tpu.dma_semaphore, #tpu.memory_space<semaphore_mem>>) src(%dma_wait3A_263 : memref<33554432xf32, #tpu.memory_space<hbm>>) dst(%dma_wait3A_259 : memref<128xf32, #tpu.memory_space<vmem>>)
    %dma_wait3A_264 = arith.constant 2304 : i32
    %dma_wait3A_265 = tpu.memref_slice %arg7[%dma_wait3A_264] : memref<3072xf32, #tpu.memory_space<vmem>> -> memref<128xf32, #tpu.memory_space<vmem>>
    %dma_wait3A_266 = arith.constant 2304 : i32
    %dma_wait3A_267 = tpu.memref_slice %arg6[%dma_wait3A_266] : memref<3072xi32, #tpu.memory_space<vmem>> -> memref<128xi32, #tpu.memory_space<vmem>>
    %dma_wait3A_268 = arith.constant 0 : i32
    %dma_wait3A_269 = tpu.memref_slice %arg2[%dma_wait3A_268] : memref<33554432xf32, #tpu.memory_space<hbm>> -> memref<33554432xf32, #tpu.memory_space<hbm>>
    tpu.wait_indirect_dma semaphore(%arg9 : memref<!tpu.dma_semaphore, #tpu.memory_space<semaphore_mem>>) src(%dma_wait3A_269 : memref<33554432xf32, #tpu.memory_space<hbm>>) dst(%dma_wait3A_265 : memref<128xf32, #tpu.memory_space<vmem>>)
    %dma_wait3A_270 = arith.constant 2432 : i32
    %dma_wait3A_271 = tpu.memref_slice %arg7[%dma_wait3A_270] : memref<3072xf32, #tpu.memory_space<vmem>> -> memref<128xf32, #tpu.memory_space<vmem>>
    %dma_wait3A_272 = arith.constant 2432 : i32
    %dma_wait3A_273 = tpu.memref_slice %arg6[%dma_wait3A_272] : memref<3072xi32, #tpu.memory_space<vmem>> -> memref<128xi32, #tpu.memory_space<vmem>>
    %dma_wait3A_274 = arith.constant 0 : i32
    %dma_wait3A_275 = tpu.memref_slice %arg2[%dma_wait3A_274] : memref<33554432xf32, #tpu.memory_space<hbm>> -> memref<33554432xf32, #tpu.memory_space<hbm>>
    tpu.wait_indirect_dma semaphore(%arg9 : memref<!tpu.dma_semaphore, #tpu.memory_space<semaphore_mem>>) src(%dma_wait3A_275 : memref<33554432xf32, #tpu.memory_space<hbm>>) dst(%dma_wait3A_271 : memref<128xf32, #tpu.memory_space<vmem>>)
    %dma_wait3A_276 = arith.constant 2560 : i32
    %dma_wait3A_277 = tpu.memref_slice %arg7[%dma_wait3A_276] : memref<3072xf32, #tpu.memory_space<vmem>> -> memref<128xf32, #tpu.memory_space<vmem>>
    %dma_wait3A_278 = arith.constant 2560 : i32
    %dma_wait3A_279 = tpu.memref_slice %arg6[%dma_wait3A_278] : memref<3072xi32, #tpu.memory_space<vmem>> -> memref<128xi32, #tpu.memory_space<vmem>>
    %dma_wait3A_280 = arith.constant 0 : i32
    %dma_wait3A_281 = tpu.memref_slice %arg2[%dma_wait3A_280] : memref<33554432xf32, #tpu.memory_space<hbm>> -> memref<33554432xf32, #tpu.memory_space<hbm>>
    tpu.wait_indirect_dma semaphore(%arg9 : memref<!tpu.dma_semaphore, #tpu.memory_space<semaphore_mem>>) src(%dma_wait3A_281 : memref<33554432xf32, #tpu.memory_space<hbm>>) dst(%dma_wait3A_277 : memref<128xf32, #tpu.memory_space<vmem>>)
    %dma_wait3A_282 = arith.constant 2688 : i32
    %dma_wait3A_283 = tpu.memref_slice %arg7[%dma_wait3A_282] : memref<3072xf32, #tpu.memory_space<vmem>> -> memref<128xf32, #tpu.memory_space<vmem>>
    %dma_wait3A_284 = arith.constant 2688 : i32
    %dma_wait3A_285 = tpu.memref_slice %arg6[%dma_wait3A_284] : memref<3072xi32, #tpu.memory_space<vmem>> -> memref<128xi32, #tpu.memory_space<vmem>>
    %dma_wait3A_286 = arith.constant 0 : i32
    %dma_wait3A_287 = tpu.memref_slice %arg2[%dma_wait3A_286] : memref<33554432xf32, #tpu.memory_space<hbm>> -> memref<33554432xf32, #tpu.memory_space<hbm>>
    tpu.wait_indirect_dma semaphore(%arg9 : memref<!tpu.dma_semaphore, #tpu.memory_space<semaphore_mem>>) src(%dma_wait3A_287 : memref<33554432xf32, #tpu.memory_space<hbm>>) dst(%dma_wait3A_283 : memref<128xf32, #tpu.memory_space<vmem>>)
    %dma_wait3A_288 = arith.constant 2816 : i32
    %dma_wait3A_289 = tpu.memref_slice %arg7[%dma_wait3A_288] : memref<3072xf32, #tpu.memory_space<vmem>> -> memref<128xf32, #tpu.memory_space<vmem>>
    %dma_wait3A_290 = arith.constant 2816 : i32
    %dma_wait3A_291 = tpu.memref_slice %arg6[%dma_wait3A_290] : memref<3072xi32, #tpu.memory_space<vmem>> -> memref<128xi32, #tpu.memory_space<vmem>>
    %dma_wait3A_292 = arith.constant 0 : i32
    %dma_wait3A_293 = tpu.memref_slice %arg2[%dma_wait3A_292] : memref<33554432xf32, #tpu.memory_space<hbm>> -> memref<33554432xf32, #tpu.memory_space<hbm>>
    tpu.wait_indirect_dma semaphore(%arg9 : memref<!tpu.dma_semaphore, #tpu.memory_space<semaphore_mem>>) src(%dma_wait3A_293 : memref<33554432xf32, #tpu.memory_space<hbm>>) dst(%dma_wait3A_289 : memref<128xf32, #tpu.memory_space<vmem>>)
    %dma_wait3A_294 = arith.constant 2944 : i32
    %dma_wait3A_295 = tpu.memref_slice %arg7[%dma_wait3A_294] : memref<3072xf32, #tpu.memory_space<vmem>> -> memref<128xf32, #tpu.memory_space<vmem>>
    %dma_wait3A_296 = arith.constant 2944 : i32
    %dma_wait3A_297 = tpu.memref_slice %arg6[%dma_wait3A_296] : memref<3072xi32, #tpu.memory_space<vmem>> -> memref<128xi32, #tpu.memory_space<vmem>>
    %dma_wait3A_298 = arith.constant 0 : i32
    %dma_wait3A_299 = tpu.memref_slice %arg2[%dma_wait3A_298] : memref<33554432xf32, #tpu.memory_space<hbm>> -> memref<33554432xf32, #tpu.memory_space<hbm>>
    tpu.wait_indirect_dma semaphore(%arg9 : memref<!tpu.dma_semaphore, #tpu.memory_space<semaphore_mem>>) src(%dma_wait3A_299 : memref<33554432xf32, #tpu.memory_space<hbm>>) dst(%dma_wait3A_295 : memref<128xf32, #tpu.memory_space<vmem>>)
    %iota3A = tpu.iota {dimensions = array<i32: 0>} : vector<16xi32>
    %ge3A = arith.constant 8 : i32
    %ge3A_300 = vector.broadcast %ge3A : i32 to vector<16xi32>
    %ge3A_301 = arith.cmpi sge, %iota3A, %ge3A_300 : vector<16xi32>
    %broadcast_in_dim3A = arith.constant 5.000000e-01 : f32
    %broadcast_in_dim3A_302 = vector.broadcast %broadcast_in_dim3A : f32 to vector<16xf32>
    %broadcast_in_dim3A_303 = arith.constant 0 : i32
    %broadcast_in_dim3A_304 = vector.broadcast %broadcast_in_dim3A_303 : i32 to vector<16xi32>
    %get3A_305 = arith.constant 0 : index
    %get3A_306 = tpu.vector_load %arg7[%get3A_305] {strides = array<i32>} : memref<3072xf32, #tpu.memory_space<vmem>>, vector<16xf32>,
    %gt3A = arith.cmpf ogt, %get3A_306, %broadcast_in_dim3A_302 : vector<16xf32>
    %all_reduce_population_count3A = tpu.all_reduce %gt3A {dim = 0 : i64, kind = #tpu.reduction_kind<sum>} : vector<16xi1> -> vector<16xi32>
    %get3A_307 = arith.constant 16 : index
    %get3A_308 = tpu.vector_load %arg7[%get3A_307] {strides = array<i32>} : memref<3072xf32, #tpu.memory_space<vmem>>, vector<16xf32>,
    %gt3A_309 = arith.cmpf ogt, %get3A_308, %broadcast_in_dim3A_302 : vector<16xf32>
    %all_reduce_population_count3A_310 = tpu.all_reduce %gt3A_309 {dim = 0 : i64, kind = #tpu.reduction_kind<sum>} : vector<16xi1> -> vector<16xi32>
    %add3A_311 = arith.addi %all_reduce_population_count3A, %all_reduce_population_count3A_310 : vector<16xi32>
    %get3A_312 = arith.constant 32 : index
    %get3A_313 = tpu.vector_load %arg7[%get3A_312] {strides = array<i32>} : memref<3072xf32, #tpu.memory_space<vmem>>, vector<16xf32>,
    %gt3A_314 = arith.cmpf ogt, %get3A_313, %broadcast_in_dim3A_302 : vector<16xf32>
    %and3A = arith.andi %gt3A_314, %ge3A_301 : vector<16xi1>
    %all_reduce_population_count3A_315 = tpu.all_reduce %and3A {dim = 0 : i64, kind = #tpu.reduction_kind<sum>} : vector<16xi1> -> vector<16xi32>
    %add3A_316 = arith.addi %add3A_311, %all_reduce_population_count3A_315 : vector<16xi32>
    %eq3A = arith.constant 0 : i32
    %eq3A_317 = vector.broadcast %eq3A : i32 to vector<16xi32>
    %eq3A_318 = arith.cmpi eq, %iota3A, %eq3A_317 : vector<16xi32>
    %select_n3A = arith.select %eq3A_318, %add3A_316, %broadcast_in_dim3A_304 : vector<16xi1>, vector<16xi32>
    %get3A_319 = arith.constant 48 : index
    %get3A_320 = tpu.vector_load %arg7[%get3A_319] {strides = array<i32>} : memref<3072xf32, #tpu.memory_space<vmem>>, vector<16xf32>,
    %gt3A_321 = arith.cmpf ogt, %get3A_320, %broadcast_in_dim3A_302 : vector<16xf32>
    %all_reduce_population_count3A_322 = tpu.all_reduce %gt3A_321 {dim = 0 : i64, kind = #tpu.reduction_kind<sum>} : vector<16xi1> -> vector<16xi32>
    %get3A_323 = arith.constant 64 : index
    %get3A_324 = tpu.vector_load %arg7[%get3A_323] {strides = array<i32>} : memref<3072xf32, #tpu.memory_space<vmem>>, vector<16xf32>,
    %gt3A_325 = arith.cmpf ogt, %get3A_324, %broadcast_in_dim3A_302 : vector<16xf32>
    %all_reduce_population_count3A_326 = tpu.all_reduce %gt3A_325 {dim = 0 : i64, kind = #tpu.reduction_kind<sum>} : vector<16xi1> -> vector<16xi32>
    %add3A_327 = arith.addi %all_reduce_population_count3A_322, %all_reduce_population_count3A_326 : vector<16xi32>
    %get3A_328 = arith.constant 80 : index
    %get3A_329 = tpu.vector_load %arg7[%get3A_328] {strides = array<i32>} : memref<3072xf32, #tpu.memory_space<vmem>>, vector<16xf32>,
    %gt3A_330 = arith.cmpf ogt, %get3A_329, %broadcast_in_dim3A_302 : vector<16xf32>
    %and3A_331 = arith.andi %gt3A_330, %ge3A_301 : vector<16xi1>
    %all_reduce_population_count3A_332 = tpu.all_reduce %and3A_331 {dim = 0 : i64, kind = #tpu.reduction_kind<sum>} : vector<16xi1> -> vector<16xi32>
    %add3A_333 = arith.addi %add3A_327, %all_reduce_population_count3A_332 : vector<16xi32>
    %eq3A_334 = arith.constant 1 : i32
    %eq3A_335 = vector.broadcast %eq3A_334 : i32 to vector<16xi32>
    %eq3A_336 = arith.cmpi eq, %iota3A, %eq3A_335 : vector<16xi32>
    %select_n3A_337 = arith.select %eq3A_336, %add3A_333, %select_n3A : vector<16xi1>, vector<16xi32>
    %get3A_338 = arith.constant 96 : index
    %get3A_339 = tpu.vector_load %arg7[%get3A_338] {strides = array<i32>} : memref<3072xf32, #tpu.memory_space<vmem>>, vector<16xf32>,
    %gt3A_340 = arith.cmpf ogt, %get3A_339, %broadcast_in_dim3A_302 : vector<16xf32>
    %all_reduce_population_count3A_341 = tpu.all_reduce %gt3A_340 {dim = 0 : i64, kind = #tpu.reduction_kind<sum>} : vector<16xi1> -> vector<16xi32>
    %get3A_342 = arith.constant 112 : index
    %get3A_343 = tpu.vector_load %arg7[%get3A_342] {strides = array<i32>} : memref<3072xf32, #tpu.memory_space<vmem>>, vector<16xf32>,
    %gt3A_344 = arith.cmpf ogt, %get3A_343, %broadcast_in_dim3A_302 : vector<16xf32>
    %all_reduce_population_count3A_345 = tpu.all_reduce %gt3A_344 {dim = 0 : i64, kind = #tpu.reduction_kind<sum>} : vector<16xi1> -> vector<16xi32>
    %add3A_346 = arith.addi %all_reduce_population_count3A_341, %all_reduce_population_count3A_345 : vector<16xi32>
    %get3A_347 = arith.constant 128 : index
    %get3A_348 = tpu.vector_load %arg7[%get3A_347] {strides = array<i32>} : memref<3072xf32, #tpu.memory_space<vmem>>, vector<16xf32>,
    %gt3A_349 = arith.cmpf ogt, %get3A_348, %broadcast_in_dim3A_302 : vector<16xf32>
    %and3A_350 = arith.andi %gt3A_349, %ge3A_301 : vector<16xi1>
    %all_reduce_population_count3A_351 = tpu.all_reduce %and3A_350 {dim = 0 : i64, kind = #tpu.reduction_kind<sum>} : vector<16xi1> -> vector<16xi32>
    %add3A_352 = arith.addi %add3A_346, %all_reduce_population_count3A_351 : vector<16xi32>
    %eq3A_353 = arith.constant 2 : i32
    %eq3A_354 = vector.broadcast %eq3A_353 : i32 to vector<16xi32>
    %eq3A_355 = arith.cmpi eq, %iota3A, %eq3A_354 : vector<16xi32>
    %select_n3A_356 = arith.select %eq3A_355, %add3A_352, %select_n3A_337 : vector<16xi1>, vector<16xi32>
    %get3A_357 = arith.constant 144 : index
    %get3A_358 = tpu.vector_load %arg7[%get3A_357] {strides = array<i32>} : memref<3072xf32, #tpu.memory_space<vmem>>, vector<16xf32>,
    %gt3A_359 = arith.cmpf ogt, %get3A_358, %broadcast_in_dim3A_302 : vector<16xf32>
    %all_reduce_population_count3A_360 = tpu.all_reduce %gt3A_359 {dim = 0 : i64, kind = #tpu.reduction_kind<sum>} : vector<16xi1> -> vector<16xi32>
    %get3A_361 = arith.constant 160 : index
    %get3A_362 = tpu.vector_load %arg7[%get3A_361] {strides = array<i32>} : memref<3072xf32, #tpu.memory_space<vmem>>, vector<16xf32>,
    %gt3A_363 = arith.cmpf ogt, %get3A_362, %broadcast_in_dim3A_302 : vector<16xf32>
    %all_reduce_population_count3A_364 = tpu.all_reduce %gt3A_363 {dim = 0 : i64, kind = #tpu.reduction_kind<sum>} : vector<16xi1> -> vector<16xi32>
    %add3A_365 = arith.addi %all_reduce_population_count3A_360, %all_reduce_population_count3A_364 : vector<16xi32>
    %get3A_366 = arith.constant 176 : index
    %get3A_367 = tpu.vector_load %arg7[%get3A_366] {strides = array<i32>} : memref<3072xf32, #tpu.memory_space<vmem>>, vector<16xf32>,
    %gt3A_368 = arith.cmpf ogt, %get3A_367, %broadcast_in_dim3A_302 : vector<16xf32>
    %and3A_369 = arith.andi %gt3A_368, %ge3A_301 : vector<16xi1>
    %all_reduce_population_count3A_370 = tpu.all_reduce %and3A_369 {dim = 0 : i64, kind = #tpu.reduction_kind<sum>} : vector<16xi1> -> vector<16xi32>
    %add3A_371 = arith.addi %add3A_365, %all_reduce_population_count3A_370 : vector<16xi32>
    %eq3A_372 = arith.constant 3 : i32
    %eq3A_373 = vector.broadcast %eq3A_372 : i32 to vector<16xi32>
    %eq3A_374 = arith.cmpi eq, %iota3A, %eq3A_373 : vector<16xi32>
    %select_n3A_375 = arith.select %eq3A_374, %add3A_371, %select_n3A_356 : vector<16xi1>, vector<16xi32>
    %get3A_376 = arith.constant 192 : index
    %get3A_377 = tpu.vector_load %arg7[%get3A_376] {strides = array<i32>} : memref<3072xf32, #tpu.memory_space<vmem>>, vector<16xf32>,
    %gt3A_378 = arith.cmpf ogt, %get3A_377, %broadcast_in_dim3A_302 : vector<16xf32>
    %all_reduce_population_count3A_379 = tpu.all_reduce %gt3A_378 {dim = 0 : i64, kind = #tpu.reduction_kind<sum>} : vector<16xi1> -> vector<16xi32>
    %get3A_380 = arith.constant 208 : index
    %get3A_381 = tpu.vector_load %arg7[%get3A_380] {strides = array<i32>} : memref<3072xf32, #tpu.memory_space<vmem>>, vector<16xf32>,
    %gt3A_382 = arith.cmpf ogt, %get3A_381, %broadcast_in_dim3A_302 : vector<16xf32>
    %all_reduce_population_count3A_383 = tpu.all_reduce %gt3A_382 {dim = 0 : i64, kind = #tpu.reduction_kind<sum>} : vector<16xi1> -> vector<16xi32>
    %add3A_384 = arith.addi %all_reduce_population_count3A_379, %all_reduce_population_count3A_383 : vector<16xi32>
    %get3A_385 = arith.constant 224 : index
    %get3A_386 = tpu.vector_load %arg7[%get3A_385] {strides = array<i32>} : memref<3072xf32, #tpu.memory_space<vmem>>, vector<16xf32>,
    %gt3A_387 = arith.cmpf ogt, %get3A_386, %broadcast_in_dim3A_302 : vector<16xf32>
    %and3A_388 = arith.andi %gt3A_387, %ge3A_301 : vector<16xi1>
    %all_reduce_population_count3A_389 = tpu.all_reduce %and3A_388 {dim = 0 : i64, kind = #tpu.reduction_kind<sum>} : vector<16xi1> -> vector<16xi32>
    %add3A_390 = arith.addi %add3A_384, %all_reduce_population_count3A_389 : vector<16xi32>
    %eq3A_391 = arith.constant 4 : i32
    %eq3A_392 = vector.broadcast %eq3A_391 : i32 to vector<16xi32>
    %eq3A_393 = arith.cmpi eq, %iota3A, %eq3A_392 : vector<16xi32>
    %select_n3A_394 = arith.select %eq3A_393, %add3A_390, %select_n3A_375 : vector<16xi1>, vector<16xi32>
    %get3A_395 = arith.constant 240 : index
    %get3A_396 = tpu.vector_load %arg7[%get3A_395] {strides = array<i32>} : memref<3072xf32, #tpu.memory_space<vmem>>, vector<16xf32>,
    %gt3A_397 = arith.cmpf ogt, %get3A_396, %broadcast_in_dim3A_302 : vector<16xf32>
    %all_reduce_population_count3A_398 = tpu.all_reduce %gt3A_397 {dim = 0 : i64, kind = #tpu.reduction_kind<sum>} : vector<16xi1> -> vector<16xi32>
    %get3A_399 = arith.constant 256 : index
    %get3A_400 = tpu.vector_load %arg7[%get3A_399] {strides = array<i32>} : memref<3072xf32, #tpu.memory_space<vmem>>, vector<16xf32>,
    %gt3A_401 = arith.cmpf ogt, %get3A_400, %broadcast_in_dim3A_302 : vector<16xf32>
    %all_reduce_population_count3A_402 = tpu.all_reduce %gt3A_401 {dim = 0 : i64, kind = #tpu.reduction_kind<sum>} : vector<16xi1> -> vector<16xi32>
    %add3A_403 = arith.addi %all_reduce_population_count3A_398, %all_reduce_population_count3A_402 : vector<16xi32>
    %get3A_404 = arith.constant 272 : index
    %get3A_405 = tpu.vector_load %arg7[%get3A_404] {strides = array<i32>} : memref<3072xf32, #tpu.memory_space<vmem>>, vector<16xf32>,
    %gt3A_406 = arith.cmpf ogt, %get3A_405, %broadcast_in_dim3A_302 : vector<16xf32>
    %and3A_407 = arith.andi %gt3A_406, %ge3A_301 : vector<16xi1>
    %all_reduce_population_count3A_408 = tpu.all_reduce %and3A_407 {dim = 0 : i64, kind = #tpu.reduction_kind<sum>} : vector<16xi1> -> vector<16xi32>
    %add3A_409 = arith.addi %add3A_403, %all_reduce_population_count3A_408 : vector<16xi32>
    %eq3A_410 = arith.constant 5 : i32
    %eq3A_411 = vector.broadcast %eq3A_410 : i32 to vector<16xi32>
    %eq3A_412 = arith.cmpi eq, %iota3A, %eq3A_411 : vector<16xi32>
    %select_n3A_413 = arith.select %eq3A_412, %add3A_409, %select_n3A_394 : vector<16xi1>, vector<16xi32>
    %get3A_414 = arith.constant 288 : index
    %get3A_415 = tpu.vector_load %arg7[%get3A_414] {strides = array<i32>} : memref<3072xf32, #tpu.memory_space<vmem>>, vector<16xf32>,
    %gt3A_416 = arith.cmpf ogt, %get3A_415, %broadcast_in_dim3A_302 : vector<16xf32>
    %all_reduce_population_count3A_417 = tpu.all_reduce %gt3A_416 {dim = 0 : i64, kind = #tpu.reduction_kind<sum>} : vector<16xi1> -> vector<16xi32>
    %get3A_418 = arith.constant 304 : index
    %get3A_419 = tpu.vector_load %arg7[%get3A_418] {strides = array<i32>} : memref<3072xf32, #tpu.memory_space<vmem>>, vector<16xf32>,
    %gt3A_420 = arith.cmpf ogt, %get3A_419, %broadcast_in_dim3A_302 : vector<16xf32>
    %all_reduce_population_count3A_421 = tpu.all_reduce %gt3A_420 {dim = 0 : i64, kind = #tpu.reduction_kind<sum>} : vector<16xi1> -> vector<16xi32>
    %add3A_422 = arith.addi %all_reduce_population_count3A_417, %all_reduce_population_count3A_421 : vector<16xi32>
    %get3A_423 = arith.constant 320 : index
    %get3A_424 = tpu.vector_load %arg7[%get3A_423] {strides = array<i32>} : memref<3072xf32, #tpu.memory_space<vmem>>, vector<16xf32>,
    %gt3A_425 = arith.cmpf ogt, %get3A_424, %broadcast_in_dim3A_302 : vector<16xf32>
    %and3A_426 = arith.andi %gt3A_425, %ge3A_301 : vector<16xi1>
    %all_reduce_population_count3A_427 = tpu.all_reduce %and3A_426 {dim = 0 : i64, kind = #tpu.reduction_kind<sum>} : vector<16xi1> -> vector<16xi32>
    %add3A_428 = arith.addi %add3A_422, %all_reduce_population_count3A_427 : vector<16xi32>
    %eq3A_429 = arith.constant 6 : i32
    %eq3A_430 = vector.broadcast %eq3A_429 : i32 to vector<16xi32>
    %eq3A_431 = arith.cmpi eq, %iota3A, %eq3A_430 : vector<16xi32>
    %select_n3A_432 = arith.select %eq3A_431, %add3A_428, %select_n3A_413 : vector<16xi1>, vector<16xi32>
    %get3A_433 = arith.constant 336 : index
    %get3A_434 = tpu.vector_load %arg7[%get3A_433] {strides = array<i32>} : memref<3072xf32, #tpu.memory_space<vmem>>, vector<16xf32>,
    %gt3A_435 = arith.cmpf ogt, %get3A_434, %broadcast_in_dim3A_302 : vector<16xf32>
    %all_reduce_population_count3A_436 = tpu.all_reduce %gt3A_435 {dim = 0 : i64, kind = #tpu.reduction_kind<sum>} : vector<16xi1> -> vector<16xi32>
    %get3A_437 = arith.constant 352 : index
    %get3A_438 = tpu.vector_load %arg7[%get3A_437] {strides = array<i32>} : memref<3072xf32, #tpu.memory_space<vmem>>, vector<16xf32>,
    %gt3A_439 = arith.cmpf ogt, %get3A_438, %broadcast_in_dim3A_302 : vector<16xf32>
    %all_reduce_population_count3A_440 = tpu.all_reduce %gt3A_439 {dim = 0 : i64, kind = #tpu.reduction_kind<sum>} : vector<16xi1> -> vector<16xi32>
    %add3A_441 = arith.addi %all_reduce_population_count3A_436, %all_reduce_population_count3A_440 : vector<16xi32>
    %get3A_442 = arith.constant 368 : index
    %get3A_443 = tpu.vector_load %arg7[%get3A_442] {strides = array<i32>} : memref<3072xf32, #tpu.memory_space<vmem>>, vector<16xf32>,
    %gt3A_444 = arith.cmpf ogt, %get3A_443, %broadcast_in_dim3A_302 : vector<16xf32>
    %and3A_445 = arith.andi %gt3A_444, %ge3A_301 : vector<16xi1>
    %all_reduce_population_count3A_446 = tpu.all_reduce %and3A_445 {dim = 0 : i64, kind = #tpu.reduction_kind<sum>} : vector<16xi1> -> vector<16xi32>
    %add3A_447 = arith.addi %add3A_441, %all_reduce_population_count3A_446 : vector<16xi32>
    %eq3A_448 = arith.constant 7 : i32
    %eq3A_449 = vector.broadcast %eq3A_448 : i32 to vector<16xi32>
    %eq3A_450 = arith.cmpi eq, %iota3A, %eq3A_449 : vector<16xi32>
    %select_n3A_451 = arith.select %eq3A_450, %add3A_447, %select_n3A_432 : vector<16xi1>, vector<16xi32>
    %get3A_452 = arith.constant 384 : index
    %get3A_453 = tpu.vector_load %arg7[%get3A_452] {strides = array<i32>} : memref<3072xf32, #tpu.memory_space<vmem>>, vector<16xf32>,
    %gt3A_454 = arith.cmpf ogt, %get3A_453, %broadcast_in_dim3A_302 : vector<16xf32>
    %all_reduce_population_count3A_455 = tpu.all_reduce %gt3A_454 {dim = 0 : i64, kind = #tpu.reduction_kind<sum>} : vector<16xi1> -> vector<16xi32>
    %get3A_456 = arith.constant 400 : index
    %get3A_457 = tpu.vector_load %arg7[%get3A_456] {strides = array<i32>} : memref<3072xf32, #tpu.memory_space<vmem>>, vector<16xf32>,
    %gt3A_458 = arith.cmpf ogt, %get3A_457, %broadcast_in_dim3A_302 : vector<16xf32>
    %all_reduce_population_count3A_459 = tpu.all_reduce %gt3A_458 {dim = 0 : i64, kind = #tpu.reduction_kind<sum>} : vector<16xi1> -> vector<16xi32>
    %add3A_460 = arith.addi %all_reduce_population_count3A_455, %all_reduce_population_count3A_459 : vector<16xi32>
    %get3A_461 = arith.constant 416 : index
    %get3A_462 = tpu.vector_load %arg7[%get3A_461] {strides = array<i32>} : memref<3072xf32, #tpu.memory_space<vmem>>, vector<16xf32>,
    %gt3A_463 = arith.cmpf ogt, %get3A_462, %broadcast_in_dim3A_302 : vector<16xf32>
    %and3A_464 = arith.andi %gt3A_463, %ge3A_301 : vector<16xi1>
    %all_reduce_population_count3A_465 = tpu.all_reduce %and3A_464 {dim = 0 : i64, kind = #tpu.reduction_kind<sum>} : vector<16xi1> -> vector<16xi32>
    %add3A_466 = arith.addi %add3A_460, %all_reduce_population_count3A_465 : vector<16xi32>
    %eq3A_467 = arith.constant 8 : i32
    %eq3A_468 = vector.broadcast %eq3A_467 : i32 to vector<16xi32>
    %eq3A_469 = arith.cmpi eq, %iota3A, %eq3A_468 : vector<16xi32>
    %select_n3A_470 = arith.select %eq3A_469, %add3A_466, %select_n3A_451 : vector<16xi1>, vector<16xi32>
    %get3A_471 = arith.constant 432 : index
    %get3A_472 = tpu.vector_load %arg7[%get3A_471] {strides = array<i32>} : memref<3072xf32, #tpu.memory_space<vmem>>, vector<16xf32>,
    %gt3A_473 = arith.cmpf ogt, %get3A_472, %broadcast_in_dim3A_302 : vector<16xf32>
    %all_reduce_population_count3A_474 = tpu.all_reduce %gt3A_473 {dim = 0 : i64, kind = #tpu.reduction_kind<sum>} : vector<16xi1> -> vector<16xi32>
    %get3A_475 = arith.constant 448 : index
    %get3A_476 = tpu.vector_load %arg7[%get3A_475] {strides = array<i32>} : memref<3072xf32, #tpu.memory_space<vmem>>, vector<16xf32>,
    %gt3A_477 = arith.cmpf ogt, %get3A_476, %broadcast_in_dim3A_302 : vector<16xf32>
    %all_reduce_population_count3A_478 = tpu.all_reduce %gt3A_477 {dim = 0 : i64, kind = #tpu.reduction_kind<sum>} : vector<16xi1> -> vector<16xi32>
    %add3A_479 = arith.addi %all_reduce_population_count3A_474, %all_reduce_population_count3A_478 : vector<16xi32>
    %get3A_480 = arith.constant 464 : index
    %get3A_481 = tpu.vector_load %arg7[%get3A_480] {strides = array<i32>} : memref<3072xf32, #tpu.memory_space<vmem>>, vector<16xf32>,
    %gt3A_482 = arith.cmpf ogt, %get3A_481, %broadcast_in_dim3A_302 : vector<16xf32>
    %and3A_483 = arith.andi %gt3A_482, %ge3A_301 : vector<16xi1>
    %all_reduce_population_count3A_484 = tpu.all_reduce %and3A_483 {dim = 0 : i64, kind = #tpu.reduction_kind<sum>} : vector<16xi1> -> vector<16xi32>
    %add3A_485 = arith.addi %add3A_479, %all_reduce_population_count3A_484 : vector<16xi32>
    %eq3A_486 = arith.constant 9 : i32
    %eq3A_487 = vector.broadcast %eq3A_486 : i32 to vector<16xi32>
    %eq3A_488 = arith.cmpi eq, %iota3A, %eq3A_487 : vector<16xi32>
    %select_n3A_489 = arith.select %eq3A_488, %add3A_485, %select_n3A_470 : vector<16xi1>, vector<16xi32>
    %get3A_490 = arith.constant 480 : index
    %get3A_491 = tpu.vector_load %arg7[%get3A_490] {strides = array<i32>} : memref<3072xf32, #tpu.memory_space<vmem>>, vector<16xf32>,
    %gt3A_492 = arith.cmpf ogt, %get3A_491, %broadcast_in_dim3A_302 : vector<16xf32>
    %all_reduce_population_count3A_493 = tpu.all_reduce %gt3A_492 {dim = 0 : i64, kind = #tpu.reduction_kind<sum>} : vector<16xi1> -> vector<16xi32>
    %get3A_494 = arith.constant 496 : index
    %get3A_495 = tpu.vector_load %arg7[%get3A_494] {strides = array<i32>} : memref<3072xf32, #tpu.memory_space<vmem>>, vector<16xf32>,
    %gt3A_496 = arith.cmpf ogt, %get3A_495, %broadcast_in_dim3A_302 : vector<16xf32>
    %all_reduce_population_count3A_497 = tpu.all_reduce %gt3A_496 {dim = 0 : i64, kind = #tpu.reduction_kind<sum>} : vector<16xi1> -> vector<16xi32>
    %add3A_498 = arith.addi %all_reduce_population_count3A_493, %all_reduce_population_count3A_497 : vector<16xi32>
    %get3A_499 = arith.constant 512 : index
    %get3A_500 = tpu.vector_load %arg7[%get3A_499] {strides = array<i32>} : memref<3072xf32, #tpu.memory_space<vmem>>, vector<16xf32>,
    %gt3A_501 = arith.cmpf ogt, %get3A_500, %broadcast_in_dim3A_302 : vector<16xf32>
    %and3A_502 = arith.andi %gt3A_501, %ge3A_301 : vector<16xi1>
    %all_reduce_population_count3A_503 = tpu.all_reduce %and3A_502 {dim = 0 : i64, kind = #tpu.reduction_kind<sum>} : vector<16xi1> -> vector<16xi32>
    %add3A_504 = arith.addi %add3A_498, %all_reduce_population_count3A_503 : vector<16xi32>
    %eq3A_505 = arith.constant 10 : i32
    %eq3A_506 = vector.broadcast %eq3A_505 : i32 to vector<16xi32>
    %eq3A_507 = arith.cmpi eq, %iota3A, %eq3A_506 : vector<16xi32>
    %select_n3A_508 = arith.select %eq3A_507, %add3A_504, %select_n3A_489 : vector<16xi1>, vector<16xi32>
    %get3A_509 = arith.constant 528 : index
    %get3A_510 = tpu.vector_load %arg7[%get3A_509] {strides = array<i32>} : memref<3072xf32, #tpu.memory_space<vmem>>, vector<16xf32>,
    %gt3A_511 = arith.cmpf ogt, %get3A_510, %broadcast_in_dim3A_302 : vector<16xf32>
    %all_reduce_population_count3A_512 = tpu.all_reduce %gt3A_511 {dim = 0 : i64, kind = #tpu.reduction_kind<sum>} : vector<16xi1> -> vector<16xi32>
    %get3A_513 = arith.constant 544 : index
    %get3A_514 = tpu.vector_load %arg7[%get3A_513] {strides = array<i32>} : memref<3072xf32, #tpu.memory_space<vmem>>, vector<16xf32>,
    %gt3A_515 = arith.cmpf ogt, %get3A_514, %broadcast_in_dim3A_302 : vector<16xf32>
    %all_reduce_population_count3A_516 = tpu.all_reduce %gt3A_515 {dim = 0 : i64, kind = #tpu.reduction_kind<sum>} : vector<16xi1> -> vector<16xi32>
    %add3A_517 = arith.addi %all_reduce_population_count3A_512, %all_reduce_population_count3A_516 : vector<16xi32>
    %get3A_518 = arith.constant 560 : index
    %get3A_519 = tpu.vector_load %arg7[%get3A_518] {strides = array<i32>} : memref<3072xf32, #tpu.memory_space<vmem>>, vector<16xf32>,
    %gt3A_520 = arith.cmpf ogt, %get3A_519, %broadcast_in_dim3A_302 : vector<16xf32>
    %and3A_521 = arith.andi %gt3A_520, %ge3A_301 : vector<16xi1>
    %all_reduce_population_count3A_522 = tpu.all_reduce %and3A_521 {dim = 0 : i64, kind = #tpu.reduction_kind<sum>} : vector<16xi1> -> vector<16xi32>
    %add3A_523 = arith.addi %add3A_517, %all_reduce_population_count3A_522 : vector<16xi32>
    %eq3A_524 = arith.constant 11 : i32
    %eq3A_525 = vector.broadcast %eq3A_524 : i32 to vector<16xi32>
    %eq3A_526 = arith.cmpi eq, %iota3A, %eq3A_525 : vector<16xi32>
    %select_n3A_527 = arith.select %eq3A_526, %add3A_523, %select_n3A_508 : vector<16xi1>, vector<16xi32>
    %get3A_528 = arith.constant 576 : index
    %get3A_529 = tpu.vector_load %arg7[%get3A_528] {strides = array<i32>} : memref<3072xf32, #tpu.memory_space<vmem>>, vector<16xf32>,
    %gt3A_530 = arith.cmpf ogt, %get3A_529, %broadcast_in_dim3A_302 : vector<16xf32>
    %all_reduce_population_count3A_531 = tpu.all_reduce %gt3A_530 {dim = 0 : i64, kind = #tpu.reduction_kind<sum>} : vector<16xi1> -> vector<16xi32>
    %get3A_532 = arith.constant 592 : index
    %get3A_533 = tpu.vector_load %arg7[%get3A_532] {strides = array<i32>} : memref<3072xf32, #tpu.memory_space<vmem>>, vector<16xf32>,
    %gt3A_534 = arith.cmpf ogt, %get3A_533, %broadcast_in_dim3A_302 : vector<16xf32>
    %all_reduce_population_count3A_535 = tpu.all_reduce %gt3A_534 {dim = 0 : i64, kind = #tpu.reduction_kind<sum>} : vector<16xi1> -> vector<16xi32>
    %add3A_536 = arith.addi %all_reduce_population_count3A_531, %all_reduce_population_count3A_535 : vector<16xi32>
    %get3A_537 = arith.constant 608 : index
    %get3A_538 = tpu.vector_load %arg7[%get3A_537] {strides = array<i32>} : memref<3072xf32, #tpu.memory_space<vmem>>, vector<16xf32>,
    %gt3A_539 = arith.cmpf ogt, %get3A_538, %broadcast_in_dim3A_302 : vector<16xf32>
    %and3A_540 = arith.andi %gt3A_539, %ge3A_301 : vector<16xi1>
    %all_reduce_population_count3A_541 = tpu.all_reduce %and3A_540 {dim = 0 : i64, kind = #tpu.reduction_kind<sum>} : vector<16xi1> -> vector<16xi32>
    %add3A_542 = arith.addi %add3A_536, %all_reduce_population_count3A_541 : vector<16xi32>
    %eq3A_543 = arith.constant 12 : i32
    %eq3A_544 = vector.broadcast %eq3A_543 : i32 to vector<16xi32>
    %eq3A_545 = arith.cmpi eq, %iota3A, %eq3A_544 : vector<16xi32>
    %select_n3A_546 = arith.select %eq3A_545, %add3A_542, %select_n3A_527 : vector<16xi1>, vector<16xi32>
    %get3A_547 = arith.constant 624 : index
    %get3A_548 = tpu.vector_load %arg7[%get3A_547] {strides = array<i32>} : memref<3072xf32, #tpu.memory_space<vmem>>, vector<16xf32>,
    %gt3A_549 = arith.cmpf ogt, %get3A_548, %broadcast_in_dim3A_302 : vector<16xf32>
    %all_reduce_population_count3A_550 = tpu.all_reduce %gt3A_549 {dim = 0 : i64, kind = #tpu.reduction_kind<sum>} : vector<16xi1> -> vector<16xi32>
    %get3A_551 = arith.constant 640 : index
    %get3A_552 = tpu.vector_load %arg7[%get3A_551] {strides = array<i32>} : memref<3072xf32, #tpu.memory_space<vmem>>, vector<16xf32>,
    %gt3A_553 = arith.cmpf ogt, %get3A_552, %broadcast_in_dim3A_302 : vector<16xf32>
    %all_reduce_population_count3A_554 = tpu.all_reduce %gt3A_553 {dim = 0 : i64, kind = #tpu.reduction_kind<sum>} : vector<16xi1> -> vector<16xi32>
    %add3A_555 = arith.addi %all_reduce_population_count3A_550, %all_reduce_population_count3A_554 : vector<16xi32>
    %get3A_556 = arith.constant 656 : index
    %get3A_557 = tpu.vector_load %arg7[%get3A_556] {strides = array<i32>} : memref<3072xf32, #tpu.memory_space<vmem>>, vector<16xf32>,
    %gt3A_558 = arith.cmpf ogt, %get3A_557, %broadcast_in_dim3A_302 : vector<16xf32>
    %and3A_559 = arith.andi %gt3A_558, %ge3A_301 : vector<16xi1>
    %all_reduce_population_count3A_560 = tpu.all_reduce %and3A_559 {dim = 0 : i64, kind = #tpu.reduction_kind<sum>} : vector<16xi1> -> vector<16xi32>
    %add3A_561 = arith.addi %add3A_555, %all_reduce_population_count3A_560 : vector<16xi32>
    %eq3A_562 = arith.constant 13 : i32
    %eq3A_563 = vector.broadcast %eq3A_562 : i32 to vector<16xi32>
    %eq3A_564 = arith.cmpi eq, %iota3A, %eq3A_563 : vector<16xi32>
    %select_n3A_565 = arith.select %eq3A_564, %add3A_561, %select_n3A_546 : vector<16xi1>, vector<16xi32>
    %get3A_566 = arith.constant 672 : index
    %get3A_567 = tpu.vector_load %arg7[%get3A_566] {strides = array<i32>} : memref<3072xf32, #tpu.memory_space<vmem>>, vector<16xf32>,
    %gt3A_568 = arith.cmpf ogt, %get3A_567, %broadcast_in_dim3A_302 : vector<16xf32>
    %all_reduce_population_count3A_569 = tpu.all_reduce %gt3A_568 {dim = 0 : i64, kind = #tpu.reduction_kind<sum>} : vector<16xi1> -> vector<16xi32>
    %get3A_570 = arith.constant 688 : index
    %get3A_571 = tpu.vector_load %arg7[%get3A_570] {strides = array<i32>} : memref<3072xf32, #tpu.memory_space<vmem>>, vector<16xf32>,
    %gt3A_572 = arith.cmpf ogt, %get3A_571, %broadcast_in_dim3A_302 : vector<16xf32>
    %all_reduce_population_count3A_573 = tpu.all_reduce %gt3A_572 {dim = 0 : i64, kind = #tpu.reduction_kind<sum>} : vector<16xi1> -> vector<16xi32>
    %add3A_574 = arith.addi %all_reduce_population_count3A_569, %all_reduce_population_count3A_573 : vector<16xi32>
    %get3A_575 = arith.constant 704 : index
    %get3A_576 = tpu.vector_load %arg7[%get3A_575] {strides = array<i32>} : memref<3072xf32, #tpu.memory_space<vmem>>, vector<16xf32>,
    %gt3A_577 = arith.cmpf ogt, %get3A_576, %broadcast_in_dim3A_302 : vector<16xf32>
    %and3A_578 = arith.andi %gt3A_577, %ge3A_301 : vector<16xi1>
    %all_reduce_population_count3A_579 = tpu.all_reduce %and3A_578 {dim = 0 : i64, kind = #tpu.reduction_kind<sum>} : vector<16xi1> -> vector<16xi32>
    %add3A_580 = arith.addi %add3A_574, %all_reduce_population_count3A_579 : vector<16xi32>
    %eq3A_581 = arith.constant 14 : i32
    %eq3A_582 = vector.broadcast %eq3A_581 : i32 to vector<16xi32>
    %eq3A_583 = arith.cmpi eq, %iota3A, %eq3A_582 : vector<16xi32>
    %select_n3A_584 = arith.select %eq3A_583, %add3A_580, %select_n3A_565 : vector<16xi1>, vector<16xi32>
    %get3A_585 = arith.constant 720 : index
    %get3A_586 = tpu.vector_load %arg7[%get3A_585] {strides = array<i32>} : memref<3072xf32, #tpu.memory_space<vmem>>, vector<16xf32>,
    %gt3A_587 = arith.cmpf ogt, %get3A_586, %broadcast_in_dim3A_302 : vector<16xf32>
    %all_reduce_population_count3A_588 = tpu.all_reduce %gt3A_587 {dim = 0 : i64, kind = #tpu.reduction_kind<sum>} : vector<16xi1> -> vector<16xi32>
    %get3A_589 = arith.constant 736 : index
    %get3A_590 = tpu.vector_load %arg7[%get3A_589] {strides = array<i32>} : memref<3072xf32, #tpu.memory_space<vmem>>, vector<16xf32>,
    %gt3A_591 = arith.cmpf ogt, %get3A_590, %broadcast_in_dim3A_302 : vector<16xf32>
    %all_reduce_population_count3A_592 = tpu.all_reduce %gt3A_591 {dim = 0 : i64, kind = #tpu.reduction_kind<sum>} : vector<16xi1> -> vector<16xi32>
    %add3A_593 = arith.addi %all_reduce_population_count3A_588, %all_reduce_population_count3A_592 : vector<16xi32>
    %get3A_594 = arith.constant 752 : index
    %get3A_595 = tpu.vector_load %arg7[%get3A_594] {strides = array<i32>} : memref<3072xf32, #tpu.memory_space<vmem>>, vector<16xf32>,
    %gt3A_596 = arith.cmpf ogt, %get3A_595, %broadcast_in_dim3A_302 : vector<16xf32>
    %and3A_597 = arith.andi %gt3A_596, %ge3A_301 : vector<16xi1>
    %all_reduce_population_count3A_598 = tpu.all_reduce %and3A_597 {dim = 0 : i64, kind = #tpu.reduction_kind<sum>} : vector<16xi1> -> vector<16xi32>
    %add3A_599 = arith.addi %add3A_593, %all_reduce_population_count3A_598 : vector<16xi32>
    %eq3A_600 = arith.constant 15 : i32
    %eq3A_601 = vector.broadcast %eq3A_600 : i32 to vector<16xi32>
    %eq3A_602 = arith.cmpi eq, %iota3A, %eq3A_601 : vector<16xi32>
    %select_n3A_603 = arith.select %eq3A_602, %add3A_599, %select_n3A_584 : vector<16xi1>, vector<16xi32>
    %convert_element_type3A = arith.sitofp %select_n3A_603 : vector<16xi32> to vector<16xf32>
    %swap3A = arith.constant 0 : index
    %swap3A_604 = tpu.vector_load %arg8[%swap3A] {strides = array<i32>} : memref<64xf32, #tpu.memory_space<vmem>>, vector<16xf32>,
    tpu.vector_store %arg8[%swap3A], %convert_element_type3A {strides = array<i32>} : memref<64xf32, #tpu.memory_space<vmem>>, vector<16xf32>,
    %broadcast_in_dim3A_605 = arith.constant 0 : i32
    %broadcast_in_dim3A_606 = vector.broadcast %broadcast_in_dim3A_605 : i32 to vector<16xi32>
    %get3A_607 = arith.constant 768 : index
    %get3A_608 = tpu.vector_load %arg7[%get3A_607] {strides = array<i32>} : memref<3072xf32, #tpu.memory_space<vmem>>, vector<16xf32>,
    %gt3A_609 = arith.cmpf ogt, %get3A_608, %broadcast_in_dim3A_302 : vector<16xf32>
    %all_reduce_population_count3A_610 = tpu.all_reduce %gt3A_609 {dim = 0 : i64, kind = #tpu.reduction_kind<sum>} : vector<16xi1> -> vector<16xi32>
    %get3A_611 = arith.constant 784 : index
    %get3A_612 = tpu.vector_load %arg7[%get3A_611] {strides = array<i32>} : memref<3072xf32, #tpu.memory_space<vmem>>, vector<16xf32>,
    %gt3A_613 = arith.cmpf ogt, %get3A_612, %broadcast_in_dim3A_302 : vector<16xf32>
    %all_reduce_population_count3A_614 = tpu.all_reduce %gt3A_613 {dim = 0 : i64, kind = #tpu.reduction_kind<sum>} : vector<16xi1> -> vector<16xi32>
    %add3A_615 = arith.addi %all_reduce_population_count3A_610, %all_reduce_population_count3A_614 : vector<16xi32>
    %get3A_616 = arith.constant 800 : index
    %get3A_617 = tpu.vector_load %arg7[%get3A_616] {strides = array<i32>} : memref<3072xf32, #tpu.memory_space<vmem>>, vector<16xf32>,
    %gt3A_618 = arith.cmpf ogt, %get3A_617, %broadcast_in_dim3A_302 : vector<16xf32>
    %and3A_619 = arith.andi %gt3A_618, %ge3A_301 : vector<16xi1>
    %all_reduce_population_count3A_620 = tpu.all_reduce %and3A_619 {dim = 0 : i64, kind = #tpu.reduction_kind<sum>} : vector<16xi1> -> vector<16xi32>
    %add3A_621 = arith.addi %add3A_615, %all_reduce_population_count3A_620 : vector<16xi32>
    %eq3A_622 = arith.constant 0 : i32
    %eq3A_623 = vector.broadcast %eq3A_622 : i32 to vector<16xi32>
    %eq3A_624 = arith.cmpi eq, %iota3A, %eq3A_623 : vector<16xi32>
    %select_n3A_625 = arith.select %eq3A_624, %add3A_621, %broadcast_in_dim3A_606 : vector<16xi1>, vector<16xi32>
    %get3A_626 = arith.constant 816 : index
    %get3A_627 = tpu.vector_load %arg7[%get3A_626] {strides = array<i32>} : memref<3072xf32, #tpu.memory_space<vmem>>, vector<16xf32>,
    %gt3A_628 = arith.cmpf ogt, %get3A_627, %broadcast_in_dim3A_302 : vector<16xf32>
    %all_reduce_population_count3A_629 = tpu.all_reduce %gt3A_628 {dim = 0 : i64, kind = #tpu.reduction_kind<sum>} : vector<16xi1> -> vector<16xi32>
    %get3A_630 = arith.constant 832 : index
    %get3A_631 = tpu.vector_load %arg7[%get3A_630] {strides = array<i32>} : memref<3072xf32, #tpu.memory_space<vmem>>, vector<16xf32>,
    %gt3A_632 = arith.cmpf ogt, %get3A_631, %broadcast_in_dim3A_302 : vector<16xf32>
    %all_reduce_population_count3A_633 = tpu.all_reduce %gt3A_632 {dim = 0 : i64, kind = #tpu.reduction_kind<sum>} : vector<16xi1> -> vector<16xi32>
    %add3A_634 = arith.addi %all_reduce_population_count3A_629, %all_reduce_population_count3A_633 : vector<16xi32>
    %get3A_635 = arith.constant 848 : index
    %get3A_636 = tpu.vector_load %arg7[%get3A_635] {strides = array<i32>} : memref<3072xf32, #tpu.memory_space<vmem>>, vector<16xf32>,
    %gt3A_637 = arith.cmpf ogt, %get3A_636, %broadcast_in_dim3A_302 : vector<16xf32>
    %and3A_638 = arith.andi %gt3A_637, %ge3A_301 : vector<16xi1>
    %all_reduce_population_count3A_639 = tpu.all_reduce %and3A_638 {dim = 0 : i64, kind = #tpu.reduction_kind<sum>} : vector<16xi1> -> vector<16xi32>
    %add3A_640 = arith.addi %add3A_634, %all_reduce_population_count3A_639 : vector<16xi32>
    %eq3A_641 = arith.constant 1 : i32
    %eq3A_642 = vector.broadcast %eq3A_641 : i32 to vector<16xi32>
    %eq3A_643 = arith.cmpi eq, %iota3A, %eq3A_642 : vector<16xi32>
    %select_n3A_644 = arith.select %eq3A_643, %add3A_640, %select_n3A_625 : vector<16xi1>, vector<16xi32>
    %get3A_645 = arith.constant 864 : index
    %get3A_646 = tpu.vector_load %arg7[%get3A_645] {strides = array<i32>} : memref<3072xf32, #tpu.memory_space<vmem>>, vector<16xf32>,
    %gt3A_647 = arith.cmpf ogt, %get3A_646, %broadcast_in_dim3A_302 : vector<16xf32>
    %all_reduce_population_count3A_648 = tpu.all_reduce %gt3A_647 {dim = 0 : i64, kind = #tpu.reduction_kind<sum>} : vector<16xi1> -> vector<16xi32>
    %get3A_649 = arith.constant 880 : index
    %get3A_650 = tpu.vector_load %arg7[%get3A_649] {strides = array<i32>} : memref<3072xf32, #tpu.memory_space<vmem>>, vector<16xf32>,
    %gt3A_651 = arith.cmpf ogt, %get3A_650, %broadcast_in_dim3A_302 : vector<16xf32>
    %all_reduce_population_count3A_652 = tpu.all_reduce %gt3A_651 {dim = 0 : i64, kind = #tpu.reduction_kind<sum>} : vector<16xi1> -> vector<16xi32>
    %add3A_653 = arith.addi %all_reduce_population_count3A_648, %all_reduce_population_count3A_652 : vector<16xi32>
    %get3A_654 = arith.constant 896 : index
    %get3A_655 = tpu.vector_load %arg7[%get3A_654] {strides = array<i32>} : memref<3072xf32, #tpu.memory_space<vmem>>, vector<16xf32>,
    %gt3A_656 = arith.cmpf ogt, %get3A_655, %broadcast_in_dim3A_302 : vector<16xf32>
    %and3A_657 = arith.andi %gt3A_656, %ge3A_301 : vector<16xi1>
    %all_reduce_population_count3A_658 = tpu.all_reduce %and3A_657 {dim = 0 : i64, kind = #tpu.reduction_kind<sum>} : vector<16xi1> -> vector<16xi32>
    %add3A_659 = arith.addi %add3A_653, %all_reduce_population_count3A_658 : vector<16xi32>
    %eq3A_660 = arith.constant 2 : i32
    %eq3A_661 = vector.broadcast %eq3A_660 : i32 to vector<16xi32>
    %eq3A_662 = arith.cmpi eq, %iota3A, %eq3A_661 : vector<16xi32>
    %select_n3A_663 = arith.select %eq3A_662, %add3A_659, %select_n3A_644 : vector<16xi1>, vector<16xi32>
    %get3A_664 = arith.constant 912 : index
    %get3A_665 = tpu.vector_load %arg7[%get3A_664] {strides = array<i32>} : memref<3072xf32, #tpu.memory_space<vmem>>, vector<16xf32>,
    %gt3A_666 = arith.cmpf ogt, %get3A_665, %broadcast_in_dim3A_302 : vector<16xf32>
    %all_reduce_population_count3A_667 = tpu.all_reduce %gt3A_666 {dim = 0 : i64, kind = #tpu.reduction_kind<sum>} : vector<16xi1> -> vector<16xi32>
    %get3A_668 = arith.constant 928 : index
    %get3A_669 = tpu.vector_load %arg7[%get3A_668] {strides = array<i32>} : memref<3072xf32, #tpu.memory_space<vmem>>, vector<16xf32>,
    %gt3A_670 = arith.cmpf ogt, %get3A_669, %broadcast_in_dim3A_302 : vector<16xf32>
    %all_reduce_population_count3A_671 = tpu.all_reduce %gt3A_670 {dim = 0 : i64, kind = #tpu.reduction_kind<sum>} : vector<16xi1> -> vector<16xi32>
    %add3A_672 = arith.addi %all_reduce_population_count3A_667, %all_reduce_population_count3A_671 : vector<16xi32>
    %get3A_673 = arith.constant 944 : index
    %get3A_674 = tpu.vector_load %arg7[%get3A_673] {strides = array<i32>} : memref<3072xf32, #tpu.memory_space<vmem>>, vector<16xf32>,
    %gt3A_675 = arith.cmpf ogt, %get3A_674, %broadcast_in_dim3A_302 : vector<16xf32>
    %and3A_676 = arith.andi %gt3A_675, %ge3A_301 : vector<16xi1>
    %all_reduce_population_count3A_677 = tpu.all_reduce %and3A_676 {dim = 0 : i64, kind = #tpu.reduction_kind<sum>} : vector<16xi1> -> vector<16xi32>
    %add3A_678 = arith.addi %add3A_672, %all_reduce_population_count3A_677 : vector<16xi32>
    %eq3A_679 = arith.constant 3 : i32
    %eq3A_680 = vector.broadcast %eq3A_679 : i32 to vector<16xi32>
    %eq3A_681 = arith.cmpi eq, %iota3A, %eq3A_680 : vector<16xi32>
    %select_n3A_682 = arith.select %eq3A_681, %add3A_678, %select_n3A_663 : vector<16xi1>, vector<16xi32>
    %get3A_683 = arith.constant 960 : index
    %get3A_684 = tpu.vector_load %arg7[%get3A_683] {strides = array<i32>} : memref<3072xf32, #tpu.memory_space<vmem>>, vector<16xf32>,
    %gt3A_685 = arith.cmpf ogt, %get3A_684, %broadcast_in_dim3A_302 : vector<16xf32>
    %all_reduce_population_count3A_686 = tpu.all_reduce %gt3A_685 {dim = 0 : i64, kind = #tpu.reduction_kind<sum>} : vector<16xi1> -> vector<16xi32>
    %get3A_687 = arith.constant 976 : index
    %get3A_688 = tpu.vector_load %arg7[%get3A_687] {strides = array<i32>} : memref<3072xf32, #tpu.memory_space<vmem>>, vector<16xf32>,
    %gt3A_689 = arith.cmpf ogt, %get3A_688, %broadcast_in_dim3A_302 : vector<16xf32>
    %all_reduce_population_count3A_690 = tpu.all_reduce %gt3A_689 {dim = 0 : i64, kind = #tpu.reduction_kind<sum>} : vector<16xi1> -> vector<16xi32>
    %add3A_691 = arith.addi %all_reduce_population_count3A_686, %all_reduce_population_count3A_690 : vector<16xi32>
    %get3A_692 = arith.constant 992 : index
    %get3A_693 = tpu.vector_load %arg7[%get3A_692] {strides = array<i32>} : memref<3072xf32, #tpu.memory_space<vmem>>, vector<16xf32>,
    %gt3A_694 = arith.cmpf ogt, %get3A_693, %broadcast_in_dim3A_302 : vector<16xf32>
    %and3A_695 = arith.andi %gt3A_694, %ge3A_301 : vector<16xi1>
    %all_reduce_population_count3A_696 = tpu.all_reduce %and3A_695 {dim = 0 : i64, kind = #tpu.reduction_kind<sum>} : vector<16xi1> -> vector<16xi32>
    %add3A_697 = arith.addi %add3A_691, %all_reduce_population_count3A_696 : vector<16xi32>
    %eq3A_698 = arith.constant 4 : i32
    %eq3A_699 = vector.broadcast %eq3A_698 : i32 to vector<16xi32>
    %eq3A_700 = arith.cmpi eq, %iota3A, %eq3A_699 : vector<16xi32>
    %select_n3A_701 = arith.select %eq3A_700, %add3A_697, %select_n3A_682 : vector<16xi1>, vector<16xi32>
    %get3A_702 = arith.constant 1008 : index
    %get3A_703 = tpu.vector_load %arg7[%get3A_702] {strides = array<i32>} : memref<3072xf32, #tpu.memory_space<vmem>>, vector<16xf32>,
    %gt3A_704 = arith.cmpf ogt, %get3A_703, %broadcast_in_dim3A_302 : vector<16xf32>
    %all_reduce_population_count3A_705 = tpu.all_reduce %gt3A_704 {dim = 0 : i64, kind = #tpu.reduction_kind<sum>} : vector<16xi1> -> vector<16xi32>
    %get3A_706 = arith.constant 1024 : index
    %get3A_707 = tpu.vector_load %arg7[%get3A_706] {strides = array<i32>} : memref<3072xf32, #tpu.memory_space<vmem>>, vector<16xf32>,
    %gt3A_708 = arith.cmpf ogt, %get3A_707, %broadcast_in_dim3A_302 : vector<16xf32>
    %all_reduce_population_count3A_709 = tpu.all_reduce %gt3A_708 {dim = 0 : i64, kind = #tpu.reduction_kind<sum>} : vector<16xi1> -> vector<16xi32>
    %add3A_710 = arith.addi %all_reduce_population_count3A_705, %all_reduce_population_count3A_709 : vector<16xi32>
    %get3A_711 = arith.constant 1040 : index
    %get3A_712 = tpu.vector_load %arg7[%get3A_711] {strides = array<i32>} : memref<3072xf32, #tpu.memory_space<vmem>>, vector<16xf32>,
    %gt3A_713 = arith.cmpf ogt, %get3A_712, %broadcast_in_dim3A_302 : vector<16xf32>
    %and3A_714 = arith.andi %gt3A_713, %ge3A_301 : vector<16xi1>
    %all_reduce_population_count3A_715 = tpu.all_reduce %and3A_714 {dim = 0 : i64, kind = #tpu.reduction_kind<sum>} : vector<16xi1> -> vector<16xi32>
    %add3A_716 = arith.addi %add3A_710, %all_reduce_population_count3A_715 : vector<16xi32>
    %eq3A_717 = arith.constant 5 : i32
    %eq3A_718 = vector.broadcast %eq3A_717 : i32 to vector<16xi32>
    %eq3A_719 = arith.cmpi eq, %iota3A, %eq3A_718 : vector<16xi32>
    %select_n3A_720 = arith.select %eq3A_719, %add3A_716, %select_n3A_701 : vector<16xi1>, vector<16xi32>
    %get3A_721 = arith.constant 1056 : index
    %get3A_722 = tpu.vector_load %arg7[%get3A_721] {strides = array<i32>} : memref<3072xf32, #tpu.memory_space<vmem>>, vector<16xf32>,
    %gt3A_723 = arith.cmpf ogt, %get3A_722, %broadcast_in_dim3A_302 : vector<16xf32>
    %all_reduce_population_count3A_724 = tpu.all_reduce %gt3A_723 {dim = 0 : i64, kind = #tpu.reduction_kind<sum>} : vector<16xi1> -> vector<16xi32>
    %get3A_725 = arith.constant 1072 : index
    %get3A_726 = tpu.vector_load %arg7[%get3A_725] {strides = array<i32>} : memref<3072xf32, #tpu.memory_space<vmem>>, vector<16xf32>,
    %gt3A_727 = arith.cmpf ogt, %get3A_726, %broadcast_in_dim3A_302 : vector<16xf32>
    %all_reduce_population_count3A_728 = tpu.all_reduce %gt3A_727 {dim = 0 : i64, kind = #tpu.reduction_kind<sum>} : vector<16xi1> -> vector<16xi32>
    %add3A_729 = arith.addi %all_reduce_population_count3A_724, %all_reduce_population_count3A_728 : vector<16xi32>
    %get3A_730 = arith.constant 1088 : index
    %get3A_731 = tpu.vector_load %arg7[%get3A_730] {strides = array<i32>} : memref<3072xf32, #tpu.memory_space<vmem>>, vector<16xf32>,
    %gt3A_732 = arith.cmpf ogt, %get3A_731, %broadcast_in_dim3A_302 : vector<16xf32>
    %and3A_733 = arith.andi %gt3A_732, %ge3A_301 : vector<16xi1>
    %all_reduce_population_count3A_734 = tpu.all_reduce %and3A_733 {dim = 0 : i64, kind = #tpu.reduction_kind<sum>} : vector<16xi1> -> vector<16xi32>
    %add3A_735 = arith.addi %add3A_729, %all_reduce_population_count3A_734 : vector<16xi32>
    %eq3A_736 = arith.constant 6 : i32
    %eq3A_737 = vector.broadcast %eq3A_736 : i32 to vector<16xi32>
    %eq3A_738 = arith.cmpi eq, %iota3A, %eq3A_737 : vector<16xi32>
    %select_n3A_739 = arith.select %eq3A_738, %add3A_735, %select_n3A_720 : vector<16xi1>, vector<16xi32>
    %get3A_740 = arith.constant 1104 : index
    %get3A_741 = tpu.vector_load %arg7[%get3A_740] {strides = array<i32>} : memref<3072xf32, #tpu.memory_space<vmem>>, vector<16xf32>,
    %gt3A_742 = arith.cmpf ogt, %get3A_741, %broadcast_in_dim3A_302 : vector<16xf32>
    %all_reduce_population_count3A_743 = tpu.all_reduce %gt3A_742 {dim = 0 : i64, kind = #tpu.reduction_kind<sum>} : vector<16xi1> -> vector<16xi32>
    %get3A_744 = arith.constant 1120 : index
    %get3A_745 = tpu.vector_load %arg7[%get3A_744] {strides = array<i32>} : memref<3072xf32, #tpu.memory_space<vmem>>, vector<16xf32>,
    %gt3A_746 = arith.cmpf ogt, %get3A_745, %broadcast_in_dim3A_302 : vector<16xf32>
    %all_reduce_population_count3A_747 = tpu.all_reduce %gt3A_746 {dim = 0 : i64, kind = #tpu.reduction_kind<sum>} : vector<16xi1> -> vector<16xi32>
    %add3A_748 = arith.addi %all_reduce_population_count3A_743, %all_reduce_population_count3A_747 : vector<16xi32>
    %get3A_749 = arith.constant 1136 : index
    %get3A_750 = tpu.vector_load %arg7[%get3A_749] {strides = array<i32>} : memref<3072xf32, #tpu.memory_space<vmem>>, vector<16xf32>,
    %gt3A_751 = arith.cmpf ogt, %get3A_750, %broadcast_in_dim3A_302 : vector<16xf32>
    %and3A_752 = arith.andi %gt3A_751, %ge3A_301 : vector<16xi1>
    %all_reduce_population_count3A_753 = tpu.all_reduce %and3A_752 {dim = 0 : i64, kind = #tpu.reduction_kind<sum>} : vector<16xi1> -> vector<16xi32>
    %add3A_754 = arith.addi %add3A_748, %all_reduce_population_count3A_753 : vector<16xi32>
    %eq3A_755 = arith.constant 7 : i32
    %eq3A_756 = vector.broadcast %eq3A_755 : i32 to vector<16xi32>
    %eq3A_757 = arith.cmpi eq, %iota3A, %eq3A_756 : vector<16xi32>
    %select_n3A_758 = arith.select %eq3A_757, %add3A_754, %select_n3A_739 : vector<16xi1>, vector<16xi32>
    %get3A_759 = arith.constant 1152 : index
    %get3A_760 = tpu.vector_load %arg7[%get3A_759] {strides = array<i32>} : memref<3072xf32, #tpu.memory_space<vmem>>, vector<16xf32>,
    %gt3A_761 = arith.cmpf ogt, %get3A_760, %broadcast_in_dim3A_302 : vector<16xf32>
    %all_reduce_population_count3A_762 = tpu.all_reduce %gt3A_761 {dim = 0 : i64, kind = #tpu.reduction_kind<sum>} : vector<16xi1> -> vector<16xi32>
    %get3A_763 = arith.constant 1168 : index
    %get3A_764 = tpu.vector_load %arg7[%get3A_763] {strides = array<i32>} : memref<3072xf32, #tpu.memory_space<vmem>>, vector<16xf32>,
    %gt3A_765 = arith.cmpf ogt, %get3A_764, %broadcast_in_dim3A_302 : vector<16xf32>
    %all_reduce_population_count3A_766 = tpu.all_reduce %gt3A_765 {dim = 0 : i64, kind = #tpu.reduction_kind<sum>} : vector<16xi1> -> vector<16xi32>
    %add3A_767 = arith.addi %all_reduce_population_count3A_762, %all_reduce_population_count3A_766 : vector<16xi32>
    %get3A_768 = arith.constant 1184 : index
    %get3A_769 = tpu.vector_load %arg7[%get3A_768] {strides = array<i32>} : memref<3072xf32, #tpu.memory_space<vmem>>, vector<16xf32>,
    %gt3A_770 = arith.cmpf ogt, %get3A_769, %broadcast_in_dim3A_302 : vector<16xf32>
    %and3A_771 = arith.andi %gt3A_770, %ge3A_301 : vector<16xi1>
    %all_reduce_population_count3A_772 = tpu.all_reduce %and3A_771 {dim = 0 : i64, kind = #tpu.reduction_kind<sum>} : vector<16xi1> -> vector<16xi32>
    %add3A_773 = arith.addi %add3A_767, %all_reduce_population_count3A_772 : vector<16xi32>
    %eq3A_774 = arith.constant 8 : i32
    %eq3A_775 = vector.broadcast %eq3A_774 : i32 to vector<16xi32>
    %eq3A_776 = arith.cmpi eq, %iota3A, %eq3A_775 : vector<16xi32>
    %select_n3A_777 = arith.select %eq3A_776, %add3A_773, %select_n3A_758 : vector<16xi1>, vector<16xi32>
    %get3A_778 = arith.constant 1200 : index
    %get3A_779 = tpu.vector_load %arg7[%get3A_778] {strides = array<i32>} : memref<3072xf32, #tpu.memory_space<vmem>>, vector<16xf32>,
    %gt3A_780 = arith.cmpf ogt, %get3A_779, %broadcast_in_dim3A_302 : vector<16xf32>
    %all_reduce_population_count3A_781 = tpu.all_reduce %gt3A_780 {dim = 0 : i64, kind = #tpu.reduction_kind<sum>} : vector<16xi1> -> vector<16xi32>
    %get3A_782 = arith.constant 1216 : index
    %get3A_783 = tpu.vector_load %arg7[%get3A_782] {strides = array<i32>} : memref<3072xf32, #tpu.memory_space<vmem>>, vector<16xf32>,
    %gt3A_784 = arith.cmpf ogt, %get3A_783, %broadcast_in_dim3A_302 : vector<16xf32>
    %all_reduce_population_count3A_785 = tpu.all_reduce %gt3A_784 {dim = 0 : i64, kind = #tpu.reduction_kind<sum>} : vector<16xi1> -> vector<16xi32>
    %add3A_786 = arith.addi %all_reduce_population_count3A_781, %all_reduce_population_count3A_785 : vector<16xi32>
    %get3A_787 = arith.constant 1232 : index
    %get3A_788 = tpu.vector_load %arg7[%get3A_787] {strides = array<i32>} : memref<3072xf32, #tpu.memory_space<vmem>>, vector<16xf32>,
    %gt3A_789 = arith.cmpf ogt, %get3A_788, %broadcast_in_dim3A_302 : vector<16xf32>
    %and3A_790 = arith.andi %gt3A_789, %ge3A_301 : vector<16xi1>
    %all_reduce_population_count3A_791 = tpu.all_reduce %and3A_790 {dim = 0 : i64, kind = #tpu.reduction_kind<sum>} : vector<16xi1> -> vector<16xi32>
    %add3A_792 = arith.addi %add3A_786, %all_reduce_population_count3A_791 : vector<16xi32>
    %eq3A_793 = arith.constant 9 : i32
    %eq3A_794 = vector.broadcast %eq3A_793 : i32 to vector<16xi32>
    %eq3A_795 = arith.cmpi eq, %iota3A, %eq3A_794 : vector<16xi32>
    %select_n3A_796 = arith.select %eq3A_795, %add3A_792, %select_n3A_777 : vector<16xi1>, vector<16xi32>
    %get3A_797 = arith.constant 1248 : index
    %get3A_798 = tpu.vector_load %arg7[%get3A_797] {strides = array<i32>} : memref<3072xf32, #tpu.memory_space<vmem>>, vector<16xf32>,
    %gt3A_799 = arith.cmpf ogt, %get3A_798, %broadcast_in_dim3A_302 : vector<16xf32>
    %all_reduce_population_count3A_800 = tpu.all_reduce %gt3A_799 {dim = 0 : i64, kind = #tpu.reduction_kind<sum>} : vector<16xi1> -> vector<16xi32>
    %get3A_801 = arith.constant 1264 : index
    %get3A_802 = tpu.vector_load %arg7[%get3A_801] {strides = array<i32>} : memref<3072xf32, #tpu.memory_space<vmem>>, vector<16xf32>,
    %gt3A_803 = arith.cmpf ogt, %get3A_802, %broadcast_in_dim3A_302 : vector<16xf32>
    %all_reduce_population_count3A_804 = tpu.all_reduce %gt3A_803 {dim = 0 : i64, kind = #tpu.reduction_kind<sum>} : vector<16xi1> -> vector<16xi32>
    %add3A_805 = arith.addi %all_reduce_population_count3A_800, %all_reduce_population_count3A_804 : vector<16xi32>
    %get3A_806 = arith.constant 1280 : index
    %get3A_807 = tpu.vector_load %arg7[%get3A_806] {strides = array<i32>} : memref<3072xf32, #tpu.memory_space<vmem>>, vector<16xf32>,
    %gt3A_808 = arith.cmpf ogt, %get3A_807, %broadcast_in_dim3A_302 : vector<16xf32>
    %and3A_809 = arith.andi %gt3A_808, %ge3A_301 : vector<16xi1>
    %all_reduce_population_count3A_810 = tpu.all_reduce %and3A_809 {dim = 0 : i64, kind = #tpu.reduction_kind<sum>} : vector<16xi1> -> vector<16xi32>
    %add3A_811 = arith.addi %add3A_805, %all_reduce_population_count3A_810 : vector<16xi32>
    %eq3A_812 = arith.constant 10 : i32
    %eq3A_813 = vector.broadcast %eq3A_812 : i32 to vector<16xi32>
    %eq3A_814 = arith.cmpi eq, %iota3A, %eq3A_813 : vector<16xi32>
    %select_n3A_815 = arith.select %eq3A_814, %add3A_811, %select_n3A_796 : vector<16xi1>, vector<16xi32>
    %get3A_816 = arith.constant 1296 : index
    %get3A_817 = tpu.vector_load %arg7[%get3A_816] {strides = array<i32>} : memref<3072xf32, #tpu.memory_space<vmem>>, vector<16xf32>,
    %gt3A_818 = arith.cmpf ogt, %get3A_817, %broadcast_in_dim3A_302 : vector<16xf32>
    %all_reduce_population_count3A_819 = tpu.all_reduce %gt3A_818 {dim = 0 : i64, kind = #tpu.reduction_kind<sum>} : vector<16xi1> -> vector<16xi32>
    %get3A_820 = arith.constant 1312 : index
    %get3A_821 = tpu.vector_load %arg7[%get3A_820] {strides = array<i32>} : memref<3072xf32, #tpu.memory_space<vmem>>, vector<16xf32>,
    %gt3A_822 = arith.cmpf ogt, %get3A_821, %broadcast_in_dim3A_302 : vector<16xf32>
    %all_reduce_population_count3A_823 = tpu.all_reduce %gt3A_822 {dim = 0 : i64, kind = #tpu.reduction_kind<sum>} : vector<16xi1> -> vector<16xi32>
    %add3A_824 = arith.addi %all_reduce_population_count3A_819, %all_reduce_population_count3A_823 : vector<16xi32>
    %get3A_825 = arith.constant 1328 : index
    %get3A_826 = tpu.vector_load %arg7[%get3A_825] {strides = array<i32>} : memref<3072xf32, #tpu.memory_space<vmem>>, vector<16xf32>,
    %gt3A_827 = arith.cmpf ogt, %get3A_826, %broadcast_in_dim3A_302 : vector<16xf32>
    %and3A_828 = arith.andi %gt3A_827, %ge3A_301 : vector<16xi1>
    %all_reduce_population_count3A_829 = tpu.all_reduce %and3A_828 {dim = 0 : i64, kind = #tpu.reduction_kind<sum>} : vector<16xi1> -> vector<16xi32>
    %add3A_830 = arith.addi %add3A_824, %all_reduce_population_count3A_829 : vector<16xi32>
    %eq3A_831 = arith.constant 11 : i32
    %eq3A_832 = vector.broadcast %eq3A_831 : i32 to vector<16xi32>
    %eq3A_833 = arith.cmpi eq, %iota3A, %eq3A_832 : vector<16xi32>
    %select_n3A_834 = arith.select %eq3A_833, %add3A_830, %select_n3A_815 : vector<16xi1>, vector<16xi32>
    %get3A_835 = arith.constant 1344 : index
    %get3A_836 = tpu.vector_load %arg7[%get3A_835] {strides = array<i32>} : memref<3072xf32, #tpu.memory_space<vmem>>, vector<16xf32>,
    %gt3A_837 = arith.cmpf ogt, %get3A_836, %broadcast_in_dim3A_302 : vector<16xf32>
    %all_reduce_population_count3A_838 = tpu.all_reduce %gt3A_837 {dim = 0 : i64, kind = #tpu.reduction_kind<sum>} : vector<16xi1> -> vector<16xi32>
    %get3A_839 = arith.constant 1360 : index
    %get3A_840 = tpu.vector_load %arg7[%get3A_839] {strides = array<i32>} : memref<3072xf32, #tpu.memory_space<vmem>>, vector<16xf32>,
    %gt3A_841 = arith.cmpf ogt, %get3A_840, %broadcast_in_dim3A_302 : vector<16xf32>
    %all_reduce_population_count3A_842 = tpu.all_reduce %gt3A_841 {dim = 0 : i64, kind = #tpu.reduction_kind<sum>} : vector<16xi1> -> vector<16xi32>
    %add3A_843 = arith.addi %all_reduce_population_count3A_838, %all_reduce_population_count3A_842 : vector<16xi32>
    %get3A_844 = arith.constant 1376 : index
    %get3A_845 = tpu.vector_load %arg7[%get3A_844] {strides = array<i32>} : memref<3072xf32, #tpu.memory_space<vmem>>, vector<16xf32>,
    %gt3A_846 = arith.cmpf ogt, %get3A_845, %broadcast_in_dim3A_302 : vector<16xf32>
    %and3A_847 = arith.andi %gt3A_846, %ge3A_301 : vector<16xi1>
    %all_reduce_population_count3A_848 = tpu.all_reduce %and3A_847 {dim = 0 : i64, kind = #tpu.reduction_kind<sum>} : vector<16xi1> -> vector<16xi32>
    %add3A_849 = arith.addi %add3A_843, %all_reduce_population_count3A_848 : vector<16xi32>
    %eq3A_850 = arith.constant 12 : i32
    %eq3A_851 = vector.broadcast %eq3A_850 : i32 to vector<16xi32>
    %eq3A_852 = arith.cmpi eq, %iota3A, %eq3A_851 : vector<16xi32>
    %select_n3A_853 = arith.select %eq3A_852, %add3A_849, %select_n3A_834 : vector<16xi1>, vector<16xi32>
    %get3A_854 = arith.constant 1392 : index
    %get3A_855 = tpu.vector_load %arg7[%get3A_854] {strides = array<i32>} : memref<3072xf32, #tpu.memory_space<vmem>>, vector<16xf32>,
    %gt3A_856 = arith.cmpf ogt, %get3A_855, %broadcast_in_dim3A_302 : vector<16xf32>
    %all_reduce_population_count3A_857 = tpu.all_reduce %gt3A_856 {dim = 0 : i64, kind = #tpu.reduction_kind<sum>} : vector<16xi1> -> vector<16xi32>
    %get3A_858 = arith.constant 1408 : index
    %get3A_859 = tpu.vector_load %arg7[%get3A_858] {strides = array<i32>} : memref<3072xf32, #tpu.memory_space<vmem>>, vector<16xf32>,
    %gt3A_860 = arith.cmpf ogt, %get3A_859, %broadcast_in_dim3A_302 : vector<16xf32>
    %all_reduce_population_count3A_861 = tpu.all_reduce %gt3A_860 {dim = 0 : i64, kind = #tpu.reduction_kind<sum>} : vector<16xi1> -> vector<16xi32>
    %add3A_862 = arith.addi %all_reduce_population_count3A_857, %all_reduce_population_count3A_861 : vector<16xi32>
    %get3A_863 = arith.constant 1424 : index
    %get3A_864 = tpu.vector_load %arg7[%get3A_863] {strides = array<i32>} : memref<3072xf32, #tpu.memory_space<vmem>>, vector<16xf32>,
    %gt3A_865 = arith.cmpf ogt, %get3A_864, %broadcast_in_dim3A_302 : vector<16xf32>
    %and3A_866 = arith.andi %gt3A_865, %ge3A_301 : vector<16xi1>
    %all_reduce_population_count3A_867 = tpu.all_reduce %and3A_866 {dim = 0 : i64, kind = #tpu.reduction_kind<sum>} : vector<16xi1> -> vector<16xi32>
    %add3A_868 = arith.addi %add3A_862, %all_reduce_population_count3A_867 : vector<16xi32>
    %eq3A_869 = arith.constant 13 : i32
    %eq3A_870 = vector.broadcast %eq3A_869 : i32 to vector<16xi32>
    %eq3A_871 = arith.cmpi eq, %iota3A, %eq3A_870 : vector<16xi32>
    %select_n3A_872 = arith.select %eq3A_871, %add3A_868, %select_n3A_853 : vector<16xi1>, vector<16xi32>
    %get3A_873 = arith.constant 1440 : index
    %get3A_874 = tpu.vector_load %arg7[%get3A_873] {strides = array<i32>} : memref<3072xf32, #tpu.memory_space<vmem>>, vector<16xf32>,
    %gt3A_875 = arith.cmpf ogt, %get3A_874, %broadcast_in_dim3A_302 : vector<16xf32>
    %all_reduce_population_count3A_876 = tpu.all_reduce %gt3A_875 {dim = 0 : i64, kind = #tpu.reduction_kind<sum>} : vector<16xi1> -> vector<16xi32>
    %get3A_877 = arith.constant 1456 : index
    %get3A_878 = tpu.vector_load %arg7[%get3A_877] {strides = array<i32>} : memref<3072xf32, #tpu.memory_space<vmem>>, vector<16xf32>,
    %gt3A_879 = arith.cmpf ogt, %get3A_878, %broadcast_in_dim3A_302 : vector<16xf32>
    %all_reduce_population_count3A_880 = tpu.all_reduce %gt3A_879 {dim = 0 : i64, kind = #tpu.reduction_kind<sum>} : vector<16xi1> -> vector<16xi32>
    %add3A_881 = arith.addi %all_reduce_population_count3A_876, %all_reduce_population_count3A_880 : vector<16xi32>
    %get3A_882 = arith.constant 1472 : index
    %get3A_883 = tpu.vector_load %arg7[%get3A_882] {strides = array<i32>} : memref<3072xf32, #tpu.memory_space<vmem>>, vector<16xf32>,
    %gt3A_884 = arith.cmpf ogt, %get3A_883, %broadcast_in_dim3A_302 : vector<16xf32>
    %and3A_885 = arith.andi %gt3A_884, %ge3A_301 : vector<16xi1>
    %all_reduce_population_count3A_886 = tpu.all_reduce %and3A_885 {dim = 0 : i64, kind = #tpu.reduction_kind<sum>} : vector<16xi1> -> vector<16xi32>
    %add3A_887 = arith.addi %add3A_881, %all_reduce_population_count3A_886 : vector<16xi32>
    %eq3A_888 = arith.constant 14 : i32
    %eq3A_889 = vector.broadcast %eq3A_888 : i32 to vector<16xi32>
    %eq3A_890 = arith.cmpi eq, %iota3A, %eq3A_889 : vector<16xi32>
    %select_n3A_891 = arith.select %eq3A_890, %add3A_887, %select_n3A_872 : vector<16xi1>, vector<16xi32>
    %get3A_892 = arith.constant 1488 : index
    %get3A_893 = tpu.vector_load %arg7[%get3A_892] {strides = array<i32>} : memref<3072xf32, #tpu.memory_space<vmem>>, vector<16xf32>,
    %gt3A_894 = arith.cmpf ogt, %get3A_893, %broadcast_in_dim3A_302 : vector<16xf32>
    %all_reduce_population_count3A_895 = tpu.all_reduce %gt3A_894 {dim = 0 : i64, kind = #tpu.reduction_kind<sum>} : vector<16xi1> -> vector<16xi32>
    %get3A_896 = arith.constant 1504 : index
    %get3A_897 = tpu.vector_load %arg7[%get3A_896] {strides = array<i32>} : memref<3072xf32, #tpu.memory_space<vmem>>, vector<16xf32>,
    %gt3A_898 = arith.cmpf ogt, %get3A_897, %broadcast_in_dim3A_302 : vector<16xf32>
    %all_reduce_population_count3A_899 = tpu.all_reduce %gt3A_898 {dim = 0 : i64, kind = #tpu.reduction_kind<sum>} : vector<16xi1> -> vector<16xi32>
    %add3A_900 = arith.addi %all_reduce_population_count3A_895, %all_reduce_population_count3A_899 : vector<16xi32>
    %get3A_901 = arith.constant 1520 : index
    %get3A_902 = tpu.vector_load %arg7[%get3A_901] {strides = array<i32>} : memref<3072xf32, #tpu.memory_space<vmem>>, vector<16xf32>,
    %gt3A_903 = arith.cmpf ogt, %get3A_902, %broadcast_in_dim3A_302 : vector<16xf32>
    %and3A_904 = arith.andi %gt3A_903, %ge3A_301 : vector<16xi1>
    %all_reduce_population_count3A_905 = tpu.all_reduce %and3A_904 {dim = 0 : i64, kind = #tpu.reduction_kind<sum>} : vector<16xi1> -> vector<16xi32>
    %add3A_906 = arith.addi %add3A_900, %all_reduce_population_count3A_905 : vector<16xi32>
    %eq3A_907 = arith.constant 15 : i32
    %eq3A_908 = vector.broadcast %eq3A_907 : i32 to vector<16xi32>
    %eq3A_909 = arith.cmpi eq, %iota3A, %eq3A_908 : vector<16xi32>
    %select_n3A_910 = arith.select %eq3A_909, %add3A_906, %select_n3A_891 : vector<16xi1>, vector<16xi32>
    %convert_element_type3A_911 = arith.sitofp %select_n3A_910 : vector<16xi32> to vector<16xf32>
    %swap3A_912 = arith.constant 16 : index
    %swap3A_913 = tpu.vector_load %arg8[%swap3A_912] {strides = array<i32>} : memref<64xf32, #tpu.memory_space<vmem>>, vector<16xf32>,
    tpu.vector_store %arg8[%swap3A_912], %convert_element_type3A_911 {strides = array<i32>} : memref<64xf32, #tpu.memory_space<vmem>>, vector<16xf32>,
    %broadcast_in_dim3A_914 = arith.constant 0 : i32
    %broadcast_in_dim3A_915 = vector.broadcast %broadcast_in_dim3A_914 : i32 to vector<16xi32>
    %get3A_916 = arith.constant 1536 : index
    %get3A_917 = tpu.vector_load %arg7[%get3A_916] {strides = array<i32>} : memref<3072xf32, #tpu.memory_space<vmem>>, vector<16xf32>,
    %gt3A_918 = arith.cmpf ogt, %get3A_917, %broadcast_in_dim3A_302 : vector<16xf32>
    %all_reduce_population_count3A_919 = tpu.all_reduce %gt3A_918 {dim = 0 : i64, kind = #tpu.reduction_kind<sum>} : vector<16xi1> -> vector<16xi32>
    %get3A_920 = arith.constant 1552 : index
    %get3A_921 = tpu.vector_load %arg7[%get3A_920] {strides = array<i32>} : memref<3072xf32, #tpu.memory_space<vmem>>, vector<16xf32>,
    %gt3A_922 = arith.cmpf ogt, %get3A_921, %broadcast_in_dim3A_302 : vector<16xf32>
    %all_reduce_population_count3A_923 = tpu.all_reduce %gt3A_922 {dim = 0 : i64, kind = #tpu.reduction_kind<sum>} : vector<16xi1> -> vector<16xi32>
    %add3A_924 = arith.addi %all_reduce_population_count3A_919, %all_reduce_population_count3A_923 : vector<16xi32>
    %get3A_925 = arith.constant 1568 : index
    %get3A_926 = tpu.vector_load %arg7[%get3A_925] {strides = array<i32>} : memref<3072xf32, #tpu.memory_space<vmem>>, vector<16xf32>,
    %gt3A_927 = arith.cmpf ogt, %get3A_926, %broadcast_in_dim3A_302 : vector<16xf32>
    %and3A_928 = arith.andi %gt3A_927, %ge3A_301 : vector<16xi1>
    %all_reduce_population_count3A_929 = tpu.all_reduce %and3A_928 {dim = 0 : i64, kind = #tpu.reduction_kind<sum>} : vector<16xi1> -> vector<16xi32>
    %add3A_930 = arith.addi %add3A_924, %all_reduce_population_count3A_929 : vector<16xi32>
    %eq3A_931 = arith.constant 0 : i32
    %eq3A_932 = vector.broadcast %eq3A_931 : i32 to vector<16xi32>
    %eq3A_933 = arith.cmpi eq, %iota3A, %eq3A_932 : vector<16xi32>
    %select_n3A_934 = arith.select %eq3A_933, %add3A_930, %broadcast_in_dim3A_915 : vector<16xi1>, vector<16xi32>
    %get3A_935 = arith.constant 1584 : index
    %get3A_936 = tpu.vector_load %arg7[%get3A_935] {strides = array<i32>} : memref<3072xf32, #tpu.memory_space<vmem>>, vector<16xf32>,
    %gt3A_937 = arith.cmpf ogt, %get3A_936, %broadcast_in_dim3A_302 : vector<16xf32>
    %all_reduce_population_count3A_938 = tpu.all_reduce %gt3A_937 {dim = 0 : i64, kind = #tpu.reduction_kind<sum>} : vector<16xi1> -> vector<16xi32>
    %get3A_939 = arith.constant 1600 : index
    %get3A_940 = tpu.vector_load %arg7[%get3A_939] {strides = array<i32>} : memref<3072xf32, #tpu.memory_space<vmem>>, vector<16xf32>,
    %gt3A_941 = arith.cmpf ogt, %get3A_940, %broadcast_in_dim3A_302 : vector<16xf32>
    %all_reduce_population_count3A_942 = tpu.all_reduce %gt3A_941 {dim = 0 : i64, kind = #tpu.reduction_kind<sum>} : vector<16xi1> -> vector<16xi32>
    %add3A_943 = arith.addi %all_reduce_population_count3A_938, %all_reduce_population_count3A_942 : vector<16xi32>
    %get3A_944 = arith.constant 1616 : index
    %get3A_945 = tpu.vector_load %arg7[%get3A_944] {strides = array<i32>} : memref<3072xf32, #tpu.memory_space<vmem>>, vector<16xf32>,
    %gt3A_946 = arith.cmpf ogt, %get3A_945, %broadcast_in_dim3A_302 : vector<16xf32>
    %and3A_947 = arith.andi %gt3A_946, %ge3A_301 : vector<16xi1>
    %all_reduce_population_count3A_948 = tpu.all_reduce %and3A_947 {dim = 0 : i64, kind = #tpu.reduction_kind<sum>} : vector<16xi1> -> vector<16xi32>
    %add3A_949 = arith.addi %add3A_943, %all_reduce_population_count3A_948 : vector<16xi32>
    %eq3A_950 = arith.constant 1 : i32
    %eq3A_951 = vector.broadcast %eq3A_950 : i32 to vector<16xi32>
    %eq3A_952 = arith.cmpi eq, %iota3A, %eq3A_951 : vector<16xi32>
    %select_n3A_953 = arith.select %eq3A_952, %add3A_949, %select_n3A_934 : vector<16xi1>, vector<16xi32>
    %get3A_954 = arith.constant 1632 : index
    %get3A_955 = tpu.vector_load %arg7[%get3A_954] {strides = array<i32>} : memref<3072xf32, #tpu.memory_space<vmem>>, vector<16xf32>,
    %gt3A_956 = arith.cmpf ogt, %get3A_955, %broadcast_in_dim3A_302 : vector<16xf32>
    %all_reduce_population_count3A_957 = tpu.all_reduce %gt3A_956 {dim = 0 : i64, kind = #tpu.reduction_kind<sum>} : vector<16xi1> -> vector<16xi32>
    %get3A_958 = arith.constant 1648 : index
    %get3A_959 = tpu.vector_load %arg7[%get3A_958] {strides = array<i32>} : memref<3072xf32, #tpu.memory_space<vmem>>, vector<16xf32>,
    %gt3A_960 = arith.cmpf ogt, %get3A_959, %broadcast_in_dim3A_302 : vector<16xf32>
    %all_reduce_population_count3A_961 = tpu.all_reduce %gt3A_960 {dim = 0 : i64, kind = #tpu.reduction_kind<sum>} : vector<16xi1> -> vector<16xi32>
    %add3A_962 = arith.addi %all_reduce_population_count3A_957, %all_reduce_population_count3A_961 : vector<16xi32>
    %get3A_963 = arith.constant 1664 : index
    %get3A_964 = tpu.vector_load %arg7[%get3A_963] {strides = array<i32>} : memref<3072xf32, #tpu.memory_space<vmem>>, vector<16xf32>,
    %gt3A_965 = arith.cmpf ogt, %get3A_964, %broadcast_in_dim3A_302 : vector<16xf32>
    %and3A_966 = arith.andi %gt3A_965, %ge3A_301 : vector<16xi1>
    %all_reduce_population_count3A_967 = tpu.all_reduce %and3A_966 {dim = 0 : i64, kind = #tpu.reduction_kind<sum>} : vector<16xi1> -> vector<16xi32>
    %add3A_968 = arith.addi %add3A_962, %all_reduce_population_count3A_967 : vector<16xi32>
    %eq3A_969 = arith.constant 2 : i32
    %eq3A_970 = vector.broadcast %eq3A_969 : i32 to vector<16xi32>
    %eq3A_971 = arith.cmpi eq, %iota3A, %eq3A_970 : vector<16xi32>
    %select_n3A_972 = arith.select %eq3A_971, %add3A_968, %select_n3A_953 : vector<16xi1>, vector<16xi32>
    %get3A_973 = arith.constant 1680 : index
    %get3A_974 = tpu.vector_load %arg7[%get3A_973] {strides = array<i32>} : memref<3072xf32, #tpu.memory_space<vmem>>, vector<16xf32>,
    %gt3A_975 = arith.cmpf ogt, %get3A_974, %broadcast_in_dim3A_302 : vector<16xf32>
    %all_reduce_population_count3A_976 = tpu.all_reduce %gt3A_975 {dim = 0 : i64, kind = #tpu.reduction_kind<sum>} : vector<16xi1> -> vector<16xi32>
    %get3A_977 = arith.constant 1696 : index
    %get3A_978 = tpu.vector_load %arg7[%get3A_977] {strides = array<i32>} : memref<3072xf32, #tpu.memory_space<vmem>>, vector<16xf32>,
    %gt3A_979 = arith.cmpf ogt, %get3A_978, %broadcast_in_dim3A_302 : vector<16xf32>
    %all_reduce_population_count3A_980 = tpu.all_reduce %gt3A_979 {dim = 0 : i64, kind = #tpu.reduction_kind<sum>} : vector<16xi1> -> vector<16xi32>
    %add3A_981 = arith.addi %all_reduce_population_count3A_976, %all_reduce_population_count3A_980 : vector<16xi32>
    %get3A_982 = arith.constant 1712 : index
    %get3A_983 = tpu.vector_load %arg7[%get3A_982] {strides = array<i32>} : memref<3072xf32, #tpu.memory_space<vmem>>, vector<16xf32>,
    %gt3A_984 = arith.cmpf ogt, %get3A_983, %broadcast_in_dim3A_302 : vector<16xf32>
    %and3A_985 = arith.andi %gt3A_984, %ge3A_301 : vector<16xi1>
    %all_reduce_population_count3A_986 = tpu.all_reduce %and3A_985 {dim = 0 : i64, kind = #tpu.reduction_kind<sum>} : vector<16xi1> -> vector<16xi32>
    %add3A_987 = arith.addi %add3A_981, %all_reduce_population_count3A_986 : vector<16xi32>
    %eq3A_988 = arith.constant 3 : i32
    %eq3A_989 = vector.broadcast %eq3A_988 : i32 to vector<16xi32>
    %eq3A_990 = arith.cmpi eq, %iota3A, %eq3A_989 : vector<16xi32>
    %select_n3A_991 = arith.select %eq3A_990, %add3A_987, %select_n3A_972 : vector<16xi1>, vector<16xi32>
    %get3A_992 = arith.constant 1728 : index
    %get3A_993 = tpu.vector_load %arg7[%get3A_992] {strides = array<i32>} : memref<3072xf32, #tpu.memory_space<vmem>>, vector<16xf32>,
    %gt3A_994 = arith.cmpf ogt, %get3A_993, %broadcast_in_dim3A_302 : vector<16xf32>
    %all_reduce_population_count3A_995 = tpu.all_reduce %gt3A_994 {dim = 0 : i64, kind = #tpu.reduction_kind<sum>} : vector<16xi1> -> vector<16xi32>
    %get3A_996 = arith.constant 1744 : index
    %get3A_997 = tpu.vector_load %arg7[%get3A_996] {strides = array<i32>} : memref<3072xf32, #tpu.memory_space<vmem>>, vector<16xf32>,
    %gt3A_998 = arith.cmpf ogt, %get3A_997, %broadcast_in_dim3A_302 : vector<16xf32>
    %all_reduce_population_count3A_999 = tpu.all_reduce %gt3A_998 {dim = 0 : i64, kind = #tpu.reduction_kind<sum>} : vector<16xi1> -> vector<16xi32>
    %add3A_1000 = arith.addi %all_reduce_population_count3A_995, %all_reduce_population_count3A_999 : vector<16xi32>
    %get3A_1001 = arith.constant 1760 : index
    %get3A_1002 = tpu.vector_load %arg7[%get3A_1001] {strides = array<i32>} : memref<3072xf32, #tpu.memory_space<vmem>>, vector<16xf32>,
    %gt3A_1003 = arith.cmpf ogt, %get3A_1002, %broadcast_in_dim3A_302 : vector<16xf32>
    %and3A_1004 = arith.andi %gt3A_1003, %ge3A_301 : vector<16xi1>
    %all_reduce_population_count3A_1005 = tpu.all_reduce %and3A_1004 {dim = 0 : i64, kind = #tpu.reduction_kind<sum>} : vector<16xi1> -> vector<16xi32>
    %add3A_1006 = arith.addi %add3A_1000, %all_reduce_population_count3A_1005 : vector<16xi32>
    %eq3A_1007 = arith.constant 4 : i32
    %eq3A_1008 = vector.broadcast %eq3A_1007 : i32 to vector<16xi32>
    %eq3A_1009 = arith.cmpi eq, %iota3A, %eq3A_1008 : vector<16xi32>
    %select_n3A_1010 = arith.select %eq3A_1009, %add3A_1006, %select_n3A_991 : vector<16xi1>, vector<16xi32>
    %get3A_1011 = arith.constant 1776 : index
    %get3A_1012 = tpu.vector_load %arg7[%get3A_1011] {strides = array<i32>} : memref<3072xf32, #tpu.memory_space<vmem>>, vector<16xf32>,
    %gt3A_1013 = arith.cmpf ogt, %get3A_1012, %broadcast_in_dim3A_302 : vector<16xf32>
    %all_reduce_population_count3A_1014 = tpu.all_reduce %gt3A_1013 {dim = 0 : i64, kind = #tpu.reduction_kind<sum>} : vector<16xi1> -> vector<16xi32>
    %get3A_1015 = arith.constant 1792 : index
    %get3A_1016 = tpu.vector_load %arg7[%get3A_1015] {strides = array<i32>} : memref<3072xf32, #tpu.memory_space<vmem>>, vector<16xf32>,
    %gt3A_1017 = arith.cmpf ogt, %get3A_1016, %broadcast_in_dim3A_302 : vector<16xf32>
    %all_reduce_population_count3A_1018 = tpu.all_reduce %gt3A_1017 {dim = 0 : i64, kind = #tpu.reduction_kind<sum>} : vector<16xi1> -> vector<16xi32>
    %add3A_1019 = arith.addi %all_reduce_population_count3A_1014, %all_reduce_population_count3A_1018 : vector<16xi32>
    %get3A_1020 = arith.constant 1808 : index
    %get3A_1021 = tpu.vector_load %arg7[%get3A_1020] {strides = array<i32>} : memref<3072xf32, #tpu.memory_space<vmem>>, vector<16xf32>,
    %gt3A_1022 = arith.cmpf ogt, %get3A_1021, %broadcast_in_dim3A_302 : vector<16xf32>
    %and3A_1023 = arith.andi %gt3A_1022, %ge3A_301 : vector<16xi1>
    %all_reduce_population_count3A_1024 = tpu.all_reduce %and3A_1023 {dim = 0 : i64, kind = #tpu.reduction_kind<sum>} : vector<16xi1> -> vector<16xi32>
    %add3A_1025 = arith.addi %add3A_1019, %all_reduce_population_count3A_1024 : vector<16xi32>
    %eq3A_1026 = arith.constant 5 : i32
    %eq3A_1027 = vector.broadcast %eq3A_1026 : i32 to vector<16xi32>
    %eq3A_1028 = arith.cmpi eq, %iota3A, %eq3A_1027 : vector<16xi32>
    %select_n3A_1029 = arith.select %eq3A_1028, %add3A_1025, %select_n3A_1010 : vector<16xi1>, vector<16xi32>
    %get3A_1030 = arith.constant 1824 : index
    %get3A_1031 = tpu.vector_load %arg7[%get3A_1030] {strides = array<i32>} : memref<3072xf32, #tpu.memory_space<vmem>>, vector<16xf32>,
    %gt3A_1032 = arith.cmpf ogt, %get3A_1031, %broadcast_in_dim3A_302 : vector<16xf32>
    %all_reduce_population_count3A_1033 = tpu.all_reduce %gt3A_1032 {dim = 0 : i64, kind = #tpu.reduction_kind<sum>} : vector<16xi1> -> vector<16xi32>
    %get3A_1034 = arith.constant 1840 : index
    %get3A_1035 = tpu.vector_load %arg7[%get3A_1034] {strides = array<i32>} : memref<3072xf32, #tpu.memory_space<vmem>>, vector<16xf32>,
    %gt3A_1036 = arith.cmpf ogt, %get3A_1035, %broadcast_in_dim3A_302 : vector<16xf32>
    %all_reduce_population_count3A_1037 = tpu.all_reduce %gt3A_1036 {dim = 0 : i64, kind = #tpu.reduction_kind<sum>} : vector<16xi1> -> vector<16xi32>
    %add3A_1038 = arith.addi %all_reduce_population_count3A_1033, %all_reduce_population_count3A_1037 : vector<16xi32>
    %get3A_1039 = arith.constant 1856 : index
    %get3A_1040 = tpu.vector_load %arg7[%get3A_1039] {strides = array<i32>} : memref<3072xf32, #tpu.memory_space<vmem>>, vector<16xf32>,
    %gt3A_1041 = arith.cmpf ogt, %get3A_1040, %broadcast_in_dim3A_302 : vector<16xf32>
    %and3A_1042 = arith.andi %gt3A_1041, %ge3A_301 : vector<16xi1>
    %all_reduce_population_count3A_1043 = tpu.all_reduce %and3A_1042 {dim = 0 : i64, kind = #tpu.reduction_kind<sum>} : vector<16xi1> -> vector<16xi32>
    %add3A_1044 = arith.addi %add3A_1038, %all_reduce_population_count3A_1043 : vector<16xi32>
    %eq3A_1045 = arith.constant 6 : i32
    %eq3A_1046 = vector.broadcast %eq3A_1045 : i32 to vector<16xi32>
    %eq3A_1047 = arith.cmpi eq, %iota3A, %eq3A_1046 : vector<16xi32>
    %select_n3A_1048 = arith.select %eq3A_1047, %add3A_1044, %select_n3A_1029 : vector<16xi1>, vector<16xi32>
    %get3A_1049 = arith.constant 1872 : index
    %get3A_1050 = tpu.vector_load %arg7[%get3A_1049] {strides = array<i32>} : memref<3072xf32, #tpu.memory_space<vmem>>, vector<16xf32>,
    %gt3A_1051 = arith.cmpf ogt, %get3A_1050, %broadcast_in_dim3A_302 : vector<16xf32>
    %all_reduce_population_count3A_1052 = tpu.all_reduce %gt3A_1051 {dim = 0 : i64, kind = #tpu.reduction_kind<sum>} : vector<16xi1> -> vector<16xi32>
    %get3A_1053 = arith.constant 1888 : index
    %get3A_1054 = tpu.vector_load %arg7[%get3A_1053] {strides = array<i32>} : memref<3072xf32, #tpu.memory_space<vmem>>, vector<16xf32>,
    %gt3A_1055 = arith.cmpf ogt, %get3A_1054, %broadcast_in_dim3A_302 : vector<16xf32>
    %all_reduce_population_count3A_1056 = tpu.all_reduce %gt3A_1055 {dim = 0 : i64, kind = #tpu.reduction_kind<sum>} : vector<16xi1> -> vector<16xi32>
    %add3A_1057 = arith.addi %all_reduce_population_count3A_1052, %all_reduce_population_count3A_1056 : vector<16xi32>
    %get3A_1058 = arith.constant 1904 : index
    %get3A_1059 = tpu.vector_load %arg7[%get3A_1058] {strides = array<i32>} : memref<3072xf32, #tpu.memory_space<vmem>>, vector<16xf32>,
    %gt3A_1060 = arith.cmpf ogt, %get3A_1059, %broadcast_in_dim3A_302 : vector<16xf32>
    %and3A_1061 = arith.andi %gt3A_1060, %ge3A_301 : vector<16xi1>
    %all_reduce_population_count3A_1062 = tpu.all_reduce %and3A_1061 {dim = 0 : i64, kind = #tpu.reduction_kind<sum>} : vector<16xi1> -> vector<16xi32>
    %add3A_1063 = arith.addi %add3A_1057, %all_reduce_population_count3A_1062 : vector<16xi32>
    %eq3A_1064 = arith.constant 7 : i32
    %eq3A_1065 = vector.broadcast %eq3A_1064 : i32 to vector<16xi32>
    %eq3A_1066 = arith.cmpi eq, %iota3A, %eq3A_1065 : vector<16xi32>
    %select_n3A_1067 = arith.select %eq3A_1066, %add3A_1063, %select_n3A_1048 : vector<16xi1>, vector<16xi32>
    %get3A_1068 = arith.constant 1920 : index
    %get3A_1069 = tpu.vector_load %arg7[%get3A_1068] {strides = array<i32>} : memref<3072xf32, #tpu.memory_space<vmem>>, vector<16xf32>,
    %gt3A_1070 = arith.cmpf ogt, %get3A_1069, %broadcast_in_dim3A_302 : vector<16xf32>
    %all_reduce_population_count3A_1071 = tpu.all_reduce %gt3A_1070 {dim = 0 : i64, kind = #tpu.reduction_kind<sum>} : vector<16xi1> -> vector<16xi32>
    %get3A_1072 = arith.constant 1936 : index
    %get3A_1073 = tpu.vector_load %arg7[%get3A_1072] {strides = array<i32>} : memref<3072xf32, #tpu.memory_space<vmem>>, vector<16xf32>,
    %gt3A_1074 = arith.cmpf ogt, %get3A_1073, %broadcast_in_dim3A_302 : vector<16xf32>
    %all_reduce_population_count3A_1075 = tpu.all_reduce %gt3A_1074 {dim = 0 : i64, kind = #tpu.reduction_kind<sum>} : vector<16xi1> -> vector<16xi32>
    %add3A_1076 = arith.addi %all_reduce_population_count3A_1071, %all_reduce_population_count3A_1075 : vector<16xi32>
    %get3A_1077 = arith.constant 1952 : index
    %get3A_1078 = tpu.vector_load %arg7[%get3A_1077] {strides = array<i32>} : memref<3072xf32, #tpu.memory_space<vmem>>, vector<16xf32>,
    %gt3A_1079 = arith.cmpf ogt, %get3A_1078, %broadcast_in_dim3A_302 : vector<16xf32>
    %and3A_1080 = arith.andi %gt3A_1079, %ge3A_301 : vector<16xi1>
    %all_reduce_population_count3A_1081 = tpu.all_reduce %and3A_1080 {dim = 0 : i64, kind = #tpu.reduction_kind<sum>} : vector<16xi1> -> vector<16xi32>
    %add3A_1082 = arith.addi %add3A_1076, %all_reduce_population_count3A_1081 : vector<16xi32>
    %eq3A_1083 = arith.constant 8 : i32
    %eq3A_1084 = vector.broadcast %eq3A_1083 : i32 to vector<16xi32>
    %eq3A_1085 = arith.cmpi eq, %iota3A, %eq3A_1084 : vector<16xi32>
    %select_n3A_1086 = arith.select %eq3A_1085, %add3A_1082, %select_n3A_1067 : vector<16xi1>, vector<16xi32>
    %get3A_1087 = arith.constant 1968 : index
    %get3A_1088 = tpu.vector_load %arg7[%get3A_1087] {strides = array<i32>} : memref<3072xf32, #tpu.memory_space<vmem>>, vector<16xf32>,
    %gt3A_1089 = arith.cmpf ogt, %get3A_1088, %broadcast_in_dim3A_302 : vector<16xf32>
    %all_reduce_population_count3A_1090 = tpu.all_reduce %gt3A_1089 {dim = 0 : i64, kind = #tpu.reduction_kind<sum>} : vector<16xi1> -> vector<16xi32>
    %get3A_1091 = arith.constant 1984 : index
    %get3A_1092 = tpu.vector_load %arg7[%get3A_1091] {strides = array<i32>} : memref<3072xf32, #tpu.memory_space<vmem>>, vector<16xf32>,
    %gt3A_1093 = arith.cmpf ogt, %get3A_1092, %broadcast_in_dim3A_302 : vector<16xf32>
    %all_reduce_population_count3A_1094 = tpu.all_reduce %gt3A_1093 {dim = 0 : i64, kind = #tpu.reduction_kind<sum>} : vector<16xi1> -> vector<16xi32>
    %add3A_1095 = arith.addi %all_reduce_population_count3A_1090, %all_reduce_population_count3A_1094 : vector<16xi32>
    %get3A_1096 = arith.constant 2000 : index
    %get3A_1097 = tpu.vector_load %arg7[%get3A_1096] {strides = array<i32>} : memref<3072xf32, #tpu.memory_space<vmem>>, vector<16xf32>,
    %gt3A_1098 = arith.cmpf ogt, %get3A_1097, %broadcast_in_dim3A_302 : vector<16xf32>
    %and3A_1099 = arith.andi %gt3A_1098, %ge3A_301 : vector<16xi1>
    %all_reduce_population_count3A_1100 = tpu.all_reduce %and3A_1099 {dim = 0 : i64, kind = #tpu.reduction_kind<sum>} : vector<16xi1> -> vector<16xi32>
    %add3A_1101 = arith.addi %add3A_1095, %all_reduce_population_count3A_1100 : vector<16xi32>
    %eq3A_1102 = arith.constant 9 : i32
    %eq3A_1103 = vector.broadcast %eq3A_1102 : i32 to vector<16xi32>
    %eq3A_1104 = arith.cmpi eq, %iota3A, %eq3A_1103 : vector<16xi32>
    %select_n3A_1105 = arith.select %eq3A_1104, %add3A_1101, %select_n3A_1086 : vector<16xi1>, vector<16xi32>
    %get3A_1106 = arith.constant 2016 : index
    %get3A_1107 = tpu.vector_load %arg7[%get3A_1106] {strides = array<i32>} : memref<3072xf32, #tpu.memory_space<vmem>>, vector<16xf32>,
    %gt3A_1108 = arith.cmpf ogt, %get3A_1107, %broadcast_in_dim3A_302 : vector<16xf32>
    %all_reduce_population_count3A_1109 = tpu.all_reduce %gt3A_1108 {dim = 0 : i64, kind = #tpu.reduction_kind<sum>} : vector<16xi1> -> vector<16xi32>
    %get3A_1110 = arith.constant 2032 : index
    %get3A_1111 = tpu.vector_load %arg7[%get3A_1110] {strides = array<i32>} : memref<3072xf32, #tpu.memory_space<vmem>>, vector<16xf32>,
    %gt3A_1112 = arith.cmpf ogt, %get3A_1111, %broadcast_in_dim3A_302 : vector<16xf32>
    %all_reduce_population_count3A_1113 = tpu.all_reduce %gt3A_1112 {dim = 0 : i64, kind = #tpu.reduction_kind<sum>} : vector<16xi1> -> vector<16xi32>
    %add3A_1114 = arith.addi %all_reduce_population_count3A_1109, %all_reduce_population_count3A_1113 : vector<16xi32>
    %get3A_1115 = arith.constant 2048 : index
    %get3A_1116 = tpu.vector_load %arg7[%get3A_1115] {strides = array<i32>} : memref<3072xf32, #tpu.memory_space<vmem>>, vector<16xf32>,
    %gt3A_1117 = arith.cmpf ogt, %get3A_1116, %broadcast_in_dim3A_302 : vector<16xf32>
    %and3A_1118 = arith.andi %gt3A_1117, %ge3A_301 : vector<16xi1>
    %all_reduce_population_count3A_1119 = tpu.all_reduce %and3A_1118 {dim = 0 : i64, kind = #tpu.reduction_kind<sum>} : vector<16xi1> -> vector<16xi32>
    %add3A_1120 = arith.addi %add3A_1114, %all_reduce_population_count3A_1119 : vector<16xi32>
    %eq3A_1121 = arith.constant 10 : i32
    %eq3A_1122 = vector.broadcast %eq3A_1121 : i32 to vector<16xi32>
    %eq3A_1123 = arith.cmpi eq, %iota3A, %eq3A_1122 : vector<16xi32>
    %select_n3A_1124 = arith.select %eq3A_1123, %add3A_1120, %select_n3A_1105 : vector<16xi1>, vector<16xi32>
    %get3A_1125 = arith.constant 2064 : index
    %get3A_1126 = tpu.vector_load %arg7[%get3A_1125] {strides = array<i32>} : memref<3072xf32, #tpu.memory_space<vmem>>, vector<16xf32>,
    %gt3A_1127 = arith.cmpf ogt, %get3A_1126, %broadcast_in_dim3A_302 : vector<16xf32>
    %all_reduce_population_count3A_1128 = tpu.all_reduce %gt3A_1127 {dim = 0 : i64, kind = #tpu.reduction_kind<sum>} : vector<16xi1> -> vector<16xi32>
    %get3A_1129 = arith.constant 2080 : index
    %get3A_1130 = tpu.vector_load %arg7[%get3A_1129] {strides = array<i32>} : memref<3072xf32, #tpu.memory_space<vmem>>, vector<16xf32>,
    %gt3A_1131 = arith.cmpf ogt, %get3A_1130, %broadcast_in_dim3A_302 : vector<16xf32>
    %all_reduce_population_count3A_1132 = tpu.all_reduce %gt3A_1131 {dim = 0 : i64, kind = #tpu.reduction_kind<sum>} : vector<16xi1> -> vector<16xi32>
    %add3A_1133 = arith.addi %all_reduce_population_count3A_1128, %all_reduce_population_count3A_1132 : vector<16xi32>
    %get3A_1134 = arith.constant 2096 : index
    %get3A_1135 = tpu.vector_load %arg7[%get3A_1134] {strides = array<i32>} : memref<3072xf32, #tpu.memory_space<vmem>>, vector<16xf32>,
    %gt3A_1136 = arith.cmpf ogt, %get3A_1135, %broadcast_in_dim3A_302 : vector<16xf32>
    %and3A_1137 = arith.andi %gt3A_1136, %ge3A_301 : vector<16xi1>
    %all_reduce_population_count3A_1138 = tpu.all_reduce %and3A_1137 {dim = 0 : i64, kind = #tpu.reduction_kind<sum>} : vector<16xi1> -> vector<16xi32>
    %add3A_1139 = arith.addi %add3A_1133, %all_reduce_population_count3A_1138 : vector<16xi32>
    %eq3A_1140 = arith.constant 11 : i32
    %eq3A_1141 = vector.broadcast %eq3A_1140 : i32 to vector<16xi32>
    %eq3A_1142 = arith.cmpi eq, %iota3A, %eq3A_1141 : vector<16xi32>
    %select_n3A_1143 = arith.select %eq3A_1142, %add3A_1139, %select_n3A_1124 : vector<16xi1>, vector<16xi32>
    %get3A_1144 = arith.constant 2112 : index
    %get3A_1145 = tpu.vector_load %arg7[%get3A_1144] {strides = array<i32>} : memref<3072xf32, #tpu.memory_space<vmem>>, vector<16xf32>,
    %gt3A_1146 = arith.cmpf ogt, %get3A_1145, %broadcast_in_dim3A_302 : vector<16xf32>
    %all_reduce_population_count3A_1147 = tpu.all_reduce %gt3A_1146 {dim = 0 : i64, kind = #tpu.reduction_kind<sum>} : vector<16xi1> -> vector<16xi32>
    %get3A_1148 = arith.constant 2128 : index
    %get3A_1149 = tpu.vector_load %arg7[%get3A_1148] {strides = array<i32>} : memref<3072xf32, #tpu.memory_space<vmem>>, vector<16xf32>,
    %gt3A_1150 = arith.cmpf ogt, %get3A_1149, %broadcast_in_dim3A_302 : vector<16xf32>
    %all_reduce_population_count3A_1151 = tpu.all_reduce %gt3A_1150 {dim = 0 : i64, kind = #tpu.reduction_kind<sum>} : vector<16xi1> -> vector<16xi32>
    %add3A_1152 = arith.addi %all_reduce_population_count3A_1147, %all_reduce_population_count3A_1151 : vector<16xi32>
    %get3A_1153 = arith.constant 2144 : index
    %get3A_1154 = tpu.vector_load %arg7[%get3A_1153] {strides = array<i32>} : memref<3072xf32, #tpu.memory_space<vmem>>, vector<16xf32>,
    %gt3A_1155 = arith.cmpf ogt, %get3A_1154, %broadcast_in_dim3A_302 : vector<16xf32>
    %and3A_1156 = arith.andi %gt3A_1155, %ge3A_301 : vector<16xi1>
    %all_reduce_population_count3A_1157 = tpu.all_reduce %and3A_1156 {dim = 0 : i64, kind = #tpu.reduction_kind<sum>} : vector<16xi1> -> vector<16xi32>
    %add3A_1158 = arith.addi %add3A_1152, %all_reduce_population_count3A_1157 : vector<16xi32>
    %eq3A_1159 = arith.constant 12 : i32
    %eq3A_1160 = vector.broadcast %eq3A_1159 : i32 to vector<16xi32>
    %eq3A_1161 = arith.cmpi eq, %iota3A, %eq3A_1160 : vector<16xi32>
    %select_n3A_1162 = arith.select %eq3A_1161, %add3A_1158, %select_n3A_1143 : vector<16xi1>, vector<16xi32>
    %get3A_1163 = arith.constant 2160 : index
    %get3A_1164 = tpu.vector_load %arg7[%get3A_1163] {strides = array<i32>} : memref<3072xf32, #tpu.memory_space<vmem>>, vector<16xf32>,
    %gt3A_1165 = arith.cmpf ogt, %get3A_1164, %broadcast_in_dim3A_302 : vector<16xf32>
    %all_reduce_population_count3A_1166 = tpu.all_reduce %gt3A_1165 {dim = 0 : i64, kind = #tpu.reduction_kind<sum>} : vector<16xi1> -> vector<16xi32>
    %get3A_1167 = arith.constant 2176 : index
    %get3A_1168 = tpu.vector_load %arg7[%get3A_1167] {strides = array<i32>} : memref<3072xf32, #tpu.memory_space<vmem>>, vector<16xf32>,
    %gt3A_1169 = arith.cmpf ogt, %get3A_1168, %broadcast_in_dim3A_302 : vector<16xf32>
    %all_reduce_population_count3A_1170 = tpu.all_reduce %gt3A_1169 {dim = 0 : i64, kind = #tpu.reduction_kind<sum>} : vector<16xi1> -> vector<16xi32>
    %add3A_1171 = arith.addi %all_reduce_population_count3A_1166, %all_reduce_population_count3A_1170 : vector<16xi32>
    %get3A_1172 = arith.constant 2192 : index
    %get3A_1173 = tpu.vector_load %arg7[%get3A_1172] {strides = array<i32>} : memref<3072xf32, #tpu.memory_space<vmem>>, vector<16xf32>,
    %gt3A_1174 = arith.cmpf ogt, %get3A_1173, %broadcast_in_dim3A_302 : vector<16xf32>
    %and3A_1175 = arith.andi %gt3A_1174, %ge3A_301 : vector<16xi1>
    %all_reduce_population_count3A_1176 = tpu.all_reduce %and3A_1175 {dim = 0 : i64, kind = #tpu.reduction_kind<sum>} : vector<16xi1> -> vector<16xi32>
    %add3A_1177 = arith.addi %add3A_1171, %all_reduce_population_count3A_1176 : vector<16xi32>
    %eq3A_1178 = arith.constant 13 : i32
    %eq3A_1179 = vector.broadcast %eq3A_1178 : i32 to vector<16xi32>
    %eq3A_1180 = arith.cmpi eq, %iota3A, %eq3A_1179 : vector<16xi32>
    %select_n3A_1181 = arith.select %eq3A_1180, %add3A_1177, %select_n3A_1162 : vector<16xi1>, vector<16xi32>
    %get3A_1182 = arith.constant 2208 : index
    %get3A_1183 = tpu.vector_load %arg7[%get3A_1182] {strides = array<i32>} : memref<3072xf32, #tpu.memory_space<vmem>>, vector<16xf32>,
    %gt3A_1184 = arith.cmpf ogt, %get3A_1183, %broadcast_in_dim3A_302 : vector<16xf32>
    %all_reduce_population_count3A_1185 = tpu.all_reduce %gt3A_1184 {dim = 0 : i64, kind = #tpu.reduction_kind<sum>} : vector<16xi1> -> vector<16xi32>
    %get3A_1186 = arith.constant 2224 : index
    %get3A_1187 = tpu.vector_load %arg7[%get3A_1186] {strides = array<i32>} : memref<3072xf32, #tpu.memory_space<vmem>>, vector<16xf32>,
    %gt3A_1188 = arith.cmpf ogt, %get3A_1187, %broadcast_in_dim3A_302 : vector<16xf32>
    %all_reduce_population_count3A_1189 = tpu.all_reduce %gt3A_1188 {dim = 0 : i64, kind = #tpu.reduction_kind<sum>} : vector<16xi1> -> vector<16xi32>
    %add3A_1190 = arith.addi %all_reduce_population_count3A_1185, %all_reduce_population_count3A_1189 : vector<16xi32>
    %get3A_1191 = arith.constant 2240 : index
    %get3A_1192 = tpu.vector_load %arg7[%get3A_1191] {strides = array<i32>} : memref<3072xf32, #tpu.memory_space<vmem>>, vector<16xf32>,
    %gt3A_1193 = arith.cmpf ogt, %get3A_1192, %broadcast_in_dim3A_302 : vector<16xf32>
    %and3A_1194 = arith.andi %gt3A_1193, %ge3A_301 : vector<16xi1>
    %all_reduce_population_count3A_1195 = tpu.all_reduce %and3A_1194 {dim = 0 : i64, kind = #tpu.reduction_kind<sum>} : vector<16xi1> -> vector<16xi32>
    %add3A_1196 = arith.addi %add3A_1190, %all_reduce_population_count3A_1195 : vector<16xi32>
    %eq3A_1197 = arith.constant 14 : i32
    %eq3A_1198 = vector.broadcast %eq3A_1197 : i32 to vector<16xi32>
    %eq3A_1199 = arith.cmpi eq, %iota3A, %eq3A_1198 : vector<16xi32>
    %select_n3A_1200 = arith.select %eq3A_1199, %add3A_1196, %select_n3A_1181 : vector<16xi1>, vector<16xi32>
    %get3A_1201 = arith.constant 2256 : index
    %get3A_1202 = tpu.vector_load %arg7[%get3A_1201] {strides = array<i32>} : memref<3072xf32, #tpu.memory_space<vmem>>, vector<16xf32>,
    %gt3A_1203 = arith.cmpf ogt, %get3A_1202, %broadcast_in_dim3A_302 : vector<16xf32>
    %all_reduce_population_count3A_1204 = tpu.all_reduce %gt3A_1203 {dim = 0 : i64, kind = #tpu.reduction_kind<sum>} : vector<16xi1> -> vector<16xi32>
    %get3A_1205 = arith.constant 2272 : index
    %get3A_1206 = tpu.vector_load %arg7[%get3A_1205] {strides = array<i32>} : memref<3072xf32, #tpu.memory_space<vmem>>, vector<16xf32>,
    %gt3A_1207 = arith.cmpf ogt, %get3A_1206, %broadcast_in_dim3A_302 : vector<16xf32>
    %all_reduce_population_count3A_1208 = tpu.all_reduce %gt3A_1207 {dim = 0 : i64, kind = #tpu.reduction_kind<sum>} : vector<16xi1> -> vector<16xi32>
    %add3A_1209 = arith.addi %all_reduce_population_count3A_1204, %all_reduce_population_count3A_1208 : vector<16xi32>
    %get3A_1210 = arith.constant 2288 : index
    %get3A_1211 = tpu.vector_load %arg7[%get3A_1210] {strides = array<i32>} : memref<3072xf32, #tpu.memory_space<vmem>>, vector<16xf32>,
    %gt3A_1212 = arith.cmpf ogt, %get3A_1211, %broadcast_in_dim3A_302 : vector<16xf32>
    %and3A_1213 = arith.andi %gt3A_1212, %ge3A_301 : vector<16xi1>
    %all_reduce_population_count3A_1214 = tpu.all_reduce %and3A_1213 {dim = 0 : i64, kind = #tpu.reduction_kind<sum>} : vector<16xi1> -> vector<16xi32>
    %add3A_1215 = arith.addi %add3A_1209, %all_reduce_population_count3A_1214 : vector<16xi32>
    %eq3A_1216 = arith.constant 15 : i32
    %eq3A_1217 = vector.broadcast %eq3A_1216 : i32 to vector<16xi32>
    %eq3A_1218 = arith.cmpi eq, %iota3A, %eq3A_1217 : vector<16xi32>
    %select_n3A_1219 = arith.select %eq3A_1218, %add3A_1215, %select_n3A_1200 : vector<16xi1>, vector<16xi32>
    %convert_element_type3A_1220 = arith.sitofp %select_n3A_1219 : vector<16xi32> to vector<16xf32>
    %swap3A_1221 = arith.constant 32 : index
    %swap3A_1222 = tpu.vector_load %arg8[%swap3A_1221] {strides = array<i32>} : memref<64xf32, #tpu.memory_space<vmem>>, vector<16xf32>,
    tpu.vector_store %arg8[%swap3A_1221], %convert_element_type3A_1220 {strides = array<i32>} : memref<64xf32, #tpu.memory_space<vmem>>, vector<16xf32>,
    %broadcast_in_dim3A_1223 = arith.constant 0 : i32
    %broadcast_in_dim3A_1224 = vector.broadcast %broadcast_in_dim3A_1223 : i32 to vector<16xi32>
    %get3A_1225 = arith.constant 2304 : index
    %get3A_1226 = tpu.vector_load %arg7[%get3A_1225] {strides = array<i32>} : memref<3072xf32, #tpu.memory_space<vmem>>, vector<16xf32>,
    %gt3A_1227 = arith.cmpf ogt, %get3A_1226, %broadcast_in_dim3A_302 : vector<16xf32>
    %all_reduce_population_count3A_1228 = tpu.all_reduce %gt3A_1227 {dim = 0 : i64, kind = #tpu.reduction_kind<sum>} : vector<16xi1> -> vector<16xi32>
    %get3A_1229 = arith.constant 2320 : index
    %get3A_1230 = tpu.vector_load %arg7[%get3A_1229] {strides = array<i32>} : memref<3072xf32, #tpu.memory_space<vmem>>, vector<16xf32>,
    %gt3A_1231 = arith.cmpf ogt, %get3A_1230, %broadcast_in_dim3A_302 : vector<16xf32>
    %all_reduce_population_count3A_1232 = tpu.all_reduce %gt3A_1231 {dim = 0 : i64, kind = #tpu.reduction_kind<sum>} : vector<16xi1> -> vector<16xi32>
    %add3A_1233 = arith.addi %all_reduce_population_count3A_1228, %all_reduce_population_count3A_1232 : vector<16xi32>
    %get3A_1234 = arith.constant 2336 : index
    %get3A_1235 = tpu.vector_load %arg7[%get3A_1234] {strides = array<i32>} : memref<3072xf32, #tpu.memory_space<vmem>>, vector<16xf32>,
    %gt3A_1236 = arith.cmpf ogt, %get3A_1235, %broadcast_in_dim3A_302 : vector<16xf32>
    %and3A_1237 = arith.andi %gt3A_1236, %ge3A_301 : vector<16xi1>
    %all_reduce_population_count3A_1238 = tpu.all_reduce %and3A_1237 {dim = 0 : i64, kind = #tpu.reduction_kind<sum>} : vector<16xi1> -> vector<16xi32>
    %add3A_1239 = arith.addi %add3A_1233, %all_reduce_population_count3A_1238 : vector<16xi32>
    %eq3A_1240 = arith.constant 0 : i32
    %eq3A_1241 = vector.broadcast %eq3A_1240 : i32 to vector<16xi32>
    %eq3A_1242 = arith.cmpi eq, %iota3A, %eq3A_1241 : vector<16xi32>
    %select_n3A_1243 = arith.select %eq3A_1242, %add3A_1239, %broadcast_in_dim3A_1224 : vector<16xi1>, vector<16xi32>
    %get3A_1244 = arith.constant 2352 : index
    %get3A_1245 = tpu.vector_load %arg7[%get3A_1244] {strides = array<i32>} : memref<3072xf32, #tpu.memory_space<vmem>>, vector<16xf32>,
    %gt3A_1246 = arith.cmpf ogt, %get3A_1245, %broadcast_in_dim3A_302 : vector<16xf32>
    %all_reduce_population_count3A_1247 = tpu.all_reduce %gt3A_1246 {dim = 0 : i64, kind = #tpu.reduction_kind<sum>} : vector<16xi1> -> vector<16xi32>
    %get3A_1248 = arith.constant 2368 : index
    %get3A_1249 = tpu.vector_load %arg7[%get3A_1248] {strides = array<i32>} : memref<3072xf32, #tpu.memory_space<vmem>>, vector<16xf32>,
    %gt3A_1250 = arith.cmpf ogt, %get3A_1249, %broadcast_in_dim3A_302 : vector<16xf32>
    %all_reduce_population_count3A_1251 = tpu.all_reduce %gt3A_1250 {dim = 0 : i64, kind = #tpu.reduction_kind<sum>} : vector<16xi1> -> vector<16xi32>
    %add3A_1252 = arith.addi %all_reduce_population_count3A_1247, %all_reduce_population_count3A_1251 : vector<16xi32>
    %get3A_1253 = arith.constant 2384 : index
    %get3A_1254 = tpu.vector_load %arg7[%get3A_1253] {strides = array<i32>} : memref<3072xf32, #tpu.memory_space<vmem>>, vector<16xf32>,
    %gt3A_1255 = arith.cmpf ogt, %get3A_1254, %broadcast_in_dim3A_302 : vector<16xf32>
    %and3A_1256 = arith.andi %gt3A_1255, %ge3A_301 : vector<16xi1>
    %all_reduce_population_count3A_1257 = tpu.all_reduce %and3A_1256 {dim = 0 : i64, kind = #tpu.reduction_kind<sum>} : vector<16xi1> -> vector<16xi32>
    %add3A_1258 = arith.addi %add3A_1252, %all_reduce_population_count3A_1257 : vector<16xi32>
    %eq3A_1259 = arith.constant 1 : i32
    %eq3A_1260 = vector.broadcast %eq3A_1259 : i32 to vector<16xi32>
    %eq3A_1261 = arith.cmpi eq, %iota3A, %eq3A_1260 : vector<16xi32>
    %select_n3A_1262 = arith.select %eq3A_1261, %add3A_1258, %select_n3A_1243 : vector<16xi1>, vector<16xi32>
    %get3A_1263 = arith.constant 2400 : index
    %get3A_1264 = tpu.vector_load %arg7[%get3A_1263] {strides = array<i32>} : memref<3072xf32, #tpu.memory_space<vmem>>, vector<16xf32>,
    %gt3A_1265 = arith.cmpf ogt, %get3A_1264, %broadcast_in_dim3A_302 : vector<16xf32>
    %all_reduce_population_count3A_1266 = tpu.all_reduce %gt3A_1265 {dim = 0 : i64, kind = #tpu.reduction_kind<sum>} : vector<16xi1> -> vector<16xi32>
    %get3A_1267 = arith.constant 2416 : index
    %get3A_1268 = tpu.vector_load %arg7[%get3A_1267] {strides = array<i32>} : memref<3072xf32, #tpu.memory_space<vmem>>, vector<16xf32>,
    %gt3A_1269 = arith.cmpf ogt, %get3A_1268, %broadcast_in_dim3A_302 : vector<16xf32>
    %all_reduce_population_count3A_1270 = tpu.all_reduce %gt3A_1269 {dim = 0 : i64, kind = #tpu.reduction_kind<sum>} : vector<16xi1> -> vector<16xi32>
    %add3A_1271 = arith.addi %all_reduce_population_count3A_1266, %all_reduce_population_count3A_1270 : vector<16xi32>
    %get3A_1272 = arith.constant 2432 : index
    %get3A_1273 = tpu.vector_load %arg7[%get3A_1272] {strides = array<i32>} : memref<3072xf32, #tpu.memory_space<vmem>>, vector<16xf32>,
    %gt3A_1274 = arith.cmpf ogt, %get3A_1273, %broadcast_in_dim3A_302 : vector<16xf32>
    %and3A_1275 = arith.andi %gt3A_1274, %ge3A_301 : vector<16xi1>
    %all_reduce_population_count3A_1276 = tpu.all_reduce %and3A_1275 {dim = 0 : i64, kind = #tpu.reduction_kind<sum>} : vector<16xi1> -> vector<16xi32>
    %add3A_1277 = arith.addi %add3A_1271, %all_reduce_population_count3A_1276 : vector<16xi32>
    %eq3A_1278 = arith.constant 2 : i32
    %eq3A_1279 = vector.broadcast %eq3A_1278 : i32 to vector<16xi32>
    %eq3A_1280 = arith.cmpi eq, %iota3A, %eq3A_1279 : vector<16xi32>
    %select_n3A_1281 = arith.select %eq3A_1280, %add3A_1277, %select_n3A_1262 : vector<16xi1>, vector<16xi32>
    %get3A_1282 = arith.constant 2448 : index
    %get3A_1283 = tpu.vector_load %arg7[%get3A_1282] {strides = array<i32>} : memref<3072xf32, #tpu.memory_space<vmem>>, vector<16xf32>,
    %gt3A_1284 = arith.cmpf ogt, %get3A_1283, %broadcast_in_dim3A_302 : vector<16xf32>
    %all_reduce_population_count3A_1285 = tpu.all_reduce %gt3A_1284 {dim = 0 : i64, kind = #tpu.reduction_kind<sum>} : vector<16xi1> -> vector<16xi32>
    %get3A_1286 = arith.constant 2464 : index
    %get3A_1287 = tpu.vector_load %arg7[%get3A_1286] {strides = array<i32>} : memref<3072xf32, #tpu.memory_space<vmem>>, vector<16xf32>,
    %gt3A_1288 = arith.cmpf ogt, %get3A_1287, %broadcast_in_dim3A_302 : vector<16xf32>
    %all_reduce_population_count3A_1289 = tpu.all_reduce %gt3A_1288 {dim = 0 : i64, kind = #tpu.reduction_kind<sum>} : vector<16xi1> -> vector<16xi32>
    %add3A_1290 = arith.addi %all_reduce_population_count3A_1285, %all_reduce_population_count3A_1289 : vector<16xi32>
    %get3A_1291 = arith.constant 2480 : index
    %get3A_1292 = tpu.vector_load %arg7[%get3A_1291] {strides = array<i32>} : memref<3072xf32, #tpu.memory_space<vmem>>, vector<16xf32>,
    %gt3A_1293 = arith.cmpf ogt, %get3A_1292, %broadcast_in_dim3A_302 : vector<16xf32>
    %and3A_1294 = arith.andi %gt3A_1293, %ge3A_301 : vector<16xi1>
    %all_reduce_population_count3A_1295 = tpu.all_reduce %and3A_1294 {dim = 0 : i64, kind = #tpu.reduction_kind<sum>} : vector<16xi1> -> vector<16xi32>
    %add3A_1296 = arith.addi %add3A_1290, %all_reduce_population_count3A_1295 : vector<16xi32>
    %eq3A_1297 = arith.constant 3 : i32
    %eq3A_1298 = vector.broadcast %eq3A_1297 : i32 to vector<16xi32>
    %eq3A_1299 = arith.cmpi eq, %iota3A, %eq3A_1298 : vector<16xi32>
    %select_n3A_1300 = arith.select %eq3A_1299, %add3A_1296, %select_n3A_1281 : vector<16xi1>, vector<16xi32>
    %get3A_1301 = arith.constant 2496 : index
    %get3A_1302 = tpu.vector_load %arg7[%get3A_1301] {strides = array<i32>} : memref<3072xf32, #tpu.memory_space<vmem>>, vector<16xf32>,
    %gt3A_1303 = arith.cmpf ogt, %get3A_1302, %broadcast_in_dim3A_302 : vector<16xf32>
    %all_reduce_population_count3A_1304 = tpu.all_reduce %gt3A_1303 {dim = 0 : i64, kind = #tpu.reduction_kind<sum>} : vector<16xi1> -> vector<16xi32>
    %get3A_1305 = arith.constant 2512 : index
    %get3A_1306 = tpu.vector_load %arg7[%get3A_1305] {strides = array<i32>} : memref<3072xf32, #tpu.memory_space<vmem>>, vector<16xf32>,
    %gt3A_1307 = arith.cmpf ogt, %get3A_1306, %broadcast_in_dim3A_302 : vector<16xf32>
    %all_reduce_population_count3A_1308 = tpu.all_reduce %gt3A_1307 {dim = 0 : i64, kind = #tpu.reduction_kind<sum>} : vector<16xi1> -> vector<16xi32>
    %add3A_1309 = arith.addi %all_reduce_population_count3A_1304, %all_reduce_population_count3A_1308 : vector<16xi32>
    %get3A_1310 = arith.constant 2528 : index
    %get3A_1311 = tpu.vector_load %arg7[%get3A_1310] {strides = array<i32>} : memref<3072xf32, #tpu.memory_space<vmem>>, vector<16xf32>,
    %gt3A_1312 = arith.cmpf ogt, %get3A_1311, %broadcast_in_dim3A_302 : vector<16xf32>
    %and3A_1313 = arith.andi %gt3A_1312, %ge3A_301 : vector<16xi1>
    %all_reduce_population_count3A_1314 = tpu.all_reduce %and3A_1313 {dim = 0 : i64, kind = #tpu.reduction_kind<sum>} : vector<16xi1> -> vector<16xi32>
    %add3A_1315 = arith.addi %add3A_1309, %all_reduce_population_count3A_1314 : vector<16xi32>
    %eq3A_1316 = arith.constant 4 : i32
    %eq3A_1317 = vector.broadcast %eq3A_1316 : i32 to vector<16xi32>
    %eq3A_1318 = arith.cmpi eq, %iota3A, %eq3A_1317 : vector<16xi32>
    %select_n3A_1319 = arith.select %eq3A_1318, %add3A_1315, %select_n3A_1300 : vector<16xi1>, vector<16xi32>
    %get3A_1320 = arith.constant 2544 : index
    %get3A_1321 = tpu.vector_load %arg7[%get3A_1320] {strides = array<i32>} : memref<3072xf32, #tpu.memory_space<vmem>>, vector<16xf32>,
    %gt3A_1322 = arith.cmpf ogt, %get3A_1321, %broadcast_in_dim3A_302 : vector<16xf32>
    %all_reduce_population_count3A_1323 = tpu.all_reduce %gt3A_1322 {dim = 0 : i64, kind = #tpu.reduction_kind<sum>} : vector<16xi1> -> vector<16xi32>
    %get3A_1324 = arith.constant 2560 : index
    %get3A_1325 = tpu.vector_load %arg7[%get3A_1324] {strides = array<i32>} : memref<3072xf32, #tpu.memory_space<vmem>>, vector<16xf32>,
    %gt3A_1326 = arith.cmpf ogt, %get3A_1325, %broadcast_in_dim3A_302 : vector<16xf32>
    %all_reduce_population_count3A_1327 = tpu.all_reduce %gt3A_1326 {dim = 0 : i64, kind = #tpu.reduction_kind<sum>} : vector<16xi1> -> vector<16xi32>
    %add3A_1328 = arith.addi %all_reduce_population_count3A_1323, %all_reduce_population_count3A_1327 : vector<16xi32>
    %get3A_1329 = arith.constant 2576 : index
    %get3A_1330 = tpu.vector_load %arg7[%get3A_1329] {strides = array<i32>} : memref<3072xf32, #tpu.memory_space<vmem>>, vector<16xf32>,
    %gt3A_1331 = arith.cmpf ogt, %get3A_1330, %broadcast_in_dim3A_302 : vector<16xf32>
    %and3A_1332 = arith.andi %gt3A_1331, %ge3A_301 : vector<16xi1>
    %all_reduce_population_count3A_1333 = tpu.all_reduce %and3A_1332 {dim = 0 : i64, kind = #tpu.reduction_kind<sum>} : vector<16xi1> -> vector<16xi32>
    %add3A_1334 = arith.addi %add3A_1328, %all_reduce_population_count3A_1333 : vector<16xi32>
    %eq3A_1335 = arith.constant 5 : i32
    %eq3A_1336 = vector.broadcast %eq3A_1335 : i32 to vector<16xi32>
    %eq3A_1337 = arith.cmpi eq, %iota3A, %eq3A_1336 : vector<16xi32>
    %select_n3A_1338 = arith.select %eq3A_1337, %add3A_1334, %select_n3A_1319 : vector<16xi1>, vector<16xi32>
    %get3A_1339 = arith.constant 2592 : index
    %get3A_1340 = tpu.vector_load %arg7[%get3A_1339] {strides = array<i32>} : memref<3072xf32, #tpu.memory_space<vmem>>, vector<16xf32>,
    %gt3A_1341 = arith.cmpf ogt, %get3A_1340, %broadcast_in_dim3A_302 : vector<16xf32>
    %all_reduce_population_count3A_1342 = tpu.all_reduce %gt3A_1341 {dim = 0 : i64, kind = #tpu.reduction_kind<sum>} : vector<16xi1> -> vector<16xi32>
    %get3A_1343 = arith.constant 2608 : index
    %get3A_1344 = tpu.vector_load %arg7[%get3A_1343] {strides = array<i32>} : memref<3072xf32, #tpu.memory_space<vmem>>, vector<16xf32>,
    %gt3A_1345 = arith.cmpf ogt, %get3A_1344, %broadcast_in_dim3A_302 : vector<16xf32>
    %all_reduce_population_count3A_1346 = tpu.all_reduce %gt3A_1345 {dim = 0 : i64, kind = #tpu.reduction_kind<sum>} : vector<16xi1> -> vector<16xi32>
    %add3A_1347 = arith.addi %all_reduce_population_count3A_1342, %all_reduce_population_count3A_1346 : vector<16xi32>
    %get3A_1348 = arith.constant 2624 : index
    %get3A_1349 = tpu.vector_load %arg7[%get3A_1348] {strides = array<i32>} : memref<3072xf32, #tpu.memory_space<vmem>>, vector<16xf32>,
    %gt3A_1350 = arith.cmpf ogt, %get3A_1349, %broadcast_in_dim3A_302 : vector<16xf32>
    %and3A_1351 = arith.andi %gt3A_1350, %ge3A_301 : vector<16xi1>
    %all_reduce_population_count3A_1352 = tpu.all_reduce %and3A_1351 {dim = 0 : i64, kind = #tpu.reduction_kind<sum>} : vector<16xi1> -> vector<16xi32>
    %add3A_1353 = arith.addi %add3A_1347, %all_reduce_population_count3A_1352 : vector<16xi32>
    %eq3A_1354 = arith.constant 6 : i32
    %eq3A_1355 = vector.broadcast %eq3A_1354 : i32 to vector<16xi32>
    %eq3A_1356 = arith.cmpi eq, %iota3A, %eq3A_1355 : vector<16xi32>
    %select_n3A_1357 = arith.select %eq3A_1356, %add3A_1353, %select_n3A_1338 : vector<16xi1>, vector<16xi32>
    %get3A_1358 = arith.constant 2640 : index
    %get3A_1359 = tpu.vector_load %arg7[%get3A_1358] {strides = array<i32>} : memref<3072xf32, #tpu.memory_space<vmem>>, vector<16xf32>,
    %gt3A_1360 = arith.cmpf ogt, %get3A_1359, %broadcast_in_dim3A_302 : vector<16xf32>
    %all_reduce_population_count3A_1361 = tpu.all_reduce %gt3A_1360 {dim = 0 : i64, kind = #tpu.reduction_kind<sum>} : vector<16xi1> -> vector<16xi32>
    %get3A_1362 = arith.constant 2656 : index
    %get3A_1363 = tpu.vector_load %arg7[%get3A_1362] {strides = array<i32>} : memref<3072xf32, #tpu.memory_space<vmem>>, vector<16xf32>,
    %gt3A_1364 = arith.cmpf ogt, %get3A_1363, %broadcast_in_dim3A_302 : vector<16xf32>
    %all_reduce_population_count3A_1365 = tpu.all_reduce %gt3A_1364 {dim = 0 : i64, kind = #tpu.reduction_kind<sum>} : vector<16xi1> -> vector<16xi32>
    %add3A_1366 = arith.addi %all_reduce_population_count3A_1361, %all_reduce_population_count3A_1365 : vector<16xi32>
    %get3A_1367 = arith.constant 2672 : index
    %get3A_1368 = tpu.vector_load %arg7[%get3A_1367] {strides = array<i32>} : memref<3072xf32, #tpu.memory_space<vmem>>, vector<16xf32>,
    %gt3A_1369 = arith.cmpf ogt, %get3A_1368, %broadcast_in_dim3A_302 : vector<16xf32>
    %and3A_1370 = arith.andi %gt3A_1369, %ge3A_301 : vector<16xi1>
    %all_reduce_population_count3A_1371 = tpu.all_reduce %and3A_1370 {dim = 0 : i64, kind = #tpu.reduction_kind<sum>} : vector<16xi1> -> vector<16xi32>
    %add3A_1372 = arith.addi %add3A_1366, %all_reduce_population_count3A_1371 : vector<16xi32>
    %eq3A_1373 = arith.constant 7 : i32
    %eq3A_1374 = vector.broadcast %eq3A_1373 : i32 to vector<16xi32>
    %eq3A_1375 = arith.cmpi eq, %iota3A, %eq3A_1374 : vector<16xi32>
    %select_n3A_1376 = arith.select %eq3A_1375, %add3A_1372, %select_n3A_1357 : vector<16xi1>, vector<16xi32>
    %get3A_1377 = arith.constant 2688 : index
    %get3A_1378 = tpu.vector_load %arg7[%get3A_1377] {strides = array<i32>} : memref<3072xf32, #tpu.memory_space<vmem>>, vector<16xf32>,
    %gt3A_1379 = arith.cmpf ogt, %get3A_1378, %broadcast_in_dim3A_302 : vector<16xf32>
    %all_reduce_population_count3A_1380 = tpu.all_reduce %gt3A_1379 {dim = 0 : i64, kind = #tpu.reduction_kind<sum>} : vector<16xi1> -> vector<16xi32>
    %get3A_1381 = arith.constant 2704 : index
    %get3A_1382 = tpu.vector_load %arg7[%get3A_1381] {strides = array<i32>} : memref<3072xf32, #tpu.memory_space<vmem>>, vector<16xf32>,
    %gt3A_1383 = arith.cmpf ogt, %get3A_1382, %broadcast_in_dim3A_302 : vector<16xf32>
    %all_reduce_population_count3A_1384 = tpu.all_reduce %gt3A_1383 {dim = 0 : i64, kind = #tpu.reduction_kind<sum>} : vector<16xi1> -> vector<16xi32>
    %add3A_1385 = arith.addi %all_reduce_population_count3A_1380, %all_reduce_population_count3A_1384 : vector<16xi32>
    %get3A_1386 = arith.constant 2720 : index
    %get3A_1387 = tpu.vector_load %arg7[%get3A_1386] {strides = array<i32>} : memref<3072xf32, #tpu.memory_space<vmem>>, vector<16xf32>,
    %gt3A_1388 = arith.cmpf ogt, %get3A_1387, %broadcast_in_dim3A_302 : vector<16xf32>
    %and3A_1389 = arith.andi %gt3A_1388, %ge3A_301 : vector<16xi1>
    %all_reduce_population_count3A_1390 = tpu.all_reduce %and3A_1389 {dim = 0 : i64, kind = #tpu.reduction_kind<sum>} : vector<16xi1> -> vector<16xi32>
    %add3A_1391 = arith.addi %add3A_1385, %all_reduce_population_count3A_1390 : vector<16xi32>
    %eq3A_1392 = arith.constant 8 : i32
    %eq3A_1393 = vector.broadcast %eq3A_1392 : i32 to vector<16xi32>
    %eq3A_1394 = arith.cmpi eq, %iota3A, %eq3A_1393 : vector<16xi32>
    %select_n3A_1395 = arith.select %eq3A_1394, %add3A_1391, %select_n3A_1376 : vector<16xi1>, vector<16xi32>
    %get3A_1396 = arith.constant 2736 : index
    %get3A_1397 = tpu.vector_load %arg7[%get3A_1396] {strides = array<i32>} : memref<3072xf32, #tpu.memory_space<vmem>>, vector<16xf32>,
    %gt3A_1398 = arith.cmpf ogt, %get3A_1397, %broadcast_in_dim3A_302 : vector<16xf32>
    %all_reduce_population_count3A_1399 = tpu.all_reduce %gt3A_1398 {dim = 0 : i64, kind = #tpu.reduction_kind<sum>} : vector<16xi1> -> vector<16xi32>
    %get3A_1400 = arith.constant 2752 : index
    %get3A_1401 = tpu.vector_load %arg7[%get3A_1400] {strides = array<i32>} : memref<3072xf32, #tpu.memory_space<vmem>>, vector<16xf32>,
    %gt3A_1402 = arith.cmpf ogt, %get3A_1401, %broadcast_in_dim3A_302 : vector<16xf32>
    %all_reduce_population_count3A_1403 = tpu.all_reduce %gt3A_1402 {dim = 0 : i64, kind = #tpu.reduction_kind<sum>} : vector<16xi1> -> vector<16xi32>
    %add3A_1404 = arith.addi %all_reduce_population_count3A_1399, %all_reduce_population_count3A_1403 : vector<16xi32>
    %get3A_1405 = arith.constant 2768 : index
    %get3A_1406 = tpu.vector_load %arg7[%get3A_1405] {strides = array<i32>} : memref<3072xf32, #tpu.memory_space<vmem>>, vector<16xf32>,
    %gt3A_1407 = arith.cmpf ogt, %get3A_1406, %broadcast_in_dim3A_302 : vector<16xf32>
    %and3A_1408 = arith.andi %gt3A_1407, %ge3A_301 : vector<16xi1>
    %all_reduce_population_count3A_1409 = tpu.all_reduce %and3A_1408 {dim = 0 : i64, kind = #tpu.reduction_kind<sum>} : vector<16xi1> -> vector<16xi32>
    %add3A_1410 = arith.addi %add3A_1404, %all_reduce_population_count3A_1409 : vector<16xi32>
    %eq3A_1411 = arith.constant 9 : i32
    %eq3A_1412 = vector.broadcast %eq3A_1411 : i32 to vector<16xi32>
    %eq3A_1413 = arith.cmpi eq, %iota3A, %eq3A_1412 : vector<16xi32>
    %select_n3A_1414 = arith.select %eq3A_1413, %add3A_1410, %select_n3A_1395 : vector<16xi1>, vector<16xi32>
    %get3A_1415 = arith.constant 2784 : index
    %get3A_1416 = tpu.vector_load %arg7[%get3A_1415] {strides = array<i32>} : memref<3072xf32, #tpu.memory_space<vmem>>, vector<16xf32>,
    %gt3A_1417 = arith.cmpf ogt, %get3A_1416, %broadcast_in_dim3A_302 : vector<16xf32>
    %all_reduce_population_count3A_1418 = tpu.all_reduce %gt3A_1417 {dim = 0 : i64, kind = #tpu.reduction_kind<sum>} : vector<16xi1> -> vector<16xi32>
    %get3A_1419 = arith.constant 2800 : index
    %get3A_1420 = tpu.vector_load %arg7[%get3A_1419] {strides = array<i32>} : memref<3072xf32, #tpu.memory_space<vmem>>, vector<16xf32>,
    %gt3A_1421 = arith.cmpf ogt, %get3A_1420, %broadcast_in_dim3A_302 : vector<16xf32>
    %all_reduce_population_count3A_1422 = tpu.all_reduce %gt3A_1421 {dim = 0 : i64, kind = #tpu.reduction_kind<sum>} : vector<16xi1> -> vector<16xi32>
    %add3A_1423 = arith.addi %all_reduce_population_count3A_1418, %all_reduce_population_count3A_1422 : vector<16xi32>
    %get3A_1424 = arith.constant 2816 : index
    %get3A_1425 = tpu.vector_load %arg7[%get3A_1424] {strides = array<i32>} : memref<3072xf32, #tpu.memory_space<vmem>>, vector<16xf32>,
    %gt3A_1426 = arith.cmpf ogt, %get3A_1425, %broadcast_in_dim3A_302 : vector<16xf32>
    %and3A_1427 = arith.andi %gt3A_1426, %ge3A_301 : vector<16xi1>
    %all_reduce_population_count3A_1428 = tpu.all_reduce %and3A_1427 {dim = 0 : i64, kind = #tpu.reduction_kind<sum>} : vector<16xi1> -> vector<16xi32>
    %add3A_1429 = arith.addi %add3A_1423, %all_reduce_population_count3A_1428 : vector<16xi32>
    %eq3A_1430 = arith.constant 10 : i32
    %eq3A_1431 = vector.broadcast %eq3A_1430 : i32 to vector<16xi32>
    %eq3A_1432 = arith.cmpi eq, %iota3A, %eq3A_1431 : vector<16xi32>
    %select_n3A_1433 = arith.select %eq3A_1432, %add3A_1429, %select_n3A_1414 : vector<16xi1>, vector<16xi32>
    %get3A_1434 = arith.constant 2832 : index
    %get3A_1435 = tpu.vector_load %arg7[%get3A_1434] {strides = array<i32>} : memref<3072xf32, #tpu.memory_space<vmem>>, vector<16xf32>,
    %gt3A_1436 = arith.cmpf ogt, %get3A_1435, %broadcast_in_dim3A_302 : vector<16xf32>
    %all_reduce_population_count3A_1437 = tpu.all_reduce %gt3A_1436 {dim = 0 : i64, kind = #tpu.reduction_kind<sum>} : vector<16xi1> -> vector<16xi32>
    %get3A_1438 = arith.constant 2848 : index
    %get3A_1439 = tpu.vector_load %arg7[%get3A_1438] {strides = array<i32>} : memref<3072xf32, #tpu.memory_space<vmem>>, vector<16xf32>,
    %gt3A_1440 = arith.cmpf ogt, %get3A_1439, %broadcast_in_dim3A_302 : vector<16xf32>
    %all_reduce_population_count3A_1441 = tpu.all_reduce %gt3A_1440 {dim = 0 : i64, kind = #tpu.reduction_kind<sum>} : vector<16xi1> -> vector<16xi32>
    %add3A_1442 = arith.addi %all_reduce_population_count3A_1437, %all_reduce_population_count3A_1441 : vector<16xi32>
    %get3A_1443 = arith.constant 2864 : index
    %get3A_1444 = tpu.vector_load %arg7[%get3A_1443] {strides = array<i32>} : memref<3072xf32, #tpu.memory_space<vmem>>, vector<16xf32>,
    %gt3A_1445 = arith.cmpf ogt, %get3A_1444, %broadcast_in_dim3A_302 : vector<16xf32>
    %and3A_1446 = arith.andi %gt3A_1445, %ge3A_301 : vector<16xi1>
    %all_reduce_population_count3A_1447 = tpu.all_reduce %and3A_1446 {dim = 0 : i64, kind = #tpu.reduction_kind<sum>} : vector<16xi1> -> vector<16xi32>
    %add3A_1448 = arith.addi %add3A_1442, %all_reduce_population_count3A_1447 : vector<16xi32>
    %eq3A_1449 = arith.constant 11 : i32
    %eq3A_1450 = vector.broadcast %eq3A_1449 : i32 to vector<16xi32>
    %eq3A_1451 = arith.cmpi eq, %iota3A, %eq3A_1450 : vector<16xi32>
    %select_n3A_1452 = arith.select %eq3A_1451, %add3A_1448, %select_n3A_1433 : vector<16xi1>, vector<16xi32>
    %get3A_1453 = arith.constant 2880 : index
    %get3A_1454 = tpu.vector_load %arg7[%get3A_1453] {strides = array<i32>} : memref<3072xf32, #tpu.memory_space<vmem>>, vector<16xf32>,
    %gt3A_1455 = arith.cmpf ogt, %get3A_1454, %broadcast_in_dim3A_302 : vector<16xf32>
    %all_reduce_population_count3A_1456 = tpu.all_reduce %gt3A_1455 {dim = 0 : i64, kind = #tpu.reduction_kind<sum>} : vector<16xi1> -> vector<16xi32>
    %get3A_1457 = arith.constant 2896 : index
    %get3A_1458 = tpu.vector_load %arg7[%get3A_1457] {strides = array<i32>} : memref<3072xf32, #tpu.memory_space<vmem>>, vector<16xf32>,
    %gt3A_1459 = arith.cmpf ogt, %get3A_1458, %broadcast_in_dim3A_302 : vector<16xf32>
    %all_reduce_population_count3A_1460 = tpu.all_reduce %gt3A_1459 {dim = 0 : i64, kind = #tpu.reduction_kind<sum>} : vector<16xi1> -> vector<16xi32>
    %add3A_1461 = arith.addi %all_reduce_population_count3A_1456, %all_reduce_population_count3A_1460 : vector<16xi32>
    %get3A_1462 = arith.constant 2912 : index
    %get3A_1463 = tpu.vector_load %arg7[%get3A_1462] {strides = array<i32>} : memref<3072xf32, #tpu.memory_space<vmem>>, vector<16xf32>,
    %gt3A_1464 = arith.cmpf ogt, %get3A_1463, %broadcast_in_dim3A_302 : vector<16xf32>
    %and3A_1465 = arith.andi %gt3A_1464, %ge3A_301 : vector<16xi1>
    %all_reduce_population_count3A_1466 = tpu.all_reduce %and3A_1465 {dim = 0 : i64, kind = #tpu.reduction_kind<sum>} : vector<16xi1> -> vector<16xi32>
    %add3A_1467 = arith.addi %add3A_1461, %all_reduce_population_count3A_1466 : vector<16xi32>
    %eq3A_1468 = arith.constant 12 : i32
    %eq3A_1469 = vector.broadcast %eq3A_1468 : i32 to vector<16xi32>
    %eq3A_1470 = arith.cmpi eq, %iota3A, %eq3A_1469 : vector<16xi32>
    %select_n3A_1471 = arith.select %eq3A_1470, %add3A_1467, %select_n3A_1452 : vector<16xi1>, vector<16xi32>
    %get3A_1472 = arith.constant 2928 : index
    %get3A_1473 = tpu.vector_load %arg7[%get3A_1472] {strides = array<i32>} : memref<3072xf32, #tpu.memory_space<vmem>>, vector<16xf32>,
    %gt3A_1474 = arith.cmpf ogt, %get3A_1473, %broadcast_in_dim3A_302 : vector<16xf32>
    %all_reduce_population_count3A_1475 = tpu.all_reduce %gt3A_1474 {dim = 0 : i64, kind = #tpu.reduction_kind<sum>} : vector<16xi1> -> vector<16xi32>
    %get3A_1476 = arith.constant 2944 : index
    %get3A_1477 = tpu.vector_load %arg7[%get3A_1476] {strides = array<i32>} : memref<3072xf32, #tpu.memory_space<vmem>>, vector<16xf32>,
    %gt3A_1478 = arith.cmpf ogt, %get3A_1477, %broadcast_in_dim3A_302 : vector<16xf32>
    %all_reduce_population_count3A_1479 = tpu.all_reduce %gt3A_1478 {dim = 0 : i64, kind = #tpu.reduction_kind<sum>} : vector<16xi1> -> vector<16xi32>
    %add3A_1480 = arith.addi %all_reduce_population_count3A_1475, %all_reduce_population_count3A_1479 : vector<16xi32>
    %get3A_1481 = arith.constant 2960 : index
    %get3A_1482 = tpu.vector_load %arg7[%get3A_1481] {strides = array<i32>} : memref<3072xf32, #tpu.memory_space<vmem>>, vector<16xf32>,
    %gt3A_1483 = arith.cmpf ogt, %get3A_1482, %broadcast_in_dim3A_302 : vector<16xf32>
    %and3A_1484 = arith.andi %gt3A_1483, %ge3A_301 : vector<16xi1>
    %all_reduce_population_count3A_1485 = tpu.all_reduce %and3A_1484 {dim = 0 : i64, kind = #tpu.reduction_kind<sum>} : vector<16xi1> -> vector<16xi32>
    %add3A_1486 = arith.addi %add3A_1480, %all_reduce_population_count3A_1485 : vector<16xi32>
    %eq3A_1487 = arith.constant 13 : i32
    %eq3A_1488 = vector.broadcast %eq3A_1487 : i32 to vector<16xi32>
    %eq3A_1489 = arith.cmpi eq, %iota3A, %eq3A_1488 : vector<16xi32>
    %select_n3A_1490 = arith.select %eq3A_1489, %add3A_1486, %select_n3A_1471 : vector<16xi1>, vector<16xi32>
    %get3A_1491 = arith.constant 2976 : index
    %get3A_1492 = tpu.vector_load %arg7[%get3A_1491] {strides = array<i32>} : memref<3072xf32, #tpu.memory_space<vmem>>, vector<16xf32>,
    %gt3A_1493 = arith.cmpf ogt, %get3A_1492, %broadcast_in_dim3A_302 : vector<16xf32>
    %all_reduce_population_count3A_1494 = tpu.all_reduce %gt3A_1493 {dim = 0 : i64, kind = #tpu.reduction_kind<sum>} : vector<16xi1> -> vector<16xi32>
    %get3A_1495 = arith.constant 2992 : index
    %get3A_1496 = tpu.vector_load %arg7[%get3A_1495] {strides = array<i32>} : memref<3072xf32, #tpu.memory_space<vmem>>, vector<16xf32>,
    %gt3A_1497 = arith.cmpf ogt, %get3A_1496, %broadcast_in_dim3A_302 : vector<16xf32>
    %all_reduce_population_count3A_1498 = tpu.all_reduce %gt3A_1497 {dim = 0 : i64, kind = #tpu.reduction_kind<sum>} : vector<16xi1> -> vector<16xi32>
    %add3A_1499 = arith.addi %all_reduce_population_count3A_1494, %all_reduce_population_count3A_1498 : vector<16xi32>
    %get3A_1500 = arith.constant 3008 : index
    %get3A_1501 = tpu.vector_load %arg7[%get3A_1500] {strides = array<i32>} : memref<3072xf32, #tpu.memory_space<vmem>>, vector<16xf32>,
    %gt3A_1502 = arith.cmpf ogt, %get3A_1501, %broadcast_in_dim3A_302 : vector<16xf32>
    %and3A_1503 = arith.andi %gt3A_1502, %ge3A_301 : vector<16xi1>
    %all_reduce_population_count3A_1504 = tpu.all_reduce %and3A_1503 {dim = 0 : i64, kind = #tpu.reduction_kind<sum>} : vector<16xi1> -> vector<16xi32>
    %add3A_1505 = arith.addi %add3A_1499, %all_reduce_population_count3A_1504 : vector<16xi32>
    %eq3A_1506 = arith.constant 14 : i32
    %eq3A_1507 = vector.broadcast %eq3A_1506 : i32 to vector<16xi32>
    %eq3A_1508 = arith.cmpi eq, %iota3A, %eq3A_1507 : vector<16xi32>
    %select_n3A_1509 = arith.select %eq3A_1508, %add3A_1505, %select_n3A_1490 : vector<16xi1>, vector<16xi32>
    %get3A_1510 = arith.constant 3024 : index
    %get3A_1511 = tpu.vector_load %arg7[%get3A_1510] {strides = array<i32>} : memref<3072xf32, #tpu.memory_space<vmem>>, vector<16xf32>,
    %gt3A_1512 = arith.cmpf ogt, %get3A_1511, %broadcast_in_dim3A_302 : vector<16xf32>
    %all_reduce_population_count3A_1513 = tpu.all_reduce %gt3A_1512 {dim = 0 : i64, kind = #tpu.reduction_kind<sum>} : vector<16xi1> -> vector<16xi32>
    %get3A_1514 = arith.constant 3040 : index
    %get3A_1515 = tpu.vector_load %arg7[%get3A_1514] {strides = array<i32>} : memref<3072xf32, #tpu.memory_space<vmem>>, vector<16xf32>,
    %gt3A_1516 = arith.cmpf ogt, %get3A_1515, %broadcast_in_dim3A_302 : vector<16xf32>
    %all_reduce_population_count3A_1517 = tpu.all_reduce %gt3A_1516 {dim = 0 : i64, kind = #tpu.reduction_kind<sum>} : vector<16xi1> -> vector<16xi32>
    %add3A_1518 = arith.addi %all_reduce_population_count3A_1513, %all_reduce_population_count3A_1517 : vector<16xi32>
    %get3A_1519 = arith.constant 3056 : index
    %get3A_1520 = tpu.vector_load %arg7[%get3A_1519] {strides = array<i32>} : memref<3072xf32, #tpu.memory_space<vmem>>, vector<16xf32>,
    %gt3A_1521 = arith.cmpf ogt, %get3A_1520, %broadcast_in_dim3A_302 : vector<16xf32>
    %and3A_1522 = arith.andi %gt3A_1521, %ge3A_301 : vector<16xi1>
    %all_reduce_population_count3A_1523 = tpu.all_reduce %and3A_1522 {dim = 0 : i64, kind = #tpu.reduction_kind<sum>} : vector<16xi1> -> vector<16xi32>
    %add3A_1524 = arith.addi %add3A_1518, %all_reduce_population_count3A_1523 : vector<16xi32>
    %eq3A_1525 = arith.constant 15 : i32
    %eq3A_1526 = vector.broadcast %eq3A_1525 : i32 to vector<16xi32>
    %eq3A_1527 = arith.cmpi eq, %iota3A, %eq3A_1526 : vector<16xi32>
    %select_n3A_1528 = arith.select %eq3A_1527, %add3A_1524, %select_n3A_1509 : vector<16xi1>, vector<16xi32>
    %convert_element_type3A_1529 = arith.sitofp %select_n3A_1528 : vector<16xi32> to vector<16xf32>
    %swap3A_1530 = arith.constant 48 : index
    %swap3A_1531 = tpu.vector_load %arg8[%swap3A_1530] {strides = array<i32>} : memref<64xf32, #tpu.memory_space<vmem>>, vector<16xf32>,
    tpu.vector_store %arg8[%swap3A_1530], %convert_element_type3A_1529 {strides = array<i32>} : memref<64xf32, #tpu.memory_space<vmem>>, vector<16xf32>,
    "tpu.region"() ({
      %run_scoped3A = tpu.sem_alloc : memref<!tpu.dma_semaphore, #tpu.memory_space<semaphore_mem>>
      %dma_start3A_1532 = tpu.memref_slice %arg4[%mul3A_2] : memref<2048xf32, #tpu.memory_space<hbm>> -> memref<64xf32, #tpu.memory_space<hbm>>
      %dma_start3A_1533 = tpu.memref_slice %arg4[%mul3A_2] : memref<2048xf32, #tpu.memory_space<hbm>> -> memref<64xf32, #tpu.memory_space<hbm>>
      tpu.enqueue_dma source(%arg8 : memref<64xf32, #tpu.memory_space<vmem>>) target(%dma_start3A_1533 : memref<64xf32, #tpu.memory_space<hbm>>) target_semaphore(%run_scoped3A : memref<!tpu.dma_semaphore, #tpu.memory_space<semaphore_mem>>)
      %dma_wait3A_1534 = tpu.memref_slice %arg4[%mul3A_2] : memref<2048xf32, #tpu.memory_space<hbm>> -> memref<64xf32, #tpu.memory_space<hbm>>
      %dma_wait3A_1535 = tpu.memref_slice %arg4[%mul3A_2] : memref<2048xf32, #tpu.memory_space<hbm>> -> memref<64xf32, #tpu.memory_space<hbm>>
      tpu.wait_dma2 semaphore(%run_scoped3A : memref<!tpu.dma_semaphore, #tpu.memory_space<semaphore_mem>>) src(%arg8 : memref<64xf32, #tpu.memory_space<vmem>>) dst(%dma_wait3A_1535 : memref<64xf32, #tpu.memory_space<hbm>>)
      tpu.yield
    }) : () -> ()
    return
  }
}

module attributes {stable_mosaic.version = 14 : i64} {
  func.func @_matvec_body(%arg0: i32, %arg1: memref<1024x4096xf32, #tpu.memory_space<vmem>>, %arg2: memref<4096x1xf32, #tpu.memory_space<vmem>>, %arg3: memref<1024x1xf32, #tpu.memory_space<vmem>>) attributes {dimension_semantics = [#tpu.dimension_semantics<arbitrary>], iteration_bounds = array<i64: 16>, scalar_prefetch = 0 : i64, scratch_operands = 0 : i64, tpu.core_type = #tpu.core_type<tc>, window_params = [{transform_indices = @transform_0, window_bounds = array<i64: 1024, 4096>}, {pipeline_mode = #tpu.pipeline_mode<synchronous>, transform_indices = @transform_1, window_bounds = array<i64: 4096, 1>}, {transform_indices = @transform_2, window_bounds = array<i64: 1024, 1>}]} {
    %get3A = arith.constant 0 : index
    %get3A_0 = arith.constant 0 : index
    %get3A_1 = vector.load %arg1[%get3A, %get3A_0] : memref<1024x4096xf32, #tpu.memory_space<vmem>>, vector<1024x4096xf32>
    %get3A_2 = arith.constant 0 : index
    %get3A_3 = arith.constant 0 : index
    %get3A_4 = vector.load %arg2[%get3A_2, %get3A_3] : memref<4096x1xf32, #tpu.memory_space<vmem>>, vector<4096x1xf32>
    %dot_general3A = arith.constant dense<0.000000e+00> : vector<1024x1xf32>
    %dot_general3A_5 = tpu.matmul %get3A_1, %get3A_4, %dot_general3A {dimension_numbers = #tpu.dot_dimension_numbers<[1], [0], [0], [1], [0, 0, 1, 1], [], []>, transpose_lhs_hint = false} : vector<1024x4096xf32>, vector<4096x1xf32>, vector<1024x1xf32> -> vector<1024x1xf32>
    %swap3A = arith.constant 0 : index
    %swap3A_6 = arith.constant 0 : index
    %swap3A_7 = vector.load %arg3[%swap3A, %swap3A_6] : memref<1024x1xf32, #tpu.memory_space<vmem>>, vector<1024x1xf32>
    tpu.vector_store %arg3[%swap3A, %swap3A_6], %dot_general3A_5 {strides = array<i32>} : memref<1024x1xf32, #tpu.memory_space<vmem>>, vector<1024x1xf32>,
    return
  }
  func.func @transform_0(%arg0: i32) -> (i32, i32) {
    %c0_i32 = arith.constant 0 : i32
    %c0_i32_0 = arith.constant 0 : i32
    return %arg0, %c0_i32 : i32, i32
  }
  func.func @transform_1(%arg0: i32) -> (i32, i32) {
    %c0_i32 = arith.constant 0 : i32
    %c0_i32_0 = arith.constant 0 : i32
    %c0_i32_1 = arith.constant 0 : i32
    return %c0_i32, %c0_i32_0 : i32, i32
  }
  func.func @transform_2(%arg0: i32) -> (i32, i32) {
    %c0_i32 = arith.constant 0 : i32
    %c0_i32_0 = arith.constant 0 : i32
    return %arg0, %c0_i32 : i32, i32
  }
}

module attributes {stable_mosaic.version = 14 : i64} {
  func.func @_topk_sdr_body(%arg0: memref<128x128xf32, #tpu.memory_space<vmem>>, %arg1: memref<128x128xf32, #tpu.memory_space<vmem>>, %arg2: memref<40x1xi32, #tpu.memory_space<vmem>>) attributes {dimension_semantics = [], scalar_prefetch = 0 : i64, scratch_operands = 0 : i64, tpu.core_type = #tpu.core_type<tc>} {
    %iota3A = tpu.iota {dimensions = array<i32: 0>} : vector<128x128xi32>
    %mul3A = arith.constant 128 : i32
    %mul3A_0 = vector.broadcast %mul3A : i32 to vector<128x128xi32>
    %mul3A_1 = arith.muli %iota3A, %mul3A_0 : vector<128x128xi32>
    %iota3A_2 = tpu.iota {dimensions = array<i32: 1>} : vector<128x128xi32>
    %add3A = arith.addi %mul3A_1, %iota3A_2 : vector<128x128xi32>
    %iota3A_3 = tpu.iota {dimensions = array<i32: 0>} : vector<40x1xi32>
    %get3A = arith.constant 0 : index
    %get3A_4 = arith.constant 0 : index
    %get3A_5 = vector.load %arg0[%get3A, %get3A_4] : memref<128x128xf32, #tpu.memory_space<vmem>>, vector<128x128xf32>
    %broadcast_in_dim3A = arith.constant 0.000000e+00 : f32
    %broadcast_in_dim3A_6 = vector.broadcast %broadcast_in_dim3A : f32 to vector<128x128xf32>
    %broadcast_in_dim3A_7 = arith.constant 0 : i32
    %broadcast_in_dim3A_8 = vector.broadcast %broadcast_in_dim3A_7 : i32 to vector<40x1xi32>
    %reduce_max3A = vector.shape_cast %get3A_5 : vector<128x128xf32> to vector<1x128x128xf32>
    %reduce_max3A_9 = arith.constant dense<0xFF800000> : vector<1xf32>
    %reduce_max3A_10 = vector.multi_reduction <maximumf>, %reduce_max3A, %reduce_max3A_9 [1, 2] : vector<1x128x128xf32> to vector<1xf32>
    %reduce_max3A_11 = vector.shape_cast %reduce_max3A_10 : vector<1xf32> to vector<1x1x1xf32>
    %reduce_max3A_12 = vector.extract %reduce_max3A_11[0, 0, 0] : f32 from vector<1x1x1xf32>
    %ge3A = vector.broadcast %reduce_max3A_12 : f32 to vector<128x128xf32>
    %ge3A_13 = arith.cmpf oge, %get3A_5, %ge3A : vector<128x128xf32>
    %jit3A = arith.constant 1073741824 : i32
    %broadcast_in_dim3A_14 = vector.broadcast %jit3A : i32 to vector<128x128xi32>
    %select_n3A = arith.select %ge3A_13, %add3A, %broadcast_in_dim3A_14 : vector<128x128xi1>, vector<128x128xi32>
    %reduce_min3A = vector.shape_cast %select_n3A : vector<128x128xi32> to vector<1x128x128xi32>
    %reduce_min3A_15 = arith.constant dense<2147483647> : vector<1xi32>
    %reduce_min3A_16 = vector.multi_reduction <minsi>, %reduce_min3A, %reduce_min3A_15 [1, 2] : vector<1x128x128xi32> to vector<1xi32>
    %reduce_min3A_17 = vector.shape_cast %reduce_min3A_16 : vector<1xi32> to vector<1x1x1xi32>
    %reduce_min3A_18 = vector.extract %reduce_min3A_17[0, 0, 0] : i32 from vector<1x1x1xi32>
    %eq3A = vector.broadcast %reduce_min3A_18 : i32 to vector<128x128xi32>
    %eq3A_19 = arith.cmpi eq, %add3A, %eq3A : vector<128x128xi32>
    %jit3A_20 = arith.constant 1.000000e+00 : f32
    %broadcast_in_dim3A_21 = vector.broadcast %jit3A_20 : f32 to vector<128x128xf32>
    %select_n3A_22 = arith.select %eq3A_19, %broadcast_in_dim3A_21, %broadcast_in_dim3A_6 : vector<128x128xi1>, vector<128x128xf32>
    %jit3A_23 = arith.constant 0xFF800000 : f32
    %broadcast_in_dim3A_24 = vector.broadcast %jit3A_23 : f32 to vector<128x128xf32>
    %select_n3A_25 = arith.select %eq3A_19, %broadcast_in_dim3A_24, %get3A_5 : vector<128x128xi1>, vector<128x128xf32>
    %eq3A_26 = arith.constant 0 : i32
    %eq3A_27 = vector.broadcast %eq3A_26 : i32 to vector<40x1xi32>
    %eq3A_28 = arith.cmpi eq, %iota3A_3, %eq3A_27 : vector<40x1xi32>
    %broadcast_in_dim3A_29 = vector.broadcast %reduce_min3A_18 : i32 to vector<40x1xi32>
    %select_n3A_30 = arith.select %eq3A_28, %broadcast_in_dim3A_29, %broadcast_in_dim3A_8 : vector<40x1xi1>, vector<40x1xi32>
    %reduce_max3A_31 = vector.shape_cast %select_n3A_25 : vector<128x128xf32> to vector<1x128x128xf32>
    %reduce_max3A_32 = arith.constant dense<0xFF800000> : vector<1xf32>
    %reduce_max3A_33 = vector.multi_reduction <maximumf>, %reduce_max3A_31, %reduce_max3A_32 [1, 2] : vector<1x128x128xf32> to vector<1xf32>
    %reduce_max3A_34 = vector.shape_cast %reduce_max3A_33 : vector<1xf32> to vector<1x1x1xf32>
    %reduce_max3A_35 = vector.extract %reduce_max3A_34[0, 0, 0] : f32 from vector<1x1x1xf32>
    %ge3A_36 = vector.broadcast %reduce_max3A_35 : f32 to vector<128x128xf32>
    %ge3A_37 = arith.cmpf oge, %select_n3A_25, %ge3A_36 : vector<128x128xf32>
    %jit3A_38 = arith.constant 1073741824 : i32
    %broadcast_in_dim3A_39 = vector.broadcast %jit3A_38 : i32 to vector<128x128xi32>
    %select_n3A_40 = arith.select %ge3A_37, %add3A, %broadcast_in_dim3A_39 : vector<128x128xi1>, vector<128x128xi32>
    %reduce_min3A_41 = vector.shape_cast %select_n3A_40 : vector<128x128xi32> to vector<1x128x128xi32>
    %reduce_min3A_42 = arith.constant dense<2147483647> : vector<1xi32>
    %reduce_min3A_43 = vector.multi_reduction <minsi>, %reduce_min3A_41, %reduce_min3A_42 [1, 2] : vector<1x128x128xi32> to vector<1xi32>
    %reduce_min3A_44 = vector.shape_cast %reduce_min3A_43 : vector<1xi32> to vector<1x1x1xi32>
    %reduce_min3A_45 = vector.extract %reduce_min3A_44[0, 0, 0] : i32 from vector<1x1x1xi32>
    %eq3A_46 = vector.broadcast %reduce_min3A_45 : i32 to vector<128x128xi32>
    %eq3A_47 = arith.cmpi eq, %add3A, %eq3A_46 : vector<128x128xi32>
    %jit3A_48 = arith.constant 1.000000e+00 : f32
    %broadcast_in_dim3A_49 = vector.broadcast %jit3A_48 : f32 to vector<128x128xf32>
    %select_n3A_50 = arith.select %eq3A_47, %broadcast_in_dim3A_49, %select_n3A_22 : vector<128x128xi1>, vector<128x128xf32>
    %jit3A_51 = arith.constant 0xFF800000 : f32
    %broadcast_in_dim3A_52 = vector.broadcast %jit3A_51 : f32 to vector<128x128xf32>
    %select_n3A_53 = arith.select %eq3A_47, %broadcast_in_dim3A_52, %select_n3A_25 : vector<128x128xi1>, vector<128x128xf32>
    %eq3A_54 = arith.constant 1 : i32
    %eq3A_55 = vector.broadcast %eq3A_54 : i32 to vector<40x1xi32>
    %eq3A_56 = arith.cmpi eq, %iota3A_3, %eq3A_55 : vector<40x1xi32>
    %broadcast_in_dim3A_57 = vector.broadcast %reduce_min3A_45 : i32 to vector<40x1xi32>
    %select_n3A_58 = arith.select %eq3A_56, %broadcast_in_dim3A_57, %select_n3A_30 : vector<40x1xi1>, vector<40x1xi32>
    %reduce_max3A_59 = vector.shape_cast %select_n3A_53 : vector<128x128xf32> to vector<1x128x128xf32>
    %reduce_max3A_60 = arith.constant dense<0xFF800000> : vector<1xf32>
    %reduce_max3A_61 = vector.multi_reduction <maximumf>, %reduce_max3A_59, %reduce_max3A_60 [1, 2] : vector<1x128x128xf32> to vector<1xf32>
    %reduce_max3A_62 = vector.shape_cast %reduce_max3A_61 : vector<1xf32> to vector<1x1x1xf32>
    %reduce_max3A_63 = vector.extract %reduce_max3A_62[0, 0, 0] : f32 from vector<1x1x1xf32>
    %ge3A_64 = vector.broadcast %reduce_max3A_63 : f32 to vector<128x128xf32>
    %ge3A_65 = arith.cmpf oge, %select_n3A_53, %ge3A_64 : vector<128x128xf32>
    %jit3A_66 = arith.constant 1073741824 : i32
    %broadcast_in_dim3A_67 = vector.broadcast %jit3A_66 : i32 to vector<128x128xi32>
    %select_n3A_68 = arith.select %ge3A_65, %add3A, %broadcast_in_dim3A_67 : vector<128x128xi1>, vector<128x128xi32>
    %reduce_min3A_69 = vector.shape_cast %select_n3A_68 : vector<128x128xi32> to vector<1x128x128xi32>
    %reduce_min3A_70 = arith.constant dense<2147483647> : vector<1xi32>
    %reduce_min3A_71 = vector.multi_reduction <minsi>, %reduce_min3A_69, %reduce_min3A_70 [1, 2] : vector<1x128x128xi32> to vector<1xi32>
    %reduce_min3A_72 = vector.shape_cast %reduce_min3A_71 : vector<1xi32> to vector<1x1x1xi32>
    %reduce_min3A_73 = vector.extract %reduce_min3A_72[0, 0, 0] : i32 from vector<1x1x1xi32>
    %eq3A_74 = vector.broadcast %reduce_min3A_73 : i32 to vector<128x128xi32>
    %eq3A_75 = arith.cmpi eq, %add3A, %eq3A_74 : vector<128x128xi32>
    %jit3A_76 = arith.constant 1.000000e+00 : f32
    %broadcast_in_dim3A_77 = vector.broadcast %jit3A_76 : f32 to vector<128x128xf32>
    %select_n3A_78 = arith.select %eq3A_75, %broadcast_in_dim3A_77, %select_n3A_50 : vector<128x128xi1>, vector<128x128xf32>
    %jit3A_79 = arith.constant 0xFF800000 : f32
    %broadcast_in_dim3A_80 = vector.broadcast %jit3A_79 : f32 to vector<128x128xf32>
    %select_n3A_81 = arith.select %eq3A_75, %broadcast_in_dim3A_80, %select_n3A_53 : vector<128x128xi1>, vector<128x128xf32>
    %eq3A_82 = arith.constant 2 : i32
    %eq3A_83 = vector.broadcast %eq3A_82 : i32 to vector<40x1xi32>
    %eq3A_84 = arith.cmpi eq, %iota3A_3, %eq3A_83 : vector<40x1xi32>
    %broadcast_in_dim3A_85 = vector.broadcast %reduce_min3A_73 : i32 to vector<40x1xi32>
    %select_n3A_86 = arith.select %eq3A_84, %broadcast_in_dim3A_85, %select_n3A_58 : vector<40x1xi1>, vector<40x1xi32>
    %reduce_max3A_87 = vector.shape_cast %select_n3A_81 : vector<128x128xf32> to vector<1x128x128xf32>
    %reduce_max3A_88 = arith.constant dense<0xFF800000> : vector<1xf32>
    %reduce_max3A_89 = vector.multi_reduction <maximumf>, %reduce_max3A_87, %reduce_max3A_88 [1, 2] : vector<1x128x128xf32> to vector<1xf32>
    %reduce_max3A_90 = vector.shape_cast %reduce_max3A_89 : vector<1xf32> to vector<1x1x1xf32>
    %reduce_max3A_91 = vector.extract %reduce_max3A_90[0, 0, 0] : f32 from vector<1x1x1xf32>
    %ge3A_92 = vector.broadcast %reduce_max3A_91 : f32 to vector<128x128xf32>
    %ge3A_93 = arith.cmpf oge, %select_n3A_81, %ge3A_92 : vector<128x128xf32>
    %jit3A_94 = arith.constant 1073741824 : i32
    %broadcast_in_dim3A_95 = vector.broadcast %jit3A_94 : i32 to vector<128x128xi32>
    %select_n3A_96 = arith.select %ge3A_93, %add3A, %broadcast_in_dim3A_95 : vector<128x128xi1>, vector<128x128xi32>
    %reduce_min3A_97 = vector.shape_cast %select_n3A_96 : vector<128x128xi32> to vector<1x128x128xi32>
    %reduce_min3A_98 = arith.constant dense<2147483647> : vector<1xi32>
    %reduce_min3A_99 = vector.multi_reduction <minsi>, %reduce_min3A_97, %reduce_min3A_98 [1, 2] : vector<1x128x128xi32> to vector<1xi32>
    %reduce_min3A_100 = vector.shape_cast %reduce_min3A_99 : vector<1xi32> to vector<1x1x1xi32>
    %reduce_min3A_101 = vector.extract %reduce_min3A_100[0, 0, 0] : i32 from vector<1x1x1xi32>
    %eq3A_102 = vector.broadcast %reduce_min3A_101 : i32 to vector<128x128xi32>
    %eq3A_103 = arith.cmpi eq, %add3A, %eq3A_102 : vector<128x128xi32>
    %jit3A_104 = arith.constant 1.000000e+00 : f32
    %broadcast_in_dim3A_105 = vector.broadcast %jit3A_104 : f32 to vector<128x128xf32>
    %select_n3A_106 = arith.select %eq3A_103, %broadcast_in_dim3A_105, %select_n3A_78 : vector<128x128xi1>, vector<128x128xf32>
    %jit3A_107 = arith.constant 0xFF800000 : f32
    %broadcast_in_dim3A_108 = vector.broadcast %jit3A_107 : f32 to vector<128x128xf32>
    %select_n3A_109 = arith.select %eq3A_103, %broadcast_in_dim3A_108, %select_n3A_81 : vector<128x128xi1>, vector<128x128xf32>
    %eq3A_110 = arith.constant 3 : i32
    %eq3A_111 = vector.broadcast %eq3A_110 : i32 to vector<40x1xi32>
    %eq3A_112 = arith.cmpi eq, %iota3A_3, %eq3A_111 : vector<40x1xi32>
    %broadcast_in_dim3A_113 = vector.broadcast %reduce_min3A_101 : i32 to vector<40x1xi32>
    %select_n3A_114 = arith.select %eq3A_112, %broadcast_in_dim3A_113, %select_n3A_86 : vector<40x1xi1>, vector<40x1xi32>
    %reduce_max3A_115 = vector.shape_cast %select_n3A_109 : vector<128x128xf32> to vector<1x128x128xf32>
    %reduce_max3A_116 = arith.constant dense<0xFF800000> : vector<1xf32>
    %reduce_max3A_117 = vector.multi_reduction <maximumf>, %reduce_max3A_115, %reduce_max3A_116 [1, 2] : vector<1x128x128xf32> to vector<1xf32>
    %reduce_max3A_118 = vector.shape_cast %reduce_max3A_117 : vector<1xf32> to vector<1x1x1xf32>
    %reduce_max3A_119 = vector.extract %reduce_max3A_118[0, 0, 0] : f32 from vector<1x1x1xf32>
    %ge3A_120 = vector.broadcast %reduce_max3A_119 : f32 to vector<128x128xf32>
    %ge3A_121 = arith.cmpf oge, %select_n3A_109, %ge3A_120 : vector<128x128xf32>
    %jit3A_122 = arith.constant 1073741824 : i32
    %broadcast_in_dim3A_123 = vector.broadcast %jit3A_122 : i32 to vector<128x128xi32>
    %select_n3A_124 = arith.select %ge3A_121, %add3A, %broadcast_in_dim3A_123 : vector<128x128xi1>, vector<128x128xi32>
    %reduce_min3A_125 = vector.shape_cast %select_n3A_124 : vector<128x128xi32> to vector<1x128x128xi32>
    %reduce_min3A_126 = arith.constant dense<2147483647> : vector<1xi32>
    %reduce_min3A_127 = vector.multi_reduction <minsi>, %reduce_min3A_125, %reduce_min3A_126 [1, 2] : vector<1x128x128xi32> to vector<1xi32>
    %reduce_min3A_128 = vector.shape_cast %reduce_min3A_127 : vector<1xi32> to vector<1x1x1xi32>
    %reduce_min3A_129 = vector.extract %reduce_min3A_128[0, 0, 0] : i32 from vector<1x1x1xi32>
    %eq3A_130 = vector.broadcast %reduce_min3A_129 : i32 to vector<128x128xi32>
    %eq3A_131 = arith.cmpi eq, %add3A, %eq3A_130 : vector<128x128xi32>
    %jit3A_132 = arith.constant 1.000000e+00 : f32
    %broadcast_in_dim3A_133 = vector.broadcast %jit3A_132 : f32 to vector<128x128xf32>
    %select_n3A_134 = arith.select %eq3A_131, %broadcast_in_dim3A_133, %select_n3A_106 : vector<128x128xi1>, vector<128x128xf32>
    %jit3A_135 = arith.constant 0xFF800000 : f32
    %broadcast_in_dim3A_136 = vector.broadcast %jit3A_135 : f32 to vector<128x128xf32>
    %select_n3A_137 = arith.select %eq3A_131, %broadcast_in_dim3A_136, %select_n3A_109 : vector<128x128xi1>, vector<128x128xf32>
    %eq3A_138 = arith.constant 4 : i32
    %eq3A_139 = vector.broadcast %eq3A_138 : i32 to vector<40x1xi32>
    %eq3A_140 = arith.cmpi eq, %iota3A_3, %eq3A_139 : vector<40x1xi32>
    %broadcast_in_dim3A_141 = vector.broadcast %reduce_min3A_129 : i32 to vector<40x1xi32>
    %select_n3A_142 = arith.select %eq3A_140, %broadcast_in_dim3A_141, %select_n3A_114 : vector<40x1xi1>, vector<40x1xi32>
    %reduce_max3A_143 = vector.shape_cast %select_n3A_137 : vector<128x128xf32> to vector<1x128x128xf32>
    %reduce_max3A_144 = arith.constant dense<0xFF800000> : vector<1xf32>
    %reduce_max3A_145 = vector.multi_reduction <maximumf>, %reduce_max3A_143, %reduce_max3A_144 [1, 2] : vector<1x128x128xf32> to vector<1xf32>
    %reduce_max3A_146 = vector.shape_cast %reduce_max3A_145 : vector<1xf32> to vector<1x1x1xf32>
    %reduce_max3A_147 = vector.extract %reduce_max3A_146[0, 0, 0] : f32 from vector<1x1x1xf32>
    %ge3A_148 = vector.broadcast %reduce_max3A_147 : f32 to vector<128x128xf32>
    %ge3A_149 = arith.cmpf oge, %select_n3A_137, %ge3A_148 : vector<128x128xf32>
    %jit3A_150 = arith.constant 1073741824 : i32
    %broadcast_in_dim3A_151 = vector.broadcast %jit3A_150 : i32 to vector<128x128xi32>
    %select_n3A_152 = arith.select %ge3A_149, %add3A, %broadcast_in_dim3A_151 : vector<128x128xi1>, vector<128x128xi32>
    %reduce_min3A_153 = vector.shape_cast %select_n3A_152 : vector<128x128xi32> to vector<1x128x128xi32>
    %reduce_min3A_154 = arith.constant dense<2147483647> : vector<1xi32>
    %reduce_min3A_155 = vector.multi_reduction <minsi>, %reduce_min3A_153, %reduce_min3A_154 [1, 2] : vector<1x128x128xi32> to vector<1xi32>
    %reduce_min3A_156 = vector.shape_cast %reduce_min3A_155 : vector<1xi32> to vector<1x1x1xi32>
    %reduce_min3A_157 = vector.extract %reduce_min3A_156[0, 0, 0] : i32 from vector<1x1x1xi32>
    %eq3A_158 = vector.broadcast %reduce_min3A_157 : i32 to vector<128x128xi32>
    %eq3A_159 = arith.cmpi eq, %add3A, %eq3A_158 : vector<128x128xi32>
    %jit3A_160 = arith.constant 1.000000e+00 : f32
    %broadcast_in_dim3A_161 = vector.broadcast %jit3A_160 : f32 to vector<128x128xf32>
    %select_n3A_162 = arith.select %eq3A_159, %broadcast_in_dim3A_161, %select_n3A_134 : vector<128x128xi1>, vector<128x128xf32>
    %jit3A_163 = arith.constant 0xFF800000 : f32
    %broadcast_in_dim3A_164 = vector.broadcast %jit3A_163 : f32 to vector<128x128xf32>
    %select_n3A_165 = arith.select %eq3A_159, %broadcast_in_dim3A_164, %select_n3A_137 : vector<128x128xi1>, vector<128x128xf32>
    %eq3A_166 = arith.constant 5 : i32
    %eq3A_167 = vector.broadcast %eq3A_166 : i32 to vector<40x1xi32>
    %eq3A_168 = arith.cmpi eq, %iota3A_3, %eq3A_167 : vector<40x1xi32>
    %broadcast_in_dim3A_169 = vector.broadcast %reduce_min3A_157 : i32 to vector<40x1xi32>
    %select_n3A_170 = arith.select %eq3A_168, %broadcast_in_dim3A_169, %select_n3A_142 : vector<40x1xi1>, vector<40x1xi32>
    %reduce_max3A_171 = vector.shape_cast %select_n3A_165 : vector<128x128xf32> to vector<1x128x128xf32>
    %reduce_max3A_172 = arith.constant dense<0xFF800000> : vector<1xf32>
    %reduce_max3A_173 = vector.multi_reduction <maximumf>, %reduce_max3A_171, %reduce_max3A_172 [1, 2] : vector<1x128x128xf32> to vector<1xf32>
    %reduce_max3A_174 = vector.shape_cast %reduce_max3A_173 : vector<1xf32> to vector<1x1x1xf32>
    %reduce_max3A_175 = vector.extract %reduce_max3A_174[0, 0, 0] : f32 from vector<1x1x1xf32>
    %ge3A_176 = vector.broadcast %reduce_max3A_175 : f32 to vector<128x128xf32>
    %ge3A_177 = arith.cmpf oge, %select_n3A_165, %ge3A_176 : vector<128x128xf32>
    %jit3A_178 = arith.constant 1073741824 : i32
    %broadcast_in_dim3A_179 = vector.broadcast %jit3A_178 : i32 to vector<128x128xi32>
    %select_n3A_180 = arith.select %ge3A_177, %add3A, %broadcast_in_dim3A_179 : vector<128x128xi1>, vector<128x128xi32>
    %reduce_min3A_181 = vector.shape_cast %select_n3A_180 : vector<128x128xi32> to vector<1x128x128xi32>
    %reduce_min3A_182 = arith.constant dense<2147483647> : vector<1xi32>
    %reduce_min3A_183 = vector.multi_reduction <minsi>, %reduce_min3A_181, %reduce_min3A_182 [1, 2] : vector<1x128x128xi32> to vector<1xi32>
    %reduce_min3A_184 = vector.shape_cast %reduce_min3A_183 : vector<1xi32> to vector<1x1x1xi32>
    %reduce_min3A_185 = vector.extract %reduce_min3A_184[0, 0, 0] : i32 from vector<1x1x1xi32>
    %eq3A_186 = vector.broadcast %reduce_min3A_185 : i32 to vector<128x128xi32>
    %eq3A_187 = arith.cmpi eq, %add3A, %eq3A_186 : vector<128x128xi32>
    %jit3A_188 = arith.constant 1.000000e+00 : f32
    %broadcast_in_dim3A_189 = vector.broadcast %jit3A_188 : f32 to vector<128x128xf32>
    %select_n3A_190 = arith.select %eq3A_187, %broadcast_in_dim3A_189, %select_n3A_162 : vector<128x128xi1>, vector<128x128xf32>
    %jit3A_191 = arith.constant 0xFF800000 : f32
    %broadcast_in_dim3A_192 = vector.broadcast %jit3A_191 : f32 to vector<128x128xf32>
    %select_n3A_193 = arith.select %eq3A_187, %broadcast_in_dim3A_192, %select_n3A_165 : vector<128x128xi1>, vector<128x128xf32>
    %eq3A_194 = arith.constant 6 : i32
    %eq3A_195 = vector.broadcast %eq3A_194 : i32 to vector<40x1xi32>
    %eq3A_196 = arith.cmpi eq, %iota3A_3, %eq3A_195 : vector<40x1xi32>
    %broadcast_in_dim3A_197 = vector.broadcast %reduce_min3A_185 : i32 to vector<40x1xi32>
    %select_n3A_198 = arith.select %eq3A_196, %broadcast_in_dim3A_197, %select_n3A_170 : vector<40x1xi1>, vector<40x1xi32>
    %reduce_max3A_199 = vector.shape_cast %select_n3A_193 : vector<128x128xf32> to vector<1x128x128xf32>
    %reduce_max3A_200 = arith.constant dense<0xFF800000> : vector<1xf32>
    %reduce_max3A_201 = vector.multi_reduction <maximumf>, %reduce_max3A_199, %reduce_max3A_200 [1, 2] : vector<1x128x128xf32> to vector<1xf32>
    %reduce_max3A_202 = vector.shape_cast %reduce_max3A_201 : vector<1xf32> to vector<1x1x1xf32>
    %reduce_max3A_203 = vector.extract %reduce_max3A_202[0, 0, 0] : f32 from vector<1x1x1xf32>
    %ge3A_204 = vector.broadcast %reduce_max3A_203 : f32 to vector<128x128xf32>
    %ge3A_205 = arith.cmpf oge, %select_n3A_193, %ge3A_204 : vector<128x128xf32>
    %jit3A_206 = arith.constant 1073741824 : i32
    %broadcast_in_dim3A_207 = vector.broadcast %jit3A_206 : i32 to vector<128x128xi32>
    %select_n3A_208 = arith.select %ge3A_205, %add3A, %broadcast_in_dim3A_207 : vector<128x128xi1>, vector<128x128xi32>
    %reduce_min3A_209 = vector.shape_cast %select_n3A_208 : vector<128x128xi32> to vector<1x128x128xi32>
    %reduce_min3A_210 = arith.constant dense<2147483647> : vector<1xi32>
    %reduce_min3A_211 = vector.multi_reduction <minsi>, %reduce_min3A_209, %reduce_min3A_210 [1, 2] : vector<1x128x128xi32> to vector<1xi32>
    %reduce_min3A_212 = vector.shape_cast %reduce_min3A_211 : vector<1xi32> to vector<1x1x1xi32>
    %reduce_min3A_213 = vector.extract %reduce_min3A_212[0, 0, 0] : i32 from vector<1x1x1xi32>
    %eq3A_214 = vector.broadcast %reduce_min3A_213 : i32 to vector<128x128xi32>
    %eq3A_215 = arith.cmpi eq, %add3A, %eq3A_214 : vector<128x128xi32>
    %jit3A_216 = arith.constant 1.000000e+00 : f32
    %broadcast_in_dim3A_217 = vector.broadcast %jit3A_216 : f32 to vector<128x128xf32>
    %select_n3A_218 = arith.select %eq3A_215, %broadcast_in_dim3A_217, %select_n3A_190 : vector<128x128xi1>, vector<128x128xf32>
    %jit3A_219 = arith.constant 0xFF800000 : f32
    %broadcast_in_dim3A_220 = vector.broadcast %jit3A_219 : f32 to vector<128x128xf32>
    %select_n3A_221 = arith.select %eq3A_215, %broadcast_in_dim3A_220, %select_n3A_193 : vector<128x128xi1>, vector<128x128xf32>
    %eq3A_222 = arith.constant 7 : i32
    %eq3A_223 = vector.broadcast %eq3A_222 : i32 to vector<40x1xi32>
    %eq3A_224 = arith.cmpi eq, %iota3A_3, %eq3A_223 : vector<40x1xi32>
    %broadcast_in_dim3A_225 = vector.broadcast %reduce_min3A_213 : i32 to vector<40x1xi32>
    %select_n3A_226 = arith.select %eq3A_224, %broadcast_in_dim3A_225, %select_n3A_198 : vector<40x1xi1>, vector<40x1xi32>
    %reduce_max3A_227 = vector.shape_cast %select_n3A_221 : vector<128x128xf32> to vector<1x128x128xf32>
    %reduce_max3A_228 = arith.constant dense<0xFF800000> : vector<1xf32>
    %reduce_max3A_229 = vector.multi_reduction <maximumf>, %reduce_max3A_227, %reduce_max3A_228 [1, 2] : vector<1x128x128xf32> to vector<1xf32>
    %reduce_max3A_230 = vector.shape_cast %reduce_max3A_229 : vector<1xf32> to vector<1x1x1xf32>
    %reduce_max3A_231 = vector.extract %reduce_max3A_230[0, 0, 0] : f32 from vector<1x1x1xf32>
    %ge3A_232 = vector.broadcast %reduce_max3A_231 : f32 to vector<128x128xf32>
    %ge3A_233 = arith.cmpf oge, %select_n3A_221, %ge3A_232 : vector<128x128xf32>
    %jit3A_234 = arith.constant 1073741824 : i32
    %broadcast_in_dim3A_235 = vector.broadcast %jit3A_234 : i32 to vector<128x128xi32>
    %select_n3A_236 = arith.select %ge3A_233, %add3A, %broadcast_in_dim3A_235 : vector<128x128xi1>, vector<128x128xi32>
    %reduce_min3A_237 = vector.shape_cast %select_n3A_236 : vector<128x128xi32> to vector<1x128x128xi32>
    %reduce_min3A_238 = arith.constant dense<2147483647> : vector<1xi32>
    %reduce_min3A_239 = vector.multi_reduction <minsi>, %reduce_min3A_237, %reduce_min3A_238 [1, 2] : vector<1x128x128xi32> to vector<1xi32>
    %reduce_min3A_240 = vector.shape_cast %reduce_min3A_239 : vector<1xi32> to vector<1x1x1xi32>
    %reduce_min3A_241 = vector.extract %reduce_min3A_240[0, 0, 0] : i32 from vector<1x1x1xi32>
    %eq3A_242 = vector.broadcast %reduce_min3A_241 : i32 to vector<128x128xi32>
    %eq3A_243 = arith.cmpi eq, %add3A, %eq3A_242 : vector<128x128xi32>
    %jit3A_244 = arith.constant 1.000000e+00 : f32
    %broadcast_in_dim3A_245 = vector.broadcast %jit3A_244 : f32 to vector<128x128xf32>
    %select_n3A_246 = arith.select %eq3A_243, %broadcast_in_dim3A_245, %select_n3A_218 : vector<128x128xi1>, vector<128x128xf32>
    %jit3A_247 = arith.constant 0xFF800000 : f32
    %broadcast_in_dim3A_248 = vector.broadcast %jit3A_247 : f32 to vector<128x128xf32>
    %select_n3A_249 = arith.select %eq3A_243, %broadcast_in_dim3A_248, %select_n3A_221 : vector<128x128xi1>, vector<128x128xf32>
    %eq3A_250 = arith.constant 8 : i32
    %eq3A_251 = vector.broadcast %eq3A_250 : i32 to vector<40x1xi32>
    %eq3A_252 = arith.cmpi eq, %iota3A_3, %eq3A_251 : vector<40x1xi32>
    %broadcast_in_dim3A_253 = vector.broadcast %reduce_min3A_241 : i32 to vector<40x1xi32>
    %select_n3A_254 = arith.select %eq3A_252, %broadcast_in_dim3A_253, %select_n3A_226 : vector<40x1xi1>, vector<40x1xi32>
    %reduce_max3A_255 = vector.shape_cast %select_n3A_249 : vector<128x128xf32> to vector<1x128x128xf32>
    %reduce_max3A_256 = arith.constant dense<0xFF800000> : vector<1xf32>
    %reduce_max3A_257 = vector.multi_reduction <maximumf>, %reduce_max3A_255, %reduce_max3A_256 [1, 2] : vector<1x128x128xf32> to vector<1xf32>
    %reduce_max3A_258 = vector.shape_cast %reduce_max3A_257 : vector<1xf32> to vector<1x1x1xf32>
    %reduce_max3A_259 = vector.extract %reduce_max3A_258[0, 0, 0] : f32 from vector<1x1x1xf32>
    %ge3A_260 = vector.broadcast %reduce_max3A_259 : f32 to vector<128x128xf32>
    %ge3A_261 = arith.cmpf oge, %select_n3A_249, %ge3A_260 : vector<128x128xf32>
    %jit3A_262 = arith.constant 1073741824 : i32
    %broadcast_in_dim3A_263 = vector.broadcast %jit3A_262 : i32 to vector<128x128xi32>
    %select_n3A_264 = arith.select %ge3A_261, %add3A, %broadcast_in_dim3A_263 : vector<128x128xi1>, vector<128x128xi32>
    %reduce_min3A_265 = vector.shape_cast %select_n3A_264 : vector<128x128xi32> to vector<1x128x128xi32>
    %reduce_min3A_266 = arith.constant dense<2147483647> : vector<1xi32>
    %reduce_min3A_267 = vector.multi_reduction <minsi>, %reduce_min3A_265, %reduce_min3A_266 [1, 2] : vector<1x128x128xi32> to vector<1xi32>
    %reduce_min3A_268 = vector.shape_cast %reduce_min3A_267 : vector<1xi32> to vector<1x1x1xi32>
    %reduce_min3A_269 = vector.extract %reduce_min3A_268[0, 0, 0] : i32 from vector<1x1x1xi32>
    %eq3A_270 = vector.broadcast %reduce_min3A_269 : i32 to vector<128x128xi32>
    %eq3A_271 = arith.cmpi eq, %add3A, %eq3A_270 : vector<128x128xi32>
    %jit3A_272 = arith.constant 1.000000e+00 : f32
    %broadcast_in_dim3A_273 = vector.broadcast %jit3A_272 : f32 to vector<128x128xf32>
    %select_n3A_274 = arith.select %eq3A_271, %broadcast_in_dim3A_273, %select_n3A_246 : vector<128x128xi1>, vector<128x128xf32>
    %jit3A_275 = arith.constant 0xFF800000 : f32
    %broadcast_in_dim3A_276 = vector.broadcast %jit3A_275 : f32 to vector<128x128xf32>
    %select_n3A_277 = arith.select %eq3A_271, %broadcast_in_dim3A_276, %select_n3A_249 : vector<128x128xi1>, vector<128x128xf32>
    %eq3A_278 = arith.constant 9 : i32
    %eq3A_279 = vector.broadcast %eq3A_278 : i32 to vector<40x1xi32>
    %eq3A_280 = arith.cmpi eq, %iota3A_3, %eq3A_279 : vector<40x1xi32>
    %broadcast_in_dim3A_281 = vector.broadcast %reduce_min3A_269 : i32 to vector<40x1xi32>
    %select_n3A_282 = arith.select %eq3A_280, %broadcast_in_dim3A_281, %select_n3A_254 : vector<40x1xi1>, vector<40x1xi32>
    %reduce_max3A_283 = vector.shape_cast %select_n3A_277 : vector<128x128xf32> to vector<1x128x128xf32>
    %reduce_max3A_284 = arith.constant dense<0xFF800000> : vector<1xf32>
    %reduce_max3A_285 = vector.multi_reduction <maximumf>, %reduce_max3A_283, %reduce_max3A_284 [1, 2] : vector<1x128x128xf32> to vector<1xf32>
    %reduce_max3A_286 = vector.shape_cast %reduce_max3A_285 : vector<1xf32> to vector<1x1x1xf32>
    %reduce_max3A_287 = vector.extract %reduce_max3A_286[0, 0, 0] : f32 from vector<1x1x1xf32>
    %ge3A_288 = vector.broadcast %reduce_max3A_287 : f32 to vector<128x128xf32>
    %ge3A_289 = arith.cmpf oge, %select_n3A_277, %ge3A_288 : vector<128x128xf32>
    %jit3A_290 = arith.constant 1073741824 : i32
    %broadcast_in_dim3A_291 = vector.broadcast %jit3A_290 : i32 to vector<128x128xi32>
    %select_n3A_292 = arith.select %ge3A_289, %add3A, %broadcast_in_dim3A_291 : vector<128x128xi1>, vector<128x128xi32>
    %reduce_min3A_293 = vector.shape_cast %select_n3A_292 : vector<128x128xi32> to vector<1x128x128xi32>
    %reduce_min3A_294 = arith.constant dense<2147483647> : vector<1xi32>
    %reduce_min3A_295 = vector.multi_reduction <minsi>, %reduce_min3A_293, %reduce_min3A_294 [1, 2] : vector<1x128x128xi32> to vector<1xi32>
    %reduce_min3A_296 = vector.shape_cast %reduce_min3A_295 : vector<1xi32> to vector<1x1x1xi32>
    %reduce_min3A_297 = vector.extract %reduce_min3A_296[0, 0, 0] : i32 from vector<1x1x1xi32>
    %eq3A_298 = vector.broadcast %reduce_min3A_297 : i32 to vector<128x128xi32>
    %eq3A_299 = arith.cmpi eq, %add3A, %eq3A_298 : vector<128x128xi32>
    %jit3A_300 = arith.constant 1.000000e+00 : f32
    %broadcast_in_dim3A_301 = vector.broadcast %jit3A_300 : f32 to vector<128x128xf32>
    %select_n3A_302 = arith.select %eq3A_299, %broadcast_in_dim3A_301, %select_n3A_274 : vector<128x128xi1>, vector<128x128xf32>
    %jit3A_303 = arith.constant 0xFF800000 : f32
    %broadcast_in_dim3A_304 = vector.broadcast %jit3A_303 : f32 to vector<128x128xf32>
    %select_n3A_305 = arith.select %eq3A_299, %broadcast_in_dim3A_304, %select_n3A_277 : vector<128x128xi1>, vector<128x128xf32>
    %eq3A_306 = arith.constant 10 : i32
    %eq3A_307 = vector.broadcast %eq3A_306 : i32 to vector<40x1xi32>
    %eq3A_308 = arith.cmpi eq, %iota3A_3, %eq3A_307 : vector<40x1xi32>
    %broadcast_in_dim3A_309 = vector.broadcast %reduce_min3A_297 : i32 to vector<40x1xi32>
    %select_n3A_310 = arith.select %eq3A_308, %broadcast_in_dim3A_309, %select_n3A_282 : vector<40x1xi1>, vector<40x1xi32>
    %reduce_max3A_311 = vector.shape_cast %select_n3A_305 : vector<128x128xf32> to vector<1x128x128xf32>
    %reduce_max3A_312 = arith.constant dense<0xFF800000> : vector<1xf32>
    %reduce_max3A_313 = vector.multi_reduction <maximumf>, %reduce_max3A_311, %reduce_max3A_312 [1, 2] : vector<1x128x128xf32> to vector<1xf32>
    %reduce_max3A_314 = vector.shape_cast %reduce_max3A_313 : vector<1xf32> to vector<1x1x1xf32>
    %reduce_max3A_315 = vector.extract %reduce_max3A_314[0, 0, 0] : f32 from vector<1x1x1xf32>
    %ge3A_316 = vector.broadcast %reduce_max3A_315 : f32 to vector<128x128xf32>
    %ge3A_317 = arith.cmpf oge, %select_n3A_305, %ge3A_316 : vector<128x128xf32>
    %jit3A_318 = arith.constant 1073741824 : i32
    %broadcast_in_dim3A_319 = vector.broadcast %jit3A_318 : i32 to vector<128x128xi32>
    %select_n3A_320 = arith.select %ge3A_317, %add3A, %broadcast_in_dim3A_319 : vector<128x128xi1>, vector<128x128xi32>
    %reduce_min3A_321 = vector.shape_cast %select_n3A_320 : vector<128x128xi32> to vector<1x128x128xi32>
    %reduce_min3A_322 = arith.constant dense<2147483647> : vector<1xi32>
    %reduce_min3A_323 = vector.multi_reduction <minsi>, %reduce_min3A_321, %reduce_min3A_322 [1, 2] : vector<1x128x128xi32> to vector<1xi32>
    %reduce_min3A_324 = vector.shape_cast %reduce_min3A_323 : vector<1xi32> to vector<1x1x1xi32>
    %reduce_min3A_325 = vector.extract %reduce_min3A_324[0, 0, 0] : i32 from vector<1x1x1xi32>
    %eq3A_326 = vector.broadcast %reduce_min3A_325 : i32 to vector<128x128xi32>
    %eq3A_327 = arith.cmpi eq, %add3A, %eq3A_326 : vector<128x128xi32>
    %jit3A_328 = arith.constant 1.000000e+00 : f32
    %broadcast_in_dim3A_329 = vector.broadcast %jit3A_328 : f32 to vector<128x128xf32>
    %select_n3A_330 = arith.select %eq3A_327, %broadcast_in_dim3A_329, %select_n3A_302 : vector<128x128xi1>, vector<128x128xf32>
    %jit3A_331 = arith.constant 0xFF800000 : f32
    %broadcast_in_dim3A_332 = vector.broadcast %jit3A_331 : f32 to vector<128x128xf32>
    %select_n3A_333 = arith.select %eq3A_327, %broadcast_in_dim3A_332, %select_n3A_305 : vector<128x128xi1>, vector<128x128xf32>
    %eq3A_334 = arith.constant 11 : i32
    %eq3A_335 = vector.broadcast %eq3A_334 : i32 to vector<40x1xi32>
    %eq3A_336 = arith.cmpi eq, %iota3A_3, %eq3A_335 : vector<40x1xi32>
    %broadcast_in_dim3A_337 = vector.broadcast %reduce_min3A_325 : i32 to vector<40x1xi32>
    %select_n3A_338 = arith.select %eq3A_336, %broadcast_in_dim3A_337, %select_n3A_310 : vector<40x1xi1>, vector<40x1xi32>
    %reduce_max3A_339 = vector.shape_cast %select_n3A_333 : vector<128x128xf32> to vector<1x128x128xf32>
    %reduce_max3A_340 = arith.constant dense<0xFF800000> : vector<1xf32>
    %reduce_max3A_341 = vector.multi_reduction <maximumf>, %reduce_max3A_339, %reduce_max3A_340 [1, 2] : vector<1x128x128xf32> to vector<1xf32>
    %reduce_max3A_342 = vector.shape_cast %reduce_max3A_341 : vector<1xf32> to vector<1x1x1xf32>
    %reduce_max3A_343 = vector.extract %reduce_max3A_342[0, 0, 0] : f32 from vector<1x1x1xf32>
    %ge3A_344 = vector.broadcast %reduce_max3A_343 : f32 to vector<128x128xf32>
    %ge3A_345 = arith.cmpf oge, %select_n3A_333, %ge3A_344 : vector<128x128xf32>
    %jit3A_346 = arith.constant 1073741824 : i32
    %broadcast_in_dim3A_347 = vector.broadcast %jit3A_346 : i32 to vector<128x128xi32>
    %select_n3A_348 = arith.select %ge3A_345, %add3A, %broadcast_in_dim3A_347 : vector<128x128xi1>, vector<128x128xi32>
    %reduce_min3A_349 = vector.shape_cast %select_n3A_348 : vector<128x128xi32> to vector<1x128x128xi32>
    %reduce_min3A_350 = arith.constant dense<2147483647> : vector<1xi32>
    %reduce_min3A_351 = vector.multi_reduction <minsi>, %reduce_min3A_349, %reduce_min3A_350 [1, 2] : vector<1x128x128xi32> to vector<1xi32>
    %reduce_min3A_352 = vector.shape_cast %reduce_min3A_351 : vector<1xi32> to vector<1x1x1xi32>
    %reduce_min3A_353 = vector.extract %reduce_min3A_352[0, 0, 0] : i32 from vector<1x1x1xi32>
    %eq3A_354 = vector.broadcast %reduce_min3A_353 : i32 to vector<128x128xi32>
    %eq3A_355 = arith.cmpi eq, %add3A, %eq3A_354 : vector<128x128xi32>
    %jit3A_356 = arith.constant 1.000000e+00 : f32
    %broadcast_in_dim3A_357 = vector.broadcast %jit3A_356 : f32 to vector<128x128xf32>
    %select_n3A_358 = arith.select %eq3A_355, %broadcast_in_dim3A_357, %select_n3A_330 : vector<128x128xi1>, vector<128x128xf32>
    %jit3A_359 = arith.constant 0xFF800000 : f32
    %broadcast_in_dim3A_360 = vector.broadcast %jit3A_359 : f32 to vector<128x128xf32>
    %select_n3A_361 = arith.select %eq3A_355, %broadcast_in_dim3A_360, %select_n3A_333 : vector<128x128xi1>, vector<128x128xf32>
    %eq3A_362 = arith.constant 12 : i32
    %eq3A_363 = vector.broadcast %eq3A_362 : i32 to vector<40x1xi32>
    %eq3A_364 = arith.cmpi eq, %iota3A_3, %eq3A_363 : vector<40x1xi32>
    %broadcast_in_dim3A_365 = vector.broadcast %reduce_min3A_353 : i32 to vector<40x1xi32>
    %select_n3A_366 = arith.select %eq3A_364, %broadcast_in_dim3A_365, %select_n3A_338 : vector<40x1xi1>, vector<40x1xi32>
    %reduce_max3A_367 = vector.shape_cast %select_n3A_361 : vector<128x128xf32> to vector<1x128x128xf32>
    %reduce_max3A_368 = arith.constant dense<0xFF800000> : vector<1xf32>
    %reduce_max3A_369 = vector.multi_reduction <maximumf>, %reduce_max3A_367, %reduce_max3A_368 [1, 2] : vector<1x128x128xf32> to vector<1xf32>
    %reduce_max3A_370 = vector.shape_cast %reduce_max3A_369 : vector<1xf32> to vector<1x1x1xf32>
    %reduce_max3A_371 = vector.extract %reduce_max3A_370[0, 0, 0] : f32 from vector<1x1x1xf32>
    %ge3A_372 = vector.broadcast %reduce_max3A_371 : f32 to vector<128x128xf32>
    %ge3A_373 = arith.cmpf oge, %select_n3A_361, %ge3A_372 : vector<128x128xf32>
    %jit3A_374 = arith.constant 1073741824 : i32
    %broadcast_in_dim3A_375 = vector.broadcast %jit3A_374 : i32 to vector<128x128xi32>
    %select_n3A_376 = arith.select %ge3A_373, %add3A, %broadcast_in_dim3A_375 : vector<128x128xi1>, vector<128x128xi32>
    %reduce_min3A_377 = vector.shape_cast %select_n3A_376 : vector<128x128xi32> to vector<1x128x128xi32>
    %reduce_min3A_378 = arith.constant dense<2147483647> : vector<1xi32>
    %reduce_min3A_379 = vector.multi_reduction <minsi>, %reduce_min3A_377, %reduce_min3A_378 [1, 2] : vector<1x128x128xi32> to vector<1xi32>
    %reduce_min3A_380 = vector.shape_cast %reduce_min3A_379 : vector<1xi32> to vector<1x1x1xi32>
    %reduce_min3A_381 = vector.extract %reduce_min3A_380[0, 0, 0] : i32 from vector<1x1x1xi32>
    %eq3A_382 = vector.broadcast %reduce_min3A_381 : i32 to vector<128x128xi32>
    %eq3A_383 = arith.cmpi eq, %add3A, %eq3A_382 : vector<128x128xi32>
    %jit3A_384 = arith.constant 1.000000e+00 : f32
    %broadcast_in_dim3A_385 = vector.broadcast %jit3A_384 : f32 to vector<128x128xf32>
    %select_n3A_386 = arith.select %eq3A_383, %broadcast_in_dim3A_385, %select_n3A_358 : vector<128x128xi1>, vector<128x128xf32>
    %jit3A_387 = arith.constant 0xFF800000 : f32
    %broadcast_in_dim3A_388 = vector.broadcast %jit3A_387 : f32 to vector<128x128xf32>
    %select_n3A_389 = arith.select %eq3A_383, %broadcast_in_dim3A_388, %select_n3A_361 : vector<128x128xi1>, vector<128x128xf32>
    %eq3A_390 = arith.constant 13 : i32
    %eq3A_391 = vector.broadcast %eq3A_390 : i32 to vector<40x1xi32>
    %eq3A_392 = arith.cmpi eq, %iota3A_3, %eq3A_391 : vector<40x1xi32>
    %broadcast_in_dim3A_393 = vector.broadcast %reduce_min3A_381 : i32 to vector<40x1xi32>
    %select_n3A_394 = arith.select %eq3A_392, %broadcast_in_dim3A_393, %select_n3A_366 : vector<40x1xi1>, vector<40x1xi32>
    %reduce_max3A_395 = vector.shape_cast %select_n3A_389 : vector<128x128xf32> to vector<1x128x128xf32>
    %reduce_max3A_396 = arith.constant dense<0xFF800000> : vector<1xf32>
    %reduce_max3A_397 = vector.multi_reduction <maximumf>, %reduce_max3A_395, %reduce_max3A_396 [1, 2] : vector<1x128x128xf32> to vector<1xf32>
    %reduce_max3A_398 = vector.shape_cast %reduce_max3A_397 : vector<1xf32> to vector<1x1x1xf32>
    %reduce_max3A_399 = vector.extract %reduce_max3A_398[0, 0, 0] : f32 from vector<1x1x1xf32>
    %ge3A_400 = vector.broadcast %reduce_max3A_399 : f32 to vector<128x128xf32>
    %ge3A_401 = arith.cmpf oge, %select_n3A_389, %ge3A_400 : vector<128x128xf32>
    %jit3A_402 = arith.constant 1073741824 : i32
    %broadcast_in_dim3A_403 = vector.broadcast %jit3A_402 : i32 to vector<128x128xi32>
    %select_n3A_404 = arith.select %ge3A_401, %add3A, %broadcast_in_dim3A_403 : vector<128x128xi1>, vector<128x128xi32>
    %reduce_min3A_405 = vector.shape_cast %select_n3A_404 : vector<128x128xi32> to vector<1x128x128xi32>
    %reduce_min3A_406 = arith.constant dense<2147483647> : vector<1xi32>
    %reduce_min3A_407 = vector.multi_reduction <minsi>, %reduce_min3A_405, %reduce_min3A_406 [1, 2] : vector<1x128x128xi32> to vector<1xi32>
    %reduce_min3A_408 = vector.shape_cast %reduce_min3A_407 : vector<1xi32> to vector<1x1x1xi32>
    %reduce_min3A_409 = vector.extract %reduce_min3A_408[0, 0, 0] : i32 from vector<1x1x1xi32>
    %eq3A_410 = vector.broadcast %reduce_min3A_409 : i32 to vector<128x128xi32>
    %eq3A_411 = arith.cmpi eq, %add3A, %eq3A_410 : vector<128x128xi32>
    %jit3A_412 = arith.constant 1.000000e+00 : f32
    %broadcast_in_dim3A_413 = vector.broadcast %jit3A_412 : f32 to vector<128x128xf32>
    %select_n3A_414 = arith.select %eq3A_411, %broadcast_in_dim3A_413, %select_n3A_386 : vector<128x128xi1>, vector<128x128xf32>
    %jit3A_415 = arith.constant 0xFF800000 : f32
    %broadcast_in_dim3A_416 = vector.broadcast %jit3A_415 : f32 to vector<128x128xf32>
    %select_n3A_417 = arith.select %eq3A_411, %broadcast_in_dim3A_416, %select_n3A_389 : vector<128x128xi1>, vector<128x128xf32>
    %eq3A_418 = arith.constant 14 : i32
    %eq3A_419 = vector.broadcast %eq3A_418 : i32 to vector<40x1xi32>
    %eq3A_420 = arith.cmpi eq, %iota3A_3, %eq3A_419 : vector<40x1xi32>
    %broadcast_in_dim3A_421 = vector.broadcast %reduce_min3A_409 : i32 to vector<40x1xi32>
    %select_n3A_422 = arith.select %eq3A_420, %broadcast_in_dim3A_421, %select_n3A_394 : vector<40x1xi1>, vector<40x1xi32>
    %reduce_max3A_423 = vector.shape_cast %select_n3A_417 : vector<128x128xf32> to vector<1x128x128xf32>
    %reduce_max3A_424 = arith.constant dense<0xFF800000> : vector<1xf32>
    %reduce_max3A_425 = vector.multi_reduction <maximumf>, %reduce_max3A_423, %reduce_max3A_424 [1, 2] : vector<1x128x128xf32> to vector<1xf32>
    %reduce_max3A_426 = vector.shape_cast %reduce_max3A_425 : vector<1xf32> to vector<1x1x1xf32>
    %reduce_max3A_427 = vector.extract %reduce_max3A_426[0, 0, 0] : f32 from vector<1x1x1xf32>
    %ge3A_428 = vector.broadcast %reduce_max3A_427 : f32 to vector<128x128xf32>
    %ge3A_429 = arith.cmpf oge, %select_n3A_417, %ge3A_428 : vector<128x128xf32>
    %jit3A_430 = arith.constant 1073741824 : i32
    %broadcast_in_dim3A_431 = vector.broadcast %jit3A_430 : i32 to vector<128x128xi32>
    %select_n3A_432 = arith.select %ge3A_429, %add3A, %broadcast_in_dim3A_431 : vector<128x128xi1>, vector<128x128xi32>
    %reduce_min3A_433 = vector.shape_cast %select_n3A_432 : vector<128x128xi32> to vector<1x128x128xi32>
    %reduce_min3A_434 = arith.constant dense<2147483647> : vector<1xi32>
    %reduce_min3A_435 = vector.multi_reduction <minsi>, %reduce_min3A_433, %reduce_min3A_434 [1, 2] : vector<1x128x128xi32> to vector<1xi32>
    %reduce_min3A_436 = vector.shape_cast %reduce_min3A_435 : vector<1xi32> to vector<1x1x1xi32>
    %reduce_min3A_437 = vector.extract %reduce_min3A_436[0, 0, 0] : i32 from vector<1x1x1xi32>
    %eq3A_438 = vector.broadcast %reduce_min3A_437 : i32 to vector<128x128xi32>
    %eq3A_439 = arith.cmpi eq, %add3A, %eq3A_438 : vector<128x128xi32>
    %jit3A_440 = arith.constant 1.000000e+00 : f32
    %broadcast_in_dim3A_441 = vector.broadcast %jit3A_440 : f32 to vector<128x128xf32>
    %select_n3A_442 = arith.select %eq3A_439, %broadcast_in_dim3A_441, %select_n3A_414 : vector<128x128xi1>, vector<128x128xf32>
    %jit3A_443 = arith.constant 0xFF800000 : f32
    %broadcast_in_dim3A_444 = vector.broadcast %jit3A_443 : f32 to vector<128x128xf32>
    %select_n3A_445 = arith.select %eq3A_439, %broadcast_in_dim3A_444, %select_n3A_417 : vector<128x128xi1>, vector<128x128xf32>
    %eq3A_446 = arith.constant 15 : i32
    %eq3A_447 = vector.broadcast %eq3A_446 : i32 to vector<40x1xi32>
    %eq3A_448 = arith.cmpi eq, %iota3A_3, %eq3A_447 : vector<40x1xi32>
    %broadcast_in_dim3A_449 = vector.broadcast %reduce_min3A_437 : i32 to vector<40x1xi32>
    %select_n3A_450 = arith.select %eq3A_448, %broadcast_in_dim3A_449, %select_n3A_422 : vector<40x1xi1>, vector<40x1xi32>
    %reduce_max3A_451 = vector.shape_cast %select_n3A_445 : vector<128x128xf32> to vector<1x128x128xf32>
    %reduce_max3A_452 = arith.constant dense<0xFF800000> : vector<1xf32>
    %reduce_max3A_453 = vector.multi_reduction <maximumf>, %reduce_max3A_451, %reduce_max3A_452 [1, 2] : vector<1x128x128xf32> to vector<1xf32>
    %reduce_max3A_454 = vector.shape_cast %reduce_max3A_453 : vector<1xf32> to vector<1x1x1xf32>
    %reduce_max3A_455 = vector.extract %reduce_max3A_454[0, 0, 0] : f32 from vector<1x1x1xf32>
    %ge3A_456 = vector.broadcast %reduce_max3A_455 : f32 to vector<128x128xf32>
    %ge3A_457 = arith.cmpf oge, %select_n3A_445, %ge3A_456 : vector<128x128xf32>
    %jit3A_458 = arith.constant 1073741824 : i32
    %broadcast_in_dim3A_459 = vector.broadcast %jit3A_458 : i32 to vector<128x128xi32>
    %select_n3A_460 = arith.select %ge3A_457, %add3A, %broadcast_in_dim3A_459 : vector<128x128xi1>, vector<128x128xi32>
    %reduce_min3A_461 = vector.shape_cast %select_n3A_460 : vector<128x128xi32> to vector<1x128x128xi32>
    %reduce_min3A_462 = arith.constant dense<2147483647> : vector<1xi32>
    %reduce_min3A_463 = vector.multi_reduction <minsi>, %reduce_min3A_461, %reduce_min3A_462 [1, 2] : vector<1x128x128xi32> to vector<1xi32>
    %reduce_min3A_464 = vector.shape_cast %reduce_min3A_463 : vector<1xi32> to vector<1x1x1xi32>
    %reduce_min3A_465 = vector.extract %reduce_min3A_464[0, 0, 0] : i32 from vector<1x1x1xi32>
    %eq3A_466 = vector.broadcast %reduce_min3A_465 : i32 to vector<128x128xi32>
    %eq3A_467 = arith.cmpi eq, %add3A, %eq3A_466 : vector<128x128xi32>
    %jit3A_468 = arith.constant 1.000000e+00 : f32
    %broadcast_in_dim3A_469 = vector.broadcast %jit3A_468 : f32 to vector<128x128xf32>
    %select_n3A_470 = arith.select %eq3A_467, %broadcast_in_dim3A_469, %select_n3A_442 : vector<128x128xi1>, vector<128x128xf32>
    %jit3A_471 = arith.constant 0xFF800000 : f32
    %broadcast_in_dim3A_472 = vector.broadcast %jit3A_471 : f32 to vector<128x128xf32>
    %select_n3A_473 = arith.select %eq3A_467, %broadcast_in_dim3A_472, %select_n3A_445 : vector<128x128xi1>, vector<128x128xf32>
    %eq3A_474 = arith.constant 16 : i32
    %eq3A_475 = vector.broadcast %eq3A_474 : i32 to vector<40x1xi32>
    %eq3A_476 = arith.cmpi eq, %iota3A_3, %eq3A_475 : vector<40x1xi32>
    %broadcast_in_dim3A_477 = vector.broadcast %reduce_min3A_465 : i32 to vector<40x1xi32>
    %select_n3A_478 = arith.select %eq3A_476, %broadcast_in_dim3A_477, %select_n3A_450 : vector<40x1xi1>, vector<40x1xi32>
    %reduce_max3A_479 = vector.shape_cast %select_n3A_473 : vector<128x128xf32> to vector<1x128x128xf32>
    %reduce_max3A_480 = arith.constant dense<0xFF800000> : vector<1xf32>
    %reduce_max3A_481 = vector.multi_reduction <maximumf>, %reduce_max3A_479, %reduce_max3A_480 [1, 2] : vector<1x128x128xf32> to vector<1xf32>
    %reduce_max3A_482 = vector.shape_cast %reduce_max3A_481 : vector<1xf32> to vector<1x1x1xf32>
    %reduce_max3A_483 = vector.extract %reduce_max3A_482[0, 0, 0] : f32 from vector<1x1x1xf32>
    %ge3A_484 = vector.broadcast %reduce_max3A_483 : f32 to vector<128x128xf32>
    %ge3A_485 = arith.cmpf oge, %select_n3A_473, %ge3A_484 : vector<128x128xf32>
    %jit3A_486 = arith.constant 1073741824 : i32
    %broadcast_in_dim3A_487 = vector.broadcast %jit3A_486 : i32 to vector<128x128xi32>
    %select_n3A_488 = arith.select %ge3A_485, %add3A, %broadcast_in_dim3A_487 : vector<128x128xi1>, vector<128x128xi32>
    %reduce_min3A_489 = vector.shape_cast %select_n3A_488 : vector<128x128xi32> to vector<1x128x128xi32>
    %reduce_min3A_490 = arith.constant dense<2147483647> : vector<1xi32>
    %reduce_min3A_491 = vector.multi_reduction <minsi>, %reduce_min3A_489, %reduce_min3A_490 [1, 2] : vector<1x128x128xi32> to vector<1xi32>
    %reduce_min3A_492 = vector.shape_cast %reduce_min3A_491 : vector<1xi32> to vector<1x1x1xi32>
    %reduce_min3A_493 = vector.extract %reduce_min3A_492[0, 0, 0] : i32 from vector<1x1x1xi32>
    %eq3A_494 = vector.broadcast %reduce_min3A_493 : i32 to vector<128x128xi32>
    %eq3A_495 = arith.cmpi eq, %add3A, %eq3A_494 : vector<128x128xi32>
    %jit3A_496 = arith.constant 1.000000e+00 : f32
    %broadcast_in_dim3A_497 = vector.broadcast %jit3A_496 : f32 to vector<128x128xf32>
    %select_n3A_498 = arith.select %eq3A_495, %broadcast_in_dim3A_497, %select_n3A_470 : vector<128x128xi1>, vector<128x128xf32>
    %jit3A_499 = arith.constant 0xFF800000 : f32
    %broadcast_in_dim3A_500 = vector.broadcast %jit3A_499 : f32 to vector<128x128xf32>
    %select_n3A_501 = arith.select %eq3A_495, %broadcast_in_dim3A_500, %select_n3A_473 : vector<128x128xi1>, vector<128x128xf32>
    %eq3A_502 = arith.constant 17 : i32
    %eq3A_503 = vector.broadcast %eq3A_502 : i32 to vector<40x1xi32>
    %eq3A_504 = arith.cmpi eq, %iota3A_3, %eq3A_503 : vector<40x1xi32>
    %broadcast_in_dim3A_505 = vector.broadcast %reduce_min3A_493 : i32 to vector<40x1xi32>
    %select_n3A_506 = arith.select %eq3A_504, %broadcast_in_dim3A_505, %select_n3A_478 : vector<40x1xi1>, vector<40x1xi32>
    %reduce_max3A_507 = vector.shape_cast %select_n3A_501 : vector<128x128xf32> to vector<1x128x128xf32>
    %reduce_max3A_508 = arith.constant dense<0xFF800000> : vector<1xf32>
    %reduce_max3A_509 = vector.multi_reduction <maximumf>, %reduce_max3A_507, %reduce_max3A_508 [1, 2] : vector<1x128x128xf32> to vector<1xf32>
    %reduce_max3A_510 = vector.shape_cast %reduce_max3A_509 : vector<1xf32> to vector<1x1x1xf32>
    %reduce_max3A_511 = vector.extract %reduce_max3A_510[0, 0, 0] : f32 from vector<1x1x1xf32>
    %ge3A_512 = vector.broadcast %reduce_max3A_511 : f32 to vector<128x128xf32>
    %ge3A_513 = arith.cmpf oge, %select_n3A_501, %ge3A_512 : vector<128x128xf32>
    %jit3A_514 = arith.constant 1073741824 : i32
    %broadcast_in_dim3A_515 = vector.broadcast %jit3A_514 : i32 to vector<128x128xi32>
    %select_n3A_516 = arith.select %ge3A_513, %add3A, %broadcast_in_dim3A_515 : vector<128x128xi1>, vector<128x128xi32>
    %reduce_min3A_517 = vector.shape_cast %select_n3A_516 : vector<128x128xi32> to vector<1x128x128xi32>
    %reduce_min3A_518 = arith.constant dense<2147483647> : vector<1xi32>
    %reduce_min3A_519 = vector.multi_reduction <minsi>, %reduce_min3A_517, %reduce_min3A_518 [1, 2] : vector<1x128x128xi32> to vector<1xi32>
    %reduce_min3A_520 = vector.shape_cast %reduce_min3A_519 : vector<1xi32> to vector<1x1x1xi32>
    %reduce_min3A_521 = vector.extract %reduce_min3A_520[0, 0, 0] : i32 from vector<1x1x1xi32>
    %eq3A_522 = vector.broadcast %reduce_min3A_521 : i32 to vector<128x128xi32>
    %eq3A_523 = arith.cmpi eq, %add3A, %eq3A_522 : vector<128x128xi32>
    %jit3A_524 = arith.constant 1.000000e+00 : f32
    %broadcast_in_dim3A_525 = vector.broadcast %jit3A_524 : f32 to vector<128x128xf32>
    %select_n3A_526 = arith.select %eq3A_523, %broadcast_in_dim3A_525, %select_n3A_498 : vector<128x128xi1>, vector<128x128xf32>
    %jit3A_527 = arith.constant 0xFF800000 : f32
    %broadcast_in_dim3A_528 = vector.broadcast %jit3A_527 : f32 to vector<128x128xf32>
    %select_n3A_529 = arith.select %eq3A_523, %broadcast_in_dim3A_528, %select_n3A_501 : vector<128x128xi1>, vector<128x128xf32>
    %eq3A_530 = arith.constant 18 : i32
    %eq3A_531 = vector.broadcast %eq3A_530 : i32 to vector<40x1xi32>
    %eq3A_532 = arith.cmpi eq, %iota3A_3, %eq3A_531 : vector<40x1xi32>
    %broadcast_in_dim3A_533 = vector.broadcast %reduce_min3A_521 : i32 to vector<40x1xi32>
    %select_n3A_534 = arith.select %eq3A_532, %broadcast_in_dim3A_533, %select_n3A_506 : vector<40x1xi1>, vector<40x1xi32>
    %reduce_max3A_535 = vector.shape_cast %select_n3A_529 : vector<128x128xf32> to vector<1x128x128xf32>
    %reduce_max3A_536 = arith.constant dense<0xFF800000> : vector<1xf32>
    %reduce_max3A_537 = vector.multi_reduction <maximumf>, %reduce_max3A_535, %reduce_max3A_536 [1, 2] : vector<1x128x128xf32> to vector<1xf32>
    %reduce_max3A_538 = vector.shape_cast %reduce_max3A_537 : vector<1xf32> to vector<1x1x1xf32>
    %reduce_max3A_539 = vector.extract %reduce_max3A_538[0, 0, 0] : f32 from vector<1x1x1xf32>
    %ge3A_540 = vector.broadcast %reduce_max3A_539 : f32 to vector<128x128xf32>
    %ge3A_541 = arith.cmpf oge, %select_n3A_529, %ge3A_540 : vector<128x128xf32>
    %jit3A_542 = arith.constant 1073741824 : i32
    %broadcast_in_dim3A_543 = vector.broadcast %jit3A_542 : i32 to vector<128x128xi32>
    %select_n3A_544 = arith.select %ge3A_541, %add3A, %broadcast_in_dim3A_543 : vector<128x128xi1>, vector<128x128xi32>
    %reduce_min3A_545 = vector.shape_cast %select_n3A_544 : vector<128x128xi32> to vector<1x128x128xi32>
    %reduce_min3A_546 = arith.constant dense<2147483647> : vector<1xi32>
    %reduce_min3A_547 = vector.multi_reduction <minsi>, %reduce_min3A_545, %reduce_min3A_546 [1, 2] : vector<1x128x128xi32> to vector<1xi32>
    %reduce_min3A_548 = vector.shape_cast %reduce_min3A_547 : vector<1xi32> to vector<1x1x1xi32>
    %reduce_min3A_549 = vector.extract %reduce_min3A_548[0, 0, 0] : i32 from vector<1x1x1xi32>
    %eq3A_550 = vector.broadcast %reduce_min3A_549 : i32 to vector<128x128xi32>
    %eq3A_551 = arith.cmpi eq, %add3A, %eq3A_550 : vector<128x128xi32>
    %jit3A_552 = arith.constant 1.000000e+00 : f32
    %broadcast_in_dim3A_553 = vector.broadcast %jit3A_552 : f32 to vector<128x128xf32>
    %select_n3A_554 = arith.select %eq3A_551, %broadcast_in_dim3A_553, %select_n3A_526 : vector<128x128xi1>, vector<128x128xf32>
    %jit3A_555 = arith.constant 0xFF800000 : f32
    %broadcast_in_dim3A_556 = vector.broadcast %jit3A_555 : f32 to vector<128x128xf32>
    %select_n3A_557 = arith.select %eq3A_551, %broadcast_in_dim3A_556, %select_n3A_529 : vector<128x128xi1>, vector<128x128xf32>
    %eq3A_558 = arith.constant 19 : i32
    %eq3A_559 = vector.broadcast %eq3A_558 : i32 to vector<40x1xi32>
    %eq3A_560 = arith.cmpi eq, %iota3A_3, %eq3A_559 : vector<40x1xi32>
    %broadcast_in_dim3A_561 = vector.broadcast %reduce_min3A_549 : i32 to vector<40x1xi32>
    %select_n3A_562 = arith.select %eq3A_560, %broadcast_in_dim3A_561, %select_n3A_534 : vector<40x1xi1>, vector<40x1xi32>
    %reduce_max3A_563 = vector.shape_cast %select_n3A_557 : vector<128x128xf32> to vector<1x128x128xf32>
    %reduce_max3A_564 = arith.constant dense<0xFF800000> : vector<1xf32>
    %reduce_max3A_565 = vector.multi_reduction <maximumf>, %reduce_max3A_563, %reduce_max3A_564 [1, 2] : vector<1x128x128xf32> to vector<1xf32>
    %reduce_max3A_566 = vector.shape_cast %reduce_max3A_565 : vector<1xf32> to vector<1x1x1xf32>
    %reduce_max3A_567 = vector.extract %reduce_max3A_566[0, 0, 0] : f32 from vector<1x1x1xf32>
    %ge3A_568 = vector.broadcast %reduce_max3A_567 : f32 to vector<128x128xf32>
    %ge3A_569 = arith.cmpf oge, %select_n3A_557, %ge3A_568 : vector<128x128xf32>
    %jit3A_570 = arith.constant 1073741824 : i32
    %broadcast_in_dim3A_571 = vector.broadcast %jit3A_570 : i32 to vector<128x128xi32>
    %select_n3A_572 = arith.select %ge3A_569, %add3A, %broadcast_in_dim3A_571 : vector<128x128xi1>, vector<128x128xi32>
    %reduce_min3A_573 = vector.shape_cast %select_n3A_572 : vector<128x128xi32> to vector<1x128x128xi32>
    %reduce_min3A_574 = arith.constant dense<2147483647> : vector<1xi32>
    %reduce_min3A_575 = vector.multi_reduction <minsi>, %reduce_min3A_573, %reduce_min3A_574 [1, 2] : vector<1x128x128xi32> to vector<1xi32>
    %reduce_min3A_576 = vector.shape_cast %reduce_min3A_575 : vector<1xi32> to vector<1x1x1xi32>
    %reduce_min3A_577 = vector.extract %reduce_min3A_576[0, 0, 0] : i32 from vector<1x1x1xi32>
    %eq3A_578 = vector.broadcast %reduce_min3A_577 : i32 to vector<128x128xi32>
    %eq3A_579 = arith.cmpi eq, %add3A, %eq3A_578 : vector<128x128xi32>
    %jit3A_580 = arith.constant 1.000000e+00 : f32
    %broadcast_in_dim3A_581 = vector.broadcast %jit3A_580 : f32 to vector<128x128xf32>
    %select_n3A_582 = arith.select %eq3A_579, %broadcast_in_dim3A_581, %select_n3A_554 : vector<128x128xi1>, vector<128x128xf32>
    %jit3A_583 = arith.constant 0xFF800000 : f32
    %broadcast_in_dim3A_584 = vector.broadcast %jit3A_583 : f32 to vector<128x128xf32>
    %select_n3A_585 = arith.select %eq3A_579, %broadcast_in_dim3A_584, %select_n3A_557 : vector<128x128xi1>, vector<128x128xf32>
    %eq3A_586 = arith.constant 20 : i32
    %eq3A_587 = vector.broadcast %eq3A_586 : i32 to vector<40x1xi32>
    %eq3A_588 = arith.cmpi eq, %iota3A_3, %eq3A_587 : vector<40x1xi32>
    %broadcast_in_dim3A_589 = vector.broadcast %reduce_min3A_577 : i32 to vector<40x1xi32>
    %select_n3A_590 = arith.select %eq3A_588, %broadcast_in_dim3A_589, %select_n3A_562 : vector<40x1xi1>, vector<40x1xi32>
    %reduce_max3A_591 = vector.shape_cast %select_n3A_585 : vector<128x128xf32> to vector<1x128x128xf32>
    %reduce_max3A_592 = arith.constant dense<0xFF800000> : vector<1xf32>
    %reduce_max3A_593 = vector.multi_reduction <maximumf>, %reduce_max3A_591, %reduce_max3A_592 [1, 2] : vector<1x128x128xf32> to vector<1xf32>
    %reduce_max3A_594 = vector.shape_cast %reduce_max3A_593 : vector<1xf32> to vector<1x1x1xf32>
    %reduce_max3A_595 = vector.extract %reduce_max3A_594[0, 0, 0] : f32 from vector<1x1x1xf32>
    %ge3A_596 = vector.broadcast %reduce_max3A_595 : f32 to vector<128x128xf32>
    %ge3A_597 = arith.cmpf oge, %select_n3A_585, %ge3A_596 : vector<128x128xf32>
    %jit3A_598 = arith.constant 1073741824 : i32
    %broadcast_in_dim3A_599 = vector.broadcast %jit3A_598 : i32 to vector<128x128xi32>
    %select_n3A_600 = arith.select %ge3A_597, %add3A, %broadcast_in_dim3A_599 : vector<128x128xi1>, vector<128x128xi32>
    %reduce_min3A_601 = vector.shape_cast %select_n3A_600 : vector<128x128xi32> to vector<1x128x128xi32>
    %reduce_min3A_602 = arith.constant dense<2147483647> : vector<1xi32>
    %reduce_min3A_603 = vector.multi_reduction <minsi>, %reduce_min3A_601, %reduce_min3A_602 [1, 2] : vector<1x128x128xi32> to vector<1xi32>
    %reduce_min3A_604 = vector.shape_cast %reduce_min3A_603 : vector<1xi32> to vector<1x1x1xi32>
    %reduce_min3A_605 = vector.extract %reduce_min3A_604[0, 0, 0] : i32 from vector<1x1x1xi32>
    %eq3A_606 = vector.broadcast %reduce_min3A_605 : i32 to vector<128x128xi32>
    %eq3A_607 = arith.cmpi eq, %add3A, %eq3A_606 : vector<128x128xi32>
    %jit3A_608 = arith.constant 1.000000e+00 : f32
    %broadcast_in_dim3A_609 = vector.broadcast %jit3A_608 : f32 to vector<128x128xf32>
    %select_n3A_610 = arith.select %eq3A_607, %broadcast_in_dim3A_609, %select_n3A_582 : vector<128x128xi1>, vector<128x128xf32>
    %jit3A_611 = arith.constant 0xFF800000 : f32
    %broadcast_in_dim3A_612 = vector.broadcast %jit3A_611 : f32 to vector<128x128xf32>
    %select_n3A_613 = arith.select %eq3A_607, %broadcast_in_dim3A_612, %select_n3A_585 : vector<128x128xi1>, vector<128x128xf32>
    %eq3A_614 = arith.constant 21 : i32
    %eq3A_615 = vector.broadcast %eq3A_614 : i32 to vector<40x1xi32>
    %eq3A_616 = arith.cmpi eq, %iota3A_3, %eq3A_615 : vector<40x1xi32>
    %broadcast_in_dim3A_617 = vector.broadcast %reduce_min3A_605 : i32 to vector<40x1xi32>
    %select_n3A_618 = arith.select %eq3A_616, %broadcast_in_dim3A_617, %select_n3A_590 : vector<40x1xi1>, vector<40x1xi32>
    %reduce_max3A_619 = vector.shape_cast %select_n3A_613 : vector<128x128xf32> to vector<1x128x128xf32>
    %reduce_max3A_620 = arith.constant dense<0xFF800000> : vector<1xf32>
    %reduce_max3A_621 = vector.multi_reduction <maximumf>, %reduce_max3A_619, %reduce_max3A_620 [1, 2] : vector<1x128x128xf32> to vector<1xf32>
    %reduce_max3A_622 = vector.shape_cast %reduce_max3A_621 : vector<1xf32> to vector<1x1x1xf32>
    %reduce_max3A_623 = vector.extract %reduce_max3A_622[0, 0, 0] : f32 from vector<1x1x1xf32>
    %ge3A_624 = vector.broadcast %reduce_max3A_623 : f32 to vector<128x128xf32>
    %ge3A_625 = arith.cmpf oge, %select_n3A_613, %ge3A_624 : vector<128x128xf32>
    %jit3A_626 = arith.constant 1073741824 : i32
    %broadcast_in_dim3A_627 = vector.broadcast %jit3A_626 : i32 to vector<128x128xi32>
    %select_n3A_628 = arith.select %ge3A_625, %add3A, %broadcast_in_dim3A_627 : vector<128x128xi1>, vector<128x128xi32>
    %reduce_min3A_629 = vector.shape_cast %select_n3A_628 : vector<128x128xi32> to vector<1x128x128xi32>
    %reduce_min3A_630 = arith.constant dense<2147483647> : vector<1xi32>
    %reduce_min3A_631 = vector.multi_reduction <minsi>, %reduce_min3A_629, %reduce_min3A_630 [1, 2] : vector<1x128x128xi32> to vector<1xi32>
    %reduce_min3A_632 = vector.shape_cast %reduce_min3A_631 : vector<1xi32> to vector<1x1x1xi32>
    %reduce_min3A_633 = vector.extract %reduce_min3A_632[0, 0, 0] : i32 from vector<1x1x1xi32>
    %eq3A_634 = vector.broadcast %reduce_min3A_633 : i32 to vector<128x128xi32>
    %eq3A_635 = arith.cmpi eq, %add3A, %eq3A_634 : vector<128x128xi32>
    %jit3A_636 = arith.constant 1.000000e+00 : f32
    %broadcast_in_dim3A_637 = vector.broadcast %jit3A_636 : f32 to vector<128x128xf32>
    %select_n3A_638 = arith.select %eq3A_635, %broadcast_in_dim3A_637, %select_n3A_610 : vector<128x128xi1>, vector<128x128xf32>
    %jit3A_639 = arith.constant 0xFF800000 : f32
    %broadcast_in_dim3A_640 = vector.broadcast %jit3A_639 : f32 to vector<128x128xf32>
    %select_n3A_641 = arith.select %eq3A_635, %broadcast_in_dim3A_640, %select_n3A_613 : vector<128x128xi1>, vector<128x128xf32>
    %eq3A_642 = arith.constant 22 : i32
    %eq3A_643 = vector.broadcast %eq3A_642 : i32 to vector<40x1xi32>
    %eq3A_644 = arith.cmpi eq, %iota3A_3, %eq3A_643 : vector<40x1xi32>
    %broadcast_in_dim3A_645 = vector.broadcast %reduce_min3A_633 : i32 to vector<40x1xi32>
    %select_n3A_646 = arith.select %eq3A_644, %broadcast_in_dim3A_645, %select_n3A_618 : vector<40x1xi1>, vector<40x1xi32>
    %reduce_max3A_647 = vector.shape_cast %select_n3A_641 : vector<128x128xf32> to vector<1x128x128xf32>
    %reduce_max3A_648 = arith.constant dense<0xFF800000> : vector<1xf32>
    %reduce_max3A_649 = vector.multi_reduction <maximumf>, %reduce_max3A_647, %reduce_max3A_648 [1, 2] : vector<1x128x128xf32> to vector<1xf32>
    %reduce_max3A_650 = vector.shape_cast %reduce_max3A_649 : vector<1xf32> to vector<1x1x1xf32>
    %reduce_max3A_651 = vector.extract %reduce_max3A_650[0, 0, 0] : f32 from vector<1x1x1xf32>
    %ge3A_652 = vector.broadcast %reduce_max3A_651 : f32 to vector<128x128xf32>
    %ge3A_653 = arith.cmpf oge, %select_n3A_641, %ge3A_652 : vector<128x128xf32>
    %jit3A_654 = arith.constant 1073741824 : i32
    %broadcast_in_dim3A_655 = vector.broadcast %jit3A_654 : i32 to vector<128x128xi32>
    %select_n3A_656 = arith.select %ge3A_653, %add3A, %broadcast_in_dim3A_655 : vector<128x128xi1>, vector<128x128xi32>
    %reduce_min3A_657 = vector.shape_cast %select_n3A_656 : vector<128x128xi32> to vector<1x128x128xi32>
    %reduce_min3A_658 = arith.constant dense<2147483647> : vector<1xi32>
    %reduce_min3A_659 = vector.multi_reduction <minsi>, %reduce_min3A_657, %reduce_min3A_658 [1, 2] : vector<1x128x128xi32> to vector<1xi32>
    %reduce_min3A_660 = vector.shape_cast %reduce_min3A_659 : vector<1xi32> to vector<1x1x1xi32>
    %reduce_min3A_661 = vector.extract %reduce_min3A_660[0, 0, 0] : i32 from vector<1x1x1xi32>
    %eq3A_662 = vector.broadcast %reduce_min3A_661 : i32 to vector<128x128xi32>
    %eq3A_663 = arith.cmpi eq, %add3A, %eq3A_662 : vector<128x128xi32>
    %jit3A_664 = arith.constant 1.000000e+00 : f32
    %broadcast_in_dim3A_665 = vector.broadcast %jit3A_664 : f32 to vector<128x128xf32>
    %select_n3A_666 = arith.select %eq3A_663, %broadcast_in_dim3A_665, %select_n3A_638 : vector<128x128xi1>, vector<128x128xf32>
    %jit3A_667 = arith.constant 0xFF800000 : f32
    %broadcast_in_dim3A_668 = vector.broadcast %jit3A_667 : f32 to vector<128x128xf32>
    %select_n3A_669 = arith.select %eq3A_663, %broadcast_in_dim3A_668, %select_n3A_641 : vector<128x128xi1>, vector<128x128xf32>
    %eq3A_670 = arith.constant 23 : i32
    %eq3A_671 = vector.broadcast %eq3A_670 : i32 to vector<40x1xi32>
    %eq3A_672 = arith.cmpi eq, %iota3A_3, %eq3A_671 : vector<40x1xi32>
    %broadcast_in_dim3A_673 = vector.broadcast %reduce_min3A_661 : i32 to vector<40x1xi32>
    %select_n3A_674 = arith.select %eq3A_672, %broadcast_in_dim3A_673, %select_n3A_646 : vector<40x1xi1>, vector<40x1xi32>
    %reduce_max3A_675 = vector.shape_cast %select_n3A_669 : vector<128x128xf32> to vector<1x128x128xf32>
    %reduce_max3A_676 = arith.constant dense<0xFF800000> : vector<1xf32>
    %reduce_max3A_677 = vector.multi_reduction <maximumf>, %reduce_max3A_675, %reduce_max3A_676 [1, 2] : vector<1x128x128xf32> to vector<1xf32>
    %reduce_max3A_678 = vector.shape_cast %reduce_max3A_677 : vector<1xf32> to vector<1x1x1xf32>
    %reduce_max3A_679 = vector.extract %reduce_max3A_678[0, 0, 0] : f32 from vector<1x1x1xf32>
    %ge3A_680 = vector.broadcast %reduce_max3A_679 : f32 to vector<128x128xf32>
    %ge3A_681 = arith.cmpf oge, %select_n3A_669, %ge3A_680 : vector<128x128xf32>
    %jit3A_682 = arith.constant 1073741824 : i32
    %broadcast_in_dim3A_683 = vector.broadcast %jit3A_682 : i32 to vector<128x128xi32>
    %select_n3A_684 = arith.select %ge3A_681, %add3A, %broadcast_in_dim3A_683 : vector<128x128xi1>, vector<128x128xi32>
    %reduce_min3A_685 = vector.shape_cast %select_n3A_684 : vector<128x128xi32> to vector<1x128x128xi32>
    %reduce_min3A_686 = arith.constant dense<2147483647> : vector<1xi32>
    %reduce_min3A_687 = vector.multi_reduction <minsi>, %reduce_min3A_685, %reduce_min3A_686 [1, 2] : vector<1x128x128xi32> to vector<1xi32>
    %reduce_min3A_688 = vector.shape_cast %reduce_min3A_687 : vector<1xi32> to vector<1x1x1xi32>
    %reduce_min3A_689 = vector.extract %reduce_min3A_688[0, 0, 0] : i32 from vector<1x1x1xi32>
    %eq3A_690 = vector.broadcast %reduce_min3A_689 : i32 to vector<128x128xi32>
    %eq3A_691 = arith.cmpi eq, %add3A, %eq3A_690 : vector<128x128xi32>
    %jit3A_692 = arith.constant 1.000000e+00 : f32
    %broadcast_in_dim3A_693 = vector.broadcast %jit3A_692 : f32 to vector<128x128xf32>
    %select_n3A_694 = arith.select %eq3A_691, %broadcast_in_dim3A_693, %select_n3A_666 : vector<128x128xi1>, vector<128x128xf32>
    %jit3A_695 = arith.constant 0xFF800000 : f32
    %broadcast_in_dim3A_696 = vector.broadcast %jit3A_695 : f32 to vector<128x128xf32>
    %select_n3A_697 = arith.select %eq3A_691, %broadcast_in_dim3A_696, %select_n3A_669 : vector<128x128xi1>, vector<128x128xf32>
    %eq3A_698 = arith.constant 24 : i32
    %eq3A_699 = vector.broadcast %eq3A_698 : i32 to vector<40x1xi32>
    %eq3A_700 = arith.cmpi eq, %iota3A_3, %eq3A_699 : vector<40x1xi32>
    %broadcast_in_dim3A_701 = vector.broadcast %reduce_min3A_689 : i32 to vector<40x1xi32>
    %select_n3A_702 = arith.select %eq3A_700, %broadcast_in_dim3A_701, %select_n3A_674 : vector<40x1xi1>, vector<40x1xi32>
    %reduce_max3A_703 = vector.shape_cast %select_n3A_697 : vector<128x128xf32> to vector<1x128x128xf32>
    %reduce_max3A_704 = arith.constant dense<0xFF800000> : vector<1xf32>
    %reduce_max3A_705 = vector.multi_reduction <maximumf>, %reduce_max3A_703, %reduce_max3A_704 [1, 2] : vector<1x128x128xf32> to vector<1xf32>
    %reduce_max3A_706 = vector.shape_cast %reduce_max3A_705 : vector<1xf32> to vector<1x1x1xf32>
    %reduce_max3A_707 = vector.extract %reduce_max3A_706[0, 0, 0] : f32 from vector<1x1x1xf32>
    %ge3A_708 = vector.broadcast %reduce_max3A_707 : f32 to vector<128x128xf32>
    %ge3A_709 = arith.cmpf oge, %select_n3A_697, %ge3A_708 : vector<128x128xf32>
    %jit3A_710 = arith.constant 1073741824 : i32
    %broadcast_in_dim3A_711 = vector.broadcast %jit3A_710 : i32 to vector<128x128xi32>
    %select_n3A_712 = arith.select %ge3A_709, %add3A, %broadcast_in_dim3A_711 : vector<128x128xi1>, vector<128x128xi32>
    %reduce_min3A_713 = vector.shape_cast %select_n3A_712 : vector<128x128xi32> to vector<1x128x128xi32>
    %reduce_min3A_714 = arith.constant dense<2147483647> : vector<1xi32>
    %reduce_min3A_715 = vector.multi_reduction <minsi>, %reduce_min3A_713, %reduce_min3A_714 [1, 2] : vector<1x128x128xi32> to vector<1xi32>
    %reduce_min3A_716 = vector.shape_cast %reduce_min3A_715 : vector<1xi32> to vector<1x1x1xi32>
    %reduce_min3A_717 = vector.extract %reduce_min3A_716[0, 0, 0] : i32 from vector<1x1x1xi32>
    %eq3A_718 = vector.broadcast %reduce_min3A_717 : i32 to vector<128x128xi32>
    %eq3A_719 = arith.cmpi eq, %add3A, %eq3A_718 : vector<128x128xi32>
    %jit3A_720 = arith.constant 1.000000e+00 : f32
    %broadcast_in_dim3A_721 = vector.broadcast %jit3A_720 : f32 to vector<128x128xf32>
    %select_n3A_722 = arith.select %eq3A_719, %broadcast_in_dim3A_721, %select_n3A_694 : vector<128x128xi1>, vector<128x128xf32>
    %jit3A_723 = arith.constant 0xFF800000 : f32
    %broadcast_in_dim3A_724 = vector.broadcast %jit3A_723 : f32 to vector<128x128xf32>
    %select_n3A_725 = arith.select %eq3A_719, %broadcast_in_dim3A_724, %select_n3A_697 : vector<128x128xi1>, vector<128x128xf32>
    %eq3A_726 = arith.constant 25 : i32
    %eq3A_727 = vector.broadcast %eq3A_726 : i32 to vector<40x1xi32>
    %eq3A_728 = arith.cmpi eq, %iota3A_3, %eq3A_727 : vector<40x1xi32>
    %broadcast_in_dim3A_729 = vector.broadcast %reduce_min3A_717 : i32 to vector<40x1xi32>
    %select_n3A_730 = arith.select %eq3A_728, %broadcast_in_dim3A_729, %select_n3A_702 : vector<40x1xi1>, vector<40x1xi32>
    %reduce_max3A_731 = vector.shape_cast %select_n3A_725 : vector<128x128xf32> to vector<1x128x128xf32>
    %reduce_max3A_732 = arith.constant dense<0xFF800000> : vector<1xf32>
    %reduce_max3A_733 = vector.multi_reduction <maximumf>, %reduce_max3A_731, %reduce_max3A_732 [1, 2] : vector<1x128x128xf32> to vector<1xf32>
    %reduce_max3A_734 = vector.shape_cast %reduce_max3A_733 : vector<1xf32> to vector<1x1x1xf32>
    %reduce_max3A_735 = vector.extract %reduce_max3A_734[0, 0, 0] : f32 from vector<1x1x1xf32>
    %ge3A_736 = vector.broadcast %reduce_max3A_735 : f32 to vector<128x128xf32>
    %ge3A_737 = arith.cmpf oge, %select_n3A_725, %ge3A_736 : vector<128x128xf32>
    %jit3A_738 = arith.constant 1073741824 : i32
    %broadcast_in_dim3A_739 = vector.broadcast %jit3A_738 : i32 to vector<128x128xi32>
    %select_n3A_740 = arith.select %ge3A_737, %add3A, %broadcast_in_dim3A_739 : vector<128x128xi1>, vector<128x128xi32>
    %reduce_min3A_741 = vector.shape_cast %select_n3A_740 : vector<128x128xi32> to vector<1x128x128xi32>
    %reduce_min3A_742 = arith.constant dense<2147483647> : vector<1xi32>
    %reduce_min3A_743 = vector.multi_reduction <minsi>, %reduce_min3A_741, %reduce_min3A_742 [1, 2] : vector<1x128x128xi32> to vector<1xi32>
    %reduce_min3A_744 = vector.shape_cast %reduce_min3A_743 : vector<1xi32> to vector<1x1x1xi32>
    %reduce_min3A_745 = vector.extract %reduce_min3A_744[0, 0, 0] : i32 from vector<1x1x1xi32>
    %eq3A_746 = vector.broadcast %reduce_min3A_745 : i32 to vector<128x128xi32>
    %eq3A_747 = arith.cmpi eq, %add3A, %eq3A_746 : vector<128x128xi32>
    %jit3A_748 = arith.constant 1.000000e+00 : f32
    %broadcast_in_dim3A_749 = vector.broadcast %jit3A_748 : f32 to vector<128x128xf32>
    %select_n3A_750 = arith.select %eq3A_747, %broadcast_in_dim3A_749, %select_n3A_722 : vector<128x128xi1>, vector<128x128xf32>
    %jit3A_751 = arith.constant 0xFF800000 : f32
    %broadcast_in_dim3A_752 = vector.broadcast %jit3A_751 : f32 to vector<128x128xf32>
    %select_n3A_753 = arith.select %eq3A_747, %broadcast_in_dim3A_752, %select_n3A_725 : vector<128x128xi1>, vector<128x128xf32>
    %eq3A_754 = arith.constant 26 : i32
    %eq3A_755 = vector.broadcast %eq3A_754 : i32 to vector<40x1xi32>
    %eq3A_756 = arith.cmpi eq, %iota3A_3, %eq3A_755 : vector<40x1xi32>
    %broadcast_in_dim3A_757 = vector.broadcast %reduce_min3A_745 : i32 to vector<40x1xi32>
    %select_n3A_758 = arith.select %eq3A_756, %broadcast_in_dim3A_757, %select_n3A_730 : vector<40x1xi1>, vector<40x1xi32>
    %reduce_max3A_759 = vector.shape_cast %select_n3A_753 : vector<128x128xf32> to vector<1x128x128xf32>
    %reduce_max3A_760 = arith.constant dense<0xFF800000> : vector<1xf32>
    %reduce_max3A_761 = vector.multi_reduction <maximumf>, %reduce_max3A_759, %reduce_max3A_760 [1, 2] : vector<1x128x128xf32> to vector<1xf32>
    %reduce_max3A_762 = vector.shape_cast %reduce_max3A_761 : vector<1xf32> to vector<1x1x1xf32>
    %reduce_max3A_763 = vector.extract %reduce_max3A_762[0, 0, 0] : f32 from vector<1x1x1xf32>
    %ge3A_764 = vector.broadcast %reduce_max3A_763 : f32 to vector<128x128xf32>
    %ge3A_765 = arith.cmpf oge, %select_n3A_753, %ge3A_764 : vector<128x128xf32>
    %jit3A_766 = arith.constant 1073741824 : i32
    %broadcast_in_dim3A_767 = vector.broadcast %jit3A_766 : i32 to vector<128x128xi32>
    %select_n3A_768 = arith.select %ge3A_765, %add3A, %broadcast_in_dim3A_767 : vector<128x128xi1>, vector<128x128xi32>
    %reduce_min3A_769 = vector.shape_cast %select_n3A_768 : vector<128x128xi32> to vector<1x128x128xi32>
    %reduce_min3A_770 = arith.constant dense<2147483647> : vector<1xi32>
    %reduce_min3A_771 = vector.multi_reduction <minsi>, %reduce_min3A_769, %reduce_min3A_770 [1, 2] : vector<1x128x128xi32> to vector<1xi32>
    %reduce_min3A_772 = vector.shape_cast %reduce_min3A_771 : vector<1xi32> to vector<1x1x1xi32>
    %reduce_min3A_773 = vector.extract %reduce_min3A_772[0, 0, 0] : i32 from vector<1x1x1xi32>
    %eq3A_774 = vector.broadcast %reduce_min3A_773 : i32 to vector<128x128xi32>
    %eq3A_775 = arith.cmpi eq, %add3A, %eq3A_774 : vector<128x128xi32>
    %jit3A_776 = arith.constant 1.000000e+00 : f32
    %broadcast_in_dim3A_777 = vector.broadcast %jit3A_776 : f32 to vector<128x128xf32>
    %select_n3A_778 = arith.select %eq3A_775, %broadcast_in_dim3A_777, %select_n3A_750 : vector<128x128xi1>, vector<128x128xf32>
    %jit3A_779 = arith.constant 0xFF800000 : f32
    %broadcast_in_dim3A_780 = vector.broadcast %jit3A_779 : f32 to vector<128x128xf32>
    %select_n3A_781 = arith.select %eq3A_775, %broadcast_in_dim3A_780, %select_n3A_753 : vector<128x128xi1>, vector<128x128xf32>
    %eq3A_782 = arith.constant 27 : i32
    %eq3A_783 = vector.broadcast %eq3A_782 : i32 to vector<40x1xi32>
    %eq3A_784 = arith.cmpi eq, %iota3A_3, %eq3A_783 : vector<40x1xi32>
    %broadcast_in_dim3A_785 = vector.broadcast %reduce_min3A_773 : i32 to vector<40x1xi32>
    %select_n3A_786 = arith.select %eq3A_784, %broadcast_in_dim3A_785, %select_n3A_758 : vector<40x1xi1>, vector<40x1xi32>
    %reduce_max3A_787 = vector.shape_cast %select_n3A_781 : vector<128x128xf32> to vector<1x128x128xf32>
    %reduce_max3A_788 = arith.constant dense<0xFF800000> : vector<1xf32>
    %reduce_max3A_789 = vector.multi_reduction <maximumf>, %reduce_max3A_787, %reduce_max3A_788 [1, 2] : vector<1x128x128xf32> to vector<1xf32>
    %reduce_max3A_790 = vector.shape_cast %reduce_max3A_789 : vector<1xf32> to vector<1x1x1xf32>
    %reduce_max3A_791 = vector.extract %reduce_max3A_790[0, 0, 0] : f32 from vector<1x1x1xf32>
    %ge3A_792 = vector.broadcast %reduce_max3A_791 : f32 to vector<128x128xf32>
    %ge3A_793 = arith.cmpf oge, %select_n3A_781, %ge3A_792 : vector<128x128xf32>
    %jit3A_794 = arith.constant 1073741824 : i32
    %broadcast_in_dim3A_795 = vector.broadcast %jit3A_794 : i32 to vector<128x128xi32>
    %select_n3A_796 = arith.select %ge3A_793, %add3A, %broadcast_in_dim3A_795 : vector<128x128xi1>, vector<128x128xi32>
    %reduce_min3A_797 = vector.shape_cast %select_n3A_796 : vector<128x128xi32> to vector<1x128x128xi32>
    %reduce_min3A_798 = arith.constant dense<2147483647> : vector<1xi32>
    %reduce_min3A_799 = vector.multi_reduction <minsi>, %reduce_min3A_797, %reduce_min3A_798 [1, 2] : vector<1x128x128xi32> to vector<1xi32>
    %reduce_min3A_800 = vector.shape_cast %reduce_min3A_799 : vector<1xi32> to vector<1x1x1xi32>
    %reduce_min3A_801 = vector.extract %reduce_min3A_800[0, 0, 0] : i32 from vector<1x1x1xi32>
    %eq3A_802 = vector.broadcast %reduce_min3A_801 : i32 to vector<128x128xi32>
    %eq3A_803 = arith.cmpi eq, %add3A, %eq3A_802 : vector<128x128xi32>
    %jit3A_804 = arith.constant 1.000000e+00 : f32
    %broadcast_in_dim3A_805 = vector.broadcast %jit3A_804 : f32 to vector<128x128xf32>
    %select_n3A_806 = arith.select %eq3A_803, %broadcast_in_dim3A_805, %select_n3A_778 : vector<128x128xi1>, vector<128x128xf32>
    %jit3A_807 = arith.constant 0xFF800000 : f32
    %broadcast_in_dim3A_808 = vector.broadcast %jit3A_807 : f32 to vector<128x128xf32>
    %select_n3A_809 = arith.select %eq3A_803, %broadcast_in_dim3A_808, %select_n3A_781 : vector<128x128xi1>, vector<128x128xf32>
    %eq3A_810 = arith.constant 28 : i32
    %eq3A_811 = vector.broadcast %eq3A_810 : i32 to vector<40x1xi32>
    %eq3A_812 = arith.cmpi eq, %iota3A_3, %eq3A_811 : vector<40x1xi32>
    %broadcast_in_dim3A_813 = vector.broadcast %reduce_min3A_801 : i32 to vector<40x1xi32>
    %select_n3A_814 = arith.select %eq3A_812, %broadcast_in_dim3A_813, %select_n3A_786 : vector<40x1xi1>, vector<40x1xi32>
    %reduce_max3A_815 = vector.shape_cast %select_n3A_809 : vector<128x128xf32> to vector<1x128x128xf32>
    %reduce_max3A_816 = arith.constant dense<0xFF800000> : vector<1xf32>
    %reduce_max3A_817 = vector.multi_reduction <maximumf>, %reduce_max3A_815, %reduce_max3A_816 [1, 2] : vector<1x128x128xf32> to vector<1xf32>
    %reduce_max3A_818 = vector.shape_cast %reduce_max3A_817 : vector<1xf32> to vector<1x1x1xf32>
    %reduce_max3A_819 = vector.extract %reduce_max3A_818[0, 0, 0] : f32 from vector<1x1x1xf32>
    %ge3A_820 = vector.broadcast %reduce_max3A_819 : f32 to vector<128x128xf32>
    %ge3A_821 = arith.cmpf oge, %select_n3A_809, %ge3A_820 : vector<128x128xf32>
    %jit3A_822 = arith.constant 1073741824 : i32
    %broadcast_in_dim3A_823 = vector.broadcast %jit3A_822 : i32 to vector<128x128xi32>
    %select_n3A_824 = arith.select %ge3A_821, %add3A, %broadcast_in_dim3A_823 : vector<128x128xi1>, vector<128x128xi32>
    %reduce_min3A_825 = vector.shape_cast %select_n3A_824 : vector<128x128xi32> to vector<1x128x128xi32>
    %reduce_min3A_826 = arith.constant dense<2147483647> : vector<1xi32>
    %reduce_min3A_827 = vector.multi_reduction <minsi>, %reduce_min3A_825, %reduce_min3A_826 [1, 2] : vector<1x128x128xi32> to vector<1xi32>
    %reduce_min3A_828 = vector.shape_cast %reduce_min3A_827 : vector<1xi32> to vector<1x1x1xi32>
    %reduce_min3A_829 = vector.extract %reduce_min3A_828[0, 0, 0] : i32 from vector<1x1x1xi32>
    %eq3A_830 = vector.broadcast %reduce_min3A_829 : i32 to vector<128x128xi32>
    %eq3A_831 = arith.cmpi eq, %add3A, %eq3A_830 : vector<128x128xi32>
    %jit3A_832 = arith.constant 1.000000e+00 : f32
    %broadcast_in_dim3A_833 = vector.broadcast %jit3A_832 : f32 to vector<128x128xf32>
    %select_n3A_834 = arith.select %eq3A_831, %broadcast_in_dim3A_833, %select_n3A_806 : vector<128x128xi1>, vector<128x128xf32>
    %jit3A_835 = arith.constant 0xFF800000 : f32
    %broadcast_in_dim3A_836 = vector.broadcast %jit3A_835 : f32 to vector<128x128xf32>
    %select_n3A_837 = arith.select %eq3A_831, %broadcast_in_dim3A_836, %select_n3A_809 : vector<128x128xi1>, vector<128x128xf32>
    %eq3A_838 = arith.constant 29 : i32
    %eq3A_839 = vector.broadcast %eq3A_838 : i32 to vector<40x1xi32>
    %eq3A_840 = arith.cmpi eq, %iota3A_3, %eq3A_839 : vector<40x1xi32>
    %broadcast_in_dim3A_841 = vector.broadcast %reduce_min3A_829 : i32 to vector<40x1xi32>
    %select_n3A_842 = arith.select %eq3A_840, %broadcast_in_dim3A_841, %select_n3A_814 : vector<40x1xi1>, vector<40x1xi32>
    %reduce_max3A_843 = vector.shape_cast %select_n3A_837 : vector<128x128xf32> to vector<1x128x128xf32>
    %reduce_max3A_844 = arith.constant dense<0xFF800000> : vector<1xf32>
    %reduce_max3A_845 = vector.multi_reduction <maximumf>, %reduce_max3A_843, %reduce_max3A_844 [1, 2] : vector<1x128x128xf32> to vector<1xf32>
    %reduce_max3A_846 = vector.shape_cast %reduce_max3A_845 : vector<1xf32> to vector<1x1x1xf32>
    %reduce_max3A_847 = vector.extract %reduce_max3A_846[0, 0, 0] : f32 from vector<1x1x1xf32>
    %ge3A_848 = vector.broadcast %reduce_max3A_847 : f32 to vector<128x128xf32>
    %ge3A_849 = arith.cmpf oge, %select_n3A_837, %ge3A_848 : vector<128x128xf32>
    %jit3A_850 = arith.constant 1073741824 : i32
    %broadcast_in_dim3A_851 = vector.broadcast %jit3A_850 : i32 to vector<128x128xi32>
    %select_n3A_852 = arith.select %ge3A_849, %add3A, %broadcast_in_dim3A_851 : vector<128x128xi1>, vector<128x128xi32>
    %reduce_min3A_853 = vector.shape_cast %select_n3A_852 : vector<128x128xi32> to vector<1x128x128xi32>
    %reduce_min3A_854 = arith.constant dense<2147483647> : vector<1xi32>
    %reduce_min3A_855 = vector.multi_reduction <minsi>, %reduce_min3A_853, %reduce_min3A_854 [1, 2] : vector<1x128x128xi32> to vector<1xi32>
    %reduce_min3A_856 = vector.shape_cast %reduce_min3A_855 : vector<1xi32> to vector<1x1x1xi32>
    %reduce_min3A_857 = vector.extract %reduce_min3A_856[0, 0, 0] : i32 from vector<1x1x1xi32>
    %eq3A_858 = vector.broadcast %reduce_min3A_857 : i32 to vector<128x128xi32>
    %eq3A_859 = arith.cmpi eq, %add3A, %eq3A_858 : vector<128x128xi32>
    %jit3A_860 = arith.constant 1.000000e+00 : f32
    %broadcast_in_dim3A_861 = vector.broadcast %jit3A_860 : f32 to vector<128x128xf32>
    %select_n3A_862 = arith.select %eq3A_859, %broadcast_in_dim3A_861, %select_n3A_834 : vector<128x128xi1>, vector<128x128xf32>
    %jit3A_863 = arith.constant 0xFF800000 : f32
    %broadcast_in_dim3A_864 = vector.broadcast %jit3A_863 : f32 to vector<128x128xf32>
    %select_n3A_865 = arith.select %eq3A_859, %broadcast_in_dim3A_864, %select_n3A_837 : vector<128x128xi1>, vector<128x128xf32>
    %eq3A_866 = arith.constant 30 : i32
    %eq3A_867 = vector.broadcast %eq3A_866 : i32 to vector<40x1xi32>
    %eq3A_868 = arith.cmpi eq, %iota3A_3, %eq3A_867 : vector<40x1xi32>
    %broadcast_in_dim3A_869 = vector.broadcast %reduce_min3A_857 : i32 to vector<40x1xi32>
    %select_n3A_870 = arith.select %eq3A_868, %broadcast_in_dim3A_869, %select_n3A_842 : vector<40x1xi1>, vector<40x1xi32>
    %reduce_max3A_871 = vector.shape_cast %select_n3A_865 : vector<128x128xf32> to vector<1x128x128xf32>
    %reduce_max3A_872 = arith.constant dense<0xFF800000> : vector<1xf32>
    %reduce_max3A_873 = vector.multi_reduction <maximumf>, %reduce_max3A_871, %reduce_max3A_872 [1, 2] : vector<1x128x128xf32> to vector<1xf32>
    %reduce_max3A_874 = vector.shape_cast %reduce_max3A_873 : vector<1xf32> to vector<1x1x1xf32>
    %reduce_max3A_875 = vector.extract %reduce_max3A_874[0, 0, 0] : f32 from vector<1x1x1xf32>
    %ge3A_876 = vector.broadcast %reduce_max3A_875 : f32 to vector<128x128xf32>
    %ge3A_877 = arith.cmpf oge, %select_n3A_865, %ge3A_876 : vector<128x128xf32>
    %jit3A_878 = arith.constant 1073741824 : i32
    %broadcast_in_dim3A_879 = vector.broadcast %jit3A_878 : i32 to vector<128x128xi32>
    %select_n3A_880 = arith.select %ge3A_877, %add3A, %broadcast_in_dim3A_879 : vector<128x128xi1>, vector<128x128xi32>
    %reduce_min3A_881 = vector.shape_cast %select_n3A_880 : vector<128x128xi32> to vector<1x128x128xi32>
    %reduce_min3A_882 = arith.constant dense<2147483647> : vector<1xi32>
    %reduce_min3A_883 = vector.multi_reduction <minsi>, %reduce_min3A_881, %reduce_min3A_882 [1, 2] : vector<1x128x128xi32> to vector<1xi32>
    %reduce_min3A_884 = vector.shape_cast %reduce_min3A_883 : vector<1xi32> to vector<1x1x1xi32>
    %reduce_min3A_885 = vector.extract %reduce_min3A_884[0, 0, 0] : i32 from vector<1x1x1xi32>
    %eq3A_886 = vector.broadcast %reduce_min3A_885 : i32 to vector<128x128xi32>
    %eq3A_887 = arith.cmpi eq, %add3A, %eq3A_886 : vector<128x128xi32>
    %jit3A_888 = arith.constant 1.000000e+00 : f32
    %broadcast_in_dim3A_889 = vector.broadcast %jit3A_888 : f32 to vector<128x128xf32>
    %select_n3A_890 = arith.select %eq3A_887, %broadcast_in_dim3A_889, %select_n3A_862 : vector<128x128xi1>, vector<128x128xf32>
    %jit3A_891 = arith.constant 0xFF800000 : f32
    %broadcast_in_dim3A_892 = vector.broadcast %jit3A_891 : f32 to vector<128x128xf32>
    %select_n3A_893 = arith.select %eq3A_887, %broadcast_in_dim3A_892, %select_n3A_865 : vector<128x128xi1>, vector<128x128xf32>
    %eq3A_894 = arith.constant 31 : i32
    %eq3A_895 = vector.broadcast %eq3A_894 : i32 to vector<40x1xi32>
    %eq3A_896 = arith.cmpi eq, %iota3A_3, %eq3A_895 : vector<40x1xi32>
    %broadcast_in_dim3A_897 = vector.broadcast %reduce_min3A_885 : i32 to vector<40x1xi32>
    %select_n3A_898 = arith.select %eq3A_896, %broadcast_in_dim3A_897, %select_n3A_870 : vector<40x1xi1>, vector<40x1xi32>
    %reduce_max3A_899 = vector.shape_cast %select_n3A_893 : vector<128x128xf32> to vector<1x128x128xf32>
    %reduce_max3A_900 = arith.constant dense<0xFF800000> : vector<1xf32>
    %reduce_max3A_901 = vector.multi_reduction <maximumf>, %reduce_max3A_899, %reduce_max3A_900 [1, 2] : vector<1x128x128xf32> to vector<1xf32>
    %reduce_max3A_902 = vector.shape_cast %reduce_max3A_901 : vector<1xf32> to vector<1x1x1xf32>
    %reduce_max3A_903 = vector.extract %reduce_max3A_902[0, 0, 0] : f32 from vector<1x1x1xf32>
    %ge3A_904 = vector.broadcast %reduce_max3A_903 : f32 to vector<128x128xf32>
    %ge3A_905 = arith.cmpf oge, %select_n3A_893, %ge3A_904 : vector<128x128xf32>
    %jit3A_906 = arith.constant 1073741824 : i32
    %broadcast_in_dim3A_907 = vector.broadcast %jit3A_906 : i32 to vector<128x128xi32>
    %select_n3A_908 = arith.select %ge3A_905, %add3A, %broadcast_in_dim3A_907 : vector<128x128xi1>, vector<128x128xi32>
    %reduce_min3A_909 = vector.shape_cast %select_n3A_908 : vector<128x128xi32> to vector<1x128x128xi32>
    %reduce_min3A_910 = arith.constant dense<2147483647> : vector<1xi32>
    %reduce_min3A_911 = vector.multi_reduction <minsi>, %reduce_min3A_909, %reduce_min3A_910 [1, 2] : vector<1x128x128xi32> to vector<1xi32>
    %reduce_min3A_912 = vector.shape_cast %reduce_min3A_911 : vector<1xi32> to vector<1x1x1xi32>
    %reduce_min3A_913 = vector.extract %reduce_min3A_912[0, 0, 0] : i32 from vector<1x1x1xi32>
    %eq3A_914 = vector.broadcast %reduce_min3A_913 : i32 to vector<128x128xi32>
    %eq3A_915 = arith.cmpi eq, %add3A, %eq3A_914 : vector<128x128xi32>
    %jit3A_916 = arith.constant 1.000000e+00 : f32
    %broadcast_in_dim3A_917 = vector.broadcast %jit3A_916 : f32 to vector<128x128xf32>
    %select_n3A_918 = arith.select %eq3A_915, %broadcast_in_dim3A_917, %select_n3A_890 : vector<128x128xi1>, vector<128x128xf32>
    %jit3A_919 = arith.constant 0xFF800000 : f32
    %broadcast_in_dim3A_920 = vector.broadcast %jit3A_919 : f32 to vector<128x128xf32>
    %select_n3A_921 = arith.select %eq3A_915, %broadcast_in_dim3A_920, %select_n3A_893 : vector<128x128xi1>, vector<128x128xf32>
    %eq3A_922 = arith.constant 32 : i32
    %eq3A_923 = vector.broadcast %eq3A_922 : i32 to vector<40x1xi32>
    %eq3A_924 = arith.cmpi eq, %iota3A_3, %eq3A_923 : vector<40x1xi32>
    %broadcast_in_dim3A_925 = vector.broadcast %reduce_min3A_913 : i32 to vector<40x1xi32>
    %select_n3A_926 = arith.select %eq3A_924, %broadcast_in_dim3A_925, %select_n3A_898 : vector<40x1xi1>, vector<40x1xi32>
    %reduce_max3A_927 = vector.shape_cast %select_n3A_921 : vector<128x128xf32> to vector<1x128x128xf32>
    %reduce_max3A_928 = arith.constant dense<0xFF800000> : vector<1xf32>
    %reduce_max3A_929 = vector.multi_reduction <maximumf>, %reduce_max3A_927, %reduce_max3A_928 [1, 2] : vector<1x128x128xf32> to vector<1xf32>
    %reduce_max3A_930 = vector.shape_cast %reduce_max3A_929 : vector<1xf32> to vector<1x1x1xf32>
    %reduce_max3A_931 = vector.extract %reduce_max3A_930[0, 0, 0] : f32 from vector<1x1x1xf32>
    %ge3A_932 = vector.broadcast %reduce_max3A_931 : f32 to vector<128x128xf32>
    %ge3A_933 = arith.cmpf oge, %select_n3A_921, %ge3A_932 : vector<128x128xf32>
    %jit3A_934 = arith.constant 1073741824 : i32
    %broadcast_in_dim3A_935 = vector.broadcast %jit3A_934 : i32 to vector<128x128xi32>
    %select_n3A_936 = arith.select %ge3A_933, %add3A, %broadcast_in_dim3A_935 : vector<128x128xi1>, vector<128x128xi32>
    %reduce_min3A_937 = vector.shape_cast %select_n3A_936 : vector<128x128xi32> to vector<1x128x128xi32>
    %reduce_min3A_938 = arith.constant dense<2147483647> : vector<1xi32>
    %reduce_min3A_939 = vector.multi_reduction <minsi>, %reduce_min3A_937, %reduce_min3A_938 [1, 2] : vector<1x128x128xi32> to vector<1xi32>
    %reduce_min3A_940 = vector.shape_cast %reduce_min3A_939 : vector<1xi32> to vector<1x1x1xi32>
    %reduce_min3A_941 = vector.extract %reduce_min3A_940[0, 0, 0] : i32 from vector<1x1x1xi32>
    %eq3A_942 = vector.broadcast %reduce_min3A_941 : i32 to vector<128x128xi32>
    %eq3A_943 = arith.cmpi eq, %add3A, %eq3A_942 : vector<128x128xi32>
    %jit3A_944 = arith.constant 1.000000e+00 : f32
    %broadcast_in_dim3A_945 = vector.broadcast %jit3A_944 : f32 to vector<128x128xf32>
    %select_n3A_946 = arith.select %eq3A_943, %broadcast_in_dim3A_945, %select_n3A_918 : vector<128x128xi1>, vector<128x128xf32>
    %jit3A_947 = arith.constant 0xFF800000 : f32
    %broadcast_in_dim3A_948 = vector.broadcast %jit3A_947 : f32 to vector<128x128xf32>
    %select_n3A_949 = arith.select %eq3A_943, %broadcast_in_dim3A_948, %select_n3A_921 : vector<128x128xi1>, vector<128x128xf32>
    %eq3A_950 = arith.constant 33 : i32
    %eq3A_951 = vector.broadcast %eq3A_950 : i32 to vector<40x1xi32>
    %eq3A_952 = arith.cmpi eq, %iota3A_3, %eq3A_951 : vector<40x1xi32>
    %broadcast_in_dim3A_953 = vector.broadcast %reduce_min3A_941 : i32 to vector<40x1xi32>
    %select_n3A_954 = arith.select %eq3A_952, %broadcast_in_dim3A_953, %select_n3A_926 : vector<40x1xi1>, vector<40x1xi32>
    %reduce_max3A_955 = vector.shape_cast %select_n3A_949 : vector<128x128xf32> to vector<1x128x128xf32>
    %reduce_max3A_956 = arith.constant dense<0xFF800000> : vector<1xf32>
    %reduce_max3A_957 = vector.multi_reduction <maximumf>, %reduce_max3A_955, %reduce_max3A_956 [1, 2] : vector<1x128x128xf32> to vector<1xf32>
    %reduce_max3A_958 = vector.shape_cast %reduce_max3A_957 : vector<1xf32> to vector<1x1x1xf32>
    %reduce_max3A_959 = vector.extract %reduce_max3A_958[0, 0, 0] : f32 from vector<1x1x1xf32>
    %ge3A_960 = vector.broadcast %reduce_max3A_959 : f32 to vector<128x128xf32>
    %ge3A_961 = arith.cmpf oge, %select_n3A_949, %ge3A_960 : vector<128x128xf32>
    %jit3A_962 = arith.constant 1073741824 : i32
    %broadcast_in_dim3A_963 = vector.broadcast %jit3A_962 : i32 to vector<128x128xi32>
    %select_n3A_964 = arith.select %ge3A_961, %add3A, %broadcast_in_dim3A_963 : vector<128x128xi1>, vector<128x128xi32>
    %reduce_min3A_965 = vector.shape_cast %select_n3A_964 : vector<128x128xi32> to vector<1x128x128xi32>
    %reduce_min3A_966 = arith.constant dense<2147483647> : vector<1xi32>
    %reduce_min3A_967 = vector.multi_reduction <minsi>, %reduce_min3A_965, %reduce_min3A_966 [1, 2] : vector<1x128x128xi32> to vector<1xi32>
    %reduce_min3A_968 = vector.shape_cast %reduce_min3A_967 : vector<1xi32> to vector<1x1x1xi32>
    %reduce_min3A_969 = vector.extract %reduce_min3A_968[0, 0, 0] : i32 from vector<1x1x1xi32>
    %eq3A_970 = vector.broadcast %reduce_min3A_969 : i32 to vector<128x128xi32>
    %eq3A_971 = arith.cmpi eq, %add3A, %eq3A_970 : vector<128x128xi32>
    %jit3A_972 = arith.constant 1.000000e+00 : f32
    %broadcast_in_dim3A_973 = vector.broadcast %jit3A_972 : f32 to vector<128x128xf32>
    %select_n3A_974 = arith.select %eq3A_971, %broadcast_in_dim3A_973, %select_n3A_946 : vector<128x128xi1>, vector<128x128xf32>
    %jit3A_975 = arith.constant 0xFF800000 : f32
    %broadcast_in_dim3A_976 = vector.broadcast %jit3A_975 : f32 to vector<128x128xf32>
    %select_n3A_977 = arith.select %eq3A_971, %broadcast_in_dim3A_976, %select_n3A_949 : vector<128x128xi1>, vector<128x128xf32>
    %eq3A_978 = arith.constant 34 : i32
    %eq3A_979 = vector.broadcast %eq3A_978 : i32 to vector<40x1xi32>
    %eq3A_980 = arith.cmpi eq, %iota3A_3, %eq3A_979 : vector<40x1xi32>
    %broadcast_in_dim3A_981 = vector.broadcast %reduce_min3A_969 : i32 to vector<40x1xi32>
    %select_n3A_982 = arith.select %eq3A_980, %broadcast_in_dim3A_981, %select_n3A_954 : vector<40x1xi1>, vector<40x1xi32>
    %reduce_max3A_983 = vector.shape_cast %select_n3A_977 : vector<128x128xf32> to vector<1x128x128xf32>
    %reduce_max3A_984 = arith.constant dense<0xFF800000> : vector<1xf32>
    %reduce_max3A_985 = vector.multi_reduction <maximumf>, %reduce_max3A_983, %reduce_max3A_984 [1, 2] : vector<1x128x128xf32> to vector<1xf32>
    %reduce_max3A_986 = vector.shape_cast %reduce_max3A_985 : vector<1xf32> to vector<1x1x1xf32>
    %reduce_max3A_987 = vector.extract %reduce_max3A_986[0, 0, 0] : f32 from vector<1x1x1xf32>
    %ge3A_988 = vector.broadcast %reduce_max3A_987 : f32 to vector<128x128xf32>
    %ge3A_989 = arith.cmpf oge, %select_n3A_977, %ge3A_988 : vector<128x128xf32>
    %jit3A_990 = arith.constant 1073741824 : i32
    %broadcast_in_dim3A_991 = vector.broadcast %jit3A_990 : i32 to vector<128x128xi32>
    %select_n3A_992 = arith.select %ge3A_989, %add3A, %broadcast_in_dim3A_991 : vector<128x128xi1>, vector<128x128xi32>
    %reduce_min3A_993 = vector.shape_cast %select_n3A_992 : vector<128x128xi32> to vector<1x128x128xi32>
    %reduce_min3A_994 = arith.constant dense<2147483647> : vector<1xi32>
    %reduce_min3A_995 = vector.multi_reduction <minsi>, %reduce_min3A_993, %reduce_min3A_994 [1, 2] : vector<1x128x128xi32> to vector<1xi32>
    %reduce_min3A_996 = vector.shape_cast %reduce_min3A_995 : vector<1xi32> to vector<1x1x1xi32>
    %reduce_min3A_997 = vector.extract %reduce_min3A_996[0, 0, 0] : i32 from vector<1x1x1xi32>
    %eq3A_998 = vector.broadcast %reduce_min3A_997 : i32 to vector<128x128xi32>
    %eq3A_999 = arith.cmpi eq, %add3A, %eq3A_998 : vector<128x128xi32>
    %jit3A_1000 = arith.constant 1.000000e+00 : f32
    %broadcast_in_dim3A_1001 = vector.broadcast %jit3A_1000 : f32 to vector<128x128xf32>
    %select_n3A_1002 = arith.select %eq3A_999, %broadcast_in_dim3A_1001, %select_n3A_974 : vector<128x128xi1>, vector<128x128xf32>
    %jit3A_1003 = arith.constant 0xFF800000 : f32
    %broadcast_in_dim3A_1004 = vector.broadcast %jit3A_1003 : f32 to vector<128x128xf32>
    %select_n3A_1005 = arith.select %eq3A_999, %broadcast_in_dim3A_1004, %select_n3A_977 : vector<128x128xi1>, vector<128x128xf32>
    %eq3A_1006 = arith.constant 35 : i32
    %eq3A_1007 = vector.broadcast %eq3A_1006 : i32 to vector<40x1xi32>
    %eq3A_1008 = arith.cmpi eq, %iota3A_3, %eq3A_1007 : vector<40x1xi32>
    %broadcast_in_dim3A_1009 = vector.broadcast %reduce_min3A_997 : i32 to vector<40x1xi32>
    %select_n3A_1010 = arith.select %eq3A_1008, %broadcast_in_dim3A_1009, %select_n3A_982 : vector<40x1xi1>, vector<40x1xi32>
    %reduce_max3A_1011 = vector.shape_cast %select_n3A_1005 : vector<128x128xf32> to vector<1x128x128xf32>
    %reduce_max3A_1012 = arith.constant dense<0xFF800000> : vector<1xf32>
    %reduce_max3A_1013 = vector.multi_reduction <maximumf>, %reduce_max3A_1011, %reduce_max3A_1012 [1, 2] : vector<1x128x128xf32> to vector<1xf32>
    %reduce_max3A_1014 = vector.shape_cast %reduce_max3A_1013 : vector<1xf32> to vector<1x1x1xf32>
    %reduce_max3A_1015 = vector.extract %reduce_max3A_1014[0, 0, 0] : f32 from vector<1x1x1xf32>
    %ge3A_1016 = vector.broadcast %reduce_max3A_1015 : f32 to vector<128x128xf32>
    %ge3A_1017 = arith.cmpf oge, %select_n3A_1005, %ge3A_1016 : vector<128x128xf32>
    %jit3A_1018 = arith.constant 1073741824 : i32
    %broadcast_in_dim3A_1019 = vector.broadcast %jit3A_1018 : i32 to vector<128x128xi32>
    %select_n3A_1020 = arith.select %ge3A_1017, %add3A, %broadcast_in_dim3A_1019 : vector<128x128xi1>, vector<128x128xi32>
    %reduce_min3A_1021 = vector.shape_cast %select_n3A_1020 : vector<128x128xi32> to vector<1x128x128xi32>
    %reduce_min3A_1022 = arith.constant dense<2147483647> : vector<1xi32>
    %reduce_min3A_1023 = vector.multi_reduction <minsi>, %reduce_min3A_1021, %reduce_min3A_1022 [1, 2] : vector<1x128x128xi32> to vector<1xi32>
    %reduce_min3A_1024 = vector.shape_cast %reduce_min3A_1023 : vector<1xi32> to vector<1x1x1xi32>
    %reduce_min3A_1025 = vector.extract %reduce_min3A_1024[0, 0, 0] : i32 from vector<1x1x1xi32>
    %eq3A_1026 = vector.broadcast %reduce_min3A_1025 : i32 to vector<128x128xi32>
    %eq3A_1027 = arith.cmpi eq, %add3A, %eq3A_1026 : vector<128x128xi32>
    %jit3A_1028 = arith.constant 1.000000e+00 : f32
    %broadcast_in_dim3A_1029 = vector.broadcast %jit3A_1028 : f32 to vector<128x128xf32>
    %select_n3A_1030 = arith.select %eq3A_1027, %broadcast_in_dim3A_1029, %select_n3A_1002 : vector<128x128xi1>, vector<128x128xf32>
    %jit3A_1031 = arith.constant 0xFF800000 : f32
    %broadcast_in_dim3A_1032 = vector.broadcast %jit3A_1031 : f32 to vector<128x128xf32>
    %select_n3A_1033 = arith.select %eq3A_1027, %broadcast_in_dim3A_1032, %select_n3A_1005 : vector<128x128xi1>, vector<128x128xf32>
    %eq3A_1034 = arith.constant 36 : i32
    %eq3A_1035 = vector.broadcast %eq3A_1034 : i32 to vector<40x1xi32>
    %eq3A_1036 = arith.cmpi eq, %iota3A_3, %eq3A_1035 : vector<40x1xi32>
    %broadcast_in_dim3A_1037 = vector.broadcast %reduce_min3A_1025 : i32 to vector<40x1xi32>
    %select_n3A_1038 = arith.select %eq3A_1036, %broadcast_in_dim3A_1037, %select_n3A_1010 : vector<40x1xi1>, vector<40x1xi32>
    %reduce_max3A_1039 = vector.shape_cast %select_n3A_1033 : vector<128x128xf32> to vector<1x128x128xf32>
    %reduce_max3A_1040 = arith.constant dense<0xFF800000> : vector<1xf32>
    %reduce_max3A_1041 = vector.multi_reduction <maximumf>, %reduce_max3A_1039, %reduce_max3A_1040 [1, 2] : vector<1x128x128xf32> to vector<1xf32>
    %reduce_max3A_1042 = vector.shape_cast %reduce_max3A_1041 : vector<1xf32> to vector<1x1x1xf32>
    %reduce_max3A_1043 = vector.extract %reduce_max3A_1042[0, 0, 0] : f32 from vector<1x1x1xf32>
    %ge3A_1044 = vector.broadcast %reduce_max3A_1043 : f32 to vector<128x128xf32>
    %ge3A_1045 = arith.cmpf oge, %select_n3A_1033, %ge3A_1044 : vector<128x128xf32>
    %jit3A_1046 = arith.constant 1073741824 : i32
    %broadcast_in_dim3A_1047 = vector.broadcast %jit3A_1046 : i32 to vector<128x128xi32>
    %select_n3A_1048 = arith.select %ge3A_1045, %add3A, %broadcast_in_dim3A_1047 : vector<128x128xi1>, vector<128x128xi32>
    %reduce_min3A_1049 = vector.shape_cast %select_n3A_1048 : vector<128x128xi32> to vector<1x128x128xi32>
    %reduce_min3A_1050 = arith.constant dense<2147483647> : vector<1xi32>
    %reduce_min3A_1051 = vector.multi_reduction <minsi>, %reduce_min3A_1049, %reduce_min3A_1050 [1, 2] : vector<1x128x128xi32> to vector<1xi32>
    %reduce_min3A_1052 = vector.shape_cast %reduce_min3A_1051 : vector<1xi32> to vector<1x1x1xi32>
    %reduce_min3A_1053 = vector.extract %reduce_min3A_1052[0, 0, 0] : i32 from vector<1x1x1xi32>
    %eq3A_1054 = vector.broadcast %reduce_min3A_1053 : i32 to vector<128x128xi32>
    %eq3A_1055 = arith.cmpi eq, %add3A, %eq3A_1054 : vector<128x128xi32>
    %jit3A_1056 = arith.constant 1.000000e+00 : f32
    %broadcast_in_dim3A_1057 = vector.broadcast %jit3A_1056 : f32 to vector<128x128xf32>
    %select_n3A_1058 = arith.select %eq3A_1055, %broadcast_in_dim3A_1057, %select_n3A_1030 : vector<128x128xi1>, vector<128x128xf32>
    %jit3A_1059 = arith.constant 0xFF800000 : f32
    %broadcast_in_dim3A_1060 = vector.broadcast %jit3A_1059 : f32 to vector<128x128xf32>
    %select_n3A_1061 = arith.select %eq3A_1055, %broadcast_in_dim3A_1060, %select_n3A_1033 : vector<128x128xi1>, vector<128x128xf32>
    %eq3A_1062 = arith.constant 37 : i32
    %eq3A_1063 = vector.broadcast %eq3A_1062 : i32 to vector<40x1xi32>
    %eq3A_1064 = arith.cmpi eq, %iota3A_3, %eq3A_1063 : vector<40x1xi32>
    %broadcast_in_dim3A_1065 = vector.broadcast %reduce_min3A_1053 : i32 to vector<40x1xi32>
    %select_n3A_1066 = arith.select %eq3A_1064, %broadcast_in_dim3A_1065, %select_n3A_1038 : vector<40x1xi1>, vector<40x1xi32>
    %reduce_max3A_1067 = vector.shape_cast %select_n3A_1061 : vector<128x128xf32> to vector<1x128x128xf32>
    %reduce_max3A_1068 = arith.constant dense<0xFF800000> : vector<1xf32>
    %reduce_max3A_1069 = vector.multi_reduction <maximumf>, %reduce_max3A_1067, %reduce_max3A_1068 [1, 2] : vector<1x128x128xf32> to vector<1xf32>
    %reduce_max3A_1070 = vector.shape_cast %reduce_max3A_1069 : vector<1xf32> to vector<1x1x1xf32>
    %reduce_max3A_1071 = vector.extract %reduce_max3A_1070[0, 0, 0] : f32 from vector<1x1x1xf32>
    %ge3A_1072 = vector.broadcast %reduce_max3A_1071 : f32 to vector<128x128xf32>
    %ge3A_1073 = arith.cmpf oge, %select_n3A_1061, %ge3A_1072 : vector<128x128xf32>
    %jit3A_1074 = arith.constant 1073741824 : i32
    %broadcast_in_dim3A_1075 = vector.broadcast %jit3A_1074 : i32 to vector<128x128xi32>
    %select_n3A_1076 = arith.select %ge3A_1073, %add3A, %broadcast_in_dim3A_1075 : vector<128x128xi1>, vector<128x128xi32>
    %reduce_min3A_1077 = vector.shape_cast %select_n3A_1076 : vector<128x128xi32> to vector<1x128x128xi32>
    %reduce_min3A_1078 = arith.constant dense<2147483647> : vector<1xi32>
    %reduce_min3A_1079 = vector.multi_reduction <minsi>, %reduce_min3A_1077, %reduce_min3A_1078 [1, 2] : vector<1x128x128xi32> to vector<1xi32>
    %reduce_min3A_1080 = vector.shape_cast %reduce_min3A_1079 : vector<1xi32> to vector<1x1x1xi32>
    %reduce_min3A_1081 = vector.extract %reduce_min3A_1080[0, 0, 0] : i32 from vector<1x1x1xi32>
    %eq3A_1082 = vector.broadcast %reduce_min3A_1081 : i32 to vector<128x128xi32>
    %eq3A_1083 = arith.cmpi eq, %add3A, %eq3A_1082 : vector<128x128xi32>
    %jit3A_1084 = arith.constant 1.000000e+00 : f32
    %broadcast_in_dim3A_1085 = vector.broadcast %jit3A_1084 : f32 to vector<128x128xf32>
    %select_n3A_1086 = arith.select %eq3A_1083, %broadcast_in_dim3A_1085, %select_n3A_1058 : vector<128x128xi1>, vector<128x128xf32>
    %jit3A_1087 = arith.constant 0xFF800000 : f32
    %broadcast_in_dim3A_1088 = vector.broadcast %jit3A_1087 : f32 to vector<128x128xf32>
    %select_n3A_1089 = arith.select %eq3A_1083, %broadcast_in_dim3A_1088, %select_n3A_1061 : vector<128x128xi1>, vector<128x128xf32>
    %eq3A_1090 = arith.constant 38 : i32
    %eq3A_1091 = vector.broadcast %eq3A_1090 : i32 to vector<40x1xi32>
    %eq3A_1092 = arith.cmpi eq, %iota3A_3, %eq3A_1091 : vector<40x1xi32>
    %broadcast_in_dim3A_1093 = vector.broadcast %reduce_min3A_1081 : i32 to vector<40x1xi32>
    %select_n3A_1094 = arith.select %eq3A_1092, %broadcast_in_dim3A_1093, %select_n3A_1066 : vector<40x1xi1>, vector<40x1xi32>
    %reduce_max3A_1095 = vector.shape_cast %select_n3A_1089 : vector<128x128xf32> to vector<1x128x128xf32>
    %reduce_max3A_1096 = arith.constant dense<0xFF800000> : vector<1xf32>
    %reduce_max3A_1097 = vector.multi_reduction <maximumf>, %reduce_max3A_1095, %reduce_max3A_1096 [1, 2] : vector<1x128x128xf32> to vector<1xf32>
    %reduce_max3A_1098 = vector.shape_cast %reduce_max3A_1097 : vector<1xf32> to vector<1x1x1xf32>
    %reduce_max3A_1099 = vector.extract %reduce_max3A_1098[0, 0, 0] : f32 from vector<1x1x1xf32>
    %ge3A_1100 = vector.broadcast %reduce_max3A_1099 : f32 to vector<128x128xf32>
    %ge3A_1101 = arith.cmpf oge, %select_n3A_1089, %ge3A_1100 : vector<128x128xf32>
    %jit3A_1102 = arith.constant 1073741824 : i32
    %broadcast_in_dim3A_1103 = vector.broadcast %jit3A_1102 : i32 to vector<128x128xi32>
    %select_n3A_1104 = arith.select %ge3A_1101, %add3A, %broadcast_in_dim3A_1103 : vector<128x128xi1>, vector<128x128xi32>
    %reduce_min3A_1105 = vector.shape_cast %select_n3A_1104 : vector<128x128xi32> to vector<1x128x128xi32>
    %reduce_min3A_1106 = arith.constant dense<2147483647> : vector<1xi32>
    %reduce_min3A_1107 = vector.multi_reduction <minsi>, %reduce_min3A_1105, %reduce_min3A_1106 [1, 2] : vector<1x128x128xi32> to vector<1xi32>
    %reduce_min3A_1108 = vector.shape_cast %reduce_min3A_1107 : vector<1xi32> to vector<1x1x1xi32>
    %reduce_min3A_1109 = vector.extract %reduce_min3A_1108[0, 0, 0] : i32 from vector<1x1x1xi32>
    %eq3A_1110 = vector.broadcast %reduce_min3A_1109 : i32 to vector<128x128xi32>
    %eq3A_1111 = arith.cmpi eq, %add3A, %eq3A_1110 : vector<128x128xi32>
    %jit3A_1112 = arith.constant 1.000000e+00 : f32
    %broadcast_in_dim3A_1113 = vector.broadcast %jit3A_1112 : f32 to vector<128x128xf32>
    %select_n3A_1114 = arith.select %eq3A_1111, %broadcast_in_dim3A_1113, %select_n3A_1086 : vector<128x128xi1>, vector<128x128xf32>
    %eq3A_1115 = arith.constant 39 : i32
    %eq3A_1116 = vector.broadcast %eq3A_1115 : i32 to vector<40x1xi32>
    %eq3A_1117 = arith.cmpi eq, %iota3A_3, %eq3A_1116 : vector<40x1xi32>
    %broadcast_in_dim3A_1118 = vector.broadcast %reduce_min3A_1109 : i32 to vector<40x1xi32>
    %select_n3A_1119 = arith.select %eq3A_1117, %broadcast_in_dim3A_1118, %select_n3A_1094 : vector<40x1xi1>, vector<40x1xi32>
    %swap3A = arith.constant 0 : index
    %swap3A_1120 = arith.constant 0 : index
    %swap3A_1121 = vector.load %arg1[%swap3A, %swap3A_1120] : memref<128x128xf32, #tpu.memory_space<vmem>>, vector<128x128xf32>
    tpu.vector_store %arg1[%swap3A, %swap3A_1120], %select_n3A_1114 {strides = array<i32>} : memref<128x128xf32, #tpu.memory_space<vmem>>, vector<128x128xf32>,
    %swap3A_1122 = arith.constant 0 : index
    %swap3A_1123 = arith.constant 0 : index
    %swap3A_1124 = vector.load %arg2[%swap3A_1122, %swap3A_1123] : memref<40x1xi32, #tpu.memory_space<vmem>>, vector<40x1xi32>
    tpu.vector_store %arg2[%swap3A_1122, %swap3A_1123], %select_n3A_1119 {strides = array<i32>} : memref<40x1xi32, #tpu.memory_space<vmem>>, vector<40x1xi32>,
    return
  }
}

module attributes {stable_mosaic.version = 14 : i64} {
  func.func @_tail_body(%arg0: memref<16x128xf32, #tpu.memory_space<vmem>>, %arg1: memref<12x16x128xf32, #tpu.memory_space<vmem>>, %arg2: memref<12x2xf32, #tpu.memory_space<vmem>>, %arg3: memref<12x1xf32, #tpu.memory_space<vmem>>, %arg4: memref<2x1xf32, #tpu.memory_space<vmem>>, %arg5: memref<12x1xf32, #tpu.memory_space<vmem>>, %arg6: memref<12x1xf32, #tpu.memory_space<vmem>>, %arg7: memref<1x128xi32, #tpu.memory_space<vmem>>, %arg8: memref<12x1xf32, #tpu.memory_space<vmem>>, %arg9: memref<12x1xf32, #tpu.memory_space<vmem>>, %arg10: memref<24x1xf32, #tpu.memory_space<vmem>>) attributes {dimension_semantics = [], scalar_prefetch = 0 : i64, scratch_operands = 0 : i64, tpu.core_type = #tpu.core_type<tc>} {
    %iota3A = tpu.iota {dimensions = array<i32: 0>} : vector<16x128xi32>
    %mul3A = arith.constant 128 : i32
    %mul3A_0 = vector.broadcast %mul3A : i32 to vector<16x128xi32>
    %mul3A_1 = arith.muli %iota3A, %mul3A_0 : vector<16x128xi32>
    %iota3A_2 = tpu.iota {dimensions = array<i32: 1>} : vector<16x128xi32>
    %add3A = arith.addi %mul3A_1, %iota3A_2 : vector<16x128xi32>
    %iota3A_3 = tpu.iota {dimensions = array<i32: 1>} : vector<1x128xi32>
    %get3A = arith.constant 0 : index
    %get3A_4 = arith.constant 0 : index
    %get3A_5 = vector.load %arg0[%get3A, %get3A_4] : memref<16x128xf32, #tpu.memory_space<vmem>>, vector<16x128xf32>
    %mul3A_6 = arith.constant 2.048000e+03 : f32
    %mul3A_7 = vector.broadcast %mul3A_6 : f32 to vector<16x128xf32>
    %mul3A_8 = arith.mulf %get3A_5, %mul3A_7 : vector<16x128xf32>
    %convert_element_type3A = arith.sitofp %add3A : vector<16x128xi32> to vector<16x128xf32>
    %sub3A = arith.constant 2.047000e+03 : f32
    %sub3A_9 = vector.broadcast %sub3A : f32 to vector<16x128xf32>
    %sub3A_10 = arith.subf %sub3A_9, %convert_element_type3A : vector<16x128xf32>
    %add3A_11 = arith.addf %mul3A_8, %sub3A_10 : vector<16x128xf32>
    %broadcast_in_dim3A = arith.constant 0 : i32
    %broadcast_in_dim3A_12 = vector.broadcast %broadcast_in_dim3A : i32 to vector<1x128xi32>
    %broadcast_in_dim3A_13 = arith.constant 0.000000e+00 : f32
    %broadcast_in_dim3A_14 = vector.broadcast %broadcast_in_dim3A_13 : f32 to vector<16x128xf32>
    %reduce_max3A = vector.shape_cast %add3A_11 : vector<16x128xf32> to vector<1x16x128xf32>
    %reduce_max3A_15 = arith.constant dense<0xFF800000> : vector<1xf32>
    %reduce_max3A_16 = vector.multi_reduction <maximumf>, %reduce_max3A, %reduce_max3A_15 [1, 2] : vector<1x16x128xf32> to vector<1xf32>
    %reduce_max3A_17 = vector.shape_cast %reduce_max3A_16 : vector<1xf32> to vector<1x1x1xf32>
    %reduce_max3A_18 = vector.extract %reduce_max3A_17[0, 0, 0] : f32 from vector<1x1x1xf32>
    %div3A = arith.constant 2.048000e+03 : f32
    %div3A_19 = arith.divf %reduce_max3A_18, %div3A : f32
    %floor3A = math.floor %div3A_19 : f32
    %mul3A_20 = arith.constant 2.048000e+03 : f32
    %mul3A_21 = arith.mulf %floor3A, %mul3A_20 : f32
    %sub3A_22 = arith.subf %reduce_max3A_18, %mul3A_21 : f32
    %sub3A_23 = arith.constant 2.047000e+03 : f32
    %sub3A_24 = arith.subf %sub3A_23, %sub3A_22 : f32
    %convert_element_type3A_25 = arith.fptosi %sub3A_24 : f32 to i32
    %eq3A = vector.broadcast %convert_element_type3A_25 : i32 to vector<16x128xi32>
    %eq3A_26 = arith.cmpi eq, %add3A, %eq3A : vector<16x128xi32>
    %jit3A = arith.constant -1.000000e+00 : f32
    %broadcast_in_dim3A_27 = vector.broadcast %jit3A : f32 to vector<16x128xf32>
    %select_n3A = arith.select %eq3A_26, %broadcast_in_dim3A_27, %add3A_11 : vector<16x128xi1>, vector<16x128xf32>
    %eq3A_28 = arith.constant 0 : i32
    %eq3A_29 = vector.broadcast %eq3A_28 : i32 to vector<1x128xi32>
    %eq3A_30 = arith.cmpi eq, %iota3A_3, %eq3A_29 : vector<1x128xi32>
    %broadcast_in_dim3A_31 = vector.broadcast %convert_element_type3A_25 : i32 to vector<1x128xi32>
    %select_n3A_32 = arith.select %eq3A_30, %broadcast_in_dim3A_31, %broadcast_in_dim3A_12 : vector<1x128xi1>, vector<1x128xi32>
    %jit3A_33 = arith.constant 1.000000e+00 : f32
    %broadcast_in_dim3A_34 = vector.broadcast %jit3A_33 : f32 to vector<16x128xf32>
    %select_n3A_35 = arith.select %eq3A_26, %broadcast_in_dim3A_34, %broadcast_in_dim3A_14 : vector<16x128xi1>, vector<16x128xf32>
    %reduce_max3A_36 = vector.shape_cast %select_n3A : vector<16x128xf32> to vector<1x16x128xf32>
    %reduce_max3A_37 = arith.constant dense<0xFF800000> : vector<1xf32>
    %reduce_max3A_38 = vector.multi_reduction <maximumf>, %reduce_max3A_36, %reduce_max3A_37 [1, 2] : vector<1x16x128xf32> to vector<1xf32>
    %reduce_max3A_39 = vector.shape_cast %reduce_max3A_38 : vector<1xf32> to vector<1x1x1xf32>
    %reduce_max3A_40 = vector.extract %reduce_max3A_39[0, 0, 0] : f32 from vector<1x1x1xf32>
    %div3A_41 = arith.constant 2.048000e+03 : f32
    %div3A_42 = arith.divf %reduce_max3A_40, %div3A_41 : f32
    %floor3A_43 = math.floor %div3A_42 : f32
    %mul3A_44 = arith.constant 2.048000e+03 : f32
    %mul3A_45 = arith.mulf %floor3A_43, %mul3A_44 : f32
    %sub3A_46 = arith.subf %reduce_max3A_40, %mul3A_45 : f32
    %sub3A_47 = arith.constant 2.047000e+03 : f32
    %sub3A_48 = arith.subf %sub3A_47, %sub3A_46 : f32
    %convert_element_type3A_49 = arith.fptosi %sub3A_48 : f32 to i32
    %eq3A_50 = vector.broadcast %convert_element_type3A_49 : i32 to vector<16x128xi32>
    %eq3A_51 = arith.cmpi eq, %add3A, %eq3A_50 : vector<16x128xi32>
    %jit3A_52 = arith.constant -1.000000e+00 : f32
    %broadcast_in_dim3A_53 = vector.broadcast %jit3A_52 : f32 to vector<16x128xf32>
    %select_n3A_54 = arith.select %eq3A_51, %broadcast_in_dim3A_53, %select_n3A : vector<16x128xi1>, vector<16x128xf32>
    %eq3A_55 = arith.constant 1 : i32
    %eq3A_56 = vector.broadcast %eq3A_55 : i32 to vector<1x128xi32>
    %eq3A_57 = arith.cmpi eq, %iota3A_3, %eq3A_56 : vector<1x128xi32>
    %broadcast_in_dim3A_58 = vector.broadcast %convert_element_type3A_49 : i32 to vector<1x128xi32>
    %select_n3A_59 = arith.select %eq3A_57, %broadcast_in_dim3A_58, %select_n3A_32 : vector<1x128xi1>, vector<1x128xi32>
    %jit3A_60 = arith.constant 1.000000e+00 : f32
    %broadcast_in_dim3A_61 = vector.broadcast %jit3A_60 : f32 to vector<16x128xf32>
    %select_n3A_62 = arith.select %eq3A_51, %broadcast_in_dim3A_61, %select_n3A_35 : vector<16x128xi1>, vector<16x128xf32>
    %reduce_max3A_63 = vector.shape_cast %select_n3A_54 : vector<16x128xf32> to vector<1x16x128xf32>
    %reduce_max3A_64 = arith.constant dense<0xFF800000> : vector<1xf32>
    %reduce_max3A_65 = vector.multi_reduction <maximumf>, %reduce_max3A_63, %reduce_max3A_64 [1, 2] : vector<1x16x128xf32> to vector<1xf32>
    %reduce_max3A_66 = vector.shape_cast %reduce_max3A_65 : vector<1xf32> to vector<1x1x1xf32>
    %reduce_max3A_67 = vector.extract %reduce_max3A_66[0, 0, 0] : f32 from vector<1x1x1xf32>
    %div3A_68 = arith.constant 2.048000e+03 : f32
    %div3A_69 = arith.divf %reduce_max3A_67, %div3A_68 : f32
    %floor3A_70 = math.floor %div3A_69 : f32
    %mul3A_71 = arith.constant 2.048000e+03 : f32
    %mul3A_72 = arith.mulf %floor3A_70, %mul3A_71 : f32
    %sub3A_73 = arith.subf %reduce_max3A_67, %mul3A_72 : f32
    %sub3A_74 = arith.constant 2.047000e+03 : f32
    %sub3A_75 = arith.subf %sub3A_74, %sub3A_73 : f32
    %convert_element_type3A_76 = arith.fptosi %sub3A_75 : f32 to i32
    %eq3A_77 = vector.broadcast %convert_element_type3A_76 : i32 to vector<16x128xi32>
    %eq3A_78 = arith.cmpi eq, %add3A, %eq3A_77 : vector<16x128xi32>
    %jit3A_79 = arith.constant -1.000000e+00 : f32
    %broadcast_in_dim3A_80 = vector.broadcast %jit3A_79 : f32 to vector<16x128xf32>
    %select_n3A_81 = arith.select %eq3A_78, %broadcast_in_dim3A_80, %select_n3A_54 : vector<16x128xi1>, vector<16x128xf32>
    %eq3A_82 = arith.constant 2 : i32
    %eq3A_83 = vector.broadcast %eq3A_82 : i32 to vector<1x128xi32>
    %eq3A_84 = arith.cmpi eq, %iota3A_3, %eq3A_83 : vector<1x128xi32>
    %broadcast_in_dim3A_85 = vector.broadcast %convert_element_type3A_76 : i32 to vector<1x128xi32>
    %select_n3A_86 = arith.select %eq3A_84, %broadcast_in_dim3A_85, %select_n3A_59 : vector<1x128xi1>, vector<1x128xi32>
    %jit3A_87 = arith.constant 1.000000e+00 : f32
    %broadcast_in_dim3A_88 = vector.broadcast %jit3A_87 : f32 to vector<16x128xf32>
    %select_n3A_89 = arith.select %eq3A_78, %broadcast_in_dim3A_88, %select_n3A_62 : vector<16x128xi1>, vector<16x128xf32>
    %reduce_max3A_90 = vector.shape_cast %select_n3A_81 : vector<16x128xf32> to vector<1x16x128xf32>
    %reduce_max3A_91 = arith.constant dense<0xFF800000> : vector<1xf32>
    %reduce_max3A_92 = vector.multi_reduction <maximumf>, %reduce_max3A_90, %reduce_max3A_91 [1, 2] : vector<1x16x128xf32> to vector<1xf32>
    %reduce_max3A_93 = vector.shape_cast %reduce_max3A_92 : vector<1xf32> to vector<1x1x1xf32>
    %reduce_max3A_94 = vector.extract %reduce_max3A_93[0, 0, 0] : f32 from vector<1x1x1xf32>
    %div3A_95 = arith.constant 2.048000e+03 : f32
    %div3A_96 = arith.divf %reduce_max3A_94, %div3A_95 : f32
    %floor3A_97 = math.floor %div3A_96 : f32
    %mul3A_98 = arith.constant 2.048000e+03 : f32
    %mul3A_99 = arith.mulf %floor3A_97, %mul3A_98 : f32
    %sub3A_100 = arith.subf %reduce_max3A_94, %mul3A_99 : f32
    %sub3A_101 = arith.constant 2.047000e+03 : f32
    %sub3A_102 = arith.subf %sub3A_101, %sub3A_100 : f32
    %convert_element_type3A_103 = arith.fptosi %sub3A_102 : f32 to i32
    %eq3A_104 = vector.broadcast %convert_element_type3A_103 : i32 to vector<16x128xi32>
    %eq3A_105 = arith.cmpi eq, %add3A, %eq3A_104 : vector<16x128xi32>
    %jit3A_106 = arith.constant -1.000000e+00 : f32
    %broadcast_in_dim3A_107 = vector.broadcast %jit3A_106 : f32 to vector<16x128xf32>
    %select_n3A_108 = arith.select %eq3A_105, %broadcast_in_dim3A_107, %select_n3A_81 : vector<16x128xi1>, vector<16x128xf32>
    %eq3A_109 = arith.constant 3 : i32
    %eq3A_110 = vector.broadcast %eq3A_109 : i32 to vector<1x128xi32>
    %eq3A_111 = arith.cmpi eq, %iota3A_3, %eq3A_110 : vector<1x128xi32>
    %broadcast_in_dim3A_112 = vector.broadcast %convert_element_type3A_103 : i32 to vector<1x128xi32>
    %select_n3A_113 = arith.select %eq3A_111, %broadcast_in_dim3A_112, %select_n3A_86 : vector<1x128xi1>, vector<1x128xi32>
    %jit3A_114 = arith.constant 1.000000e+00 : f32
    %broadcast_in_dim3A_115 = vector.broadcast %jit3A_114 : f32 to vector<16x128xf32>
    %select_n3A_116 = arith.select %eq3A_105, %broadcast_in_dim3A_115, %select_n3A_89 : vector<16x128xi1>, vector<16x128xf32>
    %reduce_max3A_117 = vector.shape_cast %select_n3A_108 : vector<16x128xf32> to vector<1x16x128xf32>
    %reduce_max3A_118 = arith.constant dense<0xFF800000> : vector<1xf32>
    %reduce_max3A_119 = vector.multi_reduction <maximumf>, %reduce_max3A_117, %reduce_max3A_118 [1, 2] : vector<1x16x128xf32> to vector<1xf32>
    %reduce_max3A_120 = vector.shape_cast %reduce_max3A_119 : vector<1xf32> to vector<1x1x1xf32>
    %reduce_max3A_121 = vector.extract %reduce_max3A_120[0, 0, 0] : f32 from vector<1x1x1xf32>
    %div3A_122 = arith.constant 2.048000e+03 : f32
    %div3A_123 = arith.divf %reduce_max3A_121, %div3A_122 : f32
    %floor3A_124 = math.floor %div3A_123 : f32
    %mul3A_125 = arith.constant 2.048000e+03 : f32
    %mul3A_126 = arith.mulf %floor3A_124, %mul3A_125 : f32
    %sub3A_127 = arith.subf %reduce_max3A_121, %mul3A_126 : f32
    %sub3A_128 = arith.constant 2.047000e+03 : f32
    %sub3A_129 = arith.subf %sub3A_128, %sub3A_127 : f32
    %convert_element_type3A_130 = arith.fptosi %sub3A_129 : f32 to i32
    %eq3A_131 = vector.broadcast %convert_element_type3A_130 : i32 to vector<16x128xi32>
    %eq3A_132 = arith.cmpi eq, %add3A, %eq3A_131 : vector<16x128xi32>
    %jit3A_133 = arith.constant -1.000000e+00 : f32
    %broadcast_in_dim3A_134 = vector.broadcast %jit3A_133 : f32 to vector<16x128xf32>
    %select_n3A_135 = arith.select %eq3A_132, %broadcast_in_dim3A_134, %select_n3A_108 : vector<16x128xi1>, vector<16x128xf32>
    %eq3A_136 = arith.constant 4 : i32
    %eq3A_137 = vector.broadcast %eq3A_136 : i32 to vector<1x128xi32>
    %eq3A_138 = arith.cmpi eq, %iota3A_3, %eq3A_137 : vector<1x128xi32>
    %broadcast_in_dim3A_139 = vector.broadcast %convert_element_type3A_130 : i32 to vector<1x128xi32>
    %select_n3A_140 = arith.select %eq3A_138, %broadcast_in_dim3A_139, %select_n3A_113 : vector<1x128xi1>, vector<1x128xi32>
    %jit3A_141 = arith.constant 1.000000e+00 : f32
    %broadcast_in_dim3A_142 = vector.broadcast %jit3A_141 : f32 to vector<16x128xf32>
    %select_n3A_143 = arith.select %eq3A_132, %broadcast_in_dim3A_142, %select_n3A_116 : vector<16x128xi1>, vector<16x128xf32>
    %reduce_max3A_144 = vector.shape_cast %select_n3A_135 : vector<16x128xf32> to vector<1x16x128xf32>
    %reduce_max3A_145 = arith.constant dense<0xFF800000> : vector<1xf32>
    %reduce_max3A_146 = vector.multi_reduction <maximumf>, %reduce_max3A_144, %reduce_max3A_145 [1, 2] : vector<1x16x128xf32> to vector<1xf32>
    %reduce_max3A_147 = vector.shape_cast %reduce_max3A_146 : vector<1xf32> to vector<1x1x1xf32>
    %reduce_max3A_148 = vector.extract %reduce_max3A_147[0, 0, 0] : f32 from vector<1x1x1xf32>
    %div3A_149 = arith.constant 2.048000e+03 : f32
    %div3A_150 = arith.divf %reduce_max3A_148, %div3A_149 : f32
    %floor3A_151 = math.floor %div3A_150 : f32
    %mul3A_152 = arith.constant 2.048000e+03 : f32
    %mul3A_153 = arith.mulf %floor3A_151, %mul3A_152 : f32
    %sub3A_154 = arith.subf %reduce_max3A_148, %mul3A_153 : f32
    %sub3A_155 = arith.constant 2.047000e+03 : f32
    %sub3A_156 = arith.subf %sub3A_155, %sub3A_154 : f32
    %convert_element_type3A_157 = arith.fptosi %sub3A_156 : f32 to i32
    %eq3A_158 = vector.broadcast %convert_element_type3A_157 : i32 to vector<16x128xi32>
    %eq3A_159 = arith.cmpi eq, %add3A, %eq3A_158 : vector<16x128xi32>
    %jit3A_160 = arith.constant -1.000000e+00 : f32
    %broadcast_in_dim3A_161 = vector.broadcast %jit3A_160 : f32 to vector<16x128xf32>
    %select_n3A_162 = arith.select %eq3A_159, %broadcast_in_dim3A_161, %select_n3A_135 : vector<16x128xi1>, vector<16x128xf32>
    %eq3A_163 = arith.constant 5 : i32
    %eq3A_164 = vector.broadcast %eq3A_163 : i32 to vector<1x128xi32>
    %eq3A_165 = arith.cmpi eq, %iota3A_3, %eq3A_164 : vector<1x128xi32>
    %broadcast_in_dim3A_166 = vector.broadcast %convert_element_type3A_157 : i32 to vector<1x128xi32>
    %select_n3A_167 = arith.select %eq3A_165, %broadcast_in_dim3A_166, %select_n3A_140 : vector<1x128xi1>, vector<1x128xi32>
    %jit3A_168 = arith.constant 1.000000e+00 : f32
    %broadcast_in_dim3A_169 = vector.broadcast %jit3A_168 : f32 to vector<16x128xf32>
    %select_n3A_170 = arith.select %eq3A_159, %broadcast_in_dim3A_169, %select_n3A_143 : vector<16x128xi1>, vector<16x128xf32>
    %reduce_max3A_171 = vector.shape_cast %select_n3A_162 : vector<16x128xf32> to vector<1x16x128xf32>
    %reduce_max3A_172 = arith.constant dense<0xFF800000> : vector<1xf32>
    %reduce_max3A_173 = vector.multi_reduction <maximumf>, %reduce_max3A_171, %reduce_max3A_172 [1, 2] : vector<1x16x128xf32> to vector<1xf32>
    %reduce_max3A_174 = vector.shape_cast %reduce_max3A_173 : vector<1xf32> to vector<1x1x1xf32>
    %reduce_max3A_175 = vector.extract %reduce_max3A_174[0, 0, 0] : f32 from vector<1x1x1xf32>
    %div3A_176 = arith.constant 2.048000e+03 : f32
    %div3A_177 = arith.divf %reduce_max3A_175, %div3A_176 : f32
    %floor3A_178 = math.floor %div3A_177 : f32
    %mul3A_179 = arith.constant 2.048000e+03 : f32
    %mul3A_180 = arith.mulf %floor3A_178, %mul3A_179 : f32
    %sub3A_181 = arith.subf %reduce_max3A_175, %mul3A_180 : f32
    %sub3A_182 = arith.constant 2.047000e+03 : f32
    %sub3A_183 = arith.subf %sub3A_182, %sub3A_181 : f32
    %convert_element_type3A_184 = arith.fptosi %sub3A_183 : f32 to i32
    %eq3A_185 = vector.broadcast %convert_element_type3A_184 : i32 to vector<16x128xi32>
    %eq3A_186 = arith.cmpi eq, %add3A, %eq3A_185 : vector<16x128xi32>
    %jit3A_187 = arith.constant -1.000000e+00 : f32
    %broadcast_in_dim3A_188 = vector.broadcast %jit3A_187 : f32 to vector<16x128xf32>
    %select_n3A_189 = arith.select %eq3A_186, %broadcast_in_dim3A_188, %select_n3A_162 : vector<16x128xi1>, vector<16x128xf32>
    %eq3A_190 = arith.constant 6 : i32
    %eq3A_191 = vector.broadcast %eq3A_190 : i32 to vector<1x128xi32>
    %eq3A_192 = arith.cmpi eq, %iota3A_3, %eq3A_191 : vector<1x128xi32>
    %broadcast_in_dim3A_193 = vector.broadcast %convert_element_type3A_184 : i32 to vector<1x128xi32>
    %select_n3A_194 = arith.select %eq3A_192, %broadcast_in_dim3A_193, %select_n3A_167 : vector<1x128xi1>, vector<1x128xi32>
    %jit3A_195 = arith.constant 1.000000e+00 : f32
    %broadcast_in_dim3A_196 = vector.broadcast %jit3A_195 : f32 to vector<16x128xf32>
    %select_n3A_197 = arith.select %eq3A_186, %broadcast_in_dim3A_196, %select_n3A_170 : vector<16x128xi1>, vector<16x128xf32>
    %reduce_max3A_198 = vector.shape_cast %select_n3A_189 : vector<16x128xf32> to vector<1x16x128xf32>
    %reduce_max3A_199 = arith.constant dense<0xFF800000> : vector<1xf32>
    %reduce_max3A_200 = vector.multi_reduction <maximumf>, %reduce_max3A_198, %reduce_max3A_199 [1, 2] : vector<1x16x128xf32> to vector<1xf32>
    %reduce_max3A_201 = vector.shape_cast %reduce_max3A_200 : vector<1xf32> to vector<1x1x1xf32>
    %reduce_max3A_202 = vector.extract %reduce_max3A_201[0, 0, 0] : f32 from vector<1x1x1xf32>
    %div3A_203 = arith.constant 2.048000e+03 : f32
    %div3A_204 = arith.divf %reduce_max3A_202, %div3A_203 : f32
    %floor3A_205 = math.floor %div3A_204 : f32
    %mul3A_206 = arith.constant 2.048000e+03 : f32
    %mul3A_207 = arith.mulf %floor3A_205, %mul3A_206 : f32
    %sub3A_208 = arith.subf %reduce_max3A_202, %mul3A_207 : f32
    %sub3A_209 = arith.constant 2.047000e+03 : f32
    %sub3A_210 = arith.subf %sub3A_209, %sub3A_208 : f32
    %convert_element_type3A_211 = arith.fptosi %sub3A_210 : f32 to i32
    %eq3A_212 = vector.broadcast %convert_element_type3A_211 : i32 to vector<16x128xi32>
    %eq3A_213 = arith.cmpi eq, %add3A, %eq3A_212 : vector<16x128xi32>
    %jit3A_214 = arith.constant -1.000000e+00 : f32
    %broadcast_in_dim3A_215 = vector.broadcast %jit3A_214 : f32 to vector<16x128xf32>
    %select_n3A_216 = arith.select %eq3A_213, %broadcast_in_dim3A_215, %select_n3A_189 : vector<16x128xi1>, vector<16x128xf32>
    %eq3A_217 = arith.constant 7 : i32
    %eq3A_218 = vector.broadcast %eq3A_217 : i32 to vector<1x128xi32>
    %eq3A_219 = arith.cmpi eq, %iota3A_3, %eq3A_218 : vector<1x128xi32>
    %broadcast_in_dim3A_220 = vector.broadcast %convert_element_type3A_211 : i32 to vector<1x128xi32>
    %select_n3A_221 = arith.select %eq3A_219, %broadcast_in_dim3A_220, %select_n3A_194 : vector<1x128xi1>, vector<1x128xi32>
    %jit3A_222 = arith.constant 1.000000e+00 : f32
    %broadcast_in_dim3A_223 = vector.broadcast %jit3A_222 : f32 to vector<16x128xf32>
    %select_n3A_224 = arith.select %eq3A_213, %broadcast_in_dim3A_223, %select_n3A_197 : vector<16x128xi1>, vector<16x128xf32>
    %reduce_max3A_225 = vector.shape_cast %select_n3A_216 : vector<16x128xf32> to vector<1x16x128xf32>
    %reduce_max3A_226 = arith.constant dense<0xFF800000> : vector<1xf32>
    %reduce_max3A_227 = vector.multi_reduction <maximumf>, %reduce_max3A_225, %reduce_max3A_226 [1, 2] : vector<1x16x128xf32> to vector<1xf32>
    %reduce_max3A_228 = vector.shape_cast %reduce_max3A_227 : vector<1xf32> to vector<1x1x1xf32>
    %reduce_max3A_229 = vector.extract %reduce_max3A_228[0, 0, 0] : f32 from vector<1x1x1xf32>
    %div3A_230 = arith.constant 2.048000e+03 : f32
    %div3A_231 = arith.divf %reduce_max3A_229, %div3A_230 : f32
    %floor3A_232 = math.floor %div3A_231 : f32
    %mul3A_233 = arith.constant 2.048000e+03 : f32
    %mul3A_234 = arith.mulf %floor3A_232, %mul3A_233 : f32
    %sub3A_235 = arith.subf %reduce_max3A_229, %mul3A_234 : f32
    %sub3A_236 = arith.constant 2.047000e+03 : f32
    %sub3A_237 = arith.subf %sub3A_236, %sub3A_235 : f32
    %convert_element_type3A_238 = arith.fptosi %sub3A_237 : f32 to i32
    %eq3A_239 = vector.broadcast %convert_element_type3A_238 : i32 to vector<16x128xi32>
    %eq3A_240 = arith.cmpi eq, %add3A, %eq3A_239 : vector<16x128xi32>
    %jit3A_241 = arith.constant -1.000000e+00 : f32
    %broadcast_in_dim3A_242 = vector.broadcast %jit3A_241 : f32 to vector<16x128xf32>
    %select_n3A_243 = arith.select %eq3A_240, %broadcast_in_dim3A_242, %select_n3A_216 : vector<16x128xi1>, vector<16x128xf32>
    %eq3A_244 = arith.constant 8 : i32
    %eq3A_245 = vector.broadcast %eq3A_244 : i32 to vector<1x128xi32>
    %eq3A_246 = arith.cmpi eq, %iota3A_3, %eq3A_245 : vector<1x128xi32>
    %broadcast_in_dim3A_247 = vector.broadcast %convert_element_type3A_238 : i32 to vector<1x128xi32>
    %select_n3A_248 = arith.select %eq3A_246, %broadcast_in_dim3A_247, %select_n3A_221 : vector<1x128xi1>, vector<1x128xi32>
    %jit3A_249 = arith.constant 1.000000e+00 : f32
    %broadcast_in_dim3A_250 = vector.broadcast %jit3A_249 : f32 to vector<16x128xf32>
    %select_n3A_251 = arith.select %eq3A_240, %broadcast_in_dim3A_250, %select_n3A_224 : vector<16x128xi1>, vector<16x128xf32>
    %reduce_max3A_252 = vector.shape_cast %select_n3A_243 : vector<16x128xf32> to vector<1x16x128xf32>
    %reduce_max3A_253 = arith.constant dense<0xFF800000> : vector<1xf32>
    %reduce_max3A_254 = vector.multi_reduction <maximumf>, %reduce_max3A_252, %reduce_max3A_253 [1, 2] : vector<1x16x128xf32> to vector<1xf32>
    %reduce_max3A_255 = vector.shape_cast %reduce_max3A_254 : vector<1xf32> to vector<1x1x1xf32>
    %reduce_max3A_256 = vector.extract %reduce_max3A_255[0, 0, 0] : f32 from vector<1x1x1xf32>
    %div3A_257 = arith.constant 2.048000e+03 : f32
    %div3A_258 = arith.divf %reduce_max3A_256, %div3A_257 : f32
    %floor3A_259 = math.floor %div3A_258 : f32
    %mul3A_260 = arith.constant 2.048000e+03 : f32
    %mul3A_261 = arith.mulf %floor3A_259, %mul3A_260 : f32
    %sub3A_262 = arith.subf %reduce_max3A_256, %mul3A_261 : f32
    %sub3A_263 = arith.constant 2.047000e+03 : f32
    %sub3A_264 = arith.subf %sub3A_263, %sub3A_262 : f32
    %convert_element_type3A_265 = arith.fptosi %sub3A_264 : f32 to i32
    %eq3A_266 = vector.broadcast %convert_element_type3A_265 : i32 to vector<16x128xi32>
    %eq3A_267 = arith.cmpi eq, %add3A, %eq3A_266 : vector<16x128xi32>
    %jit3A_268 = arith.constant -1.000000e+00 : f32
    %broadcast_in_dim3A_269 = vector.broadcast %jit3A_268 : f32 to vector<16x128xf32>
    %select_n3A_270 = arith.select %eq3A_267, %broadcast_in_dim3A_269, %select_n3A_243 : vector<16x128xi1>, vector<16x128xf32>
    %eq3A_271 = arith.constant 9 : i32
    %eq3A_272 = vector.broadcast %eq3A_271 : i32 to vector<1x128xi32>
    %eq3A_273 = arith.cmpi eq, %iota3A_3, %eq3A_272 : vector<1x128xi32>
    %broadcast_in_dim3A_274 = vector.broadcast %convert_element_type3A_265 : i32 to vector<1x128xi32>
    %select_n3A_275 = arith.select %eq3A_273, %broadcast_in_dim3A_274, %select_n3A_248 : vector<1x128xi1>, vector<1x128xi32>
    %jit3A_276 = arith.constant 1.000000e+00 : f32
    %broadcast_in_dim3A_277 = vector.broadcast %jit3A_276 : f32 to vector<16x128xf32>
    %select_n3A_278 = arith.select %eq3A_267, %broadcast_in_dim3A_277, %select_n3A_251 : vector<16x128xi1>, vector<16x128xf32>
    %reduce_max3A_279 = vector.shape_cast %select_n3A_270 : vector<16x128xf32> to vector<1x16x128xf32>
    %reduce_max3A_280 = arith.constant dense<0xFF800000> : vector<1xf32>
    %reduce_max3A_281 = vector.multi_reduction <maximumf>, %reduce_max3A_279, %reduce_max3A_280 [1, 2] : vector<1x16x128xf32> to vector<1xf32>
    %reduce_max3A_282 = vector.shape_cast %reduce_max3A_281 : vector<1xf32> to vector<1x1x1xf32>
    %reduce_max3A_283 = vector.extract %reduce_max3A_282[0, 0, 0] : f32 from vector<1x1x1xf32>
    %div3A_284 = arith.constant 2.048000e+03 : f32
    %div3A_285 = arith.divf %reduce_max3A_283, %div3A_284 : f32
    %floor3A_286 = math.floor %div3A_285 : f32
    %mul3A_287 = arith.constant 2.048000e+03 : f32
    %mul3A_288 = arith.mulf %floor3A_286, %mul3A_287 : f32
    %sub3A_289 = arith.subf %reduce_max3A_283, %mul3A_288 : f32
    %sub3A_290 = arith.constant 2.047000e+03 : f32
    %sub3A_291 = arith.subf %sub3A_290, %sub3A_289 : f32
    %convert_element_type3A_292 = arith.fptosi %sub3A_291 : f32 to i32
    %eq3A_293 = vector.broadcast %convert_element_type3A_292 : i32 to vector<16x128xi32>
    %eq3A_294 = arith.cmpi eq, %add3A, %eq3A_293 : vector<16x128xi32>
    %jit3A_295 = arith.constant -1.000000e+00 : f32
    %broadcast_in_dim3A_296 = vector.broadcast %jit3A_295 : f32 to vector<16x128xf32>
    %select_n3A_297 = arith.select %eq3A_294, %broadcast_in_dim3A_296, %select_n3A_270 : vector<16x128xi1>, vector<16x128xf32>
    %eq3A_298 = arith.constant 10 : i32
    %eq3A_299 = vector.broadcast %eq3A_298 : i32 to vector<1x128xi32>
    %eq3A_300 = arith.cmpi eq, %iota3A_3, %eq3A_299 : vector<1x128xi32>
    %broadcast_in_dim3A_301 = vector.broadcast %convert_element_type3A_292 : i32 to vector<1x128xi32>
    %select_n3A_302 = arith.select %eq3A_300, %broadcast_in_dim3A_301, %select_n3A_275 : vector<1x128xi1>, vector<1x128xi32>
    %jit3A_303 = arith.constant 1.000000e+00 : f32
    %broadcast_in_dim3A_304 = vector.broadcast %jit3A_303 : f32 to vector<16x128xf32>
    %select_n3A_305 = arith.select %eq3A_294, %broadcast_in_dim3A_304, %select_n3A_278 : vector<16x128xi1>, vector<16x128xf32>
    %reduce_max3A_306 = vector.shape_cast %select_n3A_297 : vector<16x128xf32> to vector<1x16x128xf32>
    %reduce_max3A_307 = arith.constant dense<0xFF800000> : vector<1xf32>
    %reduce_max3A_308 = vector.multi_reduction <maximumf>, %reduce_max3A_306, %reduce_max3A_307 [1, 2] : vector<1x16x128xf32> to vector<1xf32>
    %reduce_max3A_309 = vector.shape_cast %reduce_max3A_308 : vector<1xf32> to vector<1x1x1xf32>
    %reduce_max3A_310 = vector.extract %reduce_max3A_309[0, 0, 0] : f32 from vector<1x1x1xf32>
    %div3A_311 = arith.constant 2.048000e+03 : f32
    %div3A_312 = arith.divf %reduce_max3A_310, %div3A_311 : f32
    %floor3A_313 = math.floor %div3A_312 : f32
    %mul3A_314 = arith.constant 2.048000e+03 : f32
    %mul3A_315 = arith.mulf %floor3A_313, %mul3A_314 : f32
    %sub3A_316 = arith.subf %reduce_max3A_310, %mul3A_315 : f32
    %sub3A_317 = arith.constant 2.047000e+03 : f32
    %sub3A_318 = arith.subf %sub3A_317, %sub3A_316 : f32
    %convert_element_type3A_319 = arith.fptosi %sub3A_318 : f32 to i32
    %eq3A_320 = vector.broadcast %convert_element_type3A_319 : i32 to vector<16x128xi32>
    %eq3A_321 = arith.cmpi eq, %add3A, %eq3A_320 : vector<16x128xi32>
    %jit3A_322 = arith.constant -1.000000e+00 : f32
    %broadcast_in_dim3A_323 = vector.broadcast %jit3A_322 : f32 to vector<16x128xf32>
    %select_n3A_324 = arith.select %eq3A_321, %broadcast_in_dim3A_323, %select_n3A_297 : vector<16x128xi1>, vector<16x128xf32>
    %eq3A_325 = arith.constant 11 : i32
    %eq3A_326 = vector.broadcast %eq3A_325 : i32 to vector<1x128xi32>
    %eq3A_327 = arith.cmpi eq, %iota3A_3, %eq3A_326 : vector<1x128xi32>
    %broadcast_in_dim3A_328 = vector.broadcast %convert_element_type3A_319 : i32 to vector<1x128xi32>
    %select_n3A_329 = arith.select %eq3A_327, %broadcast_in_dim3A_328, %select_n3A_302 : vector<1x128xi1>, vector<1x128xi32>
    %jit3A_330 = arith.constant 1.000000e+00 : f32
    %broadcast_in_dim3A_331 = vector.broadcast %jit3A_330 : f32 to vector<16x128xf32>
    %select_n3A_332 = arith.select %eq3A_321, %broadcast_in_dim3A_331, %select_n3A_305 : vector<16x128xi1>, vector<16x128xf32>
    %reduce_max3A_333 = vector.shape_cast %select_n3A_324 : vector<16x128xf32> to vector<1x16x128xf32>
    %reduce_max3A_334 = arith.constant dense<0xFF800000> : vector<1xf32>
    %reduce_max3A_335 = vector.multi_reduction <maximumf>, %reduce_max3A_333, %reduce_max3A_334 [1, 2] : vector<1x16x128xf32> to vector<1xf32>
    %reduce_max3A_336 = vector.shape_cast %reduce_max3A_335 : vector<1xf32> to vector<1x1x1xf32>
    %reduce_max3A_337 = vector.extract %reduce_max3A_336[0, 0, 0] : f32 from vector<1x1x1xf32>
    %div3A_338 = arith.constant 2.048000e+03 : f32
    %div3A_339 = arith.divf %reduce_max3A_337, %div3A_338 : f32
    %floor3A_340 = math.floor %div3A_339 : f32
    %mul3A_341 = arith.constant 2.048000e+03 : f32
    %mul3A_342 = arith.mulf %floor3A_340, %mul3A_341 : f32
    %sub3A_343 = arith.subf %reduce_max3A_337, %mul3A_342 : f32
    %sub3A_344 = arith.constant 2.047000e+03 : f32
    %sub3A_345 = arith.subf %sub3A_344, %sub3A_343 : f32
    %convert_element_type3A_346 = arith.fptosi %sub3A_345 : f32 to i32
    %eq3A_347 = vector.broadcast %convert_element_type3A_346 : i32 to vector<16x128xi32>
    %eq3A_348 = arith.cmpi eq, %add3A, %eq3A_347 : vector<16x128xi32>
    %jit3A_349 = arith.constant -1.000000e+00 : f32
    %broadcast_in_dim3A_350 = vector.broadcast %jit3A_349 : f32 to vector<16x128xf32>
    %select_n3A_351 = arith.select %eq3A_348, %broadcast_in_dim3A_350, %select_n3A_324 : vector<16x128xi1>, vector<16x128xf32>
    %eq3A_352 = arith.constant 12 : i32
    %eq3A_353 = vector.broadcast %eq3A_352 : i32 to vector<1x128xi32>
    %eq3A_354 = arith.cmpi eq, %iota3A_3, %eq3A_353 : vector<1x128xi32>
    %broadcast_in_dim3A_355 = vector.broadcast %convert_element_type3A_346 : i32 to vector<1x128xi32>
    %select_n3A_356 = arith.select %eq3A_354, %broadcast_in_dim3A_355, %select_n3A_329 : vector<1x128xi1>, vector<1x128xi32>
    %jit3A_357 = arith.constant 1.000000e+00 : f32
    %broadcast_in_dim3A_358 = vector.broadcast %jit3A_357 : f32 to vector<16x128xf32>
    %select_n3A_359 = arith.select %eq3A_348, %broadcast_in_dim3A_358, %select_n3A_332 : vector<16x128xi1>, vector<16x128xf32>
    %reduce_max3A_360 = vector.shape_cast %select_n3A_351 : vector<16x128xf32> to vector<1x16x128xf32>
    %reduce_max3A_361 = arith.constant dense<0xFF800000> : vector<1xf32>
    %reduce_max3A_362 = vector.multi_reduction <maximumf>, %reduce_max3A_360, %reduce_max3A_361 [1, 2] : vector<1x16x128xf32> to vector<1xf32>
    %reduce_max3A_363 = vector.shape_cast %reduce_max3A_362 : vector<1xf32> to vector<1x1x1xf32>
    %reduce_max3A_364 = vector.extract %reduce_max3A_363[0, 0, 0] : f32 from vector<1x1x1xf32>
    %div3A_365 = arith.constant 2.048000e+03 : f32
    %div3A_366 = arith.divf %reduce_max3A_364, %div3A_365 : f32
    %floor3A_367 = math.floor %div3A_366 : f32
    %mul3A_368 = arith.constant 2.048000e+03 : f32
    %mul3A_369 = arith.mulf %floor3A_367, %mul3A_368 : f32
    %sub3A_370 = arith.subf %reduce_max3A_364, %mul3A_369 : f32
    %sub3A_371 = arith.constant 2.047000e+03 : f32
    %sub3A_372 = arith.subf %sub3A_371, %sub3A_370 : f32
    %convert_element_type3A_373 = arith.fptosi %sub3A_372 : f32 to i32
    %eq3A_374 = vector.broadcast %convert_element_type3A_373 : i32 to vector<16x128xi32>
    %eq3A_375 = arith.cmpi eq, %add3A, %eq3A_374 : vector<16x128xi32>
    %jit3A_376 = arith.constant -1.000000e+00 : f32
    %broadcast_in_dim3A_377 = vector.broadcast %jit3A_376 : f32 to vector<16x128xf32>
    %select_n3A_378 = arith.select %eq3A_375, %broadcast_in_dim3A_377, %select_n3A_351 : vector<16x128xi1>, vector<16x128xf32>
    %eq3A_379 = arith.constant 13 : i32
    %eq3A_380 = vector.broadcast %eq3A_379 : i32 to vector<1x128xi32>
    %eq3A_381 = arith.cmpi eq, %iota3A_3, %eq3A_380 : vector<1x128xi32>
    %broadcast_in_dim3A_382 = vector.broadcast %convert_element_type3A_373 : i32 to vector<1x128xi32>
    %select_n3A_383 = arith.select %eq3A_381, %broadcast_in_dim3A_382, %select_n3A_356 : vector<1x128xi1>, vector<1x128xi32>
    %jit3A_384 = arith.constant 1.000000e+00 : f32
    %broadcast_in_dim3A_385 = vector.broadcast %jit3A_384 : f32 to vector<16x128xf32>
    %select_n3A_386 = arith.select %eq3A_375, %broadcast_in_dim3A_385, %select_n3A_359 : vector<16x128xi1>, vector<16x128xf32>
    %reduce_max3A_387 = vector.shape_cast %select_n3A_378 : vector<16x128xf32> to vector<1x16x128xf32>
    %reduce_max3A_388 = arith.constant dense<0xFF800000> : vector<1xf32>
    %reduce_max3A_389 = vector.multi_reduction <maximumf>, %reduce_max3A_387, %reduce_max3A_388 [1, 2] : vector<1x16x128xf32> to vector<1xf32>
    %reduce_max3A_390 = vector.shape_cast %reduce_max3A_389 : vector<1xf32> to vector<1x1x1xf32>
    %reduce_max3A_391 = vector.extract %reduce_max3A_390[0, 0, 0] : f32 from vector<1x1x1xf32>
    %div3A_392 = arith.constant 2.048000e+03 : f32
    %div3A_393 = arith.divf %reduce_max3A_391, %div3A_392 : f32
    %floor3A_394 = math.floor %div3A_393 : f32
    %mul3A_395 = arith.constant 2.048000e+03 : f32
    %mul3A_396 = arith.mulf %floor3A_394, %mul3A_395 : f32
    %sub3A_397 = arith.subf %reduce_max3A_391, %mul3A_396 : f32
    %sub3A_398 = arith.constant 2.047000e+03 : f32
    %sub3A_399 = arith.subf %sub3A_398, %sub3A_397 : f32
    %convert_element_type3A_400 = arith.fptosi %sub3A_399 : f32 to i32
    %eq3A_401 = vector.broadcast %convert_element_type3A_400 : i32 to vector<16x128xi32>
    %eq3A_402 = arith.cmpi eq, %add3A, %eq3A_401 : vector<16x128xi32>
    %jit3A_403 = arith.constant -1.000000e+00 : f32
    %broadcast_in_dim3A_404 = vector.broadcast %jit3A_403 : f32 to vector<16x128xf32>
    %select_n3A_405 = arith.select %eq3A_402, %broadcast_in_dim3A_404, %select_n3A_378 : vector<16x128xi1>, vector<16x128xf32>
    %eq3A_406 = arith.constant 14 : i32
    %eq3A_407 = vector.broadcast %eq3A_406 : i32 to vector<1x128xi32>
    %eq3A_408 = arith.cmpi eq, %iota3A_3, %eq3A_407 : vector<1x128xi32>
    %broadcast_in_dim3A_409 = vector.broadcast %convert_element_type3A_400 : i32 to vector<1x128xi32>
    %select_n3A_410 = arith.select %eq3A_408, %broadcast_in_dim3A_409, %select_n3A_383 : vector<1x128xi1>, vector<1x128xi32>
    %jit3A_411 = arith.constant 1.000000e+00 : f32
    %broadcast_in_dim3A_412 = vector.broadcast %jit3A_411 : f32 to vector<16x128xf32>
    %select_n3A_413 = arith.select %eq3A_402, %broadcast_in_dim3A_412, %select_n3A_386 : vector<16x128xi1>, vector<16x128xf32>
    %reduce_max3A_414 = vector.shape_cast %select_n3A_405 : vector<16x128xf32> to vector<1x16x128xf32>
    %reduce_max3A_415 = arith.constant dense<0xFF800000> : vector<1xf32>
    %reduce_max3A_416 = vector.multi_reduction <maximumf>, %reduce_max3A_414, %reduce_max3A_415 [1, 2] : vector<1x16x128xf32> to vector<1xf32>
    %reduce_max3A_417 = vector.shape_cast %reduce_max3A_416 : vector<1xf32> to vector<1x1x1xf32>
    %reduce_max3A_418 = vector.extract %reduce_max3A_417[0, 0, 0] : f32 from vector<1x1x1xf32>
    %div3A_419 = arith.constant 2.048000e+03 : f32
    %div3A_420 = arith.divf %reduce_max3A_418, %div3A_419 : f32
    %floor3A_421 = math.floor %div3A_420 : f32
    %mul3A_422 = arith.constant 2.048000e+03 : f32
    %mul3A_423 = arith.mulf %floor3A_421, %mul3A_422 : f32
    %sub3A_424 = arith.subf %reduce_max3A_418, %mul3A_423 : f32
    %sub3A_425 = arith.constant 2.047000e+03 : f32
    %sub3A_426 = arith.subf %sub3A_425, %sub3A_424 : f32
    %convert_element_type3A_427 = arith.fptosi %sub3A_426 : f32 to i32
    %eq3A_428 = vector.broadcast %convert_element_type3A_427 : i32 to vector<16x128xi32>
    %eq3A_429 = arith.cmpi eq, %add3A, %eq3A_428 : vector<16x128xi32>
    %jit3A_430 = arith.constant -1.000000e+00 : f32
    %broadcast_in_dim3A_431 = vector.broadcast %jit3A_430 : f32 to vector<16x128xf32>
    %select_n3A_432 = arith.select %eq3A_429, %broadcast_in_dim3A_431, %select_n3A_405 : vector<16x128xi1>, vector<16x128xf32>
    %eq3A_433 = arith.constant 15 : i32
    %eq3A_434 = vector.broadcast %eq3A_433 : i32 to vector<1x128xi32>
    %eq3A_435 = arith.cmpi eq, %iota3A_3, %eq3A_434 : vector<1x128xi32>
    %broadcast_in_dim3A_436 = vector.broadcast %convert_element_type3A_427 : i32 to vector<1x128xi32>
    %select_n3A_437 = arith.select %eq3A_435, %broadcast_in_dim3A_436, %select_n3A_410 : vector<1x128xi1>, vector<1x128xi32>
    %jit3A_438 = arith.constant 1.000000e+00 : f32
    %broadcast_in_dim3A_439 = vector.broadcast %jit3A_438 : f32 to vector<16x128xf32>
    %select_n3A_440 = arith.select %eq3A_429, %broadcast_in_dim3A_439, %select_n3A_413 : vector<16x128xi1>, vector<16x128xf32>
    %reduce_max3A_441 = vector.shape_cast %select_n3A_432 : vector<16x128xf32> to vector<1x16x128xf32>
    %reduce_max3A_442 = arith.constant dense<0xFF800000> : vector<1xf32>
    %reduce_max3A_443 = vector.multi_reduction <maximumf>, %reduce_max3A_441, %reduce_max3A_442 [1, 2] : vector<1x16x128xf32> to vector<1xf32>
    %reduce_max3A_444 = vector.shape_cast %reduce_max3A_443 : vector<1xf32> to vector<1x1x1xf32>
    %reduce_max3A_445 = vector.extract %reduce_max3A_444[0, 0, 0] : f32 from vector<1x1x1xf32>
    %div3A_446 = arith.constant 2.048000e+03 : f32
    %div3A_447 = arith.divf %reduce_max3A_445, %div3A_446 : f32
    %floor3A_448 = math.floor %div3A_447 : f32
    %mul3A_449 = arith.constant 2.048000e+03 : f32
    %mul3A_450 = arith.mulf %floor3A_448, %mul3A_449 : f32
    %sub3A_451 = arith.subf %reduce_max3A_445, %mul3A_450 : f32
    %sub3A_452 = arith.constant 2.047000e+03 : f32
    %sub3A_453 = arith.subf %sub3A_452, %sub3A_451 : f32
    %convert_element_type3A_454 = arith.fptosi %sub3A_453 : f32 to i32
    %eq3A_455 = vector.broadcast %convert_element_type3A_454 : i32 to vector<16x128xi32>
    %eq3A_456 = arith.cmpi eq, %add3A, %eq3A_455 : vector<16x128xi32>
    %jit3A_457 = arith.constant -1.000000e+00 : f32
    %broadcast_in_dim3A_458 = vector.broadcast %jit3A_457 : f32 to vector<16x128xf32>
    %select_n3A_459 = arith.select %eq3A_456, %broadcast_in_dim3A_458, %select_n3A_432 : vector<16x128xi1>, vector<16x128xf32>
    %eq3A_460 = arith.constant 16 : i32
    %eq3A_461 = vector.broadcast %eq3A_460 : i32 to vector<1x128xi32>
    %eq3A_462 = arith.cmpi eq, %iota3A_3, %eq3A_461 : vector<1x128xi32>
    %broadcast_in_dim3A_463 = vector.broadcast %convert_element_type3A_454 : i32 to vector<1x128xi32>
    %select_n3A_464 = arith.select %eq3A_462, %broadcast_in_dim3A_463, %select_n3A_437 : vector<1x128xi1>, vector<1x128xi32>
    %jit3A_465 = arith.constant 1.000000e+00 : f32
    %broadcast_in_dim3A_466 = vector.broadcast %jit3A_465 : f32 to vector<16x128xf32>
    %select_n3A_467 = arith.select %eq3A_456, %broadcast_in_dim3A_466, %select_n3A_440 : vector<16x128xi1>, vector<16x128xf32>
    %reduce_max3A_468 = vector.shape_cast %select_n3A_459 : vector<16x128xf32> to vector<1x16x128xf32>
    %reduce_max3A_469 = arith.constant dense<0xFF800000> : vector<1xf32>
    %reduce_max3A_470 = vector.multi_reduction <maximumf>, %reduce_max3A_468, %reduce_max3A_469 [1, 2] : vector<1x16x128xf32> to vector<1xf32>
    %reduce_max3A_471 = vector.shape_cast %reduce_max3A_470 : vector<1xf32> to vector<1x1x1xf32>
    %reduce_max3A_472 = vector.extract %reduce_max3A_471[0, 0, 0] : f32 from vector<1x1x1xf32>
    %div3A_473 = arith.constant 2.048000e+03 : f32
    %div3A_474 = arith.divf %reduce_max3A_472, %div3A_473 : f32
    %floor3A_475 = math.floor %div3A_474 : f32
    %mul3A_476 = arith.constant 2.048000e+03 : f32
    %mul3A_477 = arith.mulf %floor3A_475, %mul3A_476 : f32
    %sub3A_478 = arith.subf %reduce_max3A_472, %mul3A_477 : f32
    %sub3A_479 = arith.constant 2.047000e+03 : f32
    %sub3A_480 = arith.subf %sub3A_479, %sub3A_478 : f32
    %convert_element_type3A_481 = arith.fptosi %sub3A_480 : f32 to i32
    %eq3A_482 = vector.broadcast %convert_element_type3A_481 : i32 to vector<16x128xi32>
    %eq3A_483 = arith.cmpi eq, %add3A, %eq3A_482 : vector<16x128xi32>
    %jit3A_484 = arith.constant -1.000000e+00 : f32
    %broadcast_in_dim3A_485 = vector.broadcast %jit3A_484 : f32 to vector<16x128xf32>
    %select_n3A_486 = arith.select %eq3A_483, %broadcast_in_dim3A_485, %select_n3A_459 : vector<16x128xi1>, vector<16x128xf32>
    %eq3A_487 = arith.constant 17 : i32
    %eq3A_488 = vector.broadcast %eq3A_487 : i32 to vector<1x128xi32>
    %eq3A_489 = arith.cmpi eq, %iota3A_3, %eq3A_488 : vector<1x128xi32>
    %broadcast_in_dim3A_490 = vector.broadcast %convert_element_type3A_481 : i32 to vector<1x128xi32>
    %select_n3A_491 = arith.select %eq3A_489, %broadcast_in_dim3A_490, %select_n3A_464 : vector<1x128xi1>, vector<1x128xi32>
    %jit3A_492 = arith.constant 1.000000e+00 : f32
    %broadcast_in_dim3A_493 = vector.broadcast %jit3A_492 : f32 to vector<16x128xf32>
    %select_n3A_494 = arith.select %eq3A_483, %broadcast_in_dim3A_493, %select_n3A_467 : vector<16x128xi1>, vector<16x128xf32>
    %reduce_max3A_495 = vector.shape_cast %select_n3A_486 : vector<16x128xf32> to vector<1x16x128xf32>
    %reduce_max3A_496 = arith.constant dense<0xFF800000> : vector<1xf32>
    %reduce_max3A_497 = vector.multi_reduction <maximumf>, %reduce_max3A_495, %reduce_max3A_496 [1, 2] : vector<1x16x128xf32> to vector<1xf32>
    %reduce_max3A_498 = vector.shape_cast %reduce_max3A_497 : vector<1xf32> to vector<1x1x1xf32>
    %reduce_max3A_499 = vector.extract %reduce_max3A_498[0, 0, 0] : f32 from vector<1x1x1xf32>
    %div3A_500 = arith.constant 2.048000e+03 : f32
    %div3A_501 = arith.divf %reduce_max3A_499, %div3A_500 : f32
    %floor3A_502 = math.floor %div3A_501 : f32
    %mul3A_503 = arith.constant 2.048000e+03 : f32
    %mul3A_504 = arith.mulf %floor3A_502, %mul3A_503 : f32
    %sub3A_505 = arith.subf %reduce_max3A_499, %mul3A_504 : f32
    %sub3A_506 = arith.constant 2.047000e+03 : f32
    %sub3A_507 = arith.subf %sub3A_506, %sub3A_505 : f32
    %convert_element_type3A_508 = arith.fptosi %sub3A_507 : f32 to i32
    %eq3A_509 = vector.broadcast %convert_element_type3A_508 : i32 to vector<16x128xi32>
    %eq3A_510 = arith.cmpi eq, %add3A, %eq3A_509 : vector<16x128xi32>
    %jit3A_511 = arith.constant -1.000000e+00 : f32
    %broadcast_in_dim3A_512 = vector.broadcast %jit3A_511 : f32 to vector<16x128xf32>
    %select_n3A_513 = arith.select %eq3A_510, %broadcast_in_dim3A_512, %select_n3A_486 : vector<16x128xi1>, vector<16x128xf32>
    %eq3A_514 = arith.constant 18 : i32
    %eq3A_515 = vector.broadcast %eq3A_514 : i32 to vector<1x128xi32>
    %eq3A_516 = arith.cmpi eq, %iota3A_3, %eq3A_515 : vector<1x128xi32>
    %broadcast_in_dim3A_517 = vector.broadcast %convert_element_type3A_508 : i32 to vector<1x128xi32>
    %select_n3A_518 = arith.select %eq3A_516, %broadcast_in_dim3A_517, %select_n3A_491 : vector<1x128xi1>, vector<1x128xi32>
    %jit3A_519 = arith.constant 1.000000e+00 : f32
    %broadcast_in_dim3A_520 = vector.broadcast %jit3A_519 : f32 to vector<16x128xf32>
    %select_n3A_521 = arith.select %eq3A_510, %broadcast_in_dim3A_520, %select_n3A_494 : vector<16x128xi1>, vector<16x128xf32>
    %reduce_max3A_522 = vector.shape_cast %select_n3A_513 : vector<16x128xf32> to vector<1x16x128xf32>
    %reduce_max3A_523 = arith.constant dense<0xFF800000> : vector<1xf32>
    %reduce_max3A_524 = vector.multi_reduction <maximumf>, %reduce_max3A_522, %reduce_max3A_523 [1, 2] : vector<1x16x128xf32> to vector<1xf32>
    %reduce_max3A_525 = vector.shape_cast %reduce_max3A_524 : vector<1xf32> to vector<1x1x1xf32>
    %reduce_max3A_526 = vector.extract %reduce_max3A_525[0, 0, 0] : f32 from vector<1x1x1xf32>
    %div3A_527 = arith.constant 2.048000e+03 : f32
    %div3A_528 = arith.divf %reduce_max3A_526, %div3A_527 : f32
    %floor3A_529 = math.floor %div3A_528 : f32
    %mul3A_530 = arith.constant 2.048000e+03 : f32
    %mul3A_531 = arith.mulf %floor3A_529, %mul3A_530 : f32
    %sub3A_532 = arith.subf %reduce_max3A_526, %mul3A_531 : f32
    %sub3A_533 = arith.constant 2.047000e+03 : f32
    %sub3A_534 = arith.subf %sub3A_533, %sub3A_532 : f32
    %convert_element_type3A_535 = arith.fptosi %sub3A_534 : f32 to i32
    %eq3A_536 = vector.broadcast %convert_element_type3A_535 : i32 to vector<16x128xi32>
    %eq3A_537 = arith.cmpi eq, %add3A, %eq3A_536 : vector<16x128xi32>
    %jit3A_538 = arith.constant -1.000000e+00 : f32
    %broadcast_in_dim3A_539 = vector.broadcast %jit3A_538 : f32 to vector<16x128xf32>
    %select_n3A_540 = arith.select %eq3A_537, %broadcast_in_dim3A_539, %select_n3A_513 : vector<16x128xi1>, vector<16x128xf32>
    %eq3A_541 = arith.constant 19 : i32
    %eq3A_542 = vector.broadcast %eq3A_541 : i32 to vector<1x128xi32>
    %eq3A_543 = arith.cmpi eq, %iota3A_3, %eq3A_542 : vector<1x128xi32>
    %broadcast_in_dim3A_544 = vector.broadcast %convert_element_type3A_535 : i32 to vector<1x128xi32>
    %select_n3A_545 = arith.select %eq3A_543, %broadcast_in_dim3A_544, %select_n3A_518 : vector<1x128xi1>, vector<1x128xi32>
    %jit3A_546 = arith.constant 1.000000e+00 : f32
    %broadcast_in_dim3A_547 = vector.broadcast %jit3A_546 : f32 to vector<16x128xf32>
    %select_n3A_548 = arith.select %eq3A_537, %broadcast_in_dim3A_547, %select_n3A_521 : vector<16x128xi1>, vector<16x128xf32>
    %reduce_max3A_549 = vector.shape_cast %select_n3A_540 : vector<16x128xf32> to vector<1x16x128xf32>
    %reduce_max3A_550 = arith.constant dense<0xFF800000> : vector<1xf32>
    %reduce_max3A_551 = vector.multi_reduction <maximumf>, %reduce_max3A_549, %reduce_max3A_550 [1, 2] : vector<1x16x128xf32> to vector<1xf32>
    %reduce_max3A_552 = vector.shape_cast %reduce_max3A_551 : vector<1xf32> to vector<1x1x1xf32>
    %reduce_max3A_553 = vector.extract %reduce_max3A_552[0, 0, 0] : f32 from vector<1x1x1xf32>
    %div3A_554 = arith.constant 2.048000e+03 : f32
    %div3A_555 = arith.divf %reduce_max3A_553, %div3A_554 : f32
    %floor3A_556 = math.floor %div3A_555 : f32
    %mul3A_557 = arith.constant 2.048000e+03 : f32
    %mul3A_558 = arith.mulf %floor3A_556, %mul3A_557 : f32
    %sub3A_559 = arith.subf %reduce_max3A_553, %mul3A_558 : f32
    %sub3A_560 = arith.constant 2.047000e+03 : f32
    %sub3A_561 = arith.subf %sub3A_560, %sub3A_559 : f32
    %convert_element_type3A_562 = arith.fptosi %sub3A_561 : f32 to i32
    %eq3A_563 = vector.broadcast %convert_element_type3A_562 : i32 to vector<16x128xi32>
    %eq3A_564 = arith.cmpi eq, %add3A, %eq3A_563 : vector<16x128xi32>
    %jit3A_565 = arith.constant -1.000000e+00 : f32
    %broadcast_in_dim3A_566 = vector.broadcast %jit3A_565 : f32 to vector<16x128xf32>
    %select_n3A_567 = arith.select %eq3A_564, %broadcast_in_dim3A_566, %select_n3A_540 : vector<16x128xi1>, vector<16x128xf32>
    %eq3A_568 = arith.constant 20 : i32
    %eq3A_569 = vector.broadcast %eq3A_568 : i32 to vector<1x128xi32>
    %eq3A_570 = arith.cmpi eq, %iota3A_3, %eq3A_569 : vector<1x128xi32>
    %broadcast_in_dim3A_571 = vector.broadcast %convert_element_type3A_562 : i32 to vector<1x128xi32>
    %select_n3A_572 = arith.select %eq3A_570, %broadcast_in_dim3A_571, %select_n3A_545 : vector<1x128xi1>, vector<1x128xi32>
    %jit3A_573 = arith.constant 1.000000e+00 : f32
    %broadcast_in_dim3A_574 = vector.broadcast %jit3A_573 : f32 to vector<16x128xf32>
    %select_n3A_575 = arith.select %eq3A_564, %broadcast_in_dim3A_574, %select_n3A_548 : vector<16x128xi1>, vector<16x128xf32>
    %reduce_max3A_576 = vector.shape_cast %select_n3A_567 : vector<16x128xf32> to vector<1x16x128xf32>
    %reduce_max3A_577 = arith.constant dense<0xFF800000> : vector<1xf32>
    %reduce_max3A_578 = vector.multi_reduction <maximumf>, %reduce_max3A_576, %reduce_max3A_577 [1, 2] : vector<1x16x128xf32> to vector<1xf32>
    %reduce_max3A_579 = vector.shape_cast %reduce_max3A_578 : vector<1xf32> to vector<1x1x1xf32>
    %reduce_max3A_580 = vector.extract %reduce_max3A_579[0, 0, 0] : f32 from vector<1x1x1xf32>
    %div3A_581 = arith.constant 2.048000e+03 : f32
    %div3A_582 = arith.divf %reduce_max3A_580, %div3A_581 : f32
    %floor3A_583 = math.floor %div3A_582 : f32
    %mul3A_584 = arith.constant 2.048000e+03 : f32
    %mul3A_585 = arith.mulf %floor3A_583, %mul3A_584 : f32
    %sub3A_586 = arith.subf %reduce_max3A_580, %mul3A_585 : f32
    %sub3A_587 = arith.constant 2.047000e+03 : f32
    %sub3A_588 = arith.subf %sub3A_587, %sub3A_586 : f32
    %convert_element_type3A_589 = arith.fptosi %sub3A_588 : f32 to i32
    %eq3A_590 = vector.broadcast %convert_element_type3A_589 : i32 to vector<16x128xi32>
    %eq3A_591 = arith.cmpi eq, %add3A, %eq3A_590 : vector<16x128xi32>
    %jit3A_592 = arith.constant -1.000000e+00 : f32
    %broadcast_in_dim3A_593 = vector.broadcast %jit3A_592 : f32 to vector<16x128xf32>
    %select_n3A_594 = arith.select %eq3A_591, %broadcast_in_dim3A_593, %select_n3A_567 : vector<16x128xi1>, vector<16x128xf32>
    %eq3A_595 = arith.constant 21 : i32
    %eq3A_596 = vector.broadcast %eq3A_595 : i32 to vector<1x128xi32>
    %eq3A_597 = arith.cmpi eq, %iota3A_3, %eq3A_596 : vector<1x128xi32>
    %broadcast_in_dim3A_598 = vector.broadcast %convert_element_type3A_589 : i32 to vector<1x128xi32>
    %select_n3A_599 = arith.select %eq3A_597, %broadcast_in_dim3A_598, %select_n3A_572 : vector<1x128xi1>, vector<1x128xi32>
    %jit3A_600 = arith.constant 1.000000e+00 : f32
    %broadcast_in_dim3A_601 = vector.broadcast %jit3A_600 : f32 to vector<16x128xf32>
    %select_n3A_602 = arith.select %eq3A_591, %broadcast_in_dim3A_601, %select_n3A_575 : vector<16x128xi1>, vector<16x128xf32>
    %reduce_max3A_603 = vector.shape_cast %select_n3A_594 : vector<16x128xf32> to vector<1x16x128xf32>
    %reduce_max3A_604 = arith.constant dense<0xFF800000> : vector<1xf32>
    %reduce_max3A_605 = vector.multi_reduction <maximumf>, %reduce_max3A_603, %reduce_max3A_604 [1, 2] : vector<1x16x128xf32> to vector<1xf32>
    %reduce_max3A_606 = vector.shape_cast %reduce_max3A_605 : vector<1xf32> to vector<1x1x1xf32>
    %reduce_max3A_607 = vector.extract %reduce_max3A_606[0, 0, 0] : f32 from vector<1x1x1xf32>
    %div3A_608 = arith.constant 2.048000e+03 : f32
    %div3A_609 = arith.divf %reduce_max3A_607, %div3A_608 : f32
    %floor3A_610 = math.floor %div3A_609 : f32
    %mul3A_611 = arith.constant 2.048000e+03 : f32
    %mul3A_612 = arith.mulf %floor3A_610, %mul3A_611 : f32
    %sub3A_613 = arith.subf %reduce_max3A_607, %mul3A_612 : f32
    %sub3A_614 = arith.constant 2.047000e+03 : f32
    %sub3A_615 = arith.subf %sub3A_614, %sub3A_613 : f32
    %convert_element_type3A_616 = arith.fptosi %sub3A_615 : f32 to i32
    %eq3A_617 = vector.broadcast %convert_element_type3A_616 : i32 to vector<16x128xi32>
    %eq3A_618 = arith.cmpi eq, %add3A, %eq3A_617 : vector<16x128xi32>
    %jit3A_619 = arith.constant -1.000000e+00 : f32
    %broadcast_in_dim3A_620 = vector.broadcast %jit3A_619 : f32 to vector<16x128xf32>
    %select_n3A_621 = arith.select %eq3A_618, %broadcast_in_dim3A_620, %select_n3A_594 : vector<16x128xi1>, vector<16x128xf32>
    %eq3A_622 = arith.constant 22 : i32
    %eq3A_623 = vector.broadcast %eq3A_622 : i32 to vector<1x128xi32>
    %eq3A_624 = arith.cmpi eq, %iota3A_3, %eq3A_623 : vector<1x128xi32>
    %broadcast_in_dim3A_625 = vector.broadcast %convert_element_type3A_616 : i32 to vector<1x128xi32>
    %select_n3A_626 = arith.select %eq3A_624, %broadcast_in_dim3A_625, %select_n3A_599 : vector<1x128xi1>, vector<1x128xi32>
    %jit3A_627 = arith.constant 1.000000e+00 : f32
    %broadcast_in_dim3A_628 = vector.broadcast %jit3A_627 : f32 to vector<16x128xf32>
    %select_n3A_629 = arith.select %eq3A_618, %broadcast_in_dim3A_628, %select_n3A_602 : vector<16x128xi1>, vector<16x128xf32>
    %reduce_max3A_630 = vector.shape_cast %select_n3A_621 : vector<16x128xf32> to vector<1x16x128xf32>
    %reduce_max3A_631 = arith.constant dense<0xFF800000> : vector<1xf32>
    %reduce_max3A_632 = vector.multi_reduction <maximumf>, %reduce_max3A_630, %reduce_max3A_631 [1, 2] : vector<1x16x128xf32> to vector<1xf32>
    %reduce_max3A_633 = vector.shape_cast %reduce_max3A_632 : vector<1xf32> to vector<1x1x1xf32>
    %reduce_max3A_634 = vector.extract %reduce_max3A_633[0, 0, 0] : f32 from vector<1x1x1xf32>
    %div3A_635 = arith.constant 2.048000e+03 : f32
    %div3A_636 = arith.divf %reduce_max3A_634, %div3A_635 : f32
    %floor3A_637 = math.floor %div3A_636 : f32
    %mul3A_638 = arith.constant 2.048000e+03 : f32
    %mul3A_639 = arith.mulf %floor3A_637, %mul3A_638 : f32
    %sub3A_640 = arith.subf %reduce_max3A_634, %mul3A_639 : f32
    %sub3A_641 = arith.constant 2.047000e+03 : f32
    %sub3A_642 = arith.subf %sub3A_641, %sub3A_640 : f32
    %convert_element_type3A_643 = arith.fptosi %sub3A_642 : f32 to i32
    %eq3A_644 = vector.broadcast %convert_element_type3A_643 : i32 to vector<16x128xi32>
    %eq3A_645 = arith.cmpi eq, %add3A, %eq3A_644 : vector<16x128xi32>
    %jit3A_646 = arith.constant -1.000000e+00 : f32
    %broadcast_in_dim3A_647 = vector.broadcast %jit3A_646 : f32 to vector<16x128xf32>
    %select_n3A_648 = arith.select %eq3A_645, %broadcast_in_dim3A_647, %select_n3A_621 : vector<16x128xi1>, vector<16x128xf32>
    %eq3A_649 = arith.constant 23 : i32
    %eq3A_650 = vector.broadcast %eq3A_649 : i32 to vector<1x128xi32>
    %eq3A_651 = arith.cmpi eq, %iota3A_3, %eq3A_650 : vector<1x128xi32>
    %broadcast_in_dim3A_652 = vector.broadcast %convert_element_type3A_643 : i32 to vector<1x128xi32>
    %select_n3A_653 = arith.select %eq3A_651, %broadcast_in_dim3A_652, %select_n3A_626 : vector<1x128xi1>, vector<1x128xi32>
    %jit3A_654 = arith.constant 1.000000e+00 : f32
    %broadcast_in_dim3A_655 = vector.broadcast %jit3A_654 : f32 to vector<16x128xf32>
    %select_n3A_656 = arith.select %eq3A_645, %broadcast_in_dim3A_655, %select_n3A_629 : vector<16x128xi1>, vector<16x128xf32>
    %reduce_max3A_657 = vector.shape_cast %select_n3A_648 : vector<16x128xf32> to vector<1x16x128xf32>
    %reduce_max3A_658 = arith.constant dense<0xFF800000> : vector<1xf32>
    %reduce_max3A_659 = vector.multi_reduction <maximumf>, %reduce_max3A_657, %reduce_max3A_658 [1, 2] : vector<1x16x128xf32> to vector<1xf32>
    %reduce_max3A_660 = vector.shape_cast %reduce_max3A_659 : vector<1xf32> to vector<1x1x1xf32>
    %reduce_max3A_661 = vector.extract %reduce_max3A_660[0, 0, 0] : f32 from vector<1x1x1xf32>
    %div3A_662 = arith.constant 2.048000e+03 : f32
    %div3A_663 = arith.divf %reduce_max3A_661, %div3A_662 : f32
    %floor3A_664 = math.floor %div3A_663 : f32
    %mul3A_665 = arith.constant 2.048000e+03 : f32
    %mul3A_666 = arith.mulf %floor3A_664, %mul3A_665 : f32
    %sub3A_667 = arith.subf %reduce_max3A_661, %mul3A_666 : f32
    %sub3A_668 = arith.constant 2.047000e+03 : f32
    %sub3A_669 = arith.subf %sub3A_668, %sub3A_667 : f32
    %convert_element_type3A_670 = arith.fptosi %sub3A_669 : f32 to i32
    %eq3A_671 = vector.broadcast %convert_element_type3A_670 : i32 to vector<16x128xi32>
    %eq3A_672 = arith.cmpi eq, %add3A, %eq3A_671 : vector<16x128xi32>
    %jit3A_673 = arith.constant -1.000000e+00 : f32
    %broadcast_in_dim3A_674 = vector.broadcast %jit3A_673 : f32 to vector<16x128xf32>
    %select_n3A_675 = arith.select %eq3A_672, %broadcast_in_dim3A_674, %select_n3A_648 : vector<16x128xi1>, vector<16x128xf32>
    %eq3A_676 = arith.constant 24 : i32
    %eq3A_677 = vector.broadcast %eq3A_676 : i32 to vector<1x128xi32>
    %eq3A_678 = arith.cmpi eq, %iota3A_3, %eq3A_677 : vector<1x128xi32>
    %broadcast_in_dim3A_679 = vector.broadcast %convert_element_type3A_670 : i32 to vector<1x128xi32>
    %select_n3A_680 = arith.select %eq3A_678, %broadcast_in_dim3A_679, %select_n3A_653 : vector<1x128xi1>, vector<1x128xi32>
    %jit3A_681 = arith.constant 1.000000e+00 : f32
    %broadcast_in_dim3A_682 = vector.broadcast %jit3A_681 : f32 to vector<16x128xf32>
    %select_n3A_683 = arith.select %eq3A_672, %broadcast_in_dim3A_682, %select_n3A_656 : vector<16x128xi1>, vector<16x128xf32>
    %reduce_max3A_684 = vector.shape_cast %select_n3A_675 : vector<16x128xf32> to vector<1x16x128xf32>
    %reduce_max3A_685 = arith.constant dense<0xFF800000> : vector<1xf32>
    %reduce_max3A_686 = vector.multi_reduction <maximumf>, %reduce_max3A_684, %reduce_max3A_685 [1, 2] : vector<1x16x128xf32> to vector<1xf32>
    %reduce_max3A_687 = vector.shape_cast %reduce_max3A_686 : vector<1xf32> to vector<1x1x1xf32>
    %reduce_max3A_688 = vector.extract %reduce_max3A_687[0, 0, 0] : f32 from vector<1x1x1xf32>
    %div3A_689 = arith.constant 2.048000e+03 : f32
    %div3A_690 = arith.divf %reduce_max3A_688, %div3A_689 : f32
    %floor3A_691 = math.floor %div3A_690 : f32
    %mul3A_692 = arith.constant 2.048000e+03 : f32
    %mul3A_693 = arith.mulf %floor3A_691, %mul3A_692 : f32
    %sub3A_694 = arith.subf %reduce_max3A_688, %mul3A_693 : f32
    %sub3A_695 = arith.constant 2.047000e+03 : f32
    %sub3A_696 = arith.subf %sub3A_695, %sub3A_694 : f32
    %convert_element_type3A_697 = arith.fptosi %sub3A_696 : f32 to i32
    %eq3A_698 = vector.broadcast %convert_element_type3A_697 : i32 to vector<16x128xi32>
    %eq3A_699 = arith.cmpi eq, %add3A, %eq3A_698 : vector<16x128xi32>
    %jit3A_700 = arith.constant -1.000000e+00 : f32
    %broadcast_in_dim3A_701 = vector.broadcast %jit3A_700 : f32 to vector<16x128xf32>
    %select_n3A_702 = arith.select %eq3A_699, %broadcast_in_dim3A_701, %select_n3A_675 : vector<16x128xi1>, vector<16x128xf32>
    %eq3A_703 = arith.constant 25 : i32
    %eq3A_704 = vector.broadcast %eq3A_703 : i32 to vector<1x128xi32>
    %eq3A_705 = arith.cmpi eq, %iota3A_3, %eq3A_704 : vector<1x128xi32>
    %broadcast_in_dim3A_706 = vector.broadcast %convert_element_type3A_697 : i32 to vector<1x128xi32>
    %select_n3A_707 = arith.select %eq3A_705, %broadcast_in_dim3A_706, %select_n3A_680 : vector<1x128xi1>, vector<1x128xi32>
    %jit3A_708 = arith.constant 1.000000e+00 : f32
    %broadcast_in_dim3A_709 = vector.broadcast %jit3A_708 : f32 to vector<16x128xf32>
    %select_n3A_710 = arith.select %eq3A_699, %broadcast_in_dim3A_709, %select_n3A_683 : vector<16x128xi1>, vector<16x128xf32>
    %reduce_max3A_711 = vector.shape_cast %select_n3A_702 : vector<16x128xf32> to vector<1x16x128xf32>
    %reduce_max3A_712 = arith.constant dense<0xFF800000> : vector<1xf32>
    %reduce_max3A_713 = vector.multi_reduction <maximumf>, %reduce_max3A_711, %reduce_max3A_712 [1, 2] : vector<1x16x128xf32> to vector<1xf32>
    %reduce_max3A_714 = vector.shape_cast %reduce_max3A_713 : vector<1xf32> to vector<1x1x1xf32>
    %reduce_max3A_715 = vector.extract %reduce_max3A_714[0, 0, 0] : f32 from vector<1x1x1xf32>
    %div3A_716 = arith.constant 2.048000e+03 : f32
    %div3A_717 = arith.divf %reduce_max3A_715, %div3A_716 : f32
    %floor3A_718 = math.floor %div3A_717 : f32
    %mul3A_719 = arith.constant 2.048000e+03 : f32
    %mul3A_720 = arith.mulf %floor3A_718, %mul3A_719 : f32
    %sub3A_721 = arith.subf %reduce_max3A_715, %mul3A_720 : f32
    %sub3A_722 = arith.constant 2.047000e+03 : f32
    %sub3A_723 = arith.subf %sub3A_722, %sub3A_721 : f32
    %convert_element_type3A_724 = arith.fptosi %sub3A_723 : f32 to i32
    %eq3A_725 = vector.broadcast %convert_element_type3A_724 : i32 to vector<16x128xi32>
    %eq3A_726 = arith.cmpi eq, %add3A, %eq3A_725 : vector<16x128xi32>
    %jit3A_727 = arith.constant -1.000000e+00 : f32
    %broadcast_in_dim3A_728 = vector.broadcast %jit3A_727 : f32 to vector<16x128xf32>
    %select_n3A_729 = arith.select %eq3A_726, %broadcast_in_dim3A_728, %select_n3A_702 : vector<16x128xi1>, vector<16x128xf32>
    %eq3A_730 = arith.constant 26 : i32
    %eq3A_731 = vector.broadcast %eq3A_730 : i32 to vector<1x128xi32>
    %eq3A_732 = arith.cmpi eq, %iota3A_3, %eq3A_731 : vector<1x128xi32>
    %broadcast_in_dim3A_733 = vector.broadcast %convert_element_type3A_724 : i32 to vector<1x128xi32>
    %select_n3A_734 = arith.select %eq3A_732, %broadcast_in_dim3A_733, %select_n3A_707 : vector<1x128xi1>, vector<1x128xi32>
    %jit3A_735 = arith.constant 1.000000e+00 : f32
    %broadcast_in_dim3A_736 = vector.broadcast %jit3A_735 : f32 to vector<16x128xf32>
    %select_n3A_737 = arith.select %eq3A_726, %broadcast_in_dim3A_736, %select_n3A_710 : vector<16x128xi1>, vector<16x128xf32>
    %reduce_max3A_738 = vector.shape_cast %select_n3A_729 : vector<16x128xf32> to vector<1x16x128xf32>
    %reduce_max3A_739 = arith.constant dense<0xFF800000> : vector<1xf32>
    %reduce_max3A_740 = vector.multi_reduction <maximumf>, %reduce_max3A_738, %reduce_max3A_739 [1, 2] : vector<1x16x128xf32> to vector<1xf32>
    %reduce_max3A_741 = vector.shape_cast %reduce_max3A_740 : vector<1xf32> to vector<1x1x1xf32>
    %reduce_max3A_742 = vector.extract %reduce_max3A_741[0, 0, 0] : f32 from vector<1x1x1xf32>
    %div3A_743 = arith.constant 2.048000e+03 : f32
    %div3A_744 = arith.divf %reduce_max3A_742, %div3A_743 : f32
    %floor3A_745 = math.floor %div3A_744 : f32
    %mul3A_746 = arith.constant 2.048000e+03 : f32
    %mul3A_747 = arith.mulf %floor3A_745, %mul3A_746 : f32
    %sub3A_748 = arith.subf %reduce_max3A_742, %mul3A_747 : f32
    %sub3A_749 = arith.constant 2.047000e+03 : f32
    %sub3A_750 = arith.subf %sub3A_749, %sub3A_748 : f32
    %convert_element_type3A_751 = arith.fptosi %sub3A_750 : f32 to i32
    %eq3A_752 = vector.broadcast %convert_element_type3A_751 : i32 to vector<16x128xi32>
    %eq3A_753 = arith.cmpi eq, %add3A, %eq3A_752 : vector<16x128xi32>
    %jit3A_754 = arith.constant -1.000000e+00 : f32
    %broadcast_in_dim3A_755 = vector.broadcast %jit3A_754 : f32 to vector<16x128xf32>
    %select_n3A_756 = arith.select %eq3A_753, %broadcast_in_dim3A_755, %select_n3A_729 : vector<16x128xi1>, vector<16x128xf32>
    %eq3A_757 = arith.constant 27 : i32
    %eq3A_758 = vector.broadcast %eq3A_757 : i32 to vector<1x128xi32>
    %eq3A_759 = arith.cmpi eq, %iota3A_3, %eq3A_758 : vector<1x128xi32>
    %broadcast_in_dim3A_760 = vector.broadcast %convert_element_type3A_751 : i32 to vector<1x128xi32>
    %select_n3A_761 = arith.select %eq3A_759, %broadcast_in_dim3A_760, %select_n3A_734 : vector<1x128xi1>, vector<1x128xi32>
    %jit3A_762 = arith.constant 1.000000e+00 : f32
    %broadcast_in_dim3A_763 = vector.broadcast %jit3A_762 : f32 to vector<16x128xf32>
    %select_n3A_764 = arith.select %eq3A_753, %broadcast_in_dim3A_763, %select_n3A_737 : vector<16x128xi1>, vector<16x128xf32>
    %reduce_max3A_765 = vector.shape_cast %select_n3A_756 : vector<16x128xf32> to vector<1x16x128xf32>
    %reduce_max3A_766 = arith.constant dense<0xFF800000> : vector<1xf32>
    %reduce_max3A_767 = vector.multi_reduction <maximumf>, %reduce_max3A_765, %reduce_max3A_766 [1, 2] : vector<1x16x128xf32> to vector<1xf32>
    %reduce_max3A_768 = vector.shape_cast %reduce_max3A_767 : vector<1xf32> to vector<1x1x1xf32>
    %reduce_max3A_769 = vector.extract %reduce_max3A_768[0, 0, 0] : f32 from vector<1x1x1xf32>
    %div3A_770 = arith.constant 2.048000e+03 : f32
    %div3A_771 = arith.divf %reduce_max3A_769, %div3A_770 : f32
    %floor3A_772 = math.floor %div3A_771 : f32
    %mul3A_773 = arith.constant 2.048000e+03 : f32
    %mul3A_774 = arith.mulf %floor3A_772, %mul3A_773 : f32
    %sub3A_775 = arith.subf %reduce_max3A_769, %mul3A_774 : f32
    %sub3A_776 = arith.constant 2.047000e+03 : f32
    %sub3A_777 = arith.subf %sub3A_776, %sub3A_775 : f32
    %convert_element_type3A_778 = arith.fptosi %sub3A_777 : f32 to i32
    %eq3A_779 = vector.broadcast %convert_element_type3A_778 : i32 to vector<16x128xi32>
    %eq3A_780 = arith.cmpi eq, %add3A, %eq3A_779 : vector<16x128xi32>
    %jit3A_781 = arith.constant -1.000000e+00 : f32
    %broadcast_in_dim3A_782 = vector.broadcast %jit3A_781 : f32 to vector<16x128xf32>
    %select_n3A_783 = arith.select %eq3A_780, %broadcast_in_dim3A_782, %select_n3A_756 : vector<16x128xi1>, vector<16x128xf32>
    %eq3A_784 = arith.constant 28 : i32
    %eq3A_785 = vector.broadcast %eq3A_784 : i32 to vector<1x128xi32>
    %eq3A_786 = arith.cmpi eq, %iota3A_3, %eq3A_785 : vector<1x128xi32>
    %broadcast_in_dim3A_787 = vector.broadcast %convert_element_type3A_778 : i32 to vector<1x128xi32>
    %select_n3A_788 = arith.select %eq3A_786, %broadcast_in_dim3A_787, %select_n3A_761 : vector<1x128xi1>, vector<1x128xi32>
    %jit3A_789 = arith.constant 1.000000e+00 : f32
    %broadcast_in_dim3A_790 = vector.broadcast %jit3A_789 : f32 to vector<16x128xf32>
    %select_n3A_791 = arith.select %eq3A_780, %broadcast_in_dim3A_790, %select_n3A_764 : vector<16x128xi1>, vector<16x128xf32>
    %reduce_max3A_792 = vector.shape_cast %select_n3A_783 : vector<16x128xf32> to vector<1x16x128xf32>
    %reduce_max3A_793 = arith.constant dense<0xFF800000> : vector<1xf32>
    %reduce_max3A_794 = vector.multi_reduction <maximumf>, %reduce_max3A_792, %reduce_max3A_793 [1, 2] : vector<1x16x128xf32> to vector<1xf32>
    %reduce_max3A_795 = vector.shape_cast %reduce_max3A_794 : vector<1xf32> to vector<1x1x1xf32>
    %reduce_max3A_796 = vector.extract %reduce_max3A_795[0, 0, 0] : f32 from vector<1x1x1xf32>
    %div3A_797 = arith.constant 2.048000e+03 : f32
    %div3A_798 = arith.divf %reduce_max3A_796, %div3A_797 : f32
    %floor3A_799 = math.floor %div3A_798 : f32
    %mul3A_800 = arith.constant 2.048000e+03 : f32
    %mul3A_801 = arith.mulf %floor3A_799, %mul3A_800 : f32
    %sub3A_802 = arith.subf %reduce_max3A_796, %mul3A_801 : f32
    %sub3A_803 = arith.constant 2.047000e+03 : f32
    %sub3A_804 = arith.subf %sub3A_803, %sub3A_802 : f32
    %convert_element_type3A_805 = arith.fptosi %sub3A_804 : f32 to i32
    %eq3A_806 = vector.broadcast %convert_element_type3A_805 : i32 to vector<16x128xi32>
    %eq3A_807 = arith.cmpi eq, %add3A, %eq3A_806 : vector<16x128xi32>
    %jit3A_808 = arith.constant -1.000000e+00 : f32
    %broadcast_in_dim3A_809 = vector.broadcast %jit3A_808 : f32 to vector<16x128xf32>
    %select_n3A_810 = arith.select %eq3A_807, %broadcast_in_dim3A_809, %select_n3A_783 : vector<16x128xi1>, vector<16x128xf32>
    %eq3A_811 = arith.constant 29 : i32
    %eq3A_812 = vector.broadcast %eq3A_811 : i32 to vector<1x128xi32>
    %eq3A_813 = arith.cmpi eq, %iota3A_3, %eq3A_812 : vector<1x128xi32>
    %broadcast_in_dim3A_814 = vector.broadcast %convert_element_type3A_805 : i32 to vector<1x128xi32>
    %select_n3A_815 = arith.select %eq3A_813, %broadcast_in_dim3A_814, %select_n3A_788 : vector<1x128xi1>, vector<1x128xi32>
    %jit3A_816 = arith.constant 1.000000e+00 : f32
    %broadcast_in_dim3A_817 = vector.broadcast %jit3A_816 : f32 to vector<16x128xf32>
    %select_n3A_818 = arith.select %eq3A_807, %broadcast_in_dim3A_817, %select_n3A_791 : vector<16x128xi1>, vector<16x128xf32>
    %reduce_max3A_819 = vector.shape_cast %select_n3A_810 : vector<16x128xf32> to vector<1x16x128xf32>
    %reduce_max3A_820 = arith.constant dense<0xFF800000> : vector<1xf32>
    %reduce_max3A_821 = vector.multi_reduction <maximumf>, %reduce_max3A_819, %reduce_max3A_820 [1, 2] : vector<1x16x128xf32> to vector<1xf32>
    %reduce_max3A_822 = vector.shape_cast %reduce_max3A_821 : vector<1xf32> to vector<1x1x1xf32>
    %reduce_max3A_823 = vector.extract %reduce_max3A_822[0, 0, 0] : f32 from vector<1x1x1xf32>
    %div3A_824 = arith.constant 2.048000e+03 : f32
    %div3A_825 = arith.divf %reduce_max3A_823, %div3A_824 : f32
    %floor3A_826 = math.floor %div3A_825 : f32
    %mul3A_827 = arith.constant 2.048000e+03 : f32
    %mul3A_828 = arith.mulf %floor3A_826, %mul3A_827 : f32
    %sub3A_829 = arith.subf %reduce_max3A_823, %mul3A_828 : f32
    %sub3A_830 = arith.constant 2.047000e+03 : f32
    %sub3A_831 = arith.subf %sub3A_830, %sub3A_829 : f32
    %convert_element_type3A_832 = arith.fptosi %sub3A_831 : f32 to i32
    %eq3A_833 = vector.broadcast %convert_element_type3A_832 : i32 to vector<16x128xi32>
    %eq3A_834 = arith.cmpi eq, %add3A, %eq3A_833 : vector<16x128xi32>
    %jit3A_835 = arith.constant -1.000000e+00 : f32
    %broadcast_in_dim3A_836 = vector.broadcast %jit3A_835 : f32 to vector<16x128xf32>
    %select_n3A_837 = arith.select %eq3A_834, %broadcast_in_dim3A_836, %select_n3A_810 : vector<16x128xi1>, vector<16x128xf32>
    %eq3A_838 = arith.constant 30 : i32
    %eq3A_839 = vector.broadcast %eq3A_838 : i32 to vector<1x128xi32>
    %eq3A_840 = arith.cmpi eq, %iota3A_3, %eq3A_839 : vector<1x128xi32>
    %broadcast_in_dim3A_841 = vector.broadcast %convert_element_type3A_832 : i32 to vector<1x128xi32>
    %select_n3A_842 = arith.select %eq3A_840, %broadcast_in_dim3A_841, %select_n3A_815 : vector<1x128xi1>, vector<1x128xi32>
    %jit3A_843 = arith.constant 1.000000e+00 : f32
    %broadcast_in_dim3A_844 = vector.broadcast %jit3A_843 : f32 to vector<16x128xf32>
    %select_n3A_845 = arith.select %eq3A_834, %broadcast_in_dim3A_844, %select_n3A_818 : vector<16x128xi1>, vector<16x128xf32>
    %reduce_max3A_846 = vector.shape_cast %select_n3A_837 : vector<16x128xf32> to vector<1x16x128xf32>
    %reduce_max3A_847 = arith.constant dense<0xFF800000> : vector<1xf32>
    %reduce_max3A_848 = vector.multi_reduction <maximumf>, %reduce_max3A_846, %reduce_max3A_847 [1, 2] : vector<1x16x128xf32> to vector<1xf32>
    %reduce_max3A_849 = vector.shape_cast %reduce_max3A_848 : vector<1xf32> to vector<1x1x1xf32>
    %reduce_max3A_850 = vector.extract %reduce_max3A_849[0, 0, 0] : f32 from vector<1x1x1xf32>
    %div3A_851 = arith.constant 2.048000e+03 : f32
    %div3A_852 = arith.divf %reduce_max3A_850, %div3A_851 : f32
    %floor3A_853 = math.floor %div3A_852 : f32
    %mul3A_854 = arith.constant 2.048000e+03 : f32
    %mul3A_855 = arith.mulf %floor3A_853, %mul3A_854 : f32
    %sub3A_856 = arith.subf %reduce_max3A_850, %mul3A_855 : f32
    %sub3A_857 = arith.constant 2.047000e+03 : f32
    %sub3A_858 = arith.subf %sub3A_857, %sub3A_856 : f32
    %convert_element_type3A_859 = arith.fptosi %sub3A_858 : f32 to i32
    %eq3A_860 = vector.broadcast %convert_element_type3A_859 : i32 to vector<16x128xi32>
    %eq3A_861 = arith.cmpi eq, %add3A, %eq3A_860 : vector<16x128xi32>
    %jit3A_862 = arith.constant -1.000000e+00 : f32
    %broadcast_in_dim3A_863 = vector.broadcast %jit3A_862 : f32 to vector<16x128xf32>
    %select_n3A_864 = arith.select %eq3A_861, %broadcast_in_dim3A_863, %select_n3A_837 : vector<16x128xi1>, vector<16x128xf32>
    %eq3A_865 = arith.constant 31 : i32
    %eq3A_866 = vector.broadcast %eq3A_865 : i32 to vector<1x128xi32>
    %eq3A_867 = arith.cmpi eq, %iota3A_3, %eq3A_866 : vector<1x128xi32>
    %broadcast_in_dim3A_868 = vector.broadcast %convert_element_type3A_859 : i32 to vector<1x128xi32>
    %select_n3A_869 = arith.select %eq3A_867, %broadcast_in_dim3A_868, %select_n3A_842 : vector<1x128xi1>, vector<1x128xi32>
    %jit3A_870 = arith.constant 1.000000e+00 : f32
    %broadcast_in_dim3A_871 = vector.broadcast %jit3A_870 : f32 to vector<16x128xf32>
    %select_n3A_872 = arith.select %eq3A_861, %broadcast_in_dim3A_871, %select_n3A_845 : vector<16x128xi1>, vector<16x128xf32>
    %reduce_max3A_873 = vector.shape_cast %select_n3A_864 : vector<16x128xf32> to vector<1x16x128xf32>
    %reduce_max3A_874 = arith.constant dense<0xFF800000> : vector<1xf32>
    %reduce_max3A_875 = vector.multi_reduction <maximumf>, %reduce_max3A_873, %reduce_max3A_874 [1, 2] : vector<1x16x128xf32> to vector<1xf32>
    %reduce_max3A_876 = vector.shape_cast %reduce_max3A_875 : vector<1xf32> to vector<1x1x1xf32>
    %reduce_max3A_877 = vector.extract %reduce_max3A_876[0, 0, 0] : f32 from vector<1x1x1xf32>
    %div3A_878 = arith.constant 2.048000e+03 : f32
    %div3A_879 = arith.divf %reduce_max3A_877, %div3A_878 : f32
    %floor3A_880 = math.floor %div3A_879 : f32
    %mul3A_881 = arith.constant 2.048000e+03 : f32
    %mul3A_882 = arith.mulf %floor3A_880, %mul3A_881 : f32
    %sub3A_883 = arith.subf %reduce_max3A_877, %mul3A_882 : f32
    %sub3A_884 = arith.constant 2.047000e+03 : f32
    %sub3A_885 = arith.subf %sub3A_884, %sub3A_883 : f32
    %convert_element_type3A_886 = arith.fptosi %sub3A_885 : f32 to i32
    %eq3A_887 = vector.broadcast %convert_element_type3A_886 : i32 to vector<16x128xi32>
    %eq3A_888 = arith.cmpi eq, %add3A, %eq3A_887 : vector<16x128xi32>
    %jit3A_889 = arith.constant -1.000000e+00 : f32
    %broadcast_in_dim3A_890 = vector.broadcast %jit3A_889 : f32 to vector<16x128xf32>
    %select_n3A_891 = arith.select %eq3A_888, %broadcast_in_dim3A_890, %select_n3A_864 : vector<16x128xi1>, vector<16x128xf32>
    %eq3A_892 = arith.constant 32 : i32
    %eq3A_893 = vector.broadcast %eq3A_892 : i32 to vector<1x128xi32>
    %eq3A_894 = arith.cmpi eq, %iota3A_3, %eq3A_893 : vector<1x128xi32>
    %broadcast_in_dim3A_895 = vector.broadcast %convert_element_type3A_886 : i32 to vector<1x128xi32>
    %select_n3A_896 = arith.select %eq3A_894, %broadcast_in_dim3A_895, %select_n3A_869 : vector<1x128xi1>, vector<1x128xi32>
    %jit3A_897 = arith.constant 1.000000e+00 : f32
    %broadcast_in_dim3A_898 = vector.broadcast %jit3A_897 : f32 to vector<16x128xf32>
    %select_n3A_899 = arith.select %eq3A_888, %broadcast_in_dim3A_898, %select_n3A_872 : vector<16x128xi1>, vector<16x128xf32>
    %reduce_max3A_900 = vector.shape_cast %select_n3A_891 : vector<16x128xf32> to vector<1x16x128xf32>
    %reduce_max3A_901 = arith.constant dense<0xFF800000> : vector<1xf32>
    %reduce_max3A_902 = vector.multi_reduction <maximumf>, %reduce_max3A_900, %reduce_max3A_901 [1, 2] : vector<1x16x128xf32> to vector<1xf32>
    %reduce_max3A_903 = vector.shape_cast %reduce_max3A_902 : vector<1xf32> to vector<1x1x1xf32>
    %reduce_max3A_904 = vector.extract %reduce_max3A_903[0, 0, 0] : f32 from vector<1x1x1xf32>
    %div3A_905 = arith.constant 2.048000e+03 : f32
    %div3A_906 = arith.divf %reduce_max3A_904, %div3A_905 : f32
    %floor3A_907 = math.floor %div3A_906 : f32
    %mul3A_908 = arith.constant 2.048000e+03 : f32
    %mul3A_909 = arith.mulf %floor3A_907, %mul3A_908 : f32
    %sub3A_910 = arith.subf %reduce_max3A_904, %mul3A_909 : f32
    %sub3A_911 = arith.constant 2.047000e+03 : f32
    %sub3A_912 = arith.subf %sub3A_911, %sub3A_910 : f32
    %convert_element_type3A_913 = arith.fptosi %sub3A_912 : f32 to i32
    %eq3A_914 = vector.broadcast %convert_element_type3A_913 : i32 to vector<16x128xi32>
    %eq3A_915 = arith.cmpi eq, %add3A, %eq3A_914 : vector<16x128xi32>
    %jit3A_916 = arith.constant -1.000000e+00 : f32
    %broadcast_in_dim3A_917 = vector.broadcast %jit3A_916 : f32 to vector<16x128xf32>
    %select_n3A_918 = arith.select %eq3A_915, %broadcast_in_dim3A_917, %select_n3A_891 : vector<16x128xi1>, vector<16x128xf32>
    %eq3A_919 = arith.constant 33 : i32
    %eq3A_920 = vector.broadcast %eq3A_919 : i32 to vector<1x128xi32>
    %eq3A_921 = arith.cmpi eq, %iota3A_3, %eq3A_920 : vector<1x128xi32>
    %broadcast_in_dim3A_922 = vector.broadcast %convert_element_type3A_913 : i32 to vector<1x128xi32>
    %select_n3A_923 = arith.select %eq3A_921, %broadcast_in_dim3A_922, %select_n3A_896 : vector<1x128xi1>, vector<1x128xi32>
    %jit3A_924 = arith.constant 1.000000e+00 : f32
    %broadcast_in_dim3A_925 = vector.broadcast %jit3A_924 : f32 to vector<16x128xf32>
    %select_n3A_926 = arith.select %eq3A_915, %broadcast_in_dim3A_925, %select_n3A_899 : vector<16x128xi1>, vector<16x128xf32>
    %reduce_max3A_927 = vector.shape_cast %select_n3A_918 : vector<16x128xf32> to vector<1x16x128xf32>
    %reduce_max3A_928 = arith.constant dense<0xFF800000> : vector<1xf32>
    %reduce_max3A_929 = vector.multi_reduction <maximumf>, %reduce_max3A_927, %reduce_max3A_928 [1, 2] : vector<1x16x128xf32> to vector<1xf32>
    %reduce_max3A_930 = vector.shape_cast %reduce_max3A_929 : vector<1xf32> to vector<1x1x1xf32>
    %reduce_max3A_931 = vector.extract %reduce_max3A_930[0, 0, 0] : f32 from vector<1x1x1xf32>
    %div3A_932 = arith.constant 2.048000e+03 : f32
    %div3A_933 = arith.divf %reduce_max3A_931, %div3A_932 : f32
    %floor3A_934 = math.floor %div3A_933 : f32
    %mul3A_935 = arith.constant 2.048000e+03 : f32
    %mul3A_936 = arith.mulf %floor3A_934, %mul3A_935 : f32
    %sub3A_937 = arith.subf %reduce_max3A_931, %mul3A_936 : f32
    %sub3A_938 = arith.constant 2.047000e+03 : f32
    %sub3A_939 = arith.subf %sub3A_938, %sub3A_937 : f32
    %convert_element_type3A_940 = arith.fptosi %sub3A_939 : f32 to i32
    %eq3A_941 = vector.broadcast %convert_element_type3A_940 : i32 to vector<16x128xi32>
    %eq3A_942 = arith.cmpi eq, %add3A, %eq3A_941 : vector<16x128xi32>
    %jit3A_943 = arith.constant -1.000000e+00 : f32
    %broadcast_in_dim3A_944 = vector.broadcast %jit3A_943 : f32 to vector<16x128xf32>
    %select_n3A_945 = arith.select %eq3A_942, %broadcast_in_dim3A_944, %select_n3A_918 : vector<16x128xi1>, vector<16x128xf32>
    %eq3A_946 = arith.constant 34 : i32
    %eq3A_947 = vector.broadcast %eq3A_946 : i32 to vector<1x128xi32>
    %eq3A_948 = arith.cmpi eq, %iota3A_3, %eq3A_947 : vector<1x128xi32>
    %broadcast_in_dim3A_949 = vector.broadcast %convert_element_type3A_940 : i32 to vector<1x128xi32>
    %select_n3A_950 = arith.select %eq3A_948, %broadcast_in_dim3A_949, %select_n3A_923 : vector<1x128xi1>, vector<1x128xi32>
    %jit3A_951 = arith.constant 1.000000e+00 : f32
    %broadcast_in_dim3A_952 = vector.broadcast %jit3A_951 : f32 to vector<16x128xf32>
    %select_n3A_953 = arith.select %eq3A_942, %broadcast_in_dim3A_952, %select_n3A_926 : vector<16x128xi1>, vector<16x128xf32>
    %reduce_max3A_954 = vector.shape_cast %select_n3A_945 : vector<16x128xf32> to vector<1x16x128xf32>
    %reduce_max3A_955 = arith.constant dense<0xFF800000> : vector<1xf32>
    %reduce_max3A_956 = vector.multi_reduction <maximumf>, %reduce_max3A_954, %reduce_max3A_955 [1, 2] : vector<1x16x128xf32> to vector<1xf32>
    %reduce_max3A_957 = vector.shape_cast %reduce_max3A_956 : vector<1xf32> to vector<1x1x1xf32>
    %reduce_max3A_958 = vector.extract %reduce_max3A_957[0, 0, 0] : f32 from vector<1x1x1xf32>
    %div3A_959 = arith.constant 2.048000e+03 : f32
    %div3A_960 = arith.divf %reduce_max3A_958, %div3A_959 : f32
    %floor3A_961 = math.floor %div3A_960 : f32
    %mul3A_962 = arith.constant 2.048000e+03 : f32
    %mul3A_963 = arith.mulf %floor3A_961, %mul3A_962 : f32
    %sub3A_964 = arith.subf %reduce_max3A_958, %mul3A_963 : f32
    %sub3A_965 = arith.constant 2.047000e+03 : f32
    %sub3A_966 = arith.subf %sub3A_965, %sub3A_964 : f32
    %convert_element_type3A_967 = arith.fptosi %sub3A_966 : f32 to i32
    %eq3A_968 = vector.broadcast %convert_element_type3A_967 : i32 to vector<16x128xi32>
    %eq3A_969 = arith.cmpi eq, %add3A, %eq3A_968 : vector<16x128xi32>
    %jit3A_970 = arith.constant -1.000000e+00 : f32
    %broadcast_in_dim3A_971 = vector.broadcast %jit3A_970 : f32 to vector<16x128xf32>
    %select_n3A_972 = arith.select %eq3A_969, %broadcast_in_dim3A_971, %select_n3A_945 : vector<16x128xi1>, vector<16x128xf32>
    %eq3A_973 = arith.constant 35 : i32
    %eq3A_974 = vector.broadcast %eq3A_973 : i32 to vector<1x128xi32>
    %eq3A_975 = arith.cmpi eq, %iota3A_3, %eq3A_974 : vector<1x128xi32>
    %broadcast_in_dim3A_976 = vector.broadcast %convert_element_type3A_967 : i32 to vector<1x128xi32>
    %select_n3A_977 = arith.select %eq3A_975, %broadcast_in_dim3A_976, %select_n3A_950 : vector<1x128xi1>, vector<1x128xi32>
    %jit3A_978 = arith.constant 1.000000e+00 : f32
    %broadcast_in_dim3A_979 = vector.broadcast %jit3A_978 : f32 to vector<16x128xf32>
    %select_n3A_980 = arith.select %eq3A_969, %broadcast_in_dim3A_979, %select_n3A_953 : vector<16x128xi1>, vector<16x128xf32>
    %reduce_max3A_981 = vector.shape_cast %select_n3A_972 : vector<16x128xf32> to vector<1x16x128xf32>
    %reduce_max3A_982 = arith.constant dense<0xFF800000> : vector<1xf32>
    %reduce_max3A_983 = vector.multi_reduction <maximumf>, %reduce_max3A_981, %reduce_max3A_982 [1, 2] : vector<1x16x128xf32> to vector<1xf32>
    %reduce_max3A_984 = vector.shape_cast %reduce_max3A_983 : vector<1xf32> to vector<1x1x1xf32>
    %reduce_max3A_985 = vector.extract %reduce_max3A_984[0, 0, 0] : f32 from vector<1x1x1xf32>
    %div3A_986 = arith.constant 2.048000e+03 : f32
    %div3A_987 = arith.divf %reduce_max3A_985, %div3A_986 : f32
    %floor3A_988 = math.floor %div3A_987 : f32
    %mul3A_989 = arith.constant 2.048000e+03 : f32
    %mul3A_990 = arith.mulf %floor3A_988, %mul3A_989 : f32
    %sub3A_991 = arith.subf %reduce_max3A_985, %mul3A_990 : f32
    %sub3A_992 = arith.constant 2.047000e+03 : f32
    %sub3A_993 = arith.subf %sub3A_992, %sub3A_991 : f32
    %convert_element_type3A_994 = arith.fptosi %sub3A_993 : f32 to i32
    %eq3A_995 = vector.broadcast %convert_element_type3A_994 : i32 to vector<16x128xi32>
    %eq3A_996 = arith.cmpi eq, %add3A, %eq3A_995 : vector<16x128xi32>
    %jit3A_997 = arith.constant -1.000000e+00 : f32
    %broadcast_in_dim3A_998 = vector.broadcast %jit3A_997 : f32 to vector<16x128xf32>
    %select_n3A_999 = arith.select %eq3A_996, %broadcast_in_dim3A_998, %select_n3A_972 : vector<16x128xi1>, vector<16x128xf32>
    %eq3A_1000 = arith.constant 36 : i32
    %eq3A_1001 = vector.broadcast %eq3A_1000 : i32 to vector<1x128xi32>
    %eq3A_1002 = arith.cmpi eq, %iota3A_3, %eq3A_1001 : vector<1x128xi32>
    %broadcast_in_dim3A_1003 = vector.broadcast %convert_element_type3A_994 : i32 to vector<1x128xi32>
    %select_n3A_1004 = arith.select %eq3A_1002, %broadcast_in_dim3A_1003, %select_n3A_977 : vector<1x128xi1>, vector<1x128xi32>
    %jit3A_1005 = arith.constant 1.000000e+00 : f32
    %broadcast_in_dim3A_1006 = vector.broadcast %jit3A_1005 : f32 to vector<16x128xf32>
    %select_n3A_1007 = arith.select %eq3A_996, %broadcast_in_dim3A_1006, %select_n3A_980 : vector<16x128xi1>, vector<16x128xf32>
    %reduce_max3A_1008 = vector.shape_cast %select_n3A_999 : vector<16x128xf32> to vector<1x16x128xf32>
    %reduce_max3A_1009 = arith.constant dense<0xFF800000> : vector<1xf32>
    %reduce_max3A_1010 = vector.multi_reduction <maximumf>, %reduce_max3A_1008, %reduce_max3A_1009 [1, 2] : vector<1x16x128xf32> to vector<1xf32>
    %reduce_max3A_1011 = vector.shape_cast %reduce_max3A_1010 : vector<1xf32> to vector<1x1x1xf32>
    %reduce_max3A_1012 = vector.extract %reduce_max3A_1011[0, 0, 0] : f32 from vector<1x1x1xf32>
    %div3A_1013 = arith.constant 2.048000e+03 : f32
    %div3A_1014 = arith.divf %reduce_max3A_1012, %div3A_1013 : f32
    %floor3A_1015 = math.floor %div3A_1014 : f32
    %mul3A_1016 = arith.constant 2.048000e+03 : f32
    %mul3A_1017 = arith.mulf %floor3A_1015, %mul3A_1016 : f32
    %sub3A_1018 = arith.subf %reduce_max3A_1012, %mul3A_1017 : f32
    %sub3A_1019 = arith.constant 2.047000e+03 : f32
    %sub3A_1020 = arith.subf %sub3A_1019, %sub3A_1018 : f32
    %convert_element_type3A_1021 = arith.fptosi %sub3A_1020 : f32 to i32
    %eq3A_1022 = vector.broadcast %convert_element_type3A_1021 : i32 to vector<16x128xi32>
    %eq3A_1023 = arith.cmpi eq, %add3A, %eq3A_1022 : vector<16x128xi32>
    %jit3A_1024 = arith.constant -1.000000e+00 : f32
    %broadcast_in_dim3A_1025 = vector.broadcast %jit3A_1024 : f32 to vector<16x128xf32>
    %select_n3A_1026 = arith.select %eq3A_1023, %broadcast_in_dim3A_1025, %select_n3A_999 : vector<16x128xi1>, vector<16x128xf32>
    %eq3A_1027 = arith.constant 37 : i32
    %eq3A_1028 = vector.broadcast %eq3A_1027 : i32 to vector<1x128xi32>
    %eq3A_1029 = arith.cmpi eq, %iota3A_3, %eq3A_1028 : vector<1x128xi32>
    %broadcast_in_dim3A_1030 = vector.broadcast %convert_element_type3A_1021 : i32 to vector<1x128xi32>
    %select_n3A_1031 = arith.select %eq3A_1029, %broadcast_in_dim3A_1030, %select_n3A_1004 : vector<1x128xi1>, vector<1x128xi32>
    %jit3A_1032 = arith.constant 1.000000e+00 : f32
    %broadcast_in_dim3A_1033 = vector.broadcast %jit3A_1032 : f32 to vector<16x128xf32>
    %select_n3A_1034 = arith.select %eq3A_1023, %broadcast_in_dim3A_1033, %select_n3A_1007 : vector<16x128xi1>, vector<16x128xf32>
    %reduce_max3A_1035 = vector.shape_cast %select_n3A_1026 : vector<16x128xf32> to vector<1x16x128xf32>
    %reduce_max3A_1036 = arith.constant dense<0xFF800000> : vector<1xf32>
    %reduce_max3A_1037 = vector.multi_reduction <maximumf>, %reduce_max3A_1035, %reduce_max3A_1036 [1, 2] : vector<1x16x128xf32> to vector<1xf32>
    %reduce_max3A_1038 = vector.shape_cast %reduce_max3A_1037 : vector<1xf32> to vector<1x1x1xf32>
    %reduce_max3A_1039 = vector.extract %reduce_max3A_1038[0, 0, 0] : f32 from vector<1x1x1xf32>
    %div3A_1040 = arith.constant 2.048000e+03 : f32
    %div3A_1041 = arith.divf %reduce_max3A_1039, %div3A_1040 : f32
    %floor3A_1042 = math.floor %div3A_1041 : f32
    %mul3A_1043 = arith.constant 2.048000e+03 : f32
    %mul3A_1044 = arith.mulf %floor3A_1042, %mul3A_1043 : f32
    %sub3A_1045 = arith.subf %reduce_max3A_1039, %mul3A_1044 : f32
    %sub3A_1046 = arith.constant 2.047000e+03 : f32
    %sub3A_1047 = arith.subf %sub3A_1046, %sub3A_1045 : f32
    %convert_element_type3A_1048 = arith.fptosi %sub3A_1047 : f32 to i32
    %eq3A_1049 = vector.broadcast %convert_element_type3A_1048 : i32 to vector<16x128xi32>
    %eq3A_1050 = arith.cmpi eq, %add3A, %eq3A_1049 : vector<16x128xi32>
    %jit3A_1051 = arith.constant -1.000000e+00 : f32
    %broadcast_in_dim3A_1052 = vector.broadcast %jit3A_1051 : f32 to vector<16x128xf32>
    %select_n3A_1053 = arith.select %eq3A_1050, %broadcast_in_dim3A_1052, %select_n3A_1026 : vector<16x128xi1>, vector<16x128xf32>
    %eq3A_1054 = arith.constant 38 : i32
    %eq3A_1055 = vector.broadcast %eq3A_1054 : i32 to vector<1x128xi32>
    %eq3A_1056 = arith.cmpi eq, %iota3A_3, %eq3A_1055 : vector<1x128xi32>
    %broadcast_in_dim3A_1057 = vector.broadcast %convert_element_type3A_1048 : i32 to vector<1x128xi32>
    %select_n3A_1058 = arith.select %eq3A_1056, %broadcast_in_dim3A_1057, %select_n3A_1031 : vector<1x128xi1>, vector<1x128xi32>
    %jit3A_1059 = arith.constant 1.000000e+00 : f32
    %broadcast_in_dim3A_1060 = vector.broadcast %jit3A_1059 : f32 to vector<16x128xf32>
    %select_n3A_1061 = arith.select %eq3A_1050, %broadcast_in_dim3A_1060, %select_n3A_1034 : vector<16x128xi1>, vector<16x128xf32>
    %reduce_max3A_1062 = vector.shape_cast %select_n3A_1053 : vector<16x128xf32> to vector<1x16x128xf32>
    %reduce_max3A_1063 = arith.constant dense<0xFF800000> : vector<1xf32>
    %reduce_max3A_1064 = vector.multi_reduction <maximumf>, %reduce_max3A_1062, %reduce_max3A_1063 [1, 2] : vector<1x16x128xf32> to vector<1xf32>
    %reduce_max3A_1065 = vector.shape_cast %reduce_max3A_1064 : vector<1xf32> to vector<1x1x1xf32>
    %reduce_max3A_1066 = vector.extract %reduce_max3A_1065[0, 0, 0] : f32 from vector<1x1x1xf32>
    %div3A_1067 = arith.constant 2.048000e+03 : f32
    %div3A_1068 = arith.divf %reduce_max3A_1066, %div3A_1067 : f32
    %floor3A_1069 = math.floor %div3A_1068 : f32
    %mul3A_1070 = arith.constant 2.048000e+03 : f32
    %mul3A_1071 = arith.mulf %floor3A_1069, %mul3A_1070 : f32
    %sub3A_1072 = arith.subf %reduce_max3A_1066, %mul3A_1071 : f32
    %sub3A_1073 = arith.constant 2.047000e+03 : f32
    %sub3A_1074 = arith.subf %sub3A_1073, %sub3A_1072 : f32
    %convert_element_type3A_1075 = arith.fptosi %sub3A_1074 : f32 to i32
    %eq3A_1076 = vector.broadcast %convert_element_type3A_1075 : i32 to vector<16x128xi32>
    %eq3A_1077 = arith.cmpi eq, %add3A, %eq3A_1076 : vector<16x128xi32>
    %eq3A_1078 = arith.constant 39 : i32
    %eq3A_1079 = vector.broadcast %eq3A_1078 : i32 to vector<1x128xi32>
    %eq3A_1080 = arith.cmpi eq, %iota3A_3, %eq3A_1079 : vector<1x128xi32>
    %broadcast_in_dim3A_1081 = vector.broadcast %convert_element_type3A_1075 : i32 to vector<1x128xi32>
    %select_n3A_1082 = arith.select %eq3A_1080, %broadcast_in_dim3A_1081, %select_n3A_1058 : vector<1x128xi1>, vector<1x128xi32>
    %jit3A_1083 = arith.constant 1.000000e+00 : f32
    %broadcast_in_dim3A_1084 = vector.broadcast %jit3A_1083 : f32 to vector<16x128xf32>
    %select_n3A_1085 = arith.select %eq3A_1077, %broadcast_in_dim3A_1084, %select_n3A_1061 : vector<16x128xi1>, vector<16x128xf32>
    %swap3A = arith.constant 0 : index
    %swap3A_1086 = arith.constant 0 : index
    %swap3A_1087 = vector.load %arg7[%swap3A, %swap3A_1086] : memref<1x128xi32, #tpu.memory_space<vmem>>, vector<1x128xi32>
    tpu.vector_store %arg7[%swap3A, %swap3A_1086], %select_n3A_1082 {strides = array<i32>} : memref<1x128xi32, #tpu.memory_space<vmem>>, vector<1x128xi32>,
    %get3A_1088 = arith.constant 0 : index
    %get3A_1089 = arith.constant 0 : index
    %get3A_1090 = vector.load %arg4[%get3A_1088, %get3A_1089] : memref<2x1xf32, #tpu.memory_space<vmem>>, vector<1x1xf32>
    %get3A_1091 = vector.extract %get3A_1090[0, 0] : f32 from vector<1x1xf32>
    %get3A_1092 = arith.constant 1 : index
    %get3A_1093 = arith.constant 0 : index
    %get3A_1094 = vector.load %arg4[%get3A_1092, %get3A_1093] : memref<2x1xf32, #tpu.memory_space<vmem>>, vector<1x1xf32>
    %get3A_1095 = vector.extract %get3A_1094[0, 0] : f32 from vector<1x1xf32>
    %get3A_1096 = arith.constant 0 : index
    %get3A_1097 = arith.constant 0 : index
    %get3A_1098 = arith.constant 0 : index
    %get3A_1099 = vector.load %arg1[%get3A_1096, %get3A_1097, %get3A_1098] : memref<12x16x128xf32, #tpu.memory_space<vmem>>, vector<1x16x128xf32>
    %get3A_1100 = vector.shape_cast %get3A_1099 : vector<1x16x128xf32> to vector<16x128xf32>
    %mul3A_1101 = arith.mulf %get3A_1100, %select_n3A_1085 : vector<16x128xf32>
    %reduce_sum3A = vector.shape_cast %mul3A_1101 : vector<16x128xf32> to vector<1x16x128xf32>
    %reduce_sum3A_1102 = arith.constant dense<0.000000e+00> : vector<1xf32>
    %reduce_sum3A_1103 = vector.multi_reduction <add>, %reduce_sum3A, %reduce_sum3A_1102 [1, 2] : vector<1x16x128xf32> to vector<1xf32>
    %reduce_sum3A_1104 = vector.shape_cast %reduce_sum3A_1103 : vector<1xf32> to vector<1x1x1xf32>
    %reduce_sum3A_1105 = vector.extract %reduce_sum3A_1104[0, 0, 0] : f32 from vector<1x1x1xf32>
    %get3A_1106 = arith.constant 1 : index
    %get3A_1107 = arith.constant 0 : index
    %get3A_1108 = arith.constant 0 : index
    %get3A_1109 = vector.load %arg1[%get3A_1106, %get3A_1107, %get3A_1108] : memref<12x16x128xf32, #tpu.memory_space<vmem>>, vector<1x16x128xf32>
    %get3A_1110 = vector.shape_cast %get3A_1109 : vector<1x16x128xf32> to vector<16x128xf32>
    %mul3A_1111 = arith.mulf %get3A_1110, %select_n3A_1085 : vector<16x128xf32>
    %reduce_sum3A_1112 = vector.shape_cast %mul3A_1111 : vector<16x128xf32> to vector<1x16x128xf32>
    %reduce_sum3A_1113 = arith.constant dense<0.000000e+00> : vector<1xf32>
    %reduce_sum3A_1114 = vector.multi_reduction <add>, %reduce_sum3A_1112, %reduce_sum3A_1113 [1, 2] : vector<1x16x128xf32> to vector<1xf32>
    %reduce_sum3A_1115 = vector.shape_cast %reduce_sum3A_1114 : vector<1xf32> to vector<1x1x1xf32>
    %reduce_sum3A_1116 = vector.extract %reduce_sum3A_1115[0, 0, 0] : f32 from vector<1x1x1xf32>
    %get3A_1117 = arith.constant 2 : index
    %get3A_1118 = arith.constant 0 : index
    %get3A_1119 = arith.constant 0 : index
    %get3A_1120 = vector.load %arg1[%get3A_1117, %get3A_1118, %get3A_1119] : memref<12x16x128xf32, #tpu.memory_space<vmem>>, vector<1x16x128xf32>
    %get3A_1121 = vector.shape_cast %get3A_1120 : vector<1x16x128xf32> to vector<16x128xf32>
    %mul3A_1122 = arith.mulf %get3A_1121, %select_n3A_1085 : vector<16x128xf32>
    %reduce_sum3A_1123 = vector.shape_cast %mul3A_1122 : vector<16x128xf32> to vector<1x16x128xf32>
    %reduce_sum3A_1124 = arith.constant dense<0.000000e+00> : vector<1xf32>
    %reduce_sum3A_1125 = vector.multi_reduction <add>, %reduce_sum3A_1123, %reduce_sum3A_1124 [1, 2] : vector<1x16x128xf32> to vector<1xf32>
    %reduce_sum3A_1126 = vector.shape_cast %reduce_sum3A_1125 : vector<1xf32> to vector<1x1x1xf32>
    %reduce_sum3A_1127 = vector.extract %reduce_sum3A_1126[0, 0, 0] : f32 from vector<1x1x1xf32>
    %get3A_1128 = arith.constant 3 : index
    %get3A_1129 = arith.constant 0 : index
    %get3A_1130 = arith.constant 0 : index
    %get3A_1131 = vector.load %arg1[%get3A_1128, %get3A_1129, %get3A_1130] : memref<12x16x128xf32, #tpu.memory_space<vmem>>, vector<1x16x128xf32>
    %get3A_1132 = vector.shape_cast %get3A_1131 : vector<1x16x128xf32> to vector<16x128xf32>
    %mul3A_1133 = arith.mulf %get3A_1132, %select_n3A_1085 : vector<16x128xf32>
    %reduce_sum3A_1134 = vector.shape_cast %mul3A_1133 : vector<16x128xf32> to vector<1x16x128xf32>
    %reduce_sum3A_1135 = arith.constant dense<0.000000e+00> : vector<1xf32>
    %reduce_sum3A_1136 = vector.multi_reduction <add>, %reduce_sum3A_1134, %reduce_sum3A_1135 [1, 2] : vector<1x16x128xf32> to vector<1xf32>
    %reduce_sum3A_1137 = vector.shape_cast %reduce_sum3A_1136 : vector<1xf32> to vector<1x1x1xf32>
    %reduce_sum3A_1138 = vector.extract %reduce_sum3A_1137[0, 0, 0] : f32 from vector<1x1x1xf32>
    %get3A_1139 = arith.constant 4 : index
    %get3A_1140 = arith.constant 0 : index
    %get3A_1141 = arith.constant 0 : index
    %get3A_1142 = vector.load %arg1[%get3A_1139, %get3A_1140, %get3A_1141] : memref<12x16x128xf32, #tpu.memory_space<vmem>>, vector<1x16x128xf32>
    %get3A_1143 = vector.shape_cast %get3A_1142 : vector<1x16x128xf32> to vector<16x128xf32>
    %mul3A_1144 = arith.mulf %get3A_1143, %select_n3A_1085 : vector<16x128xf32>
    %reduce_sum3A_1145 = vector.shape_cast %mul3A_1144 : vector<16x128xf32> to vector<1x16x128xf32>
    %reduce_sum3A_1146 = arith.constant dense<0.000000e+00> : vector<1xf32>
    %reduce_sum3A_1147 = vector.multi_reduction <add>, %reduce_sum3A_1145, %reduce_sum3A_1146 [1, 2] : vector<1x16x128xf32> to vector<1xf32>
    %reduce_sum3A_1148 = vector.shape_cast %reduce_sum3A_1147 : vector<1xf32> to vector<1x1x1xf32>
    %reduce_sum3A_1149 = vector.extract %reduce_sum3A_1148[0, 0, 0] : f32 from vector<1x1x1xf32>
    %get3A_1150 = arith.constant 5 : index
    %get3A_1151 = arith.constant 0 : index
    %get3A_1152 = arith.constant 0 : index
    %get3A_1153 = vector.load %arg1[%get3A_1150, %get3A_1151, %get3A_1152] : memref<12x16x128xf32, #tpu.memory_space<vmem>>, vector<1x16x128xf32>
    %get3A_1154 = vector.shape_cast %get3A_1153 : vector<1x16x128xf32> to vector<16x128xf32>
    %mul3A_1155 = arith.mulf %get3A_1154, %select_n3A_1085 : vector<16x128xf32>
    %reduce_sum3A_1156 = vector.shape_cast %mul3A_1155 : vector<16x128xf32> to vector<1x16x128xf32>
    %reduce_sum3A_1157 = arith.constant dense<0.000000e+00> : vector<1xf32>
    %reduce_sum3A_1158 = vector.multi_reduction <add>, %reduce_sum3A_1156, %reduce_sum3A_1157 [1, 2] : vector<1x16x128xf32> to vector<1xf32>
    %reduce_sum3A_1159 = vector.shape_cast %reduce_sum3A_1158 : vector<1xf32> to vector<1x1x1xf32>
    %reduce_sum3A_1160 = vector.extract %reduce_sum3A_1159[0, 0, 0] : f32 from vector<1x1x1xf32>
    %get3A_1161 = arith.constant 6 : index
    %get3A_1162 = arith.constant 0 : index
    %get3A_1163 = arith.constant 0 : index
    %get3A_1164 = vector.load %arg1[%get3A_1161, %get3A_1162, %get3A_1163] : memref<12x16x128xf32, #tpu.memory_space<vmem>>, vector<1x16x128xf32>
    %get3A_1165 = vector.shape_cast %get3A_1164 : vector<1x16x128xf32> to vector<16x128xf32>
    %mul3A_1166 = arith.mulf %get3A_1165, %select_n3A_1085 : vector<16x128xf32>
    %reduce_sum3A_1167 = vector.shape_cast %mul3A_1166 : vector<16x128xf32> to vector<1x16x128xf32>
    %reduce_sum3A_1168 = arith.constant dense<0.000000e+00> : vector<1xf32>
    %reduce_sum3A_1169 = vector.multi_reduction <add>, %reduce_sum3A_1167, %reduce_sum3A_1168 [1, 2] : vector<1x16x128xf32> to vector<1xf32>
    %reduce_sum3A_1170 = vector.shape_cast %reduce_sum3A_1169 : vector<1xf32> to vector<1x1x1xf32>
    %reduce_sum3A_1171 = vector.extract %reduce_sum3A_1170[0, 0, 0] : f32 from vector<1x1x1xf32>
    %get3A_1172 = arith.constant 7 : index
    %get3A_1173 = arith.constant 0 : index
    %get3A_1174 = arith.constant 0 : index
    %get3A_1175 = vector.load %arg1[%get3A_1172, %get3A_1173, %get3A_1174] : memref<12x16x128xf32, #tpu.memory_space<vmem>>, vector<1x16x128xf32>
    %get3A_1176 = vector.shape_cast %get3A_1175 : vector<1x16x128xf32> to vector<16x128xf32>
    %mul3A_1177 = arith.mulf %get3A_1176, %select_n3A_1085 : vector<16x128xf32>
    %reduce_sum3A_1178 = vector.shape_cast %mul3A_1177 : vector<16x128xf32> to vector<1x16x128xf32>
    %reduce_sum3A_1179 = arith.constant dense<0.000000e+00> : vector<1xf32>
    %reduce_sum3A_1180 = vector.multi_reduction <add>, %reduce_sum3A_1178, %reduce_sum3A_1179 [1, 2] : vector<1x16x128xf32> to vector<1xf32>
    %reduce_sum3A_1181 = vector.shape_cast %reduce_sum3A_1180 : vector<1xf32> to vector<1x1x1xf32>
    %reduce_sum3A_1182 = vector.extract %reduce_sum3A_1181[0, 0, 0] : f32 from vector<1x1x1xf32>
    %get3A_1183 = arith.constant 8 : index
    %get3A_1184 = arith.constant 0 : index
    %get3A_1185 = arith.constant 0 : index
    %get3A_1186 = vector.load %arg1[%get3A_1183, %get3A_1184, %get3A_1185] : memref<12x16x128xf32, #tpu.memory_space<vmem>>, vector<1x16x128xf32>
    %get3A_1187 = vector.shape_cast %get3A_1186 : vector<1x16x128xf32> to vector<16x128xf32>
    %mul3A_1188 = arith.mulf %get3A_1187, %select_n3A_1085 : vector<16x128xf32>
    %reduce_sum3A_1189 = vector.shape_cast %mul3A_1188 : vector<16x128xf32> to vector<1x16x128xf32>
    %reduce_sum3A_1190 = arith.constant dense<0.000000e+00> : vector<1xf32>
    %reduce_sum3A_1191 = vector.multi_reduction <add>, %reduce_sum3A_1189, %reduce_sum3A_1190 [1, 2] : vector<1x16x128xf32> to vector<1xf32>
    %reduce_sum3A_1192 = vector.shape_cast %reduce_sum3A_1191 : vector<1xf32> to vector<1x1x1xf32>
    %reduce_sum3A_1193 = vector.extract %reduce_sum3A_1192[0, 0, 0] : f32 from vector<1x1x1xf32>
    %get3A_1194 = arith.constant 9 : index
    %get3A_1195 = arith.constant 0 : index
    %get3A_1196 = arith.constant 0 : index
    %get3A_1197 = vector.load %arg1[%get3A_1194, %get3A_1195, %get3A_1196] : memref<12x16x128xf32, #tpu.memory_space<vmem>>, vector<1x16x128xf32>
    %get3A_1198 = vector.shape_cast %get3A_1197 : vector<1x16x128xf32> to vector<16x128xf32>
    %mul3A_1199 = arith.mulf %get3A_1198, %select_n3A_1085 : vector<16x128xf32>
    %reduce_sum3A_1200 = vector.shape_cast %mul3A_1199 : vector<16x128xf32> to vector<1x16x128xf32>
    %reduce_sum3A_1201 = arith.constant dense<0.000000e+00> : vector<1xf32>
    %reduce_sum3A_1202 = vector.multi_reduction <add>, %reduce_sum3A_1200, %reduce_sum3A_1201 [1, 2] : vector<1x16x128xf32> to vector<1xf32>
    %reduce_sum3A_1203 = vector.shape_cast %reduce_sum3A_1202 : vector<1xf32> to vector<1x1x1xf32>
    %reduce_sum3A_1204 = vector.extract %reduce_sum3A_1203[0, 0, 0] : f32 from vector<1x1x1xf32>
    %get3A_1205 = arith.constant 10 : index
    %get3A_1206 = arith.constant 0 : index
    %get3A_1207 = arith.constant 0 : index
    %get3A_1208 = vector.load %arg1[%get3A_1205, %get3A_1206, %get3A_1207] : memref<12x16x128xf32, #tpu.memory_space<vmem>>, vector<1x16x128xf32>
    %get3A_1209 = vector.shape_cast %get3A_1208 : vector<1x16x128xf32> to vector<16x128xf32>
    %mul3A_1210 = arith.mulf %get3A_1209, %select_n3A_1085 : vector<16x128xf32>
    %reduce_sum3A_1211 = vector.shape_cast %mul3A_1210 : vector<16x128xf32> to vector<1x16x128xf32>
    %reduce_sum3A_1212 = arith.constant dense<0.000000e+00> : vector<1xf32>
    %reduce_sum3A_1213 = vector.multi_reduction <add>, %reduce_sum3A_1211, %reduce_sum3A_1212 [1, 2] : vector<1x16x128xf32> to vector<1xf32>
    %reduce_sum3A_1214 = vector.shape_cast %reduce_sum3A_1213 : vector<1xf32> to vector<1x1x1xf32>
    %reduce_sum3A_1215 = vector.extract %reduce_sum3A_1214[0, 0, 0] : f32 from vector<1x1x1xf32>
    %get3A_1216 = arith.constant 11 : index
    %get3A_1217 = arith.constant 0 : index
    %get3A_1218 = arith.constant 0 : index
    %get3A_1219 = vector.load %arg1[%get3A_1216, %get3A_1217, %get3A_1218] : memref<12x16x128xf32, #tpu.memory_space<vmem>>, vector<1x16x128xf32>
    %get3A_1220 = vector.shape_cast %get3A_1219 : vector<1x16x128xf32> to vector<16x128xf32>
    %mul3A_1221 = arith.mulf %get3A_1220, %select_n3A_1085 : vector<16x128xf32>
    %reduce_sum3A_1222 = vector.shape_cast %mul3A_1221 : vector<16x128xf32> to vector<1x16x128xf32>
    %reduce_sum3A_1223 = arith.constant dense<0.000000e+00> : vector<1xf32>
    %reduce_sum3A_1224 = vector.multi_reduction <add>, %reduce_sum3A_1222, %reduce_sum3A_1223 [1, 2] : vector<1x16x128xf32> to vector<1xf32>
    %reduce_sum3A_1225 = vector.shape_cast %reduce_sum3A_1224 : vector<1xf32> to vector<1x1x1xf32>
    %reduce_sum3A_1226 = vector.extract %reduce_sum3A_1225[0, 0, 0] : f32 from vector<1x1x1xf32>
    %iota3A_1227 = tpu.iota {dimensions = array<i32: 0>} : vector<12x1xi32>
    %broadcast_in_dim3A_1228 = arith.constant 0.000000e+00 : f32
    %broadcast_in_dim3A_1229 = vector.broadcast %broadcast_in_dim3A_1228 : f32 to vector<12x1xf32>
    %eq3A_1230 = arith.constant 0 : i32
    %eq3A_1231 = vector.broadcast %eq3A_1230 : i32 to vector<12x1xi32>
    %eq3A_1232 = arith.cmpi eq, %iota3A_1227, %eq3A_1231 : vector<12x1xi32>
    %broadcast_in_dim3A_1233 = vector.broadcast %reduce_sum3A_1105 : f32 to vector<12x1xf32>
    %select_n3A_1234 = arith.select %eq3A_1232, %broadcast_in_dim3A_1233, %broadcast_in_dim3A_1229 : vector<12x1xi1>, vector<12x1xf32>
    %eq3A_1235 = arith.constant 1 : i32
    %eq3A_1236 = vector.broadcast %eq3A_1235 : i32 to vector<12x1xi32>
    %eq3A_1237 = arith.cmpi eq, %iota3A_1227, %eq3A_1236 : vector<12x1xi32>
    %broadcast_in_dim3A_1238 = vector.broadcast %reduce_sum3A_1116 : f32 to vector<12x1xf32>
    %select_n3A_1239 = arith.select %eq3A_1237, %broadcast_in_dim3A_1238, %select_n3A_1234 : vector<12x1xi1>, vector<12x1xf32>
    %eq3A_1240 = arith.constant 2 : i32
    %eq3A_1241 = vector.broadcast %eq3A_1240 : i32 to vector<12x1xi32>
    %eq3A_1242 = arith.cmpi eq, %iota3A_1227, %eq3A_1241 : vector<12x1xi32>
    %broadcast_in_dim3A_1243 = vector.broadcast %reduce_sum3A_1127 : f32 to vector<12x1xf32>
    %select_n3A_1244 = arith.select %eq3A_1242, %broadcast_in_dim3A_1243, %select_n3A_1239 : vector<12x1xi1>, vector<12x1xf32>
    %eq3A_1245 = arith.constant 3 : i32
    %eq3A_1246 = vector.broadcast %eq3A_1245 : i32 to vector<12x1xi32>
    %eq3A_1247 = arith.cmpi eq, %iota3A_1227, %eq3A_1246 : vector<12x1xi32>
    %broadcast_in_dim3A_1248 = vector.broadcast %reduce_sum3A_1138 : f32 to vector<12x1xf32>
    %select_n3A_1249 = arith.select %eq3A_1247, %broadcast_in_dim3A_1248, %select_n3A_1244 : vector<12x1xi1>, vector<12x1xf32>
    %eq3A_1250 = arith.constant 4 : i32
    %eq3A_1251 = vector.broadcast %eq3A_1250 : i32 to vector<12x1xi32>
    %eq3A_1252 = arith.cmpi eq, %iota3A_1227, %eq3A_1251 : vector<12x1xi32>
    %broadcast_in_dim3A_1253 = vector.broadcast %reduce_sum3A_1149 : f32 to vector<12x1xf32>
    %select_n3A_1254 = arith.select %eq3A_1252, %broadcast_in_dim3A_1253, %select_n3A_1249 : vector<12x1xi1>, vector<12x1xf32>
    %eq3A_1255 = arith.constant 5 : i32
    %eq3A_1256 = vector.broadcast %eq3A_1255 : i32 to vector<12x1xi32>
    %eq3A_1257 = arith.cmpi eq, %iota3A_1227, %eq3A_1256 : vector<12x1xi32>
    %broadcast_in_dim3A_1258 = vector.broadcast %reduce_sum3A_1160 : f32 to vector<12x1xf32>
    %select_n3A_1259 = arith.select %eq3A_1257, %broadcast_in_dim3A_1258, %select_n3A_1254 : vector<12x1xi1>, vector<12x1xf32>
    %eq3A_1260 = arith.constant 6 : i32
    %eq3A_1261 = vector.broadcast %eq3A_1260 : i32 to vector<12x1xi32>
    %eq3A_1262 = arith.cmpi eq, %iota3A_1227, %eq3A_1261 : vector<12x1xi32>
    %broadcast_in_dim3A_1263 = vector.broadcast %reduce_sum3A_1171 : f32 to vector<12x1xf32>
    %select_n3A_1264 = arith.select %eq3A_1262, %broadcast_in_dim3A_1263, %select_n3A_1259 : vector<12x1xi1>, vector<12x1xf32>
    %eq3A_1265 = arith.constant 7 : i32
    %eq3A_1266 = vector.broadcast %eq3A_1265 : i32 to vector<12x1xi32>
    %eq3A_1267 = arith.cmpi eq, %iota3A_1227, %eq3A_1266 : vector<12x1xi32>
    %broadcast_in_dim3A_1268 = vector.broadcast %reduce_sum3A_1182 : f32 to vector<12x1xf32>
    %select_n3A_1269 = arith.select %eq3A_1267, %broadcast_in_dim3A_1268, %select_n3A_1264 : vector<12x1xi1>, vector<12x1xf32>
    %eq3A_1270 = arith.constant 8 : i32
    %eq3A_1271 = vector.broadcast %eq3A_1270 : i32 to vector<12x1xi32>
    %eq3A_1272 = arith.cmpi eq, %iota3A_1227, %eq3A_1271 : vector<12x1xi32>
    %broadcast_in_dim3A_1273 = vector.broadcast %reduce_sum3A_1193 : f32 to vector<12x1xf32>
    %select_n3A_1274 = arith.select %eq3A_1272, %broadcast_in_dim3A_1273, %select_n3A_1269 : vector<12x1xi1>, vector<12x1xf32>
    %eq3A_1275 = arith.constant 9 : i32
    %eq3A_1276 = vector.broadcast %eq3A_1275 : i32 to vector<12x1xi32>
    %eq3A_1277 = arith.cmpi eq, %iota3A_1227, %eq3A_1276 : vector<12x1xi32>
    %broadcast_in_dim3A_1278 = vector.broadcast %reduce_sum3A_1204 : f32 to vector<12x1xf32>
    %select_n3A_1279 = arith.select %eq3A_1277, %broadcast_in_dim3A_1278, %select_n3A_1274 : vector<12x1xi1>, vector<12x1xf32>
    %eq3A_1280 = arith.constant 10 : i32
    %eq3A_1281 = vector.broadcast %eq3A_1280 : i32 to vector<12x1xi32>
    %eq3A_1282 = arith.cmpi eq, %iota3A_1227, %eq3A_1281 : vector<12x1xi32>
    %broadcast_in_dim3A_1283 = vector.broadcast %reduce_sum3A_1215 : f32 to vector<12x1xf32>
    %select_n3A_1284 = arith.select %eq3A_1282, %broadcast_in_dim3A_1283, %select_n3A_1279 : vector<12x1xi1>, vector<12x1xf32>
    %eq3A_1285 = arith.constant 11 : i32
    %eq3A_1286 = vector.broadcast %eq3A_1285 : i32 to vector<12x1xi32>
    %eq3A_1287 = arith.cmpi eq, %iota3A_1227, %eq3A_1286 : vector<12x1xi32>
    %broadcast_in_dim3A_1288 = vector.broadcast %reduce_sum3A_1226 : f32 to vector<12x1xf32>
    %select_n3A_1289 = arith.select %eq3A_1287, %broadcast_in_dim3A_1288, %select_n3A_1284 : vector<12x1xi1>, vector<12x1xf32>
    %get3A_1290 = arith.constant 0 : index
    %get3A_1291 = arith.constant 0 : index
    %get3A_1292 = vector.load %arg2[%get3A_1290, %get3A_1291] : memref<12x2xf32, #tpu.memory_space<vmem>>, vector<12x1xf32>
    %mul3A_1293 = vector.broadcast %get3A_1091 : f32 to vector<12x1xf32>
    %mul3A_1294 = arith.mulf %get3A_1292, %mul3A_1293 : vector<12x1xf32>
    %add3A_1295 = arith.addf %select_n3A_1289, %mul3A_1294 : vector<12x1xf32>
    %get3A_1296 = arith.constant 0 : index
    %get3A_1297 = arith.constant 1 : index
    %get3A_1298 = vector.load %arg2[%get3A_1296, %get3A_1297] : memref<12x2xf32, #tpu.memory_space<vmem>>, vector<12x1xf32>
    %mul3A_1299 = vector.broadcast %get3A_1095 : f32 to vector<12x1xf32>
    %mul3A_1300 = arith.mulf %get3A_1298, %mul3A_1299 : vector<12x1xf32>
    %add3A_1301 = arith.addf %add3A_1295, %mul3A_1300 : vector<12x1xf32>
    %get3A_1302 = arith.constant 0 : index
    %get3A_1303 = arith.constant 0 : index
    %get3A_1304 = vector.load %arg3[%get3A_1302, %get3A_1303] : memref<12x1xf32, #tpu.memory_space<vmem>>, vector<12x1xf32>
    %add3A_1305 = arith.addf %add3A_1301, %get3A_1304 : vector<12x1xf32>
    %tanh3A = math.tanh %add3A_1305 : vector<12x1xf32>
    %swap3A_1306 = arith.constant 0 : index
    %swap3A_1307 = arith.constant 0 : index
    %swap3A_1308 = vector.load %arg8[%swap3A_1306, %swap3A_1307] : memref<12x1xf32, #tpu.memory_space<vmem>>, vector<12x1xf32>
    tpu.vector_store %arg8[%swap3A_1306, %swap3A_1307], %tanh3A {strides = array<i32>} : memref<12x1xf32, #tpu.memory_space<vmem>>, vector<12x1xf32>,
    %get3A_1309 = arith.constant 0 : index
    %get3A_1310 = arith.constant 0 : index
    %get3A_1311 = vector.load %arg5[%get3A_1309, %get3A_1310] : memref<12x1xf32, #tpu.memory_space<vmem>>, vector<12x1xf32>
    %get3A_1312 = arith.constant 0 : index
    %get3A_1313 = arith.constant 0 : index
    %get3A_1314 = vector.load %arg6[%get3A_1312, %get3A_1313] : memref<12x1xf32, #tpu.memory_space<vmem>>, vector<12x1xf32>
    %div3A_1315 = arith.divf %tanh3A, %get3A_1314 : vector<12x1xf32>
    %add3A_1316 = arith.addf %get3A_1311, %div3A_1315 : vector<12x1xf32>
    %jit3A_1317 = arith.constant 1.000000e+00 : f32
    %rem3A = vector.broadcast %jit3A_1317 : f32 to vector<12x1xf32>
    %rem3A_1318 = arith.remf %add3A_1316, %rem3A : vector<12x1xf32>
    %ne3A = arith.constant 0.000000e+00 : f32
    %ne3A_1319 = vector.broadcast %ne3A : f32 to vector<12x1xf32>
    %ne3A_1320 = arith.cmpf one, %rem3A_1318, %ne3A_1319 : vector<12x1xf32>
    %lt3A = arith.constant 0.000000e+00 : f32
    %lt3A_1321 = vector.broadcast %lt3A : f32 to vector<12x1xf32>
    %lt3A_1322 = arith.cmpf olt, %rem3A_1318, %lt3A_1321 : vector<12x1xf32>
    %lt3A_1323 = arith.constant 0.000000e+00 : f32
    %lt3A_1324 = arith.cmpf olt, %jit3A_1317, %lt3A_1323 : f32
    %ne3A_1325 = vector.broadcast %lt3A_1324 : i1 to vector<12x1xi1>
    %ne3A_1326 = vector.broadcast %ne3A_1325 : vector<12x1xi1> to vector<12x1xi1>
    %ne3A_1327 = arith.xori %lt3A_1322, %ne3A_1326 : vector<12x1xi1>
    %and3A = arith.andi %ne3A_1327, %ne3A_1320 : vector<12x1xi1>
    %add3A_1328 = vector.broadcast %jit3A_1317 : f32 to vector<12x1xf32>
    %add3A_1329 = arith.addf %rem3A_1318, %add3A_1328 : vector<12x1xf32>
    %select_n3A_1330 = arith.select %and3A, %add3A_1329, %rem3A_1318 : vector<12x1xi1>, vector<12x1xf32>
    %swap3A_1331 = arith.constant 0 : index
    %swap3A_1332 = arith.constant 0 : index
    %swap3A_1333 = vector.load %arg9[%swap3A_1331, %swap3A_1332] : memref<12x1xf32, #tpu.memory_space<vmem>>, vector<12x1xf32>
    tpu.vector_store %arg9[%swap3A_1331, %swap3A_1332], %select_n3A_1330 {strides = array<i32>} : memref<12x1xf32, #tpu.memory_space<vmem>>, vector<12x1xf32>,
    %mul3A_1334 = arith.constant 6.28318548 : f32
    %mul3A_1335 = vector.broadcast %mul3A_1334 : f32 to vector<12x1xf32>
    %mul3A_1336 = arith.mulf %mul3A_1335, %select_n3A_1330 : vector<12x1xf32>
    %cos3A = math.cos %mul3A_1336 : vector<12x1xf32>
    %sin3A = math.sin %mul3A_1336 : vector<12x1xf32>
    %concatenate3A = tpu.concatenate %cos3A, %sin3A in 0 : vector<12x1xf32>, vector<12x1xf32> -> vector<24x1xf32>
    %swap3A_1337 = arith.constant 0 : index
    %swap3A_1338 = arith.constant 0 : index
    %swap3A_1339 = vector.load %arg10[%swap3A_1337, %swap3A_1338] : memref<24x1xf32, #tpu.memory_space<vmem>>, vector<24x1xf32>
    tpu.vector_store %arg10[%swap3A_1337, %swap3A_1338], %concatenate3A {strides = array<i32>} : memref<24x1xf32, #tpu.memory_space<vmem>>, vector<24x1xf32>,
    return
  }
}

</mosaic_0001>

<sc_bundles>
// kernel: kernel.6.cloned.1.call-start
scs
__scs_entry_jumppad:
0x0: {  	(pc) =	sbr.rel $0x88, $3  }
0x1: {  	(tag) =	ssettag $0x0;
	lr =	simm.s32 $0x1  }
0x2: {  	[smem:$0x3F9A] =	sst lr;
	_ =	strace $0xD0000000  }
0x3: {  	_ = 	snop  }
0x4: {  	_ = 	snop  }
0x5: {  	_ = 	snop  }
0x6: {  	_ = 	snop  }
0x7: {  	_ = 	snop  }
__scs_overlays_trampoline_lowered:
0x8: {  	[smem:$0x3FA9] =	sst s0  }
0x9: {  	[smem:$0x3FAA] =	sst s1  }
0xa: {  	[smem:$0x3FAB] =	sst s2  }
0xb: {  	[smem:$0x3FAC] =	sst s3  }
0xc: {  	[smem:$0x3FAD] =	sst s4  }
0xd: {  	[smem:$0x3FAE] =	sst s5  }
0xe: {  	[smem:$0x3FAF] =	sst s6  }
0xf: {  	[smem:$0x3FB0] =	sst s7  }
0x10: {  	[smem:$0x3FB1] =	sst s8  }
0x11: {  	[smem:$0x3FB2] =	sst s9;
	s0 =	simm.s32 @!p0 $0x0  }
0x12: {  	s1 =	sld [smem:$0x3F98];
	s0 =	simm.s32 @p0 $0x1  }
0x13: {  	[smem:$0x3FB3] =	sst s0;
	s0 =	simm.s32 @!p1 $0x0  }
0x14: {  	s2 =	sld [smem:$0x3F97];
	s0 =	simm.s32 @p1 $0x1  }
0x15: {  	[smem:$0x3FB4] =	sst s0;
	s0 =	simm.s32 @!p2 $0x0  }
0x16: {  	s3 =	sld [smem:$0x3FDB];
	s0 =	simm.s32 @p2 $0x1  }
0x17: {  	s4 =	simm.s32 $0x1BF5;
	[smem:$0x3FB6] =	sst s0  }
0x18: {  	s0 =	sld [smem:$0x3F99];
	_ =	swait.ge [sflag:s4], $0x0  }
0x19: {  	s7 =	sld [smem:$0x3F9A]  }
0x1a: {  	s8 =	sadd.s32 $0xFFFFE003, lr  }
0x1b: {  	s9 =	sadd.s32 $0xFFFFFEF7, lr;
	s5 =	simm.s32 $0xFFFFFFFF;
	p2 =	slt.u32 s8, $0xFFFFF086  }
0x1c: {  	p1 =	slt.u32 s9, $0xF7A;
	s5 =	simm.s32 @!p2 $0x0  }
0x1d: {  	s5 =	simm.s32 @p1 $0x1;
	p0 =	seq.s32 s7, s2  }
0x1e: {  	s7 =	smul.u32 @!p0 $0xF7A, s2;
	p2 =	seq.s32 @!p0 s5, $0x0  }
0x1f: {  	s9 =	smul.u32 $0xF7A, s1;
	s8 =	simm.s32 @!p0 $0x1BF5;
	p2 =	por !p2, p0  }
0x20: {  	[sflag:s8] =	ssyncset.s32 @!p0 $0xFFFFF086;
	s6 =	sadd.s32 @!p0 s3, s7;
	s7 =	simm.s32 @!p0 $0x108  }
0x21: {  	s3 =	sadd.s32 s3, s9;
	s6 =	sadd.s32 @!p0 $0x88, s6;
	s7 =	simm.s32 @p2 $0x1082  }
0x22: {  	[simem:s7], [sflag:s8] =	dma.local @!p0 [hbm:s6], $0xF7A  }
0x23: {  	s9 =	sor.u32 $0xD0000000, s2;
	s6 =	simm.s32 $0x108;
	_ =	swait.ge @!p0 [sflag:s8], $0x0  }
0x24: {  	s3 =	sadd.s32 $0x88, s3;
	s6 =	simm.s32 @!p1 $0x1082;
	[sflag:s4] =	ssyncset.s32 $0xFFFFF086  }
0x25: {  	[simem:s6], [sflag:s4] =	dma.local [hbm:s3], $0xF7A  }
0x26: {  	[smem:$0x3F9A] =	sst s1;
	(tag) =	ssettag s2;
	_ =	strace s9  }
0x27: {  	s1 =	sld [smem:$0x3FAA]  }
0x28: {  	s2 =	sld [smem:$0x3FAB]  }
0x29: {  	s4 =	sld [smem:$0x3FAD]  }
0x2a: {  	p0 =	seq.s32 s5, $0x0;
	s5 =	sld [smem:$0x3FAE]  }
0x2b: {  	s6 =	sld [smem:$0x3FAF]  }
0x2c: {  	s7 =	sld [smem:$0x3FB0]  }
0x2d: {  	s3 =	simm.s32 $0x108;
	s8 =	sld [smem:$0x3FB1]  }
0x2e: {  	s3 =	simm.s32 @!p0 $0x1082;
	s9 =	sld [smem:$0x3FB2]  }
0x2f: {  	lr =	sadd.s32 s0, s3;
	s0 =	sld [smem:$0x3FA9]  }
0x30: {  	s3 =	sld [smem:$0x3FAC]  }
0x31: {  	[smem:$0x3FB5] =	sst s10  }
0x32: {  	s10 =	sld [smem:$0x3FB3];
	_ =	sdelay $0x3  }
0x33: {  	p0 =	seq.s32 s10, $0x1;
	s10 =	sld [smem:$0x3FB5];
	_ =	sdelay $0x3  }
0x34: {  	[smem:$0x3FB5] =	sst s10  }
0x35: {  	s10 =	sld [smem:$0x3FB4];
	_ =	sdelay $0x3  }
0x36: {  	p1 =	seq.s32 s10, $0x1;
	s10 =	sld [smem:$0x3FB5];
	_ =	sdelay $0x3  }
0x37: {  	[smem:$0x3FB5] =	sst s10  }
0x38: {  	s10 =	sld [smem:$0x3FB6]  }
0x39: {  	_ = 	snop;
	(pc) =	sbr.ind lr, $3  }
0x3a: {  	_ = 	snop  }
0x3b: {  	_ = 	snop  }
0x3c: {  	p2 =	seq.s32 s10, $0x1;
	s10 =	sld [smem:$0x3FB5]  }
0x3d: {  	_ =	shalt  }
0x3e: {  	_ =	shalt  }
0x3f: {  	_ =	shalt  }
0x40: {  	_ =	shalt  }
0x41: {  	_ =	shalt  }
0x42: {  	_ =	shalt  }
0x43: {  	_ =	shalt  }
0x44: {  	_ =	shalt  }
0x45: {  	_ =	shalt  }
0x46: {  	_ =	shalt  }
0x47: {  	_ =	shalt  }
0x48: {  	_ =	shalt  }
0x49: {  	_ =	shalt  }
0x4a: {  	_ =	shalt  }
0x4b: {  	_ =	shalt  }
0x4c: {  	_ =	shalt  }
0x4d: {  	_ =	shalt  }
0x4e: {  	_ =	shalt  }
0x4f: {  	_ =	shalt  }
0x50: {  	_ =	shalt  }
0x51: {  	_ =	shalt  }
0x52: {  	_ =	shalt  }
0x53: {  	_ =	shalt  }
0x54: {  	_ =	shalt  }
0x55: {  	_ =	shalt  }
0x56: {  	_ =	shalt  }
0x57: {  	_ =	shalt  }
0x58: {  	_ =	shalt  }
0x59: {  	_ =	shalt  }
0x5a: {  	_ =	shalt  }
0x5b: {  	_ =	shalt  }
0x5c: {  	_ =	shalt  }
0x5d: {  	_ =	shalt  }
0x5e: {  	_ =	shalt  }
0x5f: {  	_ =	shalt  }
0x60: {  	_ =	shalt  }
0x61: {  	_ =	shalt  }
0x62: {  	_ =	shalt  }
0x63: {  	_ =	shalt  }
0x64: {  	_ =	shalt  }
0x65: {  	_ =	shalt  }
0x66: {  	_ =	shalt  }
0x67: {  	_ =	shalt  }
0x68: {  	_ =	shalt  }
0x69: {  	_ =	shalt  }
0x6a: {  	_ =	shalt  }
0x6b: {  	_ =	shalt  }
0x6c: {  	_ =	shalt  }
0x6d: {  	_ =	shalt  }
0x6e: {  	_ =	shalt  }
0x6f: {  	_ =	shalt  }
0x70: {  	_ =	shalt  }
0x71: {  	_ =	shalt  }
0x72: {  	_ =	shalt  }
0x73: {  	_ =	shalt  }
0x74: {  	_ =	shalt  }
0x75: {  	_ =	shalt  }
0x76: {  	_ =	shalt  }
0x77: {  	_ =	shalt  }
0x78: {  	_ =	shalt  }
0x79: {  	_ =	shalt  }
0x7a: {  	_ =	shalt  }
0x7b: {  	_ =	shalt  }
0x7c: {  	_ =	shalt  }
0x7d: {  	_ =	shalt  }
0x7e: {  	_ =	shalt  }
0x7f: {  	_ =	shalt  }
0x80: {  	_ =	shalt  }
0x81: {  	_ =	shalt  }
0x82: {  	_ =	shalt  }
0x83: {  	_ =	shalt  }
0x84: {  	_ =	shalt  }
0x85: {  	_ =	shalt  }
0x86: {  	_ =	shalt  }
0x87: {  	_ =	shalt  }
.Lfunc_end0:
.L_simem_size_0:
called_computation.1_lowered:
.L_overlay_start_0:
0x88: {  	s2 =	sld [smem:$0x3FD9]  }
0x89: {  	s3 =	sld [smem:$0x3FFE];
	_ =	sdelay $0x1  }
0x8a: {  	s1 =	srdreg.scid  }
0x8b: {  	s0 =	sand.u32 $0x1, s1  }
0x8c: {  	s14 =	sshll.u32 s0, $0xA;
	s2 =	sadd.s32 s3, s2  }
0x8d: {  	s2 =	sadd.s32 s2, s14  }
0x8e: {  	[smem:$0x3FC1] =	sst s2  }
0x8f: {  	_ = 	snop  }
0x90: {  	s2 =	sld [smem:$0x3FD0];
	_ =	sdelay $0x2  }
0x91: {  	s15 =	simm.s32 $0xA;
	s4 =	simm.s32 $0x10  }
0x92: {  	[smem:s4], [sflag:s15] =	dma.local [hbm:s2], $0x1  }
0x93: {  	_ =	swait.eq [sflag:s15], $0x1  }
0x94: {  	[sflag:s15] =	ssyncset.done $0x0  }
0x95: {  	[sflag:s15] =	ssyncadd.s32 $0xFFFFFFFF  }
0x96: {  	s16 =	sld [smem:$0x14];
	(tm) =	ssettm $0x1  }
0x97: {  	s17 =	sld [smem:$0x3FFB];
	_ =	sdelay $0x3  }
0x98: {  	_ =	strace s17  }
0x99: {  	s3 =	sld [smem:$0x3FFC];
	_ =	sdelay $0x3  }
0x9a: {  	_ =	strace s3  }
0x9b: {  	s3 =	sld [smem:$0x3FFD];
	_ =	sdelay $0x3  }
0x9c: {  	_ =	strace s3  }
0x9d: {  	_ =	strace $0x8FFFFFFF  }
0x9e: {  	s18 =	sld [smem:$0x3FDB];
	_ =	sdelay $0x1  }
0x9f: {  	s19 =	simm.s32 $_scs_section_size  }
0xa0: {  	s5 =	simm.s32 $_size__tile_overlayer_lowered;
	s6 =	simm.s32 $_tile_overlayer_lowered  }
0xa1: {  	s22 =	simm.s32 $0x1BFF;
	s21 =	sshll.u32 s6, $0x1;
	s3 =	sadd.s32 s19, s18  }
0xa2: {  	s7 =	simm.s32 $0x0;
	s20 =	sshll.u32 s5, $0x1;
	s5 =	sadd.s32 s21, s3  }
0xa3: {  	[timem:s7], [sflag:s22] =	dma.local [hbm:s5], s20  }
0xa4: {  	_ =	swait.ge [sflag:s22], s20  }
0xa5: {  	s4 =	ssub.s32 $0x0, s20;
	[sflag:s22] =	ssyncset.done $0x0  }
0xa6: {  	[sflag:s22] =	ssyncadd.s32 s4;
	_ =	sdelay $0x1  }
0xa7: {  	s23 =	simm.s32 $0x1B8B  }
0xa8: {  	_ =	swait.ge [sflag:s23], $0x1  }
0xa9: {  	[sflag:s23] =	ssyncset.done $0x0  }
0xaa: {  	s25 =	simm.s32 $0x1B8E;
	s24 =	sld [smem:$0x3FFE];
	[sflag:s23] =	ssyncadd.s32 $0xFFFFFFFF  }
0xab: {  	s26 =	simm.s32 $execute0_lowered;
	[smem:$0x3FD2] =	sst s25  }
0xac: {  	s5 =	sshll.u32 s26, $0x1;
	_ =	strace $0x80000049;
	[dreg:$0x1] =	wrdreg $0xFFFFFFFF  }
0xad: {  	s28 =	simm.s32 $_size_execute0_lowered;
	s3 =	sadd.s32 s3, s5;
	[dreg:$0x0] =	wrdreg $0x0  }
0xae: {  	s5 =	sshll.u32 s28, $0x1;
	[dreg:$0x2] =	wrdreg s3  }
0xaf: {  	[dreg:$0x3] =	wrdreg s5  }
0xb0: {  	[dreg:$0x4] =	wrdreg $0xC0  }
0xb1: {  	_ =	task [dreg:s7], $0x5FFFF  }
0xb2: {  	[dreg:$0x1] =	wrdreg $0xFFFFFFFF  }
0xb3: {  	[dreg:$0x0] =	wrdreg $0x60  }
0xb4: {  	[dreg:$0x2] =	wrdreg s24  }
0xb5: {  	[dreg:$0x3] =	wrdreg s16  }
0xb6: {  	[dreg:$0x4] =	wrdreg $0x9  }
0xb7: {  	_ =	task.clear_ibuf [dreg:s7], $0x5FFFF;
	_ =	strace $0x90000049  }
0xb8: {  	s29 =	simm.s32 $0x9;
	_ =	strace $0x8000004B  }
0xb9: {  	_ =	swait.ge [sflag:s29], $0x1  }
0xba: {  	[sflag:s29] =	ssyncadd.s32 $0xFFFFFFFF  }
0xbb: {  	_ =	strace $0x9000004B  }
0xbc: {  	_ =	sfence  }
0xbd: {  	s30 =	sld [smem:$0x0];
	_ =	sdelay $0x2  }
0xbe: {  	s31 =	sshll.u32 s1, $0xD;
	s1 =	sshrl.u32 s1, $0x2  }
0xbf: {  	s3 =	sand.u32 $0x4000, s31;
	s1 =	sadd.s32 s1, s30  }
0xc0: {  	s0 =	sor.u32 s3, s0;
	s1 =	sshll.u32 s1, $0x11  }
0xc1: {  	s0 =	sor.u32 s1, s0  }
0xc2: {  	s0 =	sadd.s32 $0x8F2B, s0  }
0xc3: {  	[sflag:s0] =	ssyncadd.remote.s32 $0x1  }
0xc4: {  	_ =	sfence.sel $0xFFFF  }
0xc5: {  	[dreg:$0x0] =	wrdreg $0xFFFFFFFF;
	(pc) =	sbr.abs _section_cstart, $3  }
0xc6: {  	[dreg:$0x1] =	wrdreg $0xFFFFFFFF  }
0xc7: {  	_ =	task.clear_ibuf [dreg:s7], $0x2FFFF;
	_ =	strace $0x9FFFFFFF  }
0xc8: {  	(tm) =	ssettm $0x7FFFFFFF  }
0xc9: {  	_ =	shalt  }
tec
execute0_lowered:
.L_overlay_start_1:
0x0: {  	(tag) =	ssettag $0x1  }
0x1: {  	s3 =	simm.s32 $0x0;
	vm1 =	vmmov $0x1;
	v0 =	vimm.s32 $0x0  }
0x2: {  	v50 =	vimm.s32 $0x0;
	[smem:$0x7FF] =	sst s3;
	v0 =	vsel vm1, $0xFFFFFFFF, v0;
	vm1 =	vmmov $0x3  }
0x3: {  	s0 =	rddreg [dreg:$0x0];
	v51 =	vimm.s32 $0x0;
	_ =	strace $0x8000004A;
	[tilespmem:$0x1FF10] =	vst v0;
	v0 =	vsel vm1, $0xFFFFFFFF, v50;
	vm1 =	vmmov $0x7  }
0x4: {  	s1 =	srdreg.scid;
	v52 =	vimm.s32 $0x0;
	[tilespmem:$0x1FF20] =	vst v0;
	v0 =	vsel vm1, $0xFFFFFFFF, v51;
	vm1 =	vmmov $0xf  }
0x5: {  	s7 =	stileid.u32;
	s8 =	simm.s32 $0x2;
	s9 =	simm.s32 $0x80;
	v53 =	vimm.s32 $0x0;
	[tilespmem:$0x1FF30] =	vst v0;
	v0 =	vsel vm1, $0xFFFFFFFF, v52;
	vm1 =	vmmov $0x1f  }
0x6: {  	s15 =	simm.s32 $0x800;
	s16 =	simm.s32 $0x1400;
	s17 =	simm.s32 $0x880;
	v54 =	vimm.s32 $0x0;
	[tilespmem:$0x1FF40] =	vst v0;
	v0 =	vsel vm1, $0xFFFFFFFF, v53;
	vm1 =	vmmov $0x3f  }
0x7: {  	s18 =	simm.s32 $0x1480;
	s19 =	simm.s32 $0x900;
	s20 =	simm.s32 $0x1500;
	v55 =	vimm.s32 $0x0;
	[tilespmem:$0x1FF50] =	vst v0;
	v0 =	vsel vm1, $0xFFFFFFFF, v54;
	vm1 =	vmmov $0x7f  }
0x8: {  	s21 =	simm.s32 $0x980;
	s22 =	simm.s32 $0x1580;
	s23 =	simm.s32 $0xA00;
	v56 =	vimm.s32 $0x0;
	[tilespmem:$0x1FF60] =	vst v0;
	v0 =	vsel vm1, $0xFFFFFFFF, v55;
	vm1 =	vmmov $0xff  }
0x9: {  	s24 =	simm.s32 $0x1600;
	v57 =	vimm.s32 $0x0;
	s28 =	simm.s32 $0xB00;
	s29 =	simm.s32 $0x1700;
	[tilespmem:$0x1FF70] =	vst v0;
	v0 =	vsel vm1, $0xFFFFFFFF, v56;
	vm1 =	vmmov $0x1ff  }
0xa: {  	s30 =	simm.s32 $0xB80;
	v58 =	vimm.s32 $0x0;
	s31 =	simm.s32 $0x1780;
	s10 =	simm.s32 $0x1880;
	[tilespmem:$0x1FF80] =	vst v0;
	v0 =	vsel vm1, $0xFFFFFFFF, v57;
	vm1 =	vmmov $0x3ff  }
0xb: {  	v59 =	vimm.s32 $0x0;
	s11 =	simm.s32 $0x0;
	s1 =	sand.u32 $0x1, s1;
	s2 =	sshll.u32 s7, $0x7;
	[tilespmem:$0x1FF90] =	vst v0;
	v0 =	vsel vm1, $0xFFFFFFFF, v58;
	vm1 =	vmmov $0x7ff  }
0xc: {  	v60 =	vimm.s32 $0x0;
	s26 =	sshll.u32 s7, $0x15;
	s4 =	sshll.u32 s1, $0x6;
	s5 =	ssub.s32 $0x2, s1;
	[tilespmem:$0x1FFA0] =	vst v0;
	v0 =	vsel vm1, $0xFFFFFFFF, v59;
	vm1 =	vmmov $0xfff  }
0xd: {  	v61 =	vimm.s32 $0x0;
	s1 =	sshll.u32 s1, $0x14;
	s2 =	sor.u32 s4, s2;
	s6 =	sshrl.u32 s5, $0x1;
	[tilespmem:$0x1FFB0] =	vst v0;
	v0 =	vsel vm1, $0xFFFFFFFF, v60;
	vm1 =	vmmov $0x1fff  }
0xe: {  	v62 =	vimm.s32 $0x0;
	s4 =	sadd.s32 $0x200, s0;
	s7 =	sor.u32 s1, s26;
	s26 =	simm.s32 $0x1680;
	[tilespmem:$0x1FFC0] =	vst v0;
	v0 =	vsel vm1, $0xFFFFFFFF, v61;
	vm1 =	vmmov $0x3fff  }
0xf: {  	v63 =	vimm.s32 $0x0;
	s1 =	simm.s32 $0x1800;
	s2 =	sshrl.u32 s2, $0x3;
	s25 =	ssub.s32 s5, s6;
	[tilespmem:$0x1FFD0] =	vst v0;
	v0 =	vsel vm1, $0xFFFFFFFF, v62;
	vm1 =	vmmov $0x7fff  }
0x10: {  	s0 =	sadd.s32 s2, s0;
	s6 =	smax.u32 s25, $0x1;
	s25 =	simm.s32 $0xA80;
	[tilespmem:$0x1FFE0] =	vst v0;
	v0 =	vsel vm1, $0xFFFFFFFF, v63  }
0x11: {  	vm0 =	vcmask $0x3F20;
	s2 =	simm.s32 $0x1;
	s5 =	sadd.s32 $0x400200, s0;
	s0 =	simm.s32 $0xC00;
	[tilespmem:$0x1FFF0] =	vst v0  }
.LBB2_1:
0x12: {  	s12 =	rddreg [dreg:$0x1]  }
0x13: {  	[tilespmem:s3], [sflag:$0x2] =	stream.linear.gather [hbm4b:s12+s3], $0x80, $0x38;
	[tilespmem:$0x1900] =	vst v63  }
0x14: {  	_ =	swait.ge [sflag:s8], $0x80  }
0x15: {  	[sflag:s8] =	ssyncset.done $0x0  }
0x16: {  	[sflag:s8] =	ssyncadd.s32 $0xFFFFFF80  }
0x17: {  	v0 =	vld [tilespmem:$0x18]  }
0x18: {  	v1 =	vld [tilespmem:$0x0]  }
0x19: {  	v2 =	vld [tilespmem:$0x10];
	_ =	sdelay $0x1  }
0x1a: {  	s13 =	sadd.s32 $0x0, s7  }
0x1b: {  	s12 =	simm.s32 $0xA0;
	v3 =	vadd.s32 s13, v0  }
0x1c: {  	v4 =	vadd.s32 s13, v1;
	[tilespmem:s12+$0x0] =	vst v3  }
0x1d: {  	v3 =	vadd.s32 s13, v2;
	[tilespmem:s12+$0xFFFFFFE0] =	vst v4  }
0x1e: {  	s13 =	simm.s32 $0x4000;
	[tilespmem:s12+$0xFFFFFFF0] =	vst v3  }
.LBB2_2:
0x1f: {  	p0 =	sne.s32 s13, $0xFC000  }
.Ltmp0:
0x20: {  	s14 =	sadd.s32 s13, s7;
	s13 =	sadd.s32 $0x4000, s13;
	(pc) =	sbr.rel @p0 .LBB2_2-.Ltmp0, $4  }
0x21: {  	s12 =	sadd.s32 $0x30, s12;
	v3 =	vadd.s32 s14, v1;
	v4 =	vadd.s32 s14, v2;
	v5 =	vadd.s32 s14, v0  }
0x22: {  	[tilespmem:s12+$0x0] =	vst v5  }
0x23: {  	[tilespmem:s12+$0xFFFFFFE0] =	vst v3  }
0x24: {  	[tilespmem:s12+$0xFFFFFFF0] =	vst v4  }
0x25: {  	s12 =	simm.s32 $0xC80  }
0x26: {  	[tilespmem:s12], [sflag:$0x1] =	stream.indirect.gather [hbm4b:s4+s9], $0x1, s9, s9, $0xb8;
	[tilespmem:$0x1900] =	vst v63  }
0x27: {  	s14 =	simm.s32 $0x100;
	s13 =	simm.s32 $0xD00  }
0x28: {  	[tilespmem:s13], [sflag:$0x1] =	stream.indirect.gather [hbm4b:s4+s9], $0x1, s14, s9, $0xb8;
	[tilespmem:$0x1900] =	vst v63  }
0x29: {  	s13 =	simm.s32 $0x180;
	s14 =	simm.s32 $0xD80  }
0x2a: {  	[tilespmem:s14], [sflag:$0x1] =	stream.indirect.gather [hbm4b:s4+s9], $0x1, s13, s9, $0xb8;
	[tilespmem:$0x1900] =	vst v63  }
0x2b: {  	s13 =	simm.s32 $0x200;
	s14 =	simm.s32 $0xE00  }
0x2c: {  	[tilespmem:s14], [sflag:$0x1] =	stream.indirect.gather [hbm4b:s4+s9], $0x1, s13, s9, $0xb8;
	[tilespmem:$0x1900] =	vst v63  }
0x2d: {  	s13 =	simm.s32 $0x280;
	s14 =	simm.s32 $0xE80  }
0x2e: {  	[tilespmem:s14], [sflag:$0x1] =	stream.indirect.gather [hbm4b:s4+s9], $0x1, s13, s9, $0xb8;
	[tilespmem:$0x1900] =	vst v63  }
0x2f: {  	s13 =	simm.s32 $0x300;
	s14 =	simm.s32 $0xF00  }
0x30: {  	[tilespmem:s14], [sflag:$0x1] =	stream.indirect.gather [hbm4b:s4+s9], $0x1, s13, s9, $0xb8;
	[tilespmem:$0x1900] =	vst v63  }
0x31: {  	s13 =	simm.s32 $0x380;
	s14 =	simm.s32 $0xF80  }
0x32: {  	[tilespmem:s14], [sflag:$0x1] =	stream.indirect.gather [hbm4b:s4+s9], $0x1, s13, s9, $0xb8;
	[tilespmem:$0x1900] =	vst v63  }
0x33: {  	s13 =	simm.s32 $0x400;
	s14 =	simm.s32 $0x1000  }
0x34: {  	[tilespmem:s14], [sflag:$0x1] =	stream.indirect.gather [hbm4b:s4+s9], $0x1, s13, s9, $0xb8;
	[tilespmem:$0x1900] =	vst v63  }
0x35: {  	s13 =	simm.s32 $0x480;
	s14 =	simm.s32 $0x1080  }
0x36: {  	[tilespmem:s14], [sflag:$0x1] =	stream.indirect.gather [hbm4b:s4+s9], $0x1, s13, s9, $0xb8;
	[tilespmem:$0x1900] =	vst v63  }
0x37: {  	s13 =	simm.s32 $0x500;
	s14 =	simm.s32 $0x1100  }
0x38: {  	[tilespmem:s14], [sflag:$0x1] =	stream.indirect.gather [hbm4b:s4+s9], $0x1, s13, s9, $0xb8;
	[tilespmem:$0x1900] =	vst v63  }
0x39: {  	s13 =	simm.s32 $0x580;
	s14 =	simm.s32 $0x1180  }
0x3a: {  	[tilespmem:s14], [sflag:$0x1] =	stream.indirect.gather [hbm4b:s4+s9], $0x1, s13, s9, $0xb8;
	[tilespmem:$0x1900] =	vst v63  }
0x3b: {  	s13 =	simm.s32 $0x600;
	s14 =	simm.s32 $0x1200  }
0x3c: {  	[tilespmem:s14], [sflag:$0x1] =	stream.indirect.gather [hbm4b:s4+s9], $0x1, s13, s9, $0xb8;
	[tilespmem:$0x1900] =	vst v63  }
0x3d: {  	s13 =	simm.s32 $0x680;
	s14 =	simm.s32 $0x1280  }
0x3e: {  	[tilespmem:s14], [sflag:$0x1] =	stream.indirect.gather [hbm4b:s4+s9], $0x1, s13, s9, $0xb8;
	[tilespmem:$0x1900] =	vst v63  }
0x3f: {  	s13 =	simm.s32 $0x700;
	s14 =	simm.s32 $0x1300  }
0x40: {  	[tilespmem:s14], [sflag:$0x1] =	stream.indirect.gather [hbm4b:s4+s9], $0x1, s13, s9, $0xb8;
	[tilespmem:$0x1900] =	vst v63  }
0x41: {  	s13 =	simm.s32 $0x780;
	s14 =	simm.s32 $0x1380  }
0x42: {  	[tilespmem:s14], [sflag:$0x1] =	stream.indirect.gather [hbm4b:s4+s9], $0x1, s13, s9, $0xb8;
	[tilespmem:$0x1900] =	vst v63  }
0x43: {  	_ = 	snop  }
0x44: {  	[tilespmem:s16], [sflag:$0x1] =	stream.indirect.gather [hbm4b:s4+s9], $0x1, s15, s9, $0xb8;
	[tilespmem:$0x1900] =	vst v63  }
0x45: {  	_ = 	snop  }
0x46: {  	[tilespmem:s18], [sflag:$0x1] =	stream.indirect.gather [hbm4b:s4+s9], $0x1, s17, s9, $0xb8;
	[tilespmem:$0x1900] =	vst v63  }
0x47: {  	_ = 	snop  }
0x48: {  	[tilespmem:s20], [sflag:$0x1] =	stream.indirect.gather [hbm4b:s4+s9], $0x1, s19, s9, $0xb8;
	[tilespmem:$0x1900] =	vst v63  }
0x49: {  	_ = 	snop  }
0x4a: {  	[tilespmem:s22], [sflag:$0x1] =	stream.indirect.gather [hbm4b:s4+s9], $0x1, s21, s9, $0xb8;
	[tilespmem:$0x1900] =	vst v63  }
0x4b: {  	_ = 	snop  }
0x4c: {  	[tilespmem:s24], [sflag:$0x1] =	stream.indirect.gather [hbm4b:s4+s9], $0x1, s23, s9, $0xb8;
	[tilespmem:$0x1900] =	vst v63  }
0x4d: {  	_ = 	snop  }
0x4e: {  	[tilespmem:s26], [sflag:$0x1] =	stream.indirect.gather [hbm4b:s4+s9], $0x1, s25, s9, $0xb8;
	[tilespmem:$0x1900] =	vst v63  }
0x4f: {  	_ = 	snop  }
0x50: {  	[tilespmem:s29], [sflag:$0x1] =	stream.indirect.gather [hbm4b:s4+s9], $0x1, s28, s9, $0xb8;
	[tilespmem:$0x1900] =	vst v63  }
0x51: {  	_ = 	snop  }
0x52: {  	[tilespmem:s31], [sflag:$0x1] =	stream.indirect.gather [hbm4b:s4+s9], $0x1, s30, s9, $0xb8;
	[tilespmem:$0x1900] =	vst v63  }
0x53: {  	_ = 	snop  }
0x54: {  	[tilespmem:s1], [sflag:$0x1] =	stream.indirect.gather [hbm4b:s4+s9], $0x1, s0, s9, $0xb8;
	[tilespmem:$0x1900] =	vst v63  }
0x55: {  	_ =	swait.ge [sflag:s2], $0x80  }
0x56: {  	[sflag:s2] =	ssyncset.done $0x0  }
0x57: {  	[sflag:s2] =	ssyncadd.s32 $0xFFFFFF80  }
0x58: {  	_ =	swait.ge [sflag:s2], $0x80  }
0x59: {  	[sflag:s2] =	ssyncset.done $0x0  }
0x5a: {  	[sflag:s2] =	ssyncadd.s32 $0xFFFFFF80  }
0x5b: {  	_ =	swait.ge [sflag:s2], $0x80  }
0x5c: {  	[sflag:s2] =	ssyncset.done $0x0  }
0x5d: {  	[sflag:s2] =	ssyncadd.s32 $0xFFFFFF80  }
0x5e: {  	_ =	swait.ge [sflag:s2], $0x80  }
0x5f: {  	[sflag:s2] =	ssyncset.done $0x0  }
0x60: {  	[sflag:s2] =	ssyncadd.s32 $0xFFFFFF80  }
0x61: {  	_ =	swait.ge [sflag:s2], $0x80  }
0x62: {  	[sflag:s2] =	ssyncset.done $0x0  }
0x63: {  	[sflag:s2] =	ssyncadd.s32 $0xFFFFFF80  }
0x64: {  	_ =	swait.ge [sflag:s2], $0x80  }
0x65: {  	[sflag:s2] =	ssyncset.done $0x0  }
0x66: {  	[sflag:s2] =	ssyncadd.s32 $0xFFFFFF80  }
0x67: {  	_ =	swait.ge [sflag:s2], $0x80  }
0x68: {  	[sflag:s2] =	ssyncset.done $0x0  }
0x69: {  	[sflag:s2] =	ssyncadd.s32 $0xFFFFFF80  }
0x6a: {  	_ =	swait.ge [sflag:s2], $0x80  }
0x6b: {  	[sflag:s2] =	ssyncset.done $0x0  }
0x6c: {  	[sflag:s2] =	ssyncadd.s32 $0xFFFFFF80  }
0x6d: {  	_ =	swait.ge [sflag:s2], $0x80  }
0x6e: {  	[sflag:s2] =	ssyncset.done $0x0  }
0x6f: {  	[sflag:s2] =	ssyncadd.s32 $0xFFFFFF80  }
0x70: {  	_ =	swait.ge [sflag:s2], $0x80  }
0x71: {  	[sflag:s2] =	ssyncset.done $0x0  }
0x72: {  	[sflag:s2] =	ssyncadd.s32 $0xFFFFFF80  }
0x73: {  	_ =	swait.ge [sflag:s2], $0x80  }
0x74: {  	[sflag:s2] =	ssyncset.done $0x0  }
0x75: {  	[sflag:s2] =	ssyncadd.s32 $0xFFFFFF80  }
0x76: {  	_ =	swait.ge [sflag:s2], $0x80  }
0x77: {  	[sflag:s2] =	ssyncset.done $0x0  }
0x78: {  	[sflag:s2] =	ssyncadd.s32 $0xFFFFFF80  }
0x79: {  	_ =	swait.ge [sflag:s2], $0x80  }
0x7a: {  	[sflag:s2] =	ssyncset.done $0x0  }
0x7b: {  	[sflag:s2] =	ssyncadd.s32 $0xFFFFFF80  }
0x7c: {  	_ =	swait.ge [sflag:s2], $0x80  }
0x7d: {  	[sflag:s2] =	ssyncset.done $0x0  }
0x7e: {  	[sflag:s2] =	ssyncadd.s32 $0xFFFFFF80  }
0x7f: {  	_ =	swait.ge [sflag:s2], $0x80  }
0x80: {  	[sflag:s2] =	ssyncset.done $0x0  }
0x81: {  	[sflag:s2] =	ssyncadd.s32 $0xFFFFFF80  }
0x82: {  	_ =	swait.ge [sflag:s2], $0x80  }
0x83: {  	[sflag:s2] =	ssyncset.done $0x0  }
0x84: {  	[sflag:s2] =	ssyncadd.s32 $0xFFFFFF80  }
0x85: {  	_ =	swait.ge [sflag:s2], $0x80  }
0x86: {  	[sflag:s2] =	ssyncset.done $0x0  }
0x87: {  	[sflag:s2] =	ssyncadd.s32 $0xFFFFFF80  }
0x88: {  	_ =	swait.ge [sflag:s2], $0x80  }
0x89: {  	[sflag:s2] =	ssyncset.done $0x0  }
0x8a: {  	[sflag:s2] =	ssyncadd.s32 $0xFFFFFF80  }
0x8b: {  	_ =	swait.ge [sflag:s2], $0x80  }
0x8c: {  	[sflag:s2] =	ssyncset.done $0x0  }
0x8d: {  	[sflag:s2] =	ssyncadd.s32 $0xFFFFFF80  }
0x8e: {  	_ =	swait.ge [sflag:s2], $0x80  }
0x8f: {  	[sflag:s2] =	ssyncset.done $0x0  }
0x90: {  	[sflag:s2] =	ssyncadd.s32 $0xFFFFFF80  }
0x91: {  	_ =	swait.ge [sflag:s2], $0x80  }
0x92: {  	[sflag:s2] =	ssyncset.done $0x0  }
0x93: {  	[sflag:s2] =	ssyncadd.s32 $0xFFFFFF80  }
0x94: {  	_ =	swait.ge [sflag:s2], $0x80  }
0x95: {  	[sflag:s2] =	ssyncset.done $0x0  }
0x96: {  	[sflag:s2] =	ssyncadd.s32 $0xFFFFFF80  }
0x97: {  	_ =	swait.ge [sflag:s2], $0x80  }
0x98: {  	[sflag:s2] =	ssyncset.done $0x0  }
0x99: {  	[sflag:s2] =	ssyncadd.s32 $0xFFFFFF80  }
0x9a: {  	_ =	swait.ge [sflag:s2], $0x80  }
0x9b: {  	v24 =	vld [tilespmem:$0x1FF20]  }
0x9c: {  	v27 =	vld [tilespmem:$0x1FF30]  }
0x9d: {  	v44 =	vld [tilespmem:$0x1FF40]  }
0x9e: {  	[sflag:s2] =	ssyncset.done $0x0;
	v46 =	vld [tilespmem:$0x1FF50]  }
0x9f: {  	v48 =	vld [tilespmem:$0x1FF60];
	[sflag:s2] =	ssyncadd.s32 $0xFFFFFF80  }
0xa0: {  	v0 =	vld [tilespmem:$0xC80]  }
0xa1: {  	v1 =	vld [tilespmem:$0xC90]  }
0xa2: {  	v2 =	vld [tilespmem:$0xCA0]  }
0xa3: {  	v3 =	vld [tilespmem:$0xCB0]  }
0xa4: {  	v4 =	vld [tilespmem:$0xCC0]  }
0xa5: {  	v5 =	vld [tilespmem:$0xCD0]  }
0xa6: {  	v60 =	vld [tilespmem:$0xCE0]  }
0xa7: {  	v6 =	vld [tilespmem:$0xCF0]  }
0xa8: {  	v8 =	vld [tilespmem:$0xD00]  }
0xa9: {  	v63 =	vld [tilespmem:$0xD10];
	vm4 =	vnez.u8 v24;
	vm8 =	vnez.u8 v27;
	vm7 =	vnez.u8 v44  }
0xaa: {  	v13 =	vld [tilespmem:$0xD30];
	vm10 =	vnez.u8 v46;
	vm6 =	vmmov vm8;
	vm1 =	vgt.f32 v0, $5.000000000e-01  }
0xab: {  	v44 =	vld [tilespmem:$0x1FFC0];
	vm2 =	vgt.f32 v1, $5.000000000e-01;
	vm3 =	vgt.f32 v2, $5.000000000e-01;
	v61 =	vmpcnt.ones.xlane vm1  }
0xac: {  	v12 =	vld [tilespmem:$0xD20];
	v62 =	vmpcnt.ones.xlane vm2;
	vm1 =	vmand vm3, vm0;
	vm2 =	vgt.f32 v4, $5.000000000e-01  }
0xad: {  	v16 =	vld [tilespmem:$0xD40];
	vm3 =	vgt.f32 v5, $5.000000000e-01;
	v7 =	vmpcnt.ones.xlane vm1;
	vm1 =	vgt.f32 v3, $5.000000000e-01  }
0xae: {  	v10 =	vld [tilespmem:$0xD50];
	v15 =	vmpcnt.ones.xlane vm2;
	vm2 =	vgt.f32 v8, $5.000000000e-01;
	v1 =	vadd.s32 v61, v62  }
0xaf: {  	v19 =	vld [tilespmem:$0xD60];
	v14 =	vmpcnt.ones.xlane vm1;
	vm1 =	vmand vm3, vm0;
	vm2 =	vmand vm2, vm0  }
0xb0: {  	v23 =	vld [tilespmem:$0xD90];
	vm3 =	vgt.f32 v13, $5.000000000e-01;
	vm14 =	vnez.u8 v44;
	v1 =	vadd.s32 v7, v1  }
0xb1: {  	v11 =	vld [tilespmem:$0xD70];
	v9 =	vmpcnt.ones.xlane vm1;
	vm1 =	vgt.f32 v60, $5.000000000e-01;
	v18 =	vmpcnt.ones.xlane vm2  }
0xb2: {  	v28 =	vld [tilespmem:$0xDB0];
	vm2 =	vgt.f32 v12, $5.000000000e-01;
	v0 =	vmpcnt.ones.xlane vm1;
	vm1 =	vgt.f32 v6, $5.000000000e-01  }
0xb3: {  	v13 =	vld [tilespmem:$0x1FF70];
	v4 =	vadd.s32 v14, v15;
	v7 =	vmpcnt.ones.xlane vm2;
	vm2 =	vgt.f32 v10, $5.000000000e-01  }
0xb4: {  	v12 =	vld [tilespmem:$0x1FF10];
	v17 =	vmpcnt.ones.xlane vm1;
	vm1 =	vgt.f32 v63, $5.000000000e-01;
	v4 =	vadd.s32 v9, v4  }
0xb5: {  	v29 =	vld [tilespmem:$0xDC0];
	v31 =	vmpcnt.ones.xlane vm2;
	vm2 =	vgt.f32 v23, $5.000000000e-01;
	v20 =	vmpcnt.ones.xlane vm1  }
0xb6: {  	v37 =	vld [tilespmem:$0xDE0];
	vm1 =	vmand vm3, vm0;
	vm3 =	vgt.f32 v19, $5.000000000e-01;
	vm2 =	vmand vm2, vm0  }
0xb7: {  	v45 =	vld [tilespmem:$0xE20];
	v0 =	vadd.s32 v0, v17;
	v21 =	vmpcnt.ones.xlane vm1;
	vm1 =	vgt.f32 v16, $5.000000000e-01  }
0xb8: {  	v15 =	vld [tilespmem:$0x1FFA0];
	v36 =	vmpcnt.ones.xlane vm2;
	vm2 =	vgt.f32 v28, $5.000000000e-01;
	vm9 =	vnez.u8 v13  }
0xb9: {  	v22 =	vld [tilespmem:$0xD80];
	vm15 =	vnez.u8 v12;
	v0 =	vadd.s32 v18, v0;
	v3 =	vadd.s32 v20, v7  }
0xba: {  	v26 =	vld [tilespmem:$0xDA0];
	v30 =	vmpcnt.ones.xlane vm1;
	vm1 =	vmand vm3, vm0;
	vm3 =	vgt.f32 v29, $5.000000000e-01  }
0xbb: {  	v34 =	vld [tilespmem:$0xDD0];
	v40 =	vmpcnt.ones.xlane vm2;
	vm2 =	vgt.f32 v37, $5.000000000e-01;
	v1 =	vsel vm15, v1, v4  }
0xbc: {  	v49 =	vld [tilespmem:$0xE40];
	v25 =	vadd.s32 v21, v3;
	v32 =	vmpcnt.ones.xlane vm1;
	vm1 =	vgt.f32 v11, $5.000000000e-01  }
0xbd: {  	v38 =	vld [tilespmem:$0xDF0];
	v52 =	vmpcnt.ones.xlane vm2;
	vm2 =	vgt.f32 v45, $5.000000000e-01;
	vm5 =	vnez.u8 v15  }
0xbe: {  	v56 =	vld [tilespmem:$0xE70];
	v0 =	vsel vm4, v1, v0;
	v33 =	vmpcnt.ones.xlane vm1;
	vm1 =	vgt.f32 v22, $5.000000000e-01  }
0xbf: {  	v20 =	vld [tilespmem:$0x1FF80];
	v5 =	vadd.s32 v30, v31;
	vm2 =	vmand vm2, vm0;
	v0 =	vsel vm8, v0, v25  }
0xc0: {  	v41 =	vld [tilespmem:$0xE00];
	v35 =	vmpcnt.ones.xlane vm1;
	vm1 =	vgt.f32 v26, $5.000000000e-01;
	v5 =	vadd.s32 v32, v5  }
0xc1: {  	v17 =	vld [tilespmem:$0xEB0];
	v58 =	vmpcnt.ones.xlane vm2;
	vm2 =	vgt.f32 v49, $5.000000000e-01;
	v39 =	vmpcnt.ones.xlane vm1  }
0xc2: {  	v43 =	vld [tilespmem:$0xE10];
	vm1 =	vmand vm3, vm0;
	v0 =	vsel vm7, v0, v5;
	vm3 =	vgt.f32 v38, $5.000000000e-01  }
0xc3: {  	v22 =	vld [tilespmem:$0x1FF90];
	v62 =	vmpcnt.ones.xlane vm2;
	vm2 =	vgt.f32 v56, $5.000000000e-01;
	v4 =	vadd.s32 v33, v35  }
0xc4: {  	v50 =	vld [tilespmem:$0xE50];
	v42 =	vmpcnt.ones.xlane vm1;
	vm1 =	vnez.u8 v48;
	vm11 =	vnez.u8 v20  }
0xc5: {  	v21 =	vld [tilespmem:$0xED0];
	v7 =	vmpcnt.ones.xlane vm2;
	v4 =	vadd.s32 v36, v4;
	v2 =	vadd.s32 v39, v40  }
0xc6: {  	vm2 =	vgt.f32 v17, $5.000000000e-01;
	v39 =	vld [tilespmem:$0x1FFB0];
	v0 =	vsel vm10, v0, v4;
	v2 =	vadd.s32 v42, v2  }
0xc7: {  	v47 =	vld [tilespmem:$0xE30];
	vm2 =	vmand vm2, vm0;
	v0 =	vsel vm1, v0, v2;
	vm1 =	vgt.f32 v34, $5.000000000e-01  }
0xc8: {  	v59 =	vld [tilespmem:$0xE80];
	vm12 =	vnez.u8 v22;
	v51 =	vmpcnt.ones.xlane vm1;
	vm1 =	vmand vm3, vm0  }
0xc9: {  	v26 =	vld [tilespmem:$0xF00];
	v32 =	vmpcnt.ones.xlane vm2;
	v53 =	vmpcnt.ones.xlane vm1;
	vm1 =	vgt.f32 v41, $5.000000000e-01  }
0xca: {  	v54 =	vld [tilespmem:$0xE60];
	vm2 =	vgt.f32 v21, $5.000000000e-01;
	vm3 =	vgt.f32 v50, $5.000000000e-01;
	v55 =	vmpcnt.ones.xlane vm1  }
0xcb: {  	v33 =	vld [tilespmem:$0xF30];
	vm1 =	vgt.f32 v43, $5.000000000e-01;
	v5 =	vadd.s32 v51, v52;
	vm13 =	vnez.u8 v39  }
0xcc: {  	v23 =	vld [tilespmem:$0xEE0];
	v57 =	vmpcnt.ones.xlane vm1;
	vm1 =	vgt.f32 v47, $5.000000000e-01;
	v5 =	vadd.s32 v53, v5  }
0xcd: {  	v40 =	vld [tilespmem:$0xF90];
	v61 =	vmpcnt.ones.xlane vm1;
	vm1 =	vmand vm3, vm0;
	v0 =	vsel vm9, v0, v5  }
0xce: {  	v60 =	vld [tilespmem:$0xE90];
	vm3 =	vgt.f32 v59, $5.000000000e-01;
	v5 =	vmpcnt.ones.xlane vm2;
	vm2 =	vgt.f32 v26, $5.000000000e-01  }
0xcf: {  	v63 =	vld [tilespmem:$0xEA0];
	v6 =	vadd.s32 v55, v57;
	v16 =	vmpcnt.ones.xlane vm1;
	vm1 =	vgt.f32 v54, $5.000000000e-01  }
0xd0: {  	v19 =	vld [tilespmem:$0xEC0];
	v42 =	vmpcnt.ones.xlane vm2;
	vm2 =	vgt.f32 v33, $5.000000000e-01;
	v18 =	vadd.s32 v58, v6  }
0xd1: {  	v2 =	vadd.s32 v61, v62;
	v25 =	vmpcnt.ones.xlane vm1;
	vm1 =	vmand vm3, vm0  }
0xd2: {  	v28 =	vld [tilespmem:$0xF10];
	vm3 =	vgt.f32 v23, $5.000000000e-01;
	v49 =	vmpcnt.ones.xlane vm2;
	vm2 =	vgt.f32 v40, $5.000000000e-01  }
0xd3: {  	v43 =	vld [tilespmem:$0xFB0];
	v0 =	vsel vm11, v0, v18;
	v27 =	vmpcnt.ones.xlane vm1;
	vm1 =	vgt.f32 v60, $5.000000000e-01  }
0xd4: {  	v24 =	vld [tilespmem:$0xEF0];
	v2 =	vadd.s32 v16, v2;
	v29 =	vmpcnt.ones.xlane vm1;
	vm1 =	vgt.f32 v63, $5.000000000e-01  }
0xd5: {  	v47 =	vld [tilespmem:$0xFD0];
	v6 =	vadd.s32 v25, v7;
	v31 =	vmpcnt.ones.xlane vm1;
	vm1 =	vgt.f32 v19, $5.000000000e-01  }
0xd6: {  	v46 =	vld [tilespmem:$0xFC0];
	v0 =	vsel vm12, v0, v2;
	v6 =	vadd.s32 v27, v6;
	v4 =	vmpcnt.ones.xlane vm1  }
0xd7: {  	v30 =	vld [tilespmem:$0xF20];
	vm1 =	vmand vm3, vm0;
	v0 =	vsel vm5, v0, v6;
	vm3 =	vgt.f32 v28, $5.000000000e-01  }
0xd8: {  	v34 =	vld [tilespmem:$0xF40];
	v6 =	vmpcnt.ones.xlane vm2;
	vm2 =	vgt.f32 v43, $5.000000000e-01;
	v7 =	vadd.s32 v29, v31  }
0xd9: {  	v52 =	vld [tilespmem:$0xFF0];
	v35 =	vmpcnt.ones.xlane vm1;
	vm1 =	vgt.f32 v24, $5.000000000e-01;
	v54 =	vmpcnt.ones.xlane vm2  }
0xda: {  	vm2 =	vgt.f32 v47, $5.000000000e-01;
	v37 =	vadd.s32 v32, v7;
	v4 =	vadd.s32 v4, v5  }
0xdb: {  	v50 =	vld [tilespmem:$0x1FFD0];
	v3 =	vmpcnt.ones.xlane vm1;
	vm1 =	vmand vm3, vm0;
	vm3 =	vgt.f32 v46, $5.000000000e-01  }
0xdc: {  	v16 =	vld [tilespmem:$0x1030];
	vm2 =	vmand vm2, vm0;
	v0 =	vsel vm13, v0, v37;
	v4 =	vadd.s32 v35, v4  }
0xdd: {  	v53 =	vld [tilespmem:$0x1000];
	v45 =	vmpcnt.ones.xlane vm1;
	vm1 =	vgt.f32 v30, $5.000000000e-01;
	v9 =	vmpcnt.ones.xlane vm3  }
0xde: {  	v38 =	vld [tilespmem:$0xF80];
	vm3 =	vgt.f32 v34, $5.000000000e-01;
	v58 =	vmpcnt.ones.xlane vm2;
	vm2 =	vgt.f32 v52, $5.000000000e-01  }
0xdf: {  	v41 =	vld [tilespmem:$0xFA0];
	v0 =	vsel vm14, v0, v4;
	v3 =	vadd.s32 v3, v42;
	v48 =	vmpcnt.ones.xlane vm1  }
0xe0: {  	v60 =	vld [tilespmem:$0x1050];
	vm1 =	vnez.u8 v50;
	vm3 =	vmand vm3, vm0;
	v21 =	vmpcnt.ones.xlane vm2  }
0xe1: {  	v14 =	vld [tilespmem:$0xF50];
	vm2 =	vgt.f32 v16, $5.000000000e-01;
	v3 =	vadd.s32 v45, v3;
	v17 =	vmpcnt.ones.xlane vm3  }
0xe2: {  	v63 =	vld [tilespmem:$0x1070];
	v1 =	vadd.s32 v54, v9;
	vm3 =	vgt.f32 v53, $5.000000000e-01;
	vm2 =	vmand vm2, vm0  }
0xe3: {  	v51 =	vld [tilespmem:$0xFE0];
	v0 =	vsel vm1, v0, v3;
	vm1 =	vgt.f32 v38, $5.000000000e-01;
	v4 =	vadd.s32 v48, v49  }
0xe4: {  	v62 =	vld [tilespmem:$0x1060];
	v9 =	vadd.s32 v58, v1;
	v5 =	vmpcnt.ones.xlane vm1;
	vm1 =	vgt.f32 v41, $5.000000000e-01  }
0xe5: {  	v55 =	vld [tilespmem:$0x1010];
	v28 =	vmpcnt.ones.xlane vm2;
	vm2 =	vgt.f32 v60, $5.000000000e-01;
	vm1 =	vmand vm1, vm0  }
0xe6: {  	v56 =	vld [tilespmem:$0x1020];
	v1 =	vadd.s32 v17, v4;
	v57 =	vmpcnt.ones.xlane vm1;
	v5 =	vadd.s32 v5, v6  }
0xe7: {  	v59 =	vld [tilespmem:$0x1040];
	vm1 =	vgt.f32 v14, $5.000000000e-01;
	v14 =	vmpcnt.ones.xlane vm2;
	vm2 =	vgt.f32 v63, $5.000000000e-01  }
0xe8: {  	v36 =	vld [tilespmem:$0xF60];
	v2 =	vmpcnt.ones.xlane vm1;
	vm1 =	vgt.f32 v51, $5.000000000e-01;
	v5 =	vadd.s32 v57, v5  }
0xe9: {  	v24 =	vld [tilespmem:$0x1090];
	v20 =	vmpcnt.ones.xlane vm1;
	vm1 =	vmand vm3, vm0;
	vm3 =	vgt.f32 v62, $5.000000000e-01  }
0xea: {  	v22 =	vld [tilespmem:$0x1080];
	v61 =	vsel vm15, v5, v9;
	v23 =	vmpcnt.ones.xlane vm1;
	vm1 =	vgt.f32 v55, $5.000000000e-01  }
0xeb: {  	v25 =	vmpcnt.ones.xlane vm1;
	vm1 =	vgt.f32 v56, $5.000000000e-01;
	v8 =	vadd.s32 v20, v21  }
0xec: {  	v26 =	vld [tilespmem:$0x10A0];
	v27 =	vmpcnt.ones.xlane vm1;
	vm1 =	vgt.f32 v59, $5.000000000e-01;
	v8 =	vadd.s32 v23, v8  }
0xed: {  	v29 =	vld [tilespmem:$0x10C0];
	v6 =	vmpcnt.ones.xlane vm1;
	vm1 =	vmand vm3, vm0;
	v4 =	vsel vm4, v61, v8  }
0xee: {  	v18 =	vld [tilespmem:$0x10B0];
	vm3 =	vgt.f32 v24, $5.000000000e-01;
	v9 =	vadd.s32 v25, v27;
	v30 =	vmpcnt.ones.xlane vm1  }
0xef: {  	v33 =	vld [tilespmem:$0x10F0];
	vm1 =	vgt.f32 v36, $5.000000000e-01;
	v36 =	vmpcnt.ones.xlane vm2;
	vm2 =	vgt.f32 v22, $5.000000000e-01  }
0xf0: {  	v19 =	vld [tilespmem:$0x10D0];
	vm3 =	vmand vm3, vm0;
	v32 =	vadd.s32 v28, v9;
	v6 =	vadd.s32 v6, v14  }
0xf1: {  	v31 =	vld [tilespmem:$0x10E0];
	v38 =	vmpcnt.ones.xlane vm2;
	v39 =	vmpcnt.ones.xlane vm3;
	vm2 =	vgt.f32 v26, $5.000000000e-01  }
0xf2: {  	v37 =	vld [tilespmem:$0x1120];
	vm3 =	vgt.f32 v29, $5.000000000e-01;
	v4 =	vsel vm8, v4, v32;
	v6 =	vadd.s32 v30, v6  }
0xf3: {  	v55 =	vld [tilespmem:$0x11C0];
	v41 =	vmpcnt.ones.xlane vm2;
	vm2 =	vgt.f32 v18, $5.000000000e-01;
	vm8 =	vmmov vm10  }
0xf4: {  	v24 =	vld [tilespmem:$0x1FF60];
	v4 =	vsel vm7, v4, v6;
	v43 =	vmpcnt.ones.xlane vm2;
	vm2 =	vmand vm3, vm0  }
0xf5: {  	v34 =	vld [tilespmem:$0x1100];
	v6 =	vadd.s32 v36, v38;
	vm3 =	vgt.f32 v33, $5.000000000e-01;
	v45 =	vmpcnt.ones.xlane vm2  }
0xf6: {  	v35 =	vld [tilespmem:$0x1110];
	vm2 =	vgt.f32 v19, $5.000000000e-01;
	vm3 =	vmand vm3, vm0;
	v6 =	vadd.s32 v39, v6  }
0xf7: {  	v44 =	vld [tilespmem:$0x1150];
	v47 =	vmpcnt.ones.xlane vm2;
	vm2 =	vgt.f32 v31, $5.000000000e-01;
	v20 =	vmpcnt.ones.xlane vm3  }
0xf8: {  	v42 =	vld [tilespmem:$0x1140];
	vm3 =	vgt.f32 v37, $5.000000000e-01;
	v4 =	vsel vm10, v4, v6;
	v10 =	vadd.s32 v41, v43  }
0xf9: {  	v40 =	vld [tilespmem:$0x1130];
	vm10 =	vnez.u8 v24;
	v43 =	vmpcnt.ones.xlane vm1;
	vm1 =	vgt.f32 v55, $5.000000000e-01  }
0xfa: {  	v12 =	vld [tilespmem:$0xF70];
	v49 =	vmpcnt.ones.xlane vm2;
	vm2 =	vgt.f32 v34, $5.000000000e-01;
	v10 =	vadd.s32 v45, v10  }
0xfb: {  	v46 =	vld [tilespmem:$0x1160];
	v21 =	vmpcnt.ones.xlane vm2;
	vm2 =	vgt.f32 v35, $5.000000000e-01;
	v4 =	vsel vm10, v4, v10  }
0xfc: {  	v50 =	vld [tilespmem:$0x1180];
	v2 =	vadd.s32 v2, v43;
	v52 =	vmpcnt.ones.xlane vm2;
	vm2 =	vmand vm3, vm0  }
0xfd: {  	v53 =	vld [tilespmem:$0x11A0];
	vm3 =	vgt.f32 v42, $5.000000000e-01;
	v61 =	vadd.s32 v47, v49;
	v47 =	vmpcnt.ones.xlane vm1  }
0xfe: {  	v48 =	vld [tilespmem:$0x1170];
	v22 =	vmpcnt.ones.xlane vm2;
	vm2 =	vgt.f32 v40, $5.000000000e-01;
	v23 =	vmpcnt.ones.xlane vm3  }
0xff: {  	v56 =	vld [tilespmem:$0x11D0];
	vm3 =	vgt.f32 v44, $5.000000000e-01;
	v25 =	vadd.s32 v20, v61;
	v13 =	vmpcnt.ones.xlane vm2  }
0x100: {  	v54 =	vld [tilespmem:$0x11B0];
	vm2 =	vgt.f32 v12, $5.000000000e-01;
	vm3 =	vmand vm3, vm0;
	v4 =	vsel vm9, v4, v25  }
0x101: {  	v26 =	vld [tilespmem:$0x1210];
	v7 =	vadd.s32 v21, v52;
	v57 =	vmpcnt.ones.xlane vm3;
	vm3 =	vgt.f32 v46, $5.000000000e-01  }
0x102: {  	v51 =	vld [tilespmem:$0x1190];
	v7 =	vadd.s32 v22, v7;
	vm2 =	vmand vm2, vm0;
	v59 =	vmpcnt.ones.xlane vm3  }
0x103: {  	v58 =	vld [tilespmem:$0x11E0];
	vm3 =	vgt.f32 v48, $5.000000000e-01;
	v4 =	vsel vm11, v4, v7;
	v33 =	vadd.s32 v13, v23  }
0x104: {  	v30 =	vld [tilespmem:$0x1230];
	v44 =	vmpcnt.ones.xlane vm2;
	vm2 =	vgt.f32 v56, $5.000000000e-01;
	v62 =	vmpcnt.ones.xlane vm3  }
0x105: {  	v60 =	vld [tilespmem:$0x11F0];
	vm3 =	vgt.f32 v50, $5.000000000e-01;
	v7 =	vadd.s32 v57, v33;
	v48 =	vmpcnt.ones.xlane vm2  }
0x106: {  	v37 =	vld [tilespmem:$0x1260];
	vm2 =	vgt.f32 v26, $5.000000000e-01;
	vm3 =	vmand vm3, vm0;
	v4 =	vsel vm12, v4, v7  }
0x107: {  	v63 =	vld [tilespmem:$0x1200];
	vm2 =	vmand vm2, vm0;
	v27 =	vmpcnt.ones.xlane vm3;
	vm3 =	vgt.f32 v51, $5.000000000e-01  }
0x108: {  	v46 =	vld [tilespmem:$0x12A0];
	v35 =	vadd.s32 v59, v62;
	v9 =	vadd.s32 v47, v48;
	v55 =	vmpcnt.ones.xlane vm2  }
0x109: {  	v32 =	vld [tilespmem:$0x1240];
	vm2 =	vgt.f32 v30, $5.000000000e-01;
	v29 =	vmpcnt.ones.xlane vm3;
	vm3 =	vgt.f32 v53, $5.000000000e-01  }
0x10a: {  	v8 =	vld [tilespmem:$0x14A0];
	v11 =	vmpcnt.ones.xlane vm2;
	v31 =	vmpcnt.ones.xlane vm3;
	vm3 =	vgt.f32 v54, $5.000000000e-01  }
0x10b: {  	v51 =	vld [tilespmem:$0x12C0];
	vm2 =	vgt.f32 v37, $5.000000000e-01;
	v38 =	vadd.s32 v27, v35;
	vm3 =	vmand vm3, vm0  }
0x10c: {  	v27 =	vld [tilespmem:$0x1FFE0];
	v4 =	vsel vm5, v4, v38;
	v36 =	vmpcnt.ones.xlane vm3;
	v39 =	vadd.s32 v29, v31  }
0x10d: {  	v28 =	vld [tilespmem:$0x1220];
	vm3 =	vgt.f32 v58, $5.000000000e-01;
	v31 =	vmpcnt.ones.xlane vm2;
	vm2 =	vgt.f32 v46, $5.000000000e-01  }
0x10e: {  	v40 =	vld [tilespmem:$0x1270];
	vm1 =	vmand vm3, vm0;
	vm3 =	vgt.f32 v32, $5.000000000e-01;
	vm2 =	vmand vm2, vm0  }
0x10f: {  	v62 =	vld [tilespmem:$0x1FFD0];
	v41 =	vadd.s32 v36, v39;
	v50 =	vmpcnt.ones.xlane vm1;
	vm1 =	vgt.f32 v60, $5.000000000e-01  }
0x110: {  	v57 =	vld [tilespmem:$0x12F0];
	v36 =	vmpcnt.ones.xlane vm2;
	vm2 =	vgt.f32 v51, $5.000000000e-01;
	v4 =	vsel vm13, v4, v41  }
0x111: {  	v34 =	vld [tilespmem:$0x1250];
	v52 =	vmpcnt.ones.xlane vm1;
	vm1 =	vgt.f32 v63, $5.000000000e-01;
	vm13 =	vnez.u8 v27  }
0x112: {  	v45 =	vld [tilespmem:$0x1290];
	v54 =	vmpcnt.ones.xlane vm1;
	vm1 =	vgt.f32 v28, $5.000000000e-01;
	v9 =	vadd.s32 v50, v9  }
0x113: {  	v42 =	vld [tilespmem:$0x1280];
	v0 =	vsel vm13, v0, v1;
	v1 =	vadd.s32 v44, v2;
	v3 =	vmpcnt.ones.xlane vm1  }
0x114: {  	v49 =	vld [tilespmem:$0x12B0];
	vm1 =	vmand vm3, vm0;
	v4 =	vsel vm14, v4, v9;
	vm14 =	vnez.u8 v62  }
0x115: {  	v53 =	vld [tilespmem:$0x12D0];
	vm3 =	vgt.f32 v40, $5.000000000e-01;
	v40 =	vmpcnt.ones.xlane vm2;
	vm2 =	vgt.f32 v57, $5.000000000e-01  }
0x116: {  	v61 =	vld [tilespmem:$0x1320];
	v15 =	vadd.s32 v52, v54;
	v58 =	vmpcnt.ones.xlane vm1;
	vm1 =	vgt.f32 v34, $5.000000000e-01  }
0x117: {  	v56 =	vld [tilespmem:$0x12E0];
	v60 =	vadd.s32 v55, v15;
	v3 =	vadd.s32 v3, v11;
	v30 =	vmpcnt.ones.xlane vm1  }
0x118: {  	v29 =	vld [tilespmem:$0x1350];
	vm1 =	vmand vm3, vm0;
	v4 =	vsel vm14, v4, v60;
	v3 =	vadd.s32 v58, v3  }
0x119: {  	v32 =	vld [tilespmem:$0x1360];
	v2 =	vsel vm13, v4, v3;
	v3 =	vmpcnt.ones.xlane vm1;
	vm1 =	vgt.f32 v42, $5.000000000e-01  }
0x11a: {  	v34 =	vld [tilespmem:$0x1380];
	vm3 =	vgt.f32 v53, $5.000000000e-01;
	v4 =	vadd.s32 v30, v31;
	v10 =	vmpcnt.ones.xlane vm1  }
0x11b: {  	v24 =	vld [tilespmem:$0x1300];
	vm1 =	vgt.f32 v45, $5.000000000e-01;
	v45 =	vmpcnt.ones.xlane vm2;
	vm2 =	vgt.f32 v61, $5.000000000e-01  }
0x11c: {  	v43 =	vld [tilespmem:$0x13C0];
	v35 =	vmpcnt.ones.xlane vm1;
	vm1 =	vgt.f32 v49, $5.000000000e-01;
	v50 =	vmpcnt.ones.xlane vm2  }
0x11d: {  	v59 =	vld [tilespmem:$0x1310];
	vm2 =	vgt.f32 v29, $5.000000000e-01;
	v3 =	vadd.s32 v3, v4;
	v39 =	vmpcnt.ones.xlane vm1  }
0x11e: {  	v63 =	vld [tilespmem:$0x1330];
	vm1 =	vmand vm3, vm0;
	vm3 =	vgt.f32 v32, $5.000000000e-01;
	v57 =	vmpcnt.ones.xlane vm2  }
0x11f: {  	v25 =	vld [tilespmem:$0x13D0];
	vm2 =	vgt.f32 v34, $5.000000000e-01;
	v42 =	vmpcnt.ones.xlane vm1;
	vm1 =	vgt.f32 v56, $5.000000000e-01  }
0x120: {  	v41 =	vld [tilespmem:$0x13B0];
	v10 =	vadd.s32 v10, v35;
	v44 =	vmpcnt.ones.xlane vm1;
	vm1 =	vgt.f32 v24, $5.000000000e-01  }
0x121: {  	v28 =	vld [tilespmem:$0x1340];
	v10 =	vadd.s32 v36, v10;
	v16 =	vadd.s32 v39, v40;
	vm1 =	vmand vm1, vm0  }
0x122: {  	v47 =	vld [tilespmem:$0x13F0];
	v16 =	vadd.s32 v42, v16;
	v48 =	vmpcnt.ones.xlane vm1;
	vm1 =	vgt.f32 v59, $5.000000000e-01  }
0x123: {  	v33 =	vld [tilespmem:$0x1370];
	v13 =	vadd.s32 v44, v45;
	v21 =	vmpcnt.ones.xlane vm1;
	vm1 =	vgt.f32 v63, $5.000000000e-01  }
0x124: {  	v46 =	vld [tilespmem:$0x13E0];
	v10 =	vsel vm15, v10, v16;
	v13 =	vadd.s32 v48, v13;
	vm1 =	vmand vm1, vm0  }
0x125: {  	v37 =	vld [tilespmem:$0x1390];
	v10 =	vsel vm4, v10, v13;
	v53 =	vadd.s32 v21, v50;
	v54 =	vmpcnt.ones.xlane vm1  }
0x126: {  	v51 =	vld [tilespmem:$0x1410];
	vm1 =	vgt.f32 v28, $5.000000000e-01;
	v28 =	vmpcnt.ones.xlane vm2;
	vm2 =	vgt.f32 v41, $5.000000000e-01  }
0x127: {  	v26 =	vld [tilespmem:$0x1470];
	v14 =	vmpcnt.ones.xlane vm1;
	vm1 =	vmand vm3, vm0;
	vm3 =	vgt.f32 v47, $5.000000000e-01  }
0x128: {  	v38 =	vld [tilespmem:$0x13A0];
	v59 =	vmpcnt.ones.xlane vm1;
	vm1 =	vgt.f32 v33, $5.000000000e-01;
	v62 =	vadd.s32 v54, v53  }
0x129: {  	v27 =	vld [tilespmem:$0x1510];
	v33 =	vmpcnt.ones.xlane vm2;
	vm2 =	vgt.f32 v46, $5.000000000e-01;
	v63 =	vmpcnt.ones.xlane vm1  }
0x12a: {  	v56 =	vld [tilespmem:$0x1440];
	v7 =	vsel vm6, v10, v62;
	v29 =	vadd.s32 v14, v57;
	vm1 =	vgt.f32 v37, $5.000000000e-01  }
0x12b: {  	v52 =	vld [tilespmem:$0x1420];
	v62 =	vmpcnt.ones.xlane vm2;
	vm2 =	vgt.f32 v51, $5.000000000e-01;
	vm1 =	vmand vm1, vm0  }
0x12c: {  	v30 =	vld [tilespmem:$0x1480];
	v10 =	vadd.s32 v59, v29;
	v44 =	vmpcnt.ones.xlane vm2;
	v31 =	vmpcnt.ones.xlane vm1  }
0x12d: {  	v49 =	vld [tilespmem:$0x1400];
	v13 =	vadd.s32 v63, v28;
	vm1 =	vgt.f32 v38, $5.000000000e-01;
	v7 =	vsel vm7, v7, v10  }
0x12e: {  	v55 =	vld [tilespmem:$0x1430];
	v32 =	vmpcnt.ones.xlane vm1;
	vm1 =	vgt.f32 v43, $5.000000000e-01;
	v35 =	vadd.s32 v31, v13  }
0x12f: {  	v15 =	vld [tilespmem:$0x1490];
	vm2 =	vgt.f32 v56, $5.000000000e-01;
	vm1 =	vmand vm1, vm0;
	v7 =	vsel vm8, v7, v35  }
0x130: {  	v58 =	vld [tilespmem:$0x1450];
	v37 =	vadd.s32 v32, v33;
	v38 =	vmpcnt.ones.xlane vm1;
	vm1 =	vgt.f32 v25, $5.000000000e-01  }
0x131: {  	v34 =	vld [tilespmem:$0x14B0];
	v61 =	vmpcnt.ones.xlane vm1;
	vm1 =	vmand vm3, vm0;
	vm3 =	vgt.f32 v30, $5.000000000e-01  }
0x132: {  	v60 =	vld [tilespmem:$0x1460];
	v40 =	vmpcnt.ones.xlane vm1;
	vm1 =	vgt.f32 v49, $5.000000000e-01;
	v42 =	vadd.s32 v38, v37  }
0x133: {  	v36 =	vld [tilespmem:$0x14C0];
	v43 =	vmpcnt.ones.xlane vm1;
	v7 =	vsel vm10, v7, v42;
	v45 =	vadd.s32 v61, v62  }
0x134: {  	v39 =	vld [tilespmem:$0x14D0];
	vm1 =	vgt.f32 v52, $5.000000000e-01;
	v52 =	vmpcnt.ones.xlane vm2;
	vm2 =	vgt.f32 v26, $5.000000000e-01  }
0x135: {  	v48 =	vld [tilespmem:$0x14E0];
	v9 =	vadd.s32 v40, v45;
	vm1 =	vmand vm1, vm0;
	v26 =	vmpcnt.ones.xlane vm2  }
0x136: {  	v41 =	vld [tilespmem:$0x1500];
	vm2 =	vgt.f32 v34, $5.000000000e-01;
	v10 =	vadd.s32 v43, v44;
	v49 =	vmpcnt.ones.xlane vm1  }
0x137: {  	v50 =	vld [tilespmem:$0x1540];
	vm1 =	vgt.f32 v55, $5.000000000e-01;
	v7 =	vsel vm9, v7, v9;
	vm2 =	vmand vm2, vm0  }
0x138: {  	v47 =	vld [tilespmem:$0x1530];
	v51 =	vmpcnt.ones.xlane vm1;
	vm1 =	vgt.f32 v58, $5.000000000e-01;
	v34 =	vmpcnt.ones.xlane vm2  }
0x139: {  	v46 =	vld [tilespmem:$0x1520];
	vm2 =	vgt.f32 v39, $5.000000000e-01;
	v54 =	vadd.s32 v49, v10;
	vm1 =	vmand vm1, vm0  }
0x13a: {  	v53 =	vld [tilespmem:$0x1550];
	v10 =	vsel vm11, v7, v54;
	v56 =	vadd.s32 v51, v52;
	v57 =	vmpcnt.ones.xlane vm1  }
0x13b: {  	v59 =	vld [tilespmem:$0x1580];
	vm1 =	vgt.f32 v60, $5.000000000e-01;
	v7 =	vmpcnt.ones.xlane vm2;
	vm2 =	vgt.f32 v27, $5.000000000e-01  }
0x13c: {  	v58 =	vld [tilespmem:$0x1570];
	v60 =	vmpcnt.ones.xlane vm1;
	vm1 =	vmand vm3, vm0;
	vm3 =	vgt.f32 v48, $5.000000000e-01  }
0x13d: {  	v63 =	vld [tilespmem:$0x14F0];
	vm2 =	vmand vm2, vm0;
	v29 =	vmpcnt.ones.xlane vm1;
	vm1 =	vgt.f32 v15, $5.000000000e-01  }
0x13e: {  	v28 =	vld [tilespmem:$0x1590];
	v61 =	vadd.s32 v57, v56;
	v31 =	vmpcnt.ones.xlane vm1;
	vm1 =	vgt.f32 v8, $5.000000000e-01  }
0x13f: {  	v32 =	vld [tilespmem:$0x15B0];
	v37 =	vsel vm12, v10, v61;
	v10 =	vmpcnt.ones.xlane vm2;
	vm2 =	vgt.f32 v47, $5.000000000e-01  }
0x140: {  	v62 =	vld [tilespmem:$0x15D0];
	v49 =	vadd.s32 v60, v26;
	v33 =	vmpcnt.ones.xlane vm1;
	vm1 =	vgt.f32 v36, $5.000000000e-01  }
0x141: {  	v35 =	vld [tilespmem:$0x15C0];
	v13 =	vmpcnt.ones.xlane vm2;
	vm2 =	vgt.f32 v58, $5.000000000e-01;
	v6 =	vmpcnt.ones.xlane vm1  }
0x142: {  	v30 =	vld [tilespmem:$0x15A0];
	vm1 =	vmand vm3, vm0;
	vm3 =	vgt.f32 v50, $5.000000000e-01;
	vm2 =	vmand vm2, vm0  }
0x143: {  	v38 =	vld [tilespmem:$0x1610];
	v8 =	vmpcnt.ones.xlane vm1;
	vm1 =	vgt.f32 v63, $5.000000000e-01;
	v5 =	vmpcnt.ones.xlane vm2  }
0x144: {  	v42 =	vld [tilespmem:$0x1650];
	vm2 =	vgt.f32 v28, $5.000000000e-01;
	v31 =	vadd.s32 v31, v33;
	v9 =	vmpcnt.ones.xlane vm1  }
0x145: {  	v55 =	vld [tilespmem:$0x1560];
	vm1 =	vgt.f32 v41, $5.000000000e-01;
	v18 =	vmpcnt.ones.xlane vm2;
	vm2 =	vgt.f32 v62, $5.000000000e-01  }
0x146: {  	v63 =	vld [tilespmem:$0x15F0];
	v31 =	vadd.s32 v34, v31;
	v6 =	vadd.s32 v6, v7;
	v11 =	vmpcnt.ones.xlane vm1  }
0x147: {  	v40 =	vld [tilespmem:$0x1630];
	vm1 =	vgt.f32 v46, $5.000000000e-01;
	vm2 =	vmand vm2, vm0;
	v6 =	vadd.s32 v8, v6  }
0x148: {  	v45 =	vld [tilespmem:$0x16B0];
	v12 =	vmpcnt.ones.xlane vm1;
	vm1 =	vmand vm3, vm0;
	vm3 =	vgt.f32 v30, $5.000000000e-01  }
0x149: {  	v48 =	vld [tilespmem:$0x1600];
	v21 =	vmpcnt.ones.xlane vm2;
	v14 =	vmpcnt.ones.xlane vm1;
	vm1 =	vgt.f32 v53, $5.000000000e-01  }
0x14a: {  	v43 =	vld [tilespmem:$0x1660];
	v53 =	vadd.s32 v29, v49;
	v9 =	vadd.s32 v9, v11;
	v15 =	vmpcnt.ones.xlane vm1  }
0x14b: {  	v44 =	vld [tilespmem:$0x1680];
	vm1 =	vgt.f32 v55, $5.000000000e-01;
	vm2 =	vgt.f32 v63, $5.000000000e-01;
	v37 =	vsel vm5, v37, v53  }
0x14c: {  	v51 =	vld [tilespmem:$0x1690];
	v9 =	vadd.s32 v10, v9;
	v13 =	vadd.s32 v12, v13;
	v16 =	vmpcnt.ones.xlane vm1  }
0x14d: {  	v36 =	vld [tilespmem:$0x15E0];
	vm1 =	vgt.f32 v59, $5.000000000e-01;
	v24 =	vmpcnt.ones.xlane vm2;
	vm2 =	vgt.f32 v40, $5.000000000e-01  }
0x14e: {  	v39 =	vld [tilespmem:$0x1620];
	v17 =	vmpcnt.ones.xlane vm1;
	vm1 =	vmand vm3, vm0;
	vm3 =	vgt.f32 v48, $5.000000000e-01  }
0x14f: {  	v52 =	vld [tilespmem:$0x16A0];
	vm2 =	vmand vm2, vm0;
	v19 =	vmpcnt.ones.xlane vm1;
	vm1 =	vgt.f32 v32, $5.000000000e-01  }
0x150: {  	v54 =	vld [tilespmem:$0x16C0];
	v27 =	vmpcnt.ones.xlane vm2;
	vm2 =	vgt.f32 v42, $5.000000000e-01;
	v16 =	vadd.s32 v15, v16  }
0x151: {  	v62 =	vld [tilespmem:$0x16F0];
	v20 =	vmpcnt.ones.xlane vm1;
	vm1 =	vgt.f32 v35, $5.000000000e-01;
	v42 =	vmpcnt.ones.xlane vm2  }
0x152: {  	v56 =	vld [tilespmem:$0x1710];
	vm2 =	vgt.f32 v51, $5.000000000e-01;
	v22 =	vmpcnt.ones.xlane vm1;
	vm1 =	vgt.f32 v36, $5.000000000e-01  }
0x153: {  	v41 =	vld [tilespmem:$0x1640];
	v18 =	vadd.s32 v17, v18;
	vm2 =	vmand vm2, vm0;
	v23 =	vmpcnt.ones.xlane vm1  }
0x154: {  	v57 =	vld [tilespmem:$0x1720];
	vm1 =	vmand vm3, vm0;
	vm3 =	vgt.f32 v43, $5.000000000e-01;
	v48 =	vmpcnt.ones.xlane vm2  }
0x155: {  	v50 =	vld [tilespmem:$0x1670];
	vm2 =	vgt.f32 v45, $5.000000000e-01;
	v25 =	vmpcnt.ones.xlane vm1;
	vm1 =	vgt.f32 v38, $5.000000000e-01  }
0x156: {  	v60 =	vld [tilespmem:$0x1760];
	v45 =	vmpcnt.ones.xlane vm2;
	vm2 =	vgt.f32 v62, $5.000000000e-01;
	v20 =	vadd.s32 v20, v22  }
0x157: {  	v61 =	vld [tilespmem:$0x1780];
	v26 =	vmpcnt.ones.xlane vm1;
	vm1 =	vgt.f32 v39, $5.000000000e-01;
	vm2 =	vmand vm2, vm0  }
0x158: {  	v58 =	vld [tilespmem:$0x1730];
	v22 =	vadd.s32 v23, v24;
	v28 =	vmpcnt.ones.xlane vm1;
	vm1 =	vgt.f32 v41, $5.000000000e-01  }
0x159: {  	v46 =	vld [tilespmem:$0x16D0];
	v23 =	vadd.s32 v25, v22;
	v29 =	vmpcnt.ones.xlane vm1;
	vm1 =	vmand vm3, vm0  }
0x15a: {  	v49 =	vld [tilespmem:$0x1750];
	vm3 =	vgt.f32 v54, $5.000000000e-01;
	v47 =	vmpcnt.ones.xlane vm1;
	vm1 =	vgt.f32 v50, $5.000000000e-01  }
0x15b: {  	v30 =	vld [tilespmem:$0x17D0];
	v24 =	vadd.s32 v26, v28;
	v32 =	vmpcnt.ones.xlane vm1;
	vm1 =	vgt.f32 v44, $5.000000000e-01  }
0x15c: {  	v55 =	vld [tilespmem:$0x16E0];
	v26 =	vadd.s32 v27, v24;
	v27 =	vadd.s32 v29, v42;
	v33 =	vmpcnt.ones.xlane vm1  }
0x15d: {  	v63 =	vld [tilespmem:$0x1700];
	vm1 =	vgt.f32 v52, $5.000000000e-01;
	v52 =	vmpcnt.ones.xlane vm2;
	vm2 =	vgt.f32 v56, $5.000000000e-01  }
0x15e: {  	v50 =	vld [tilespmem:$0x1770];
	v28 =	vadd.s32 v47, v27;
	v36 =	vmpcnt.ones.xlane vm1;
	vm1 =	vmand vm3, vm0  }
0x15f: {  	v56 =	vld [tilespmem:$0x1FFB0];
	vm3 =	vgt.f32 v57, $5.000000000e-01;
	v43 =	vmpcnt.ones.xlane vm2;
	vm2 =	vgt.f32 v49, $5.000000000e-01  }
0x160: {  	v53 =	vld [tilespmem:$0x17A0];
	v51 =	vmpcnt.ones.xlane vm1;
	vm1 =	vgt.f32 v46, $5.000000000e-01;
	vm2 =	vmand vm2, vm0  }
0x161: {  	v59 =	vld [tilespmem:$0x1740];
	v29 =	vadd.s32 v32, v33;
	v46 =	vmpcnt.ones.xlane vm1;
	vm1 =	vgt.f32 v55, $5.000000000e-01  }
0x162: {  	v35 =	vld [tilespmem:$0x1800];
	v32 =	vadd.s32 v36, v45;
	v34 =	vmpcnt.ones.xlane vm1;
	vm1 =	vgt.f32 v63, $5.000000000e-01  }
0x163: {  	v62 =	vld [tilespmem:$0x1790];
	v33 =	vadd.s32 v51, v32;
	v41 =	vmpcnt.ones.xlane vm1;
	vm1 =	vmand vm3, vm0  }
0x164: {  	v63 =	vld [tilespmem:$0x17B0];
	vm4 =	vnez.u8 v56;
	v56 =	vmpcnt.ones.xlane vm2;
	vm2 =	vgt.f32 v50, $5.000000000e-01  }
0x165: {  	v38 =	vld [tilespmem:$0x1820];
	vm3 =	vgt.f32 v61, $5.000000000e-01;
	v55 =	vmpcnt.ones.xlane vm1;
	vm1 =	vgt.f32 v58, $5.000000000e-01  }
0x166: {  	v54 =	vld [tilespmem:$0x17C0];
	v31 =	vsel vm4, v37, v31;
	v49 =	vmpcnt.ones.xlane vm1;
	vm1 =	vgt.f32 v59, $5.000000000e-01  }
0x167: {  	v44 =	vld [tilespmem:$0x17E0];
	v50 =	vmpcnt.ones.xlane vm2;
	v37 =	vmpcnt.ones.xlane vm1;
	vm1 =	vgt.f32 v60, $5.000000000e-01  }
0x168: {  	v57 =	vld [tilespmem:$0x17F0];
	v36 =	vadd.s32 v46, v34;
	v39 =	vmpcnt.ones.xlane vm1;
	vm1 =	vmand vm3, vm0  }
0x169: {  	v58 =	vld [tilespmem:$0x1810];
	vm2 =	vgt.f32 v63, $5.000000000e-01;
	v59 =	vmpcnt.ones.xlane vm1;
	vm1 =	vgt.f32 v62, $5.000000000e-01  }
0x16a: {  	vm2 =	vmand vm2, vm0;
	v40 =	vmpcnt.ones.xlane vm1;
	vm1 =	vgt.f32 v53, $5.000000000e-01;
	v53 =	vld [tilespmem:$0x1830]  }
0x16b: {  	v61 =	vmpcnt.ones.xlane vm2;
	v60 =	vmpcnt.ones.xlane vm1;
	vm1 =	vgt.f32 v54, $5.000000000e-01;
	v54 =	vld [tilespmem:$0x1840]  }
0x16c: {  	vm2 =	vgt.f32 v44, $5.000000000e-01;
	v62 =	vmpcnt.ones.xlane vm1;
	vm1 =	vgt.f32 v30, $5.000000000e-01;
	v30 =	vld [tilespmem:$0x1850]  }
0x16d: {  	v44 =	vmpcnt.ones.xlane vm1;
	vm1 =	vmand vm2, vm0;
	vm2 =	vgt.f32 v57, $5.000000000e-01;
	v57 =	vld [tilespmem:$0x1860]  }
0x16e: {  	v11 =	vld [tilespmem:$0x1FFC0];
	vm3 =	vgt.f32 v58, $5.000000000e-01;
	v63 =	vmpcnt.ones.xlane vm1;
	vm1 =	vgt.f32 v35, $5.000000000e-01  }
0x16f: {  	v35 =	vld [tilespmem:$0x1870];
	v58 =	vmpcnt.ones.xlane vm2;
	vm2 =	vmand vm3, vm0;
	vm3 =	vgt.f32 v38, $5.000000000e-01  }
0x170: {  	v38 =	vmpcnt.ones.xlane vm1;
	vm1 =	vgt.f32 v53, $5.000000000e-01;
	v53 =	vmpcnt.ones.xlane vm2  }
0x171: {  	vm2 =	vgt.f32 v54, $5.000000000e-01;
	v54 =	vmpcnt.ones.xlane vm3;
	vm3 =	vgt.f32 v30, $5.000000000e-01  }
0x172: {  	v25 =	vld [tilespmem:$0x1FF20];
	v30 =	vmpcnt.ones.xlane vm1;
	vm1 =	vmand vm2, vm0;
	vm2 =	vgt.f32 v57, $5.000000000e-01  }
0x173: {  	v42 =	vadd.s32 v52, v36;
	v7 =	vmpcnt.ones.xlane vm2;
	vm2 =	vnez.u8 v11  }
0x174: {  	v57 =	vmpcnt.ones.xlane vm1;
	vm1 =	vgt.f32 v35, $5.000000000e-01;
	v6 =	vsel vm2, v31, v6  }
0x175: {  	v35 =	vmpcnt.ones.xlane vm3;
	v31 =	vadd.s32 v14, v13;
	v4 =	vsel vm14, v6, v9  }
0x176: {  	v6 =	vadd.s32 v21, v20;
	v14 =	vsel vm13, v4, v31;
	v4 =	vadd.s32 v19, v18  }
0x177: {  	vm3 =	vmmov vm14;
	vm14 =	vnez.u8 v25;
	v4 =	vsel vm15, v4, v6  }
0x178: {  	v12 =	vld [tilespmem:$0x1FFF0];
	v43 =	vadd.s32 v41, v43;
	v46 =	vadd.s32 v49, v37;
	v4 =	vsel vm14, v4, v23  }
0x179: {  	v45 =	vadd.s32 v55, v43;
	v47 =	vadd.s32 v56, v46;
	v4 =	vsel vm6, v4, v26  }
0x17a: {  	v52 =	vadd.s32 v62, v44;
	v31 =	vadd.s32 v48, v29;
	v4 =	vsel vm7, v4, v28  }
0x17b: {  	v55 =	vadd.s32 v63, v52;
	v56 =	vadd.s32 v58, v38;
	v4 =	vsel vm8, v4, v31  }
0x17c: {  	v58 =	vadd.s32 v53, v56;
	vm1 =	vmand vm1, vm0;
	v4 =	vsel vm10, v4, v33  }
0x17d: {  	v8 =	vmpcnt.ones.xlane vm1;
	vm1 =	vnez.u8 v12;
	v4 =	vsel vm9, v4, v42  }
0x17e: {  	v0 =	vsel vm1, v0, v1;
	v48 =	vadd.s32 v39, v50;
	v4 =	vsel vm11, v4, v45  }
0x17f: {  	v50 =	vadd.s32 v40, v60;
	v49 =	vadd.s32 v59, v48;
	v4 =	vsel vm12, v4, v47  }
0x180: {  	v13 =	vsel vm1, v2, v3;
	v51 =	vadd.s32 v61, v50;
	v4 =	vsel vm5, v4, v49  }
0x181: {  	v3 =	vadd.s32 v5, v16;
	v60 =	vadd.s32 v54, v30;
	v4 =	vsel vm4, v4, v51  }
0x182: {  	v2 =	vsel vm1, v14, v3;
	v61 =	vadd.s32 v35, v7;
	v4 =	vsel vm2, v4, v55  }
0x183: {  	v0 =	vcvt.s32.f32 v0;
	v59 =	vsel vm3, v4, v58;
	v4 =	vadd.s32 v57, v60  }
0x184: {  	v1 =	vcvt.s32.f32 v13;
	v62 =	vadd.s32 v8, v61;
	v3 =	vsel vm13, v59, v4  }
0x185: {  	v2 =	vcvt.s32.f32 v2;
	[tilespmem:$0x1880] =	vst v0;
	v63 =	vsel vm1, v3, v62  }
0x186: {  	s11 =	sadd.s32 $0x1, s11;
	[tilespmem:$0x1890] =	vst v1;
	v0 =	vcvt.s32.f32 v63  }
0x187: {  	p0 =	sne.s32 s11, s6;
	[tilespmem:$0x18A0] =	vst v2  }
.Ltmp1:
0x188: {  	[tilespmem:$0x18B0] =	vst v0;
	(pc) =	sbr.rel @p0 .LBB2_1-.Ltmp1, $4  }
0x189: {  	[hbm4b:s5+s3] =	stream.linear.scatter [tilespmem:s10], [sflag:$0x2], $0x40, $0x38;
	[tilespmem:$0x1900] =	vst v63  }
0x18a: {  	_ =	swait.ge [sflag:s8], $0x40  }
0x18b: {  	[sflag:s8] =	ssyncset.done $0x0  }
0x18c: {  	[sflag:s8] =	ssyncadd.s32 $0xFFFFFFC0  }
0x18d: {  	_ =	sfence.sel $0x180000  }
0x18e: {  	[bflag:$0x0] =	sbarrier.arrive $0xFFFF  }
0x18f: {  	_ =	strace $0x9000004A  }
0x190: {  	s0 =	stileid.u32;
	[bflag:$0x2] =	sbarrier.arrive $0xFFFF  }
0x191: {  	p0 =	sne.s32 s0, $0x0;
	s0 =	rddreg [dreg:$0x2]  }
0x192: {  	s0 =	sadd.s32 @!p0 $0x100000, s0  }
0x193: {  	[sflag:s0] =	ssyncadd.tile.s32 @!p0 $0x1;
	_ =	shalt  }
.Lfunc_end2:
_tile_overlayer_lowered:
.L_overlay_start_2:
0x194: {  	(tag) =	ssettag $0x2  }
0x195: {  	s0 =	rddreg [dreg:$0x0];
	s2 =	stileid.u32  }
0x196: {  	s1 =	rddreg [dreg:$0x1];
	p0 =	sne.s32 s2, $0x0  }
0x197: {  	s3 =	rddreg [dreg:$0x2];
	[bflag:$0x3] =	sbarrier.arrive $0xFFFF;
	s2 =	simm.s32 @!p0 $0x1C02  }
0x198: {  	[timem:s3], [sflag:s2] =	dma.local @!p0 [hbm:s0], s1  }
0x199: {  	s0 =	simm.s32 @!p0 $0x2  }
0x19a: {  	_ =	swait.ge @!p0 [sflag:s0], s1  }
0x19b: {  	s1 =	ssub.s32 @!p0 $0x0, s1;
	[sflag:s0] =	ssyncset.done @!p0 $0x0  }
0x19c: {  	[sflag:s0] =	ssyncadd.s32 @!p0 s1  }
0x19d: {  	[bflag:$0x3] =	sbarrier.arrive $0xFFFF  }
0x19e: {  	_ =	shalt  }

// kernel: sparse-core-data-format-call.cloned.1.call-start
scs
called_computation_lowered:
.L_overlay_start_0:
0x0: {  	s2 =	sld [smem:$0x3FD9]  }
0x1: {  	s3 =	sld [smem:$0x3FFE];
	_ =	sdelay $0x1  }
0x2: {  	s1 =	srdreg.scid  }
0x3: {  	s0 =	sand.u32 $0x1, s1  }
0x4: {  	s18 =	sshll.u32 s0, $0xA;
	s2 =	sadd.s32 s3, s2  }
0x5: {  	s2 =	sadd.s32 s2, s18  }
0x6: {  	[smem:$0x3FC1] =	sst s2  }
0x7: {  	_ = 	snop  }
0x8: {  	s2 =	sld [smem:$0x3FC6];
	(tm) =	ssettm $0x1  }
0x9: {  	s19 =	sld [smem:$0x3FFB];
	_ =	sdelay $0x3  }
0xa: {  	_ =	strace s19  }
0xb: {  	s3 =	sld [smem:$0x3FFC];
	_ =	sdelay $0x3  }
0xc: {  	_ =	strace s3  }
0xd: {  	s3 =	sld [smem:$0x3FFD];
	_ =	sdelay $0x3  }
0xe: {  	_ =	strace s3  }
0xf: {  	_ =	strace $0x8FFFFFFF  }
0x10: {  	s20 =	sld [smem:$0x3FDB];
	_ =	sdelay $0x1  }
0x11: {  	s4 =	simm.s32 $_scs_section_size  }
0x12: {  	s5 =	simm.s32 $_size__tile_overlayer_lowered;
	s6 =	simm.s32 $_tile_overlayer_lowered  }
0x13: {  	s23 =	simm.s32 $0x1BFF;
	s22 =	sshll.u32 s6, $0x1;
	s3 =	sadd.s32 s4, s20  }
0x14: {  	s7 =	simm.s32 $0x0;
	s21 =	sshll.u32 s5, $0x1;
	s5 =	sadd.s32 s22, s3  }
0x15: {  	[timem:s7], [sflag:s23] =	dma.local [hbm:s5], s21  }
0x16: {  	_ =	swait.ge [sflag:s23], s21  }
0x17: {  	s4 =	ssub.s32 $0x0, s21;
	[sflag:s23] =	ssyncset.done $0x0  }
0x18: {  	[sflag:s23] =	ssyncadd.s32 s4;
	_ =	sdelay $0x1  }
0x19: {  	s24 =	simm.s32 $0x1B8B  }
0x1a: {  	_ =	swait.ge [sflag:s24], $0x1  }
0x1b: {  	[sflag:s24] =	ssyncset.done $0x0  }
0x1c: {  	s26 =	simm.s32 $0x1B8E;
	s25 =	sld [smem:$0x3FFE];
	[sflag:s24] =	ssyncadd.s32 $0xFFFFFFFF  }
0x1d: {  	s27 =	simm.s32 $execute0_lowered;
	[smem:$0x3FD2] =	sst s26  }
0x1e: {  	s5 =	sshll.u32 s27, $0x1;
	_ =	strace $0x80000046;
	[dreg:$0x1] =	wrdreg $0xFFFFFFFF  }
0x1f: {  	s28 =	simm.s32 $_size_execute0_lowered;
	s3 =	sadd.s32 s3, s5;
	[dreg:$0x0] =	wrdreg $0x0  }
0x20: {  	s5 =	sshll.u32 s28, $0x1;
	[dreg:$0x2] =	wrdreg s3  }
0x21: {  	[dreg:$0x3] =	wrdreg s5  }
0x22: {  	[dreg:$0x4] =	wrdreg $0xC0  }
0x23: {  	_ =	task [dreg:s7], $0x5FFFF  }
0x24: {  	[dreg:$0x1] =	wrdreg $0xFFFFFFFF  }
0x25: {  	[dreg:$0x0] =	wrdreg $0x60  }
0x26: {  	[dreg:$0x2] =	wrdreg s2  }
0x27: {  	[dreg:$0x3] =	wrdreg s25  }
0x28: {  	[dreg:$0x4] =	wrdreg $0x9  }
0x29: {  	_ =	task.clear_ibuf [dreg:s7], $0x5FFFF;
	_ =	strace $0x90000046  }
0x2a: {  	s29 =	simm.s32 $0x9;
	_ =	strace $0x80000048  }
0x2b: {  	_ =	swait.ge [sflag:s29], $0x1  }
0x2c: {  	[sflag:s29] =	ssyncadd.s32 $0xFFFFFFFF  }
0x2d: {  	_ =	strace $0x90000048  }
0x2e: {  	_ =	sfence  }
0x2f: {  	s30 =	sld [smem:$0x0];
	_ =	sdelay $0x2  }
0x30: {  	s31 =	sshll.u32 s1, $0xD;
	s1 =	sshrl.u32 s1, $0x2  }
0x31: {  	s3 =	sand.u32 $0x4000, s31;
	s1 =	sadd.s32 s1, s30  }
0x32: {  	s0 =	sor.u32 s3, s0;
	s1 =	sshll.u32 s1, $0x11  }
0x33: {  	s0 =	sor.u32 s1, s0  }
0x34: {  	s0 =	sadd.s32 $0x8F2B, s0  }
0x35: {  	[sflag:s0] =	ssyncadd.remote.s32 $0x1  }
0x36: {  	_ =	sfence.sel $0xFFFF  }
0x37: {  	[dreg:$0x0] =	wrdreg $0xFFFFFFFF;
	(pc) =	sbr.abs _section_cstart, $3  }
0x38: {  	[dreg:$0x1] =	wrdreg $0xFFFFFFFF  }
0x39: {  	_ =	task.clear_ibuf [dreg:s7], $0x2FFFF;
	_ =	strace $0x9FFFFFFF  }
0x3a: {  	(tm) =	ssettm $0x7FFFFFFF  }
0x3b: {  	_ =	shalt  }
tec
execute0_lowered:
.L_overlay_start_1:
0x0: {  	(tag) =	ssettag $0x1  }
0x1: {  	s2 =	rddreg [dreg:$0x0]  }
0x2: {  	s1 =	rddreg [dreg:$0x1]  }
0x3: {  	s0 =	rddreg [dreg:$0x2];
	_ =	strace $0x80000047;
	s4 =	srdreg.scid  }
0x4: {  	s6 =	simm.s32 $0x2;
	s11 =	simm.s32 $0x0;
	p0 =	por $0x0, $0x0  }
.Ltmp0:
0x5: {  	s7 =	simm.s32 $0x4000;
	s12 =	simm.s32 $0x0;
	(pc) =	sbr.rel .LBB1_1-.Ltmp0, $4  }
0x6: {  	s9 =	simm.s32 $0x0;
	s3 =	sadd.s32 $0x200, s1;
	s5 =	sshll.u32 s4, $0x4  }
0x7: {  	s1 =	stileid.u32;
	s4 =	simm.s32 $0x1;
	s5 =	sand.u32 $0x10, s5  }
0x8: {  	s8 =	simm.s32 $0x0;
	[sflag:s4] =	ssyncpa.u1 $0x0;
	s5 =	sor.u32 s1, s5  }
0x9: {  	[sflag:s6] =	ssyncpa.u1 $0x0;
	s6 =	simm.s32 $0x800;
	s10 =	smov.u32 s5  }
.LBB1_7:
0xa: {  	s13 =	sadd.s32 $0x10, s9  }
0xb: {  	s11 =	sadd.s32 $0x20, s10;
	s15 =	smov.u32 s10;
	p2 =	sgt.s32 s13, $0x7F  }
0xc: {  	p1 =	slt.u32 s8, $0x2;
	s15 =	smov.u32 @p2 s11  }
0xd: {  	s8 =	sadd.s32 $0x1, s8;
	s13 =	simm.s32 @p2 $0x0;
	p2 =	sgt.s32 s15, $0xFF  }
0xe: {  	s15 =	smov.u32 @p2 s5;
	p2 =	sne.s32 s8, $0x42  }
.Ltmp1:
0xf: {  	_ = 	snop;
	(pc) =	sbr.rel @!p2 .LBB1_8-.Ltmp1, $4  }
0x10: {  	s14 =	simm.s32 @!p1 $0x2  }
0x11: {  	s12 =	smov.u32 s10;
	_ =	swait.ge @!p1 [sflag:s14], $0x4000  }
0x12: {  	p0 =	por !p0, !p0;
	s11 =	smov.u32 s9;
	[sflag:s14] =	ssyncset.done @!p1 $0x0  }
0x13: {  	s9 =	smov.u32 s13;
	[sflag:s14] =	ssyncadd.s32 @!p1 $0xFFFFC000;
	s10 =	smov.u32 s15  }
.LBB1_1:
0x14: {  	p1 =	sgt.u32 s8, $0x3F  }
0x15: {  	s13 =	sxor.u32 @!p1 $0xFFFFFFFF, s8;
	s14 =	sshll.u32 @!p1 s10, $0xE  }
0x16: {  	s15 =	sshll.u32 @!p1 s9, $0x7;
	s13 =	sshll.u32 @!p1 s13, $0xE;
	s14 =	sadd.s32 @!p1 s2, s14  }
0x17: {  	s13 =	sand.u32 @!p1 $0x4000, s13;
	s14 =	sadd.s32 @!p1 s15, s14;
	s15 =	simm.s32 @!p1 $0x0  }
0x18: {  	[tilespmem:s13], [sflag:$0x1] =	stream.linear.gather @!p1 [hbm4b:s14+s15], $0x4000, $0x38;
	[tilespmem:$0x10000] =	vst v63  }
0x19: {  	p1 =	seq.s32 s8, $0x0  }
0x1a: {  	p2 =	seq.s32 @!p1 s8, $0x41  }
0x1b: {  	p1 =	por p1, p2  }
.Ltmp2:
0x1c: {  	_ = 	snop;
	(pc) =	sbr.rel @p1 .LBB1_7-.Ltmp2, $1  }
0x1d: {  	_ =	sdelay $0x3  }
0x1e: {  	s13 =	simm.s32 $0x1;
	_ =	swait.ge [sflag:s4], $0x4000;
	s16 =	sshll.u32 s8, $0xE  }
0x1f: {  	s13 =	simm.s32 @!p0 $0x0;
	[sflag:s4] =	ssyncset.done $0x0;
	s31 =	sand.u32 $0x4000, s16  }
0x20: {  	s16 =	simm.s32 $0x0;
	s14 =	sshll.u32 s13, $0xE;
	[sflag:s4] =	ssyncadd.s32 $0xFFFFC000  }
0x21: {  	s13 =	sor.u32 $0x8040, s14;
	s15 =	sor.u32 $0x40, s14;
	s14 =	sor.u32 $0x8000, s31  }
.LBB1_3:
0x22: {  	v0 =	vmov s15;
	_ =	sdelay $0x3  }
0x23: {  	s18 =	simm.s32 $0x0  }
0x24: {  	v6 =	vld.idx.msk [tilespmem:v0+s18+$0x30 ss:$0x1], $0xffff  }
0x25: {  	v7 =	vld.idx.msk [tilespmem:v0+s18+$0xFFFFFFC0 ss:$0x1], $0xffff  }
0x26: {  	v5 =	vld.idx.msk [tilespmem:v0+s18+$0xFFFFFFD0 ss:$0x1], $0xffff  }
0x27: {  	v4 =	vld.idx.msk [tilespmem:v0+s18+$0xFFFFFFE0 ss:$0x1], $0xffff  }
0x28: {  	v3 =	vld.idx.msk [tilespmem:v0+s18+$0xFFFFFFF0 ss:$0x1], $0xffff  }
0x29: {  	v1 =	vld.idx.msk [tilespmem:v0+s18+$0x0 ss:$0x1], $0xffff  }
0x2a: {  	v2 =	vld.idx.msk [tilespmem:v0+s18+$0x10 ss:$0x1], $0xffff;
	[tilespmem:s13+$0x30] =	vst v6  }
0x2b: {  	s17 =	simm.s32 $0x80;
	s19 =	simm.s32 $0x400;
	[tilespmem:s13+$0xFFFFFFC0] =	vst v7;
	v6 =	vld.idx.msk [tilespmem:v0+s18+$0x20 ss:$0x1], $0xffff;
	s18 =	smov.u32 s13  }
.LBB1_4:
0x2c: {  	p1 =	sne.s32 s19, $0xE00;
	v7 =	vld.idx.msk [tilespmem:v0+s17+$0x30 ss:$0x1], $0xffff;
	[tilespmem:s18+$0xFFFFFFD0] =	vst v5  }
0x2d: {  	v8 =	vld.idx.msk [tilespmem:v0+s17+$0xFFFFFFC0 ss:$0x1], $0xffff;
	[tilespmem:s18+$0xFFFFFFE0] =	vst v4  }
0x2e: {  	v5 =	vld.idx.msk [tilespmem:v0+s17+$0xFFFFFFD0 ss:$0x1], $0xffff;
	[tilespmem:s18+$0xFFFFFFF0] =	vst v3  }
.Ltmp3:
0x2f: {  	v4 =	vld.idx.msk [tilespmem:v0+s17+$0xFFFFFFE0 ss:$0x1], $0xffff;
	[tilespmem:s18+$0x0] =	vst v1;
	(pc) =	sbr.rel @p1 .LBB1_4-.Ltmp3, $4  }
0x30: {  	v3 =	vld.idx.msk [tilespmem:v0+s17+$0xFFFFFFF0 ss:$0x1], $0xffff;
	[tilespmem:s18+$0x10] =	vst v2  }
0x31: {  	v1 =	vld.idx.msk [tilespmem:v0+s17+$0x0 ss:$0x1], $0xffff;
	[tilespmem:s18+$0x20] =	vst v6;
	s18 =	sadd.s32 $0x800, s18  }
0x32: {  	v2 =	vld.idx.msk [tilespmem:v0+s17+$0x10 ss:$0x1], $0xffff;
	[tilespmem:s18+$0x30] =	vst v7  }
0x33: {  	[tilespmem:s18+$0xFFFFFFC0] =	vst v8;
	v6 =	vld.idx.msk [tilespmem:v0+s17+$0x20 ss:$0x1], $0xffff;
	s17 =	sshra.s32 s19, $0x2;
	s19 =	sadd.s32 $0x200, s19  }
0x34: {  	_ =	sdelay $0x2  }
0x35: {  	[tilespmem:s18+$0xFFFFFFD0] =	vst v5  }
0x36: {  	v56 =	vld.idx.msk [tilespmem:v0+s17+$0x30 ss:$0x1], $0xffff;
	[tilespmem:s18+$0xFFFFFFE0] =	vst v4  }
0x37: {  	v57 =	vld.idx.msk [tilespmem:v0+s17+$0xFFFFFFC0 ss:$0x1], $0xffff;
	[tilespmem:s18+$0xFFFFFFF0] =	vst v3  }
0x38: {  	v58 =	vld.idx.msk [tilespmem:v0+s17+$0xFFFFFFD0 ss:$0x1], $0xffff;
	[tilespmem:s18+$0x0] =	vst v1  }
0x39: {  	v59 =	vld.idx.msk [tilespmem:v0+s17+$0xFFFFFFE0 ss:$0x1], $0xffff;
	[tilespmem:s18+$0x10] =	vst v2  }
0x3a: {  	v60 =	vld.idx.msk [tilespmem:v0+s17+$0xFFFFFFF0 ss:$0x1], $0xffff;
	s31 =	sadd.s32 $0x800, s18;
	[tilespmem:s18+$0x20] =	vst v6  }
0x3b: {  	v61 =	vld.idx.msk [tilespmem:v0+s17+$0x0 ss:$0x1], $0xffff;
	[tilespmem:s31+$0x30] =	vst v56  }
0x3c: {  	v62 =	vld.idx.msk [tilespmem:v0+s17+$0x10 ss:$0x1], $0xffff;
	s16 =	sadd.s32 $0x1, s16;
	[tilespmem:s31+$0xFFFFFFC0] =	vst v57  }
0x3d: {  	v63 =	vld.idx.msk [tilespmem:v0+s17+$0x20 ss:$0x1], $0xffff;
	p1 =	sne.s32 s16, $0x10;
	[tilespmem:s31+$0xFFFFFFD0] =	vst v58  }
.Ltmp4:
0x3e: {  	[tilespmem:s31+$0xFFFFFFE0] =	vst v59;
	(pc) =	sbr.rel @p1 .LBB1_3-.Ltmp4, $4  }
0x3f: {  	[tilespmem:s31+$0xFFFFFFF0] =	vst v60  }
0x40: {  	[tilespmem:s31+$0x0] =	vst v61  }
0x41: {  	[tilespmem:s31+$0x10] =	vst v62  }
0x42: {  	s13 =	sadd.s32 $0x80, s13;
	s15 =	sadd.s32 $0x400, s15;
	[tilespmem:s31+$0x20] =	vst v63  }
.Ltmp5:
0x43: {  	(pc) =	sbr.rel .LBB1_7-.Ltmp5, $4  }
0x44: {  	s12 =	sshll.u32 s12, $0xE;
	s11 =	sshll.u32 s11, $0x4  }
0x45: {  	s11 =	sand.u32 $0x7F0, s11;
	s12 =	sadd.s32 s3, s12  }
0x46: {  	s11 =	sadd.s32 s11, s12  }
0x47: {  	[hbm4b:s11+s6] =	stream.strided.scatter [tilespmem:s14], [sflag:$0x2], $0x4000, s7, s6, $0x38;
	[tilespmem:$0x10000] =	vst v63  }
.LBB1_8:
0x48: {  	_ =	sfence.sel $0x180000  }
0x49: {  	s2 =	simm.s32 $0x1;
	[bflag:$0x0] =	sbarrier.arrive $0xFFFF  }
0x4a: {  	s31 =	simm.s32 $0x2;
	[sflag:s2] =	ssyncpa.u1 $0x1  }
0x4b: {  	[sflag:s31] =	ssyncpa.u1 $0x1  }
0x4c: {  	p0 =	sne.s32 s1, $0x0;
	_ =	strace $0x90000047  }
0x4d: {  	s0 =	sadd.s32 @!p0 $0x100000, s0;
	[bflag:$0x2] =	sbarrier.arrive $0xFFFF  }
0x4e: {  	[sflag:s0] =	ssyncadd.tile.s32 @!p0 $0x1;
	_ =	shalt  }
.Lfunc_end1:
_tile_overlayer_lowered:
.L_overlay_start_2:
0x4f: {  	(tag) =	ssettag $0x2  }
0x50: {  	s0 =	rddreg [dreg:$0x0];
	s2 =	stileid.u32  }
0x51: {  	s1 =	rddreg [dreg:$0x1];
	p0 =	sne.s32 s2, $0x0  }
0x52: {  	s3 =	rddreg [dreg:$0x2];
	[bflag:$0x3] =	sbarrier.arrive $0xFFFF;
	s2 =	simm.s32 @!p0 $0x1C01  }
0x53: {  	[timem:s3], [sflag:s2] =	dma.local @!p0 [hbm:s0], s1  }
0x54: {  	s0 =	simm.s32 @!p0 $0x1  }
0x55: {  	_ =	swait.ge @!p0 [sflag:s0], s1  }
0x56: {  	s1 =	ssub.s32 @!p0 $0x0, s1;
	[sflag:s0] =	ssyncset.done @!p0 $0x0  }
0x57: {  	[sflag:s0] =	ssyncadd.s32 @!p0 s1  }
0x58: {  	[bflag:$0x3] =	sbarrier.arrive $0xFFFF  }
0x59: {  	_ =	shalt  }

</sc_bundles>
